<compile_context>
chip_gen: v7x
topology: tpu7x:2x2x1
jax: 0.10.2.dev20260603
libtpu: 0.0.44.dev20260713+nightly
codegen_flags: <defaults>
</compile_context>

<pallas_src>
import functools

import jax
import jax.numpy as jnp
from jax import lax
from jax.experimental import pallas as pl
from jax.experimental.pallas import tpu as pltpu
from jax.experimental.pallas import tpu_sc as plsc

NC = 2
NS = 16
LANES = 16
C = 80


def _preproject(x, w1a, w1b):
    n, d = x.shape
    nb = 1000

    def body(x_ref, wa_ref, wb_ref, pa_ref, pb_ref):
        xv = x_ref[...]
        pa_ref[...] = jnp.dot(xv, wa_ref[...], preferred_element_type=jnp.float32)
        pb_ref[...] = jnp.dot(xv, wb_ref[...], preferred_element_type=jnp.float32)

    return pl.pallas_call(
        body,
        grid=(n // nb,),
        in_specs=[
            pl.BlockSpec((nb, d), lambda i: (i, 0)),
            pl.BlockSpec((d, d), lambda i: (0, 0)),
            pl.BlockSpec((d, d), lambda i: (0, 0)),
        ],
        out_specs=[pl.BlockSpec((nb, d), lambda i: (i, 0))] * 2,
        out_shape=[jax.ShapeDtypeStruct((n, d), jnp.float32)] * 2,
    )(x, w1a, w1b)


def _sc_gather_add(pa, pb, row3d, col3d, e):
    n, d = pa.shape
    nw = NC * NS
    epw = e // nw
    ch = epw // C

    mesh = plsc.VectorSubcoreMesh(core_axis_name="c", subcore_axis_name="s")

    def body(pa_hbm, pb_hbm, row_hbm, col_hbm, out_hbm,
             rowv, colv, ba0, bb0, ba1, bb1, sb0_, sb1_,
             sa0, sbm0, so0, sa1, sbm1, so1):
        cid = lax.axis_index("c")
        sid = lax.axis_index("s")
        wid = sid * NC + cid
        pltpu.sync_copy(row_hbm.at[wid], rowv)
        pltpu.sync_copy(col_hbm.at[wid], colv)

        bufs = ((ba0, bb0, sb0_, sa0, sbm0, so0),
                (ba1, bb1, sb1_, sa1, sbm1, so1))

        def out_slice(jj):
            return out_hbm.at[pl.ds(
                pl.multiple_of(wid * epw + jj * C, 16), C)]

        def issue(jj, p):
            ba, bb, _, sa, sb, _ = bufs[p]
            pltpu.async_copy(pa_hbm.at[rowv.at[jj]], ba, sa)
            pltpu.async_copy(pb_hbm.at[colv.at[jj]], bb, sb)

        def wait_store(jj, p):
            sbuf = bufs[p][2]
            so = bufs[p][5]
            pltpu.make_async_copy(sbuf, out_slice(jj), so).wait()

        issue(0, 0)

        def chunk(j, carry):
            for p in (0, 1):
                @pl.when(j % 2 == p)
                def _():
                    @pl.when(j + 1 < ch)
                    def _():
                        issue(j + 1, 1 - p)
                    pltpu.make_async_copy(
                        pa_hbm.at[rowv.at[j]], bufs[p][0], bufs[p][3]).wait()
                    pltpu.make_async_copy(
                        pb_hbm.at[colv.at[j]], bufs[p][1], bufs[p][4]).wait()
                    @pl.when(j >= 2)
                    def _():
                        wait_store(j - 2, p)

                    def addrow(r, c2):
                        sbuf = bufs[p][2]
                        for k in range(d // LANES):
                            s16 = pl.ds(k * LANES, LANES)
                            sbuf[r, s16] = bufs[p][0][r, s16] + bufs[p][1][r, s16]
                        return c2

                    lax.fori_loop(0, C, addrow, 0)
                    pltpu.async_copy(bufs[p][2], out_slice(j), bufs[p][5])
            return carry

        lax.fori_loop(0, ch, chunk, 0)
        wait_store(ch - 1, (ch - 1) % 2)
        wait_store(ch - 2, (ch - 2) % 2)

    f = pl.kernel(
        body,
        out_type=jax.ShapeDtypeStruct((e, d), jnp.float32),
        mesh=mesh,
        scratch_types=[
            pltpu.VMEM((ch, C), jnp.int32),
            pltpu.VMEM((ch, C), jnp.int32),
            pltpu.VMEM((C, d), jnp.float32),
            pltpu.VMEM((C, d), jnp.float32),
            pltpu.VMEM((C, d), jnp.float32),
            pltpu.VMEM((C, d), jnp.float32),
            pltpu.VMEM((C, d), jnp.float32),
            pltpu.VMEM((C, d), jnp.float32),
            pltpu.SemaphoreType.DMA,
            pltpu.SemaphoreType.DMA,
            pltpu.SemaphoreType.DMA,
            pltpu.SemaphoreType.DMA,
            pltpu.SemaphoreType.DMA,
            pltpu.SemaphoreType.DMA,
        ],
    )
    return f(pa, pb, row3d, col3d)


def _edge_tail_slice(g, ea_p, mask_p, w1c, b1, w2_bf, b2, ef_prev, slice_idx):
    es, d = g.shape
    e = ea_p.shape[1]
    de = 16
    eb = 6400
    nblk = es // eb
    off = slice_idx * nblk

    def body(*refs):
        g_ref, ea_ref, m_ref, w1c_ref, b1_ref, w2_ref, b2_ref = refs[:7]
        ef_ref = refs[-1]
        c = lax.dot_general(ea_ref[...], w1c_ref[...],
                            (((0,), (0,)), ((), ())),
                            preferred_element_type=jnp.float32)
        m = m_ref[...].T
        pre = g_ref[...] + c + b1_ref[...]
        h = jnp.maximum(pre, 0.0).astype(jnp.bfloat16)
        ef_ref[...] = (jnp.dot(h, w2_ref[...],
                               preferred_element_type=jnp.float32)
                       + b2_ref[...]) * m

    in_specs = [
        pl.BlockSpec((eb, d), lambda i: (i, 0)),
        pl.BlockSpec((de, eb), lambda i: (0, off + i)),
        pl.BlockSpec((1, eb), lambda i: (0, off + i)),
        pl.BlockSpec((de, d), lambda i: (0, 0)),
        pl.BlockSpec((1, d), lambda i: (0, 0)),
        pl.BlockSpec((d, d), lambda i: (0, 0)),
        pl.BlockSpec((1, d), lambda i: (0, 0)),
    ]
    args = [g, ea_p, mask_p, w1c, b1, w2_bf, b2]
    aliases = {}
    if ef_prev is not None:
        in_specs.append(pl.BlockSpec(memory_space=pl.ANY))
        args.append(ef_prev)
        aliases = {7: 0}

    return pl.pallas_call(
        body,
        grid=(nblk,),
        in_specs=in_specs,
        out_specs=pl.BlockSpec((eb, d), lambda i: (off + i, 0)),
        out_shape=jax.ShapeDtypeStruct((e, d), jnp.float32),
        input_output_aliases=aliases,
    )(*args)


def _sc_scatter_add(ef, row3d, n):
    e, d = ef.shape
    nw = NC * NS
    epw = e // nw
    ch = epw // C
    tr = 80
    nt = n // tr
    tpw = (nt + NS - 1) // NS

    mesh = plsc.VectorSubcoreMesh(core_axis_name="c", subcore_axis_name="s")

    def body(ef_hbm, row_hbm, out_hbm, acc, rowv, eb0, eb1, zbuf, se0, se1):
        cid = lax.axis_index("c")
        sid = lax.axis_index("s")
        wid = sid * NC + cid

        def zrow(r, c2):
            for k in range(d // LANES):
                zbuf[r, pl.ds(k * LANES, LANES)] = jnp.zeros((LANES,), jnp.float32)
            return c2

        lax.fori_loop(0, tr, zrow, 0)
        for t in range(tpw):
            tile = sid + t * NS
            @pl.when(tile < nt)
            def _():
                pltpu.sync_copy(zbuf, acc.at[pl.ds(tile * tr, tr)])
        plsc.subcore_barrier()

        pltpu.sync_copy(row_hbm.at[wid], rowv)

        bufs = ((eb0, se0), (eb1, se1))

        def issue(jj, p):
            buf, sem = bufs[p]
            pltpu.async_copy(ef_hbm.at[pl.ds(wid * epw + jj * C, C)], buf, sem)

        issue(0, 0)

        def chunk(j, carry):
            for p in (0, 1):
                @pl.when(j % 2 == p)
                def _():
                    buf, sem = bufs[p]

                    @pl.when(j + 1 < ch)
                    def _():
                        issue(j + 1, 1 - p)
                    pltpu.make_async_copy(
                        ef_hbm.at[pl.ds(wid * epw + j * C, C)], buf, sem).wait()
                    pltpu.sync_copy(buf, acc.at[rowv.at[j]], add=True)
            return carry

        lax.fori_loop(0, ch, chunk, 0)
        plsc.subcore_barrier()
        for t in range(tpw):
            tile = sid + t * NS
            @pl.when(tile < nt)
            def _():
                pltpu.sync_copy(acc.at[pl.ds(tile * tr, tr)],
                                out_hbm.at[cid, pl.ds(tile * tr, tr)])

    f = pl.kernel(
        body,
        out_type=jax.ShapeDtypeStruct((NC, n, d), jnp.float32),
        mesh=mesh,
        scratch_types=[
            pltpu.VMEM_SHARED((n, d), jnp.float32),
            pltpu.VMEM((ch, C), jnp.int32),
            pltpu.VMEM((C, d), jnp.float32),
            pltpu.VMEM((C, d), jnp.float32),
            pltpu.VMEM((tr, d), jnp.float32),
            pltpu.SemaphoreType.DMA,
            pltpu.SemaphoreType.DMA,
        ],
    )
    return f(ef, row3d)


def _node_mlp(x, aggp, wn1a, wn1b, bn1, wn2, bn2):
    n, d = x.shape
    nb = 1000

    def body(x_ref, a0_ref, a1_ref, wa_ref, wb_ref, b1_ref, w2_ref, b2_ref,
             out_ref):
        xv = x_ref[...]
        agg = a0_ref[0] + a1_ref[0]
        hn = jnp.maximum(
            jnp.dot(xv, wa_ref[...], preferred_element_type=jnp.float32)
            + jnp.dot(agg, wb_ref[...], preferred_element_type=jnp.float32)
            + b1_ref[...], 0.0)
        out_ref[...] = (xv
                        + jnp.dot(hn, w2_ref[...],
                                  preferred_element_type=jnp.float32)
                        + b2_ref[...])

    return pl.pallas_call(
        body,
        grid=(n // nb,),
        in_specs=[
            pl.BlockSpec((nb, d), lambda i: (i, 0)),
            pl.BlockSpec((1, nb, d), lambda i: (0, i, 0)),
            pl.BlockSpec((1, nb, d), lambda i: (1, i, 0)),
            pl.BlockSpec((d, d), lambda i: (0, 0)),
            pl.BlockSpec((d, d), lambda i: (0, 0)),
            pl.BlockSpec((1, d), lambda i: (0, 0)),
            pl.BlockSpec((d, d), lambda i: (0, 0)),
            pl.BlockSpec((1, d), lambda i: (0, 0)),
        ],
        out_specs=pl.BlockSpec((nb, d), lambda i: (i, 0)),
        out_shape=jax.ShapeDtypeStruct((n, d), jnp.float32),
    )(x, aggp, aggp, wn1a, wn1b, bn1, wn2, bn2)


def kernel(x, edge_index, edge_mask, edge_attr, W1, b1, W2, b2,
           Wn1, bn1, Wn2, bn2):
    n, d = x.shape
    e = edge_index.shape[1]
    nw = NC * NS
    ns = 5
    es = e // ns
    row4d = edge_index[0].reshape(ns, nw, es // (nw * C), C)
    col4d = edge_index[1].reshape(ns, nw, es // (nw * C), C)
    row3d = edge_index[0].reshape(nw, e // (nw * C), C)

    pa, pb = _preproject(x, W1[:d], W1[d:2 * d])
    gs = [_sc_gather_add(pa, pb, row4d[i], col4d[i], es) for i in range(ns)]
    w1c = W1[2 * d:]
    w2_bf = W2.astype(jnp.bfloat16)
    b1r = b1.reshape(1, d)
    b2r = b2.reshape(1, d)
    ea_p = edge_attr.T
    mask_p = edge_mask.T
    ef = None
    for i in range(ns):
        ef = _edge_tail_slice(gs[i], ea_p, mask_p, w1c,
                              b1r, w2_bf, b2r, ef, i)
    aggp = _sc_scatter_add(ef, row3d, n)
    x_out = _node_mlp(x, aggp, Wn1[:d], Wn1[d:], bn1.reshape(1, d),
                      Wn2, bn2.reshape(1, d))
    return x_out, ef

# --- scband reference (transcript-rebuilt; emitter-appended) ---
"""Pipeline reference for scband-gcl-basic-86620900426031 (READ-ONLY COPY).

The authoritative reference and input builder live on the scoring server;
editing this copy changes nothing except your own understanding.
"""

import jax, jax.numpy as jnp
import numpy as np

N = 10000
E = 320000
D = 128
DE = 16


def setup_inputs(seed: int = 0) -> dict:
    key = jax.random.key(seed)
    ks = jax.random.split(key, 12)
    x = jax.random.normal(ks[0], (N, D), dtype=jnp.float32)
    edge_index = jax.random.randint(ks[1], (2, E), 0, N, dtype=jnp.int32)
    edge_mask = jax.random.uniform(ks[2], (E, 1), dtype=jnp.float32)
    edge_attr = jax.random.normal(ks[3], (E, DE), dtype=jnp.float32)
    # edge MLP params: Linear(2*D+DE -> D), ReLU, Linear(D -> D)
    fe = 2 * D + DE
    W1 = jax.random.normal(ks[4], (fe, D), dtype=jnp.float32) / np.sqrt(fe)
    b1 = jnp.zeros((D,), dtype=jnp.float32)
    W2 = jax.random.normal(ks[5], (D, D), dtype=jnp.float32) / np.sqrt(D)
    b2 = jnp.zeros((D,), dtype=jnp.float32)
    # node MLP params: Linear(2*D -> D), ReLU, Linear(D -> D)
    Wn1 = jax.random.normal(ks[6], (2 * D, D), dtype=jnp.float32) / np.sqrt(2 * D)
    bn1 = jnp.zeros((D,), dtype=jnp.float32)
    Wn2 = jax.random.normal(ks[7], (D, D), dtype=jnp.float32) / np.sqrt(D)
    bn2 = jnp.zeros((D,), dtype=jnp.float32)
    return {"x": x, "edge_index": edge_index, "edge_mask": edge_mask,
            "edge_attr": edge_attr, "W1": W1, "b1": b1, "W2": W2, "b2": b2,
            "Wn1": Wn1, "bn1": bn1, "Wn2": Wn2, "bn2": bn2}


def reference(x, edge_index, edge_mask, edge_attr, W1, b1, W2, b2, Wn1, bn1, Wn2, bn2):
    row, col = edge_index[0], edge_index[1]
    # edge_model(x[row], x[col], edge_attr): MLP over concatenated features
    src = jnp.take(x, row, axis=0)
    tgt = jnp.take(x, col, axis=0)
    e_in = jnp.concatenate([src, tgt, edge_attr], axis=1)
    h = jax.nn.relu(e_in @ W1 + b1)
    edge_feat = h @ W2 + b2
    # mask edges
    edge_feat = edge_feat * edge_mask
    # node_model: scatter-add aggregation by destination (row), then MLP with residual
    agg = jax.ops.segment_sum(edge_feat, row, num_segments=N)
    n_in = jnp.concatenate([x, agg], axis=1)
    hn = jax.nn.relu(n_in @ Wn1 + bn1)
    x_out = x + hn @ Wn2 + bn2
    return (x_out, edge_feat)

if __name__ == "__main__":
    import jax
    _d = setup_inputs()
    print(jax.jit(kernel)(*tuple(_d.values())))

</pallas_src>

<mosaic_0001>
#map = affine_map<(d0, d1) -> (0, 0)>
#map1 = affine_map<(d0, d1) -> (0, 0, 0)>
module attributes {stable_mosaic.version = 14 : i64} {
  func.func @body(%arg0: i32, %arg1: i32, %arg2: memref<10000x128xf32, #tpu.memory_space<hbm>>, %arg3: memref<10000x128xf32, #tpu.memory_space<hbm>>, %arg4: memref<32x25x80xi32, #tpu.memory_space<hbm>>, %arg5: memref<32x25x80xi32, #tpu.memory_space<hbm>>, %arg6: memref<64000x128xf32, #tpu.memory_space<hbm>>, %arg7: memref<25x80xi32, #tpu.memory_space<vmem>>, %arg8: memref<25x80xi32, #tpu.memory_space<vmem>>, %arg9: memref<80x128xf32, #tpu.memory_space<vmem>>, %arg10: memref<80x128xf32, #tpu.memory_space<vmem>>, %arg11: memref<80x128xf32, #tpu.memory_space<vmem>>, %arg12: memref<80x128xf32, #tpu.memory_space<vmem>>, %arg13: memref<80x128xf32, #tpu.memory_space<vmem>>, %arg14: memref<80x128xf32, #tpu.memory_space<vmem>>, %arg15: memref<!tpu.dma_semaphore, #tpu.memory_space<semaphore_mem>>, %arg16: memref<!tpu.dma_semaphore, #tpu.memory_space<semaphore_mem>>, %arg17: memref<!tpu.dma_semaphore, #tpu.memory_space<semaphore_mem>>, %arg18: memref<!tpu.dma_semaphore, #tpu.memory_space<semaphore_mem>>, %arg19: memref<!tpu.dma_semaphore, #tpu.memory_space<semaphore_mem>>, %arg20: memref<!tpu.dma_semaphore, #tpu.memory_space<semaphore_mem>>) attributes {dimension_semantics = [#tpu.dimension_semantics<core_parallel>, #tpu.dimension_semantics<subcore_parallel>], iteration_bounds = array<i64: 2, 16>, scalar_prefetch = 0 : i64, scratch_operands = 14 : i64, tpu.core_type = #tpu.core_type<sc_vector_subcore>, window_params = [{transform_indices = #map}, {transform_indices = #map}, {transform_indices = #map1}, {transform_indices = #map1}, {transform_indices = #map}]} {
    %mul3A = arith.constant 2 : i32
    %mul3A_0 = arith.muli %arg1, %mul3A : i32
    %add3A = arith.addi %mul3A_0, %arg0 : i32
    "tpu.region"() ({
      %run_scoped3A = tpu.sem_alloc : memref<!tpu.dma_semaphore, #tpu.memory_space<semaphore_mem>>
      %dma_start3A_35 = arith.constant 0 : i32
      %dma_start3A_36 = arith.constant 0 : i32
      %dma_start3A_37 = tpu.memref_slice %arg4[%add3A, %dma_start3A_35, %dma_start3A_36] : memref<32x25x80xi32, #tpu.memory_space<hbm>> -> memref<1x25x80xi32, #tpu.memory_space<hbm>>
      %dma_start3A_38 = tpu.memref_squeeze %dma_start3A_37 : memref<1x25x80xi32, #tpu.memory_space<hbm>> -> memref<25x80xi32, #tpu.memory_space<hbm>>
      %dma_start3A_39 = arith.constant 0 : i32
      %dma_start3A_40 = arith.constant 0 : i32
      %dma_start3A_41 = tpu.memref_slice %arg4[%add3A, %dma_start3A_39, %dma_start3A_40] : memref<32x25x80xi32, #tpu.memory_space<hbm>> -> memref<1x25x80xi32, #tpu.memory_space<hbm>>
      %dma_start3A_42 = tpu.memref_squeeze %dma_start3A_41 : memref<1x25x80xi32, #tpu.memory_space<hbm>> -> memref<25x80xi32, #tpu.memory_space<hbm>>
      tpu.enqueue_dma source(%dma_start3A_42 : memref<25x80xi32, #tpu.memory_space<hbm>>) target(%arg7 : memref<25x80xi32, #tpu.memory_space<vmem>>) target_semaphore(%run_scoped3A : memref<!tpu.dma_semaphore, #tpu.memory_space<semaphore_mem>>)
      %dma_wait3A_43 = arith.constant 0 : i32
      %dma_wait3A_44 = arith.constant 0 : i32
      %dma_wait3A_45 = tpu.memref_slice %arg4[%add3A, %dma_wait3A_43, %dma_wait3A_44] : memref<32x25x80xi32, #tpu.memory_space<hbm>> -> memref<1x25x80xi32, #tpu.memory_space<hbm>>
      %dma_wait3A_46 = tpu.memref_squeeze %dma_wait3A_45 : memref<1x25x80xi32, #tpu.memory_space<hbm>> -> memref<25x80xi32, #tpu.memory_space<hbm>>
      %dma_wait3A_47 = arith.constant 0 : i32
      %dma_wait3A_48 = arith.constant 0 : i32
      %dma_wait3A_49 = tpu.memref_slice %arg4[%add3A, %dma_wait3A_47, %dma_wait3A_48] : memref<32x25x80xi32, #tpu.memory_space<hbm>> -> memref<1x25x80xi32, #tpu.memory_space<hbm>>
      %dma_wait3A_50 = tpu.memref_squeeze %dma_wait3A_49 : memref<1x25x80xi32, #tpu.memory_space<hbm>> -> memref<25x80xi32, #tpu.memory_space<hbm>>
      tpu.wait_dma2 semaphore(%run_scoped3A : memref<!tpu.dma_semaphore, #tpu.memory_space<semaphore_mem>>) src(%dma_wait3A_50 : memref<25x80xi32, #tpu.memory_space<hbm>>) dst(%arg7 : memref<25x80xi32, #tpu.memory_space<vmem>>)
      tpu.yield
    }) : () -> ()
    "tpu.region"() ({
      %run_scoped3A = tpu.sem_alloc : memref<!tpu.dma_semaphore, #tpu.memory_space<semaphore_mem>>
      %dma_start3A_35 = arith.constant 0 : i32
      %dma_start3A_36 = arith.constant 0 : i32
      %dma_start3A_37 = tpu.memref_slice %arg5[%add3A, %dma_start3A_35, %dma_start3A_36] : memref<32x25x80xi32, #tpu.memory_space<hbm>> -> memref<1x25x80xi32, #tpu.memory_space<hbm>>
      %dma_start3A_38 = tpu.memref_squeeze %dma_start3A_37 : memref<1x25x80xi32, #tpu.memory_space<hbm>> -> memref<25x80xi32, #tpu.memory_space<hbm>>
      %dma_start3A_39 = arith.constant 0 : i32
      %dma_start3A_40 = arith.constant 0 : i32
      %dma_start3A_41 = tpu.memref_slice %arg5[%add3A, %dma_start3A_39, %dma_start3A_40] : memref<32x25x80xi32, #tpu.memory_space<hbm>> -> memref<1x25x80xi32, #tpu.memory_space<hbm>>
      %dma_start3A_42 = tpu.memref_squeeze %dma_start3A_41 : memref<1x25x80xi32, #tpu.memory_space<hbm>> -> memref<25x80xi32, #tpu.memory_space<hbm>>
      tpu.enqueue_dma source(%dma_start3A_42 : memref<25x80xi32, #tpu.memory_space<hbm>>) target(%arg8 : memref<25x80xi32, #tpu.memory_space<vmem>>) target_semaphore(%run_scoped3A : memref<!tpu.dma_semaphore, #tpu.memory_space<semaphore_mem>>)
      %dma_wait3A_43 = arith.constant 0 : i32
      %dma_wait3A_44 = arith.constant 0 : i32
      %dma_wait3A_45 = tpu.memref_slice %arg5[%add3A, %dma_wait3A_43, %dma_wait3A_44] : memref<32x25x80xi32, #tpu.memory_space<hbm>> -> memref<1x25x80xi32, #tpu.memory_space<hbm>>
      %dma_wait3A_46 = tpu.memref_squeeze %dma_wait3A_45 : memref<1x25x80xi32, #tpu.memory_space<hbm>> -> memref<25x80xi32, #tpu.memory_space<hbm>>
      %dma_wait3A_47 = arith.constant 0 : i32
      %dma_wait3A_48 = arith.constant 0 : i32
      %dma_wait3A_49 = tpu.memref_slice %arg5[%add3A, %dma_wait3A_47, %dma_wait3A_48] : memref<32x25x80xi32, #tpu.memory_space<hbm>> -> memref<1x25x80xi32, #tpu.memory_space<hbm>>
      %dma_wait3A_50 = tpu.memref_squeeze %dma_wait3A_49 : memref<1x25x80xi32, #tpu.memory_space<hbm>> -> memref<25x80xi32, #tpu.memory_space<hbm>>
      tpu.wait_dma2 semaphore(%run_scoped3A : memref<!tpu.dma_semaphore, #tpu.memory_space<semaphore_mem>>) src(%dma_wait3A_50 : memref<25x80xi32, #tpu.memory_space<hbm>>) dst(%arg8 : memref<25x80xi32, #tpu.memory_space<vmem>>)
      tpu.yield
    }) : () -> ()
    %dma_start3A = arith.constant 0 : i32
    %dma_start3A_1 = arith.constant 0 : i32
    %dma_start3A_2 = tpu.memref_slice %arg7[%dma_start3A, %dma_start3A_1] : memref<25x80xi32, #tpu.memory_space<vmem>> -> memref<1x80xi32, #tpu.memory_space<vmem>>
    %dma_start3A_3 = tpu.memref_squeeze %dma_start3A_2 : memref<1x80xi32, #tpu.memory_space<vmem>> -> memref<80xi32, #tpu.memory_space<vmem>>
    %dma_start3A_4 = arith.constant 0 : i32
    %dma_start3A_5 = arith.constant 0 : i32
    %dma_start3A_6 = tpu.memref_slice %arg2[%dma_start3A_4, %dma_start3A_5] : memref<10000x128xf32, #tpu.memory_space<hbm>> -> memref<10000x128xf32, #tpu.memory_space<hbm>>
    tpu.enqueue_indirect_dma source(%dma_start3A_6 : memref<10000x128xf32, #tpu.memory_space<hbm>>) target(%arg9 : memref<80x128xf32, #tpu.memory_space<vmem>>) offsets(%dma_start3A_3 : memref<80xi32, #tpu.memory_space<vmem>>) semaphore(%arg15 : memref<!tpu.dma_semaphore, #tpu.memory_space<semaphore_mem>>)
    %dma_start3A_7 = arith.constant 0 : i32
    %dma_start3A_8 = arith.constant 0 : i32
    %dma_start3A_9 = tpu.memref_slice %arg8[%dma_start3A_7, %dma_start3A_8] : memref<25x80xi32, #tpu.memory_space<vmem>> -> memref<1x80xi32, #tpu.memory_space<vmem>>
    %dma_start3A_10 = tpu.memref_squeeze %dma_start3A_9 : memref<1x80xi32, #tpu.memory_space<vmem>> -> memref<80xi32, #tpu.memory_space<vmem>>
    %dma_start3A_11 = arith.constant 0 : i32
    %dma_start3A_12 = arith.constant 0 : i32
    %dma_start3A_13 = tpu.memref_slice %arg3[%dma_start3A_11, %dma_start3A_12] : memref<10000x128xf32, #tpu.memory_space<hbm>> -> memref<10000x128xf32, #tpu.memory_space<hbm>>
    tpu.enqueue_indirect_dma source(%dma_start3A_13 : memref<10000x128xf32, #tpu.memory_space<hbm>>) target(%arg10 : memref<80x128xf32, #tpu.memory_space<vmem>>) offsets(%dma_start3A_10 : memref<80xi32, #tpu.memory_space<vmem>>) semaphore(%arg16 : memref<!tpu.dma_semaphore, #tpu.memory_space<semaphore_mem>>)
    %scan3A = arith.constant 0 : i32
    %scan3A_14 = arith.constant 0 : i32
    %scan3A_15 = arith.constant 25 : i32
    %scan3A_16 = arith.addi %scan3A_14, %scan3A_15 : i32
    %scan3A_17 = arith.constant 1 : i32
    scf.for %scan3A_35 = %scan3A_14 to %scan3A_16 step %scan3A_17  : i32 {
      %jit3A = arith.constant 2 : i32
      %eq3A = arith.constant 0 : i32
      %eq3A_36 = arith.cmpi eq, %jit3A, %eq3A : i32
      %jit3A_37 = arith.constant 1 : i32
      %select_n3A = arith.select %eq3A_36, %jit3A_37, %jit3A : i32
      %rem3A = arith.remsi %scan3A_35, %select_n3A : i32
      %ne3A = arith.constant 0 : i32
      %ne3A_38 = arith.cmpi ne, %rem3A, %ne3A : i32
      %lt3A = arith.constant 0 : i32
      %lt3A_39 = arith.cmpi slt, %rem3A, %lt3A : i32
      %lt3A_40 = arith.constant 0 : i32
      %lt3A_41 = arith.cmpi slt, %select_n3A, %lt3A_40 : i32
      %ne3A_42 = arith.xori %lt3A_39, %lt3A_41 : i1
      %and3A = arith.andi %ne3A_42, %ne3A_38 : i1
      %add3A_43 = arith.addi %rem3A, %select_n3A : i32
      %select_n3A_44 = arith.select %and3A, %add3A_43, %rem3A : i32
      %eq3A_45 = arith.constant 0 : i32
      %eq3A_46 = arith.cmpi eq, %select_n3A_44, %eq3A_45 : i32
      %convert_element_type3A = arith.extui %eq3A_46 : i1 to i32
      %cond3A = arith.constant 0 : i32
      %cond3A_47 = arith.cmpi ne, %convert_element_type3A, %cond3A : i32
      scf.if %cond3A_47 {
        %add3A_69 = arith.constant 1 : i32
        %add3A_70 = arith.addi %scan3A_35, %add3A_69 : i32
        %lt3A_71 = arith.constant 25 : i32
        %lt3A_72 = arith.cmpi slt, %add3A_70, %lt3A_71 : i32
        %convert_element_type3A_73 = arith.extui %lt3A_72 : i1 to i32
        %cond3A_74 = arith.constant 0 : i32
        %cond3A_75 = arith.cmpi ne, %convert_element_type3A_73, %cond3A_74 : i32
        scf.if %cond3A_75 {
          %add3A_108 = arith.constant 1 : i32
          %add3A_109 = arith.addi %scan3A_35, %add3A_108 : i32
          %dma_start3A_110 = arith.constant 0 : i32
          %dma_start3A_111 = tpu.memref_slice %arg7[%add3A_109, %dma_start3A_110] : memref<25x80xi32, #tpu.memory_space<vmem>> -> memref<1x80xi32, #tpu.memory_space<vmem>>
          %dma_start3A_112 = tpu.memref_squeeze %dma_start3A_111 : memref<1x80xi32, #tpu.memory_space<vmem>> -> memref<80xi32, #tpu.memory_space<vmem>>
          %dma_start3A_113 = arith.constant 0 : i32
          %dma_start3A_114 = arith.constant 0 : i32
          %dma_start3A_115 = tpu.memref_slice %arg2[%dma_start3A_113, %dma_start3A_114] : memref<10000x128xf32, #tpu.memory_space<hbm>> -> memref<10000x128xf32, #tpu.memory_space<hbm>>
          tpu.enqueue_indirect_dma source(%dma_start3A_115 : memref<10000x128xf32, #tpu.memory_space<hbm>>) target(%arg11 : memref<80x128xf32, #tpu.memory_space<vmem>>) offsets(%dma_start3A_112 : memref<80xi32, #tpu.memory_space<vmem>>) semaphore(%arg18 : memref<!tpu.dma_semaphore, #tpu.memory_space<semaphore_mem>>)
          %dma_start3A_116 = arith.constant 0 : i32
          %dma_start3A_117 = tpu.memref_slice %arg8[%add3A_109, %dma_start3A_116] : memref<25x80xi32, #tpu.memory_space<vmem>> -> memref<1x80xi32, #tpu.memory_space<vmem>>
          %dma_start3A_118 = tpu.memref_squeeze %dma_start3A_117 : memref<1x80xi32, #tpu.memory_space<vmem>> -> memref<80xi32, #tpu.memory_space<vmem>>
          %dma_start3A_119 = arith.constant 0 : i32
          %dma_start3A_120 = arith.constant 0 : i32
          %dma_start3A_121 = tpu.memref_slice %arg3[%dma_start3A_119, %dma_start3A_120] : memref<10000x128xf32, #tpu.memory_space<hbm>> -> memref<10000x128xf32, #tpu.memory_space<hbm>>
          tpu.enqueue_indirect_dma source(%dma_start3A_121 : memref<10000x128xf32, #tpu.memory_space<hbm>>) target(%arg12 : memref<80x128xf32, #tpu.memory_space<vmem>>) offsets(%dma_start3A_118 : memref<80xi32, #tpu.memory_space<vmem>>) semaphore(%arg19 : memref<!tpu.dma_semaphore, #tpu.memory_space<semaphore_mem>>)
        } else {
        }
        %dma_wait3A_76 = arith.constant 0 : i32
        %dma_wait3A_77 = tpu.memref_slice %arg7[%scan3A_35, %dma_wait3A_76] : memref<25x80xi32, #tpu.memory_space<vmem>> -> memref<1x80xi32, #tpu.memory_space<vmem>>
        %dma_wait3A_78 = tpu.memref_squeeze %dma_wait3A_77 : memref<1x80xi32, #tpu.memory_space<vmem>> -> memref<80xi32, #tpu.memory_space<vmem>>
        %dma_wait3A_79 = arith.constant 0 : i32
        %dma_wait3A_80 = arith.constant 0 : i32
        %dma_wait3A_81 = tpu.memref_slice %arg2[%dma_wait3A_79, %dma_wait3A_80] : memref<10000x128xf32, #tpu.memory_space<hbm>> -> memref<10000x128xf32, #tpu.memory_space<hbm>>
        tpu.wait_indirect_dma semaphore(%arg15 : memref<!tpu.dma_semaphore, #tpu.memory_space<semaphore_mem>>) src(%dma_wait3A_81 : memref<10000x128xf32, #tpu.memory_space<hbm>>) dst(%arg9 : memref<80x128xf32, #tpu.memory_space<vmem>>)
        %dma_wait3A_82 = arith.constant 0 : i32
        %dma_wait3A_83 = tpu.memref_slice %arg8[%scan3A_35, %dma_wait3A_82] : memref<25x80xi32, #tpu.memory_space<vmem>> -> memref<1x80xi32, #tpu.memory_space<vmem>>
        %dma_wait3A_84 = tpu.memref_squeeze %dma_wait3A_83 : memref<1x80xi32, #tpu.memory_space<vmem>> -> memref<80xi32, #tpu.memory_space<vmem>>
        %dma_wait3A_85 = arith.constant 0 : i32
        %dma_wait3A_86 = arith.constant 0 : i32
        %dma_wait3A_87 = tpu.memref_slice %arg3[%dma_wait3A_85, %dma_wait3A_86] : memref<10000x128xf32, #tpu.memory_space<hbm>> -> memref<10000x128xf32, #tpu.memory_space<hbm>>
        tpu.wait_indirect_dma semaphore(%arg16 : memref<!tpu.dma_semaphore, #tpu.memory_space<semaphore_mem>>) src(%dma_wait3A_87 : memref<10000x128xf32, #tpu.memory_space<hbm>>) dst(%arg10 : memref<80x128xf32, #tpu.memory_space<vmem>>)
        %ge3A = arith.constant 2 : i32
        %ge3A_88 = arith.cmpi sge, %scan3A_35, %ge3A : i32
        %convert_element_type3A_89 = arith.extui %ge3A_88 : i1 to i32
        %cond3A_90 = arith.constant 0 : i32
        %cond3A_91 = arith.cmpi ne, %convert_element_type3A_89, %cond3A_90 : i32
        scf.if %cond3A_91 {
          %sub3A = arith.constant 2 : i32
          %sub3A_108 = arith.subi %scan3A_35, %sub3A : i32
          %mul3A_109 = arith.constant 2000 : i32
          %mul3A_110 = arith.muli %add3A, %mul3A_109 : i32
          %mul3A_111 = arith.constant 80 : i32
          %mul3A_112 = arith.muli %sub3A_108, %mul3A_111 : i32
          %add3A_113 = arith.addi %mul3A_110, %mul3A_112 : i32
          %multiple_of3A_114 = tpu.assume_multiple %add3A_113, 16 : i32
          %dma_wait3A_115 = arith.constant 0 : i32
          %dma_wait3A_116 = tpu.memref_slice %arg6[%multiple_of3A_114, %dma_wait3A_115] : memref<64000x128xf32, #tpu.memory_space<hbm>> -> memref<80x128xf32, #tpu.memory_space<hbm>>
          %dma_wait3A_117 = arith.constant 0 : i32
          %dma_wait3A_118 = tpu.memref_slice %arg6[%multiple_of3A_114, %dma_wait3A_117] : memref<64000x128xf32, #tpu.memory_space<hbm>> -> memref<80x128xf32, #tpu.memory_space<hbm>>
          tpu.wait_dma2 semaphore(%arg17 : memref<!tpu.dma_semaphore, #tpu.memory_space<semaphore_mem>>) src(%arg13 : memref<80x128xf32, #tpu.memory_space<vmem>>) dst(%dma_wait3A_118 : memref<80x128xf32, #tpu.memory_space<hbm>>)
        } else {
        }
        %scan3A_92 = arith.constant 0 : i32
        %scan3A_93 = arith.constant 0 : i32
        %scan3A_94 = arith.constant 80 : i32
        %scan3A_95 = arith.addi %scan3A_93, %scan3A_94 : i32
        %scan3A_96 = arith.constant 1 : i32
        scf.for %scan3A_108 = %scan3A_93 to %scan3A_95 step %scan3A_96  : i32 {
          %get3A = arith.index_cast %scan3A_108 : i32 to index
          %get3A_109 = arith.constant 0 : index
          %get3A_110 = tpu.vector_load %arg9[%get3A, %get3A_109] {strides = array<i32>} : memref<80x128xf32, #tpu.memory_space<vmem>>, vector<1x16xf32>,
          %get3A_111 = vector.shape_cast %get3A_110 : vector<1x16xf32> to vector<16xf32>
          %get3A_112 = arith.index_cast %scan3A_108 : i32 to index
          %get3A_113 = arith.constant 0 : index
          %get3A_114 = tpu.vector_load %arg10[%get3A_112, %get3A_113] {strides = array<i32>} : memref<80x128xf32, #tpu.memory_space<vmem>>, vector<1x16xf32>,
          %get3A_115 = vector.shape_cast %get3A_114 : vector<1x16xf32> to vector<16xf32>
          %add3A_116 = arith.addf %get3A_111, %get3A_115 : vector<16xf32>
          %swap3A = arith.index_cast %scan3A_108 : i32 to index
          %swap3A_117 = arith.constant 0 : index
          %swap3A_118 = tpu.vector_load %arg13[%swap3A, %swap3A_117] {strides = array<i32>} : memref<80x128xf32, #tpu.memory_space<vmem>>, vector<1x16xf32>,
          %swap3A_119 = vector.shape_cast %swap3A_118 : vector<1x16xf32> to vector<16xf32>
          %swap3A_120 = vector.shape_cast %add3A_116 : vector<16xf32> to vector<1x16xf32>
          tpu.vector_store %arg13[%swap3A, %swap3A_117], %swap3A_120 {strides = array<i32>} : memref<80x128xf32, #tpu.memory_space<vmem>>, vector<1x16xf32>,
          %get3A_121 = arith.index_cast %scan3A_108 : i32 to index
          %get3A_122 = arith.constant 16 : index
          %get3A_123 = tpu.vector_load %arg9[%get3A_121, %get3A_122] {strides = array<i32>} : memref<80x128xf32, #tpu.memory_space<vmem>>, vector<1x16xf32>,
          %get3A_124 = vector.shape_cast %get3A_123 : vector<1x16xf32> to vector<16xf32>
          %get3A_125 = arith.index_cast %scan3A_108 : i32 to index
          %get3A_126 = arith.constant 16 : index
          %get3A_127 = tpu.vector_load %arg10[%get3A_125, %get3A_126] {strides = array<i32>} : memref<80x128xf32, #tpu.memory_space<vmem>>, vector<1x16xf32>,
          %get3A_128 = vector.shape_cast %get3A_127 : vector<1x16xf32> to vector<16xf32>
          %add3A_129 = arith.addf %get3A_124, %get3A_128 : vector<16xf32>
          %swap3A_130 = arith.index_cast %scan3A_108 : i32 to index
          %swap3A_131 = arith.constant 16 : index
          %swap3A_132 = tpu.vector_load %arg13[%swap3A_130, %swap3A_131] {strides = array<i32>} : memref<80x128xf32, #tpu.memory_space<vmem>>, vector<1x16xf32>,
          %swap3A_133 = vector.shape_cast %swap3A_132 : vector<1x16xf32> to vector<16xf32>
          %swap3A_134 = vector.shape_cast %add3A_129 : vector<16xf32> to vector<1x16xf32>
          tpu.vector_store %arg13[%swap3A_130, %swap3A_131], %swap3A_134 {strides = array<i32>} : memref<80x128xf32, #tpu.memory_space<vmem>>, vector<1x16xf32>,
          %get3A_135 = arith.index_cast %scan3A_108 : i32 to index
          %get3A_136 = arith.constant 32 : index
          %get3A_137 = tpu.vector_load %arg9[%get3A_135, %get3A_136] {strides = array<i32>} : memref<80x128xf32, #tpu.memory_space<vmem>>, vector<1x16xf32>,
          %get3A_138 = vector.shape_cast %get3A_137 : vector<1x16xf32> to vector<16xf32>
          %get3A_139 = arith.index_cast %scan3A_108 : i32 to index
          %get3A_140 = arith.constant 32 : index
          %get3A_141 = tpu.vector_load %arg10[%get3A_139, %get3A_140] {strides = array<i32>} : memref<80x128xf32, #tpu.memory_space<vmem>>, vector<1x16xf32>,
          %get3A_142 = vector.shape_cast %get3A_141 : vector<1x16xf32> to vector<16xf32>
          %add3A_143 = arith.addf %get3A_138, %get3A_142 : vector<16xf32>
          %swap3A_144 = arith.index_cast %scan3A_108 : i32 to index
          %swap3A_145 = arith.constant 32 : index
          %swap3A_146 = tpu.vector_load %arg13[%swap3A_144, %swap3A_145] {strides = array<i32>} : memref<80x128xf32, #tpu.memory_space<vmem>>, vector<1x16xf32>,
          %swap3A_147 = vector.shape_cast %swap3A_146 : vector<1x16xf32> to vector<16xf32>
          %swap3A_148 = vector.shape_cast %add3A_143 : vector<16xf32> to vector<1x16xf32>
          tpu.vector_store %arg13[%swap3A_144, %swap3A_145], %swap3A_148 {strides = array<i32>} : memref<80x128xf32, #tpu.memory_space<vmem>>, vector<1x16xf32>,
          %get3A_149 = arith.index_cast %scan3A_108 : i32 to index
          %get3A_150 = arith.constant 48 : index
          %get3A_151 = tpu.vector_load %arg9[%get3A_149, %get3A_150] {strides = array<i32>} : memref<80x128xf32, #tpu.memory_space<vmem>>, vector<1x16xf32>,
          %get3A_152 = vector.shape_cast %get3A_151 : vector<1x16xf32> to vector<16xf32>
          %get3A_153 = arith.index_cast %scan3A_108 : i32 to index
          %get3A_154 = arith.constant 48 : index
          %get3A_155 = tpu.vector_load %arg10[%get3A_153, %get3A_154] {strides = array<i32>} : memref<80x128xf32, #tpu.memory_space<vmem>>, vector<1x16xf32>,
          %get3A_156 = vector.shape_cast %get3A_155 : vector<1x16xf32> to vector<16xf32>
          %add3A_157 = arith.addf %get3A_152, %get3A_156 : vector<16xf32>
          %swap3A_158 = arith.index_cast %scan3A_108 : i32 to index
          %swap3A_159 = arith.constant 48 : index
          %swap3A_160 = tpu.vector_load %arg13[%swap3A_158, %swap3A_159] {strides = array<i32>} : memref<80x128xf32, #tpu.memory_space<vmem>>, vector<1x16xf32>,
          %swap3A_161 = vector.shape_cast %swap3A_160 : vector<1x16xf32> to vector<16xf32>
          %swap3A_162 = vector.shape_cast %add3A_157 : vector<16xf32> to vector<1x16xf32>
          tpu.vector_store %arg13[%swap3A_158, %swap3A_159], %swap3A_162 {strides = array<i32>} : memref<80x128xf32, #tpu.memory_space<vmem>>, vector<1x16xf32>,
          %get3A_163 = arith.index_cast %scan3A_108 : i32 to index
          %get3A_164 = arith.constant 64 : index
          %get3A_165 = tpu.vector_load %arg9[%get3A_163, %get3A_164] {strides = array<i32>} : memref<80x128xf32, #tpu.memory_space<vmem>>, vector<1x16xf32>,
          %get3A_166 = vector.shape_cast %get3A_165 : vector<1x16xf32> to vector<16xf32>
          %get3A_167 = arith.index_cast %scan3A_108 : i32 to index
          %get3A_168 = arith.constant 64 : index
          %get3A_169 = tpu.vector_load %arg10[%get3A_167, %get3A_168] {strides = array<i32>} : memref<80x128xf32, #tpu.memory_space<vmem>>, vector<1x16xf32>,
          %get3A_170 = vector.shape_cast %get3A_169 : vector<1x16xf32> to vector<16xf32>
          %add3A_171 = arith.addf %get3A_166, %get3A_170 : vector<16xf32>
          %swap3A_172 = arith.index_cast %scan3A_108 : i32 to index
          %swap3A_173 = arith.constant 64 : index
          %swap3A_174 = tpu.vector_load %arg13[%swap3A_172, %swap3A_173] {strides = array<i32>} : memref<80x128xf32, #tpu.memory_space<vmem>>, vector<1x16xf32>,
          %swap3A_175 = vector.shape_cast %swap3A_174 : vector<1x16xf32> to vector<16xf32>
          %swap3A_176 = vector.shape_cast %add3A_171 : vector<16xf32> to vector<1x16xf32>
          tpu.vector_store %arg13[%swap3A_172, %swap3A_173], %swap3A_176 {strides = array<i32>} : memref<80x128xf32, #tpu.memory_space<vmem>>, vector<1x16xf32>,
          %get3A_177 = arith.index_cast %scan3A_108 : i32 to index
          %get3A_178 = arith.constant 80 : index
          %get3A_179 = tpu.vector_load %arg9[%get3A_177, %get3A_178] {strides = array<i32>} : memref<80x128xf32, #tpu.memory_space<vmem>>, vector<1x16xf32>,
          %get3A_180 = vector.shape_cast %get3A_179 : vector<1x16xf32> to vector<16xf32>
          %get3A_181 = arith.index_cast %scan3A_108 : i32 to index
          %get3A_182 = arith.constant 80 : index
          %get3A_183 = tpu.vector_load %arg10[%get3A_181, %get3A_182] {strides = array<i32>} : memref<80x128xf32, #tpu.memory_space<vmem>>, vector<1x16xf32>,
          %get3A_184 = vector.shape_cast %get3A_183 : vector<1x16xf32> to vector<16xf32>
          %add3A_185 = arith.addf %get3A_180, %get3A_184 : vector<16xf32>
          %swap3A_186 = arith.index_cast %scan3A_108 : i32 to index
          %swap3A_187 = arith.constant 80 : index
          %swap3A_188 = tpu.vector_load %arg13[%swap3A_186, %swap3A_187] {strides = array<i32>} : memref<80x128xf32, #tpu.memory_space<vmem>>, vector<1x16xf32>,
          %swap3A_189 = vector.shape_cast %swap3A_188 : vector<1x16xf32> to vector<16xf32>
          %swap3A_190 = vector.shape_cast %add3A_185 : vector<16xf32> to vector<1x16xf32>
          tpu.vector_store %arg13[%swap3A_186, %swap3A_187], %swap3A_190 {strides = array<i32>} : memref<80x128xf32, #tpu.memory_space<vmem>>, vector<1x16xf32>,
          %get3A_191 = arith.index_cast %scan3A_108 : i32 to index
          %get3A_192 = arith.constant 96 : index
          %get3A_193 = tpu.vector_load %arg9[%get3A_191, %get3A_192] {strides = array<i32>} : memref<80x128xf32, #tpu.memory_space<vmem>>, vector<1x16xf32>,
          %get3A_194 = vector.shape_cast %get3A_193 : vector<1x16xf32> to vector<16xf32>
          %get3A_195 = arith.index_cast %scan3A_108 : i32 to index
          %get3A_196 = arith.constant 96 : index
          %get3A_197 = tpu.vector_load %arg10[%get3A_195, %get3A_196] {strides = array<i32>} : memref<80x128xf32, #tpu.memory_space<vmem>>, vector<1x16xf32>,
          %get3A_198 = vector.shape_cast %get3A_197 : vector<1x16xf32> to vector<16xf32>
          %add3A_199 = arith.addf %get3A_194, %get3A_198 : vector<16xf32>
          %swap3A_200 = arith.index_cast %scan3A_108 : i32 to index
          %swap3A_201 = arith.constant 96 : index
          %swap3A_202 = tpu.vector_load %arg13[%swap3A_200, %swap3A_201] {strides = array<i32>} : memref<80x128xf32, #tpu.memory_space<vmem>>, vector<1x16xf32>,
          %swap3A_203 = vector.shape_cast %swap3A_202 : vector<1x16xf32> to vector<16xf32>
          %swap3A_204 = vector.shape_cast %add3A_199 : vector<16xf32> to vector<1x16xf32>
          tpu.vector_store %arg13[%swap3A_200, %swap3A_201], %swap3A_204 {strides = array<i32>} : memref<80x128xf32, #tpu.memory_space<vmem>>, vector<1x16xf32>,
          %get3A_205 = arith.index_cast %scan3A_108 : i32 to index
          %get3A_206 = arith.constant 112 : index
          %get3A_207 = tpu.vector_load %arg9[%get3A_205, %get3A_206] {strides = array<i32>} : memref<80x128xf32, #tpu.memory_space<vmem>>, vector<1x16xf32>,
          %get3A_208 = vector.shape_cast %get3A_207 : vector<1x16xf32> to vector<16xf32>
          %get3A_209 = arith.index_cast %scan3A_108 : i32 to index
          %get3A_210 = arith.constant 112 : index
          %get3A_211 = tpu.vector_load %arg10[%get3A_209, %get3A_210] {strides = array<i32>} : memref<80x128xf32, #tpu.memory_space<vmem>>, vector<1x16xf32>,
          %get3A_212 = vector.shape_cast %get3A_211 : vector<1x16xf32> to vector<16xf32>
          %add3A_213 = arith.addf %get3A_208, %get3A_212 : vector<16xf32>
          %swap3A_214 = arith.index_cast %scan3A_108 : i32 to index
          %swap3A_215 = arith.constant 112 : index
          %swap3A_216 = tpu.vector_load %arg13[%swap3A_214, %swap3A_215] {strides = array<i32>} : memref<80x128xf32, #tpu.memory_space<vmem>>, vector<1x16xf32>,
          %swap3A_217 = vector.shape_cast %swap3A_216 : vector<1x16xf32> to vector<16xf32>
          %swap3A_218 = vector.shape_cast %add3A_213 : vector<16xf32> to vector<1x16xf32>
          tpu.vector_store %arg13[%swap3A_214, %swap3A_215], %swap3A_218 {strides = array<i32>} : memref<80x128xf32, #tpu.memory_space<vmem>>, vector<1x16xf32>,
        }
        %scan3A_97 = arith.constant 80 : i32
        %mul3A_98 = arith.constant 2000 : i32
        %mul3A_99 = arith.muli %add3A, %mul3A_98 : i32
        %mul3A_100 = arith.constant 80 : i32
        %mul3A_101 = arith.muli %scan3A_35, %mul3A_100 : i32
        %add3A_102 = arith.addi %mul3A_99, %mul3A_101 : i32
        %multiple_of3A_103 = tpu.assume_multiple %add3A_102, 16 : i32
        %dma_start3A_104 = arith.constant 0 : i32
        %dma_start3A_105 = tpu.memref_slice %arg6[%multiple_of3A_103, %dma_start3A_104] : memref<64000x128xf32, #tpu.memory_space<hbm>> -> memref<80x128xf32, #tpu.memory_space<hbm>>
        %dma_start3A_106 = arith.constant 0 : i32
        %dma_start3A_107 = tpu.memref_slice %arg6[%multiple_of3A_103, %dma_start3A_106] : memref<64000x128xf32, #tpu.memory_space<hbm>> -> memref<80x128xf32, #tpu.memory_space<hbm>>
        tpu.enqueue_dma source(%arg13 : memref<80x128xf32, #tpu.memory_space<vmem>>) target(%dma_start3A_107 : memref<80x128xf32, #tpu.memory_space<hbm>>) target_semaphore(%arg17 : memref<!tpu.dma_semaphore, #tpu.memory_space<semaphore_mem>>)
      } else {
      }
      %jit3A_48 = arith.constant 2 : i32
      %eq3A_49 = arith.constant 0 : i32
      %eq3A_50 = arith.cmpi eq, %jit3A_48, %eq3A_49 : i32
      %jit3A_51 = arith.constant 1 : i32
      %select_n3A_52 = arith.select %eq3A_50, %jit3A_51, %jit3A_48 : i32
      %rem3A_53 = arith.remsi %scan3A_35, %select_n3A_52 : i32
      %ne3A_54 = arith.constant 0 : i32
      %ne3A_55 = arith.cmpi ne, %rem3A_53, %ne3A_54 : i32
      %lt3A_56 = arith.constant 0 : i32
      %lt3A_57 = arith.cmpi slt, %rem3A_53, %lt3A_56 : i32
      %lt3A_58 = arith.constant 0 : i32
      %lt3A_59 = arith.cmpi slt, %select_n3A_52, %lt3A_58 : i32
      %ne3A_60 = arith.xori %lt3A_57, %lt3A_59 : i1
      %and3A_61 = arith.andi %ne3A_60, %ne3A_55 : i1
      %add3A_62 = arith.addi %rem3A_53, %select_n3A_52 : i32
      %select_n3A_63 = arith.select %and3A_61, %add3A_62, %rem3A_53 : i32
      %eq3A_64 = arith.constant 1 : i32
      %eq3A_65 = arith.cmpi eq, %select_n3A_63, %eq3A_64 : i32
      %convert_element_type3A_66 = arith.extui %eq3A_65 : i1 to i32
      %cond3A_67 = arith.constant 0 : i32
      %cond3A_68 = arith.cmpi ne, %convert_element_type3A_66, %cond3A_67 : i32
      scf.if %cond3A_68 {
        %add3A_69 = arith.constant 1 : i32
        %add3A_70 = arith.addi %scan3A_35, %add3A_69 : i32
        %lt3A_71 = arith.constant 25 : i32
        %lt3A_72 = arith.cmpi slt, %add3A_70, %lt3A_71 : i32
        %convert_element_type3A_73 = arith.extui %lt3A_72 : i1 to i32
        %cond3A_74 = arith.constant 0 : i32
        %cond3A_75 = arith.cmpi ne, %convert_element_type3A_73, %cond3A_74 : i32
        scf.if %cond3A_75 {
          %add3A_108 = arith.constant 1 : i32
          %add3A_109 = arith.addi %scan3A_35, %add3A_108 : i32
          %dma_start3A_110 = arith.constant 0 : i32
          %dma_start3A_111 = tpu.memref_slice %arg7[%add3A_109, %dma_start3A_110] : memref<25x80xi32, #tpu.memory_space<vmem>> -> memref<1x80xi32, #tpu.memory_space<vmem>>
          %dma_start3A_112 = tpu.memref_squeeze %dma_start3A_111 : memref<1x80xi32, #tpu.memory_space<vmem>> -> memref<80xi32, #tpu.memory_space<vmem>>
          %dma_start3A_113 = arith.constant 0 : i32
          %dma_start3A_114 = arith.constant 0 : i32
          %dma_start3A_115 = tpu.memref_slice %arg2[%dma_start3A_113, %dma_start3A_114] : memref<10000x128xf32, #tpu.memory_space<hbm>> -> memref<10000x128xf32, #tpu.memory_space<hbm>>
          tpu.enqueue_indirect_dma source(%dma_start3A_115 : memref<10000x128xf32, #tpu.memory_space<hbm>>) target(%arg9 : memref<80x128xf32, #tpu.memory_space<vmem>>) offsets(%dma_start3A_112 : memref<80xi32, #tpu.memory_space<vmem>>) semaphore(%arg15 : memref<!tpu.dma_semaphore, #tpu.memory_space<semaphore_mem>>)
          %dma_start3A_116 = arith.constant 0 : i32
          %dma_start3A_117 = tpu.memref_slice %arg8[%add3A_109, %dma_start3A_116] : memref<25x80xi32, #tpu.memory_space<vmem>> -> memref<1x80xi32, #tpu.memory_space<vmem>>
          %dma_start3A_118 = tpu.memref_squeeze %dma_start3A_117 : memref<1x80xi32, #tpu.memory_space<vmem>> -> memref<80xi32, #tpu.memory_space<vmem>>
          %dma_start3A_119 = arith.constant 0 : i32
          %dma_start3A_120 = arith.constant 0 : i32
          %dma_start3A_121 = tpu.memref_slice %arg3[%dma_start3A_119, %dma_start3A_120] : memref<10000x128xf32, #tpu.memory_space<hbm>> -> memref<10000x128xf32, #tpu.memory_space<hbm>>
          tpu.enqueue_indirect_dma source(%dma_start3A_121 : memref<10000x128xf32, #tpu.memory_space<hbm>>) target(%arg10 : memref<80x128xf32, #tpu.memory_space<vmem>>) offsets(%dma_start3A_118 : memref<80xi32, #tpu.memory_space<vmem>>) semaphore(%arg16 : memref<!tpu.dma_semaphore, #tpu.memory_space<semaphore_mem>>)
        } else {
        }
        %dma_wait3A_76 = arith.constant 0 : i32
        %dma_wait3A_77 = tpu.memref_slice %arg7[%scan3A_35, %dma_wait3A_76] : memref<25x80xi32, #tpu.memory_space<vmem>> -> memref<1x80xi32, #tpu.memory_space<vmem>>
        %dma_wait3A_78 = tpu.memref_squeeze %dma_wait3A_77 : memref<1x80xi32, #tpu.memory_space<vmem>> -> memref<80xi32, #tpu.memory_space<vmem>>
        %dma_wait3A_79 = arith.constant 0 : i32
        %dma_wait3A_80 = arith.constant 0 : i32
        %dma_wait3A_81 = tpu.memref_slice %arg2[%dma_wait3A_79, %dma_wait3A_80] : memref<10000x128xf32, #tpu.memory_space<hbm>> -> memref<10000x128xf32, #tpu.memory_space<hbm>>
        tpu.wait_indirect_dma semaphore(%arg18 : memref<!tpu.dma_semaphore, #tpu.memory_space<semaphore_mem>>) src(%dma_wait3A_81 : memref<10000x128xf32, #tpu.memory_space<hbm>>) dst(%arg11 : memref<80x128xf32, #tpu.memory_space<vmem>>)
        %dma_wait3A_82 = arith.constant 0 : i32
        %dma_wait3A_83 = tpu.memref_slice %arg8[%scan3A_35, %dma_wait3A_82] : memref<25x80xi32, #tpu.memory_space<vmem>> -> memref<1x80xi32, #tpu.memory_space<vmem>>
        %dma_wait3A_84 = tpu.memref_squeeze %dma_wait3A_83 : memref<1x80xi32, #tpu.memory_space<vmem>> -> memref<80xi32, #tpu.memory_space<vmem>>
        %dma_wait3A_85 = arith.constant 0 : i32
        %dma_wait3A_86 = arith.constant 0 : i32
        %dma_wait3A_87 = tpu.memref_slice %arg3[%dma_wait3A_85, %dma_wait3A_86] : memref<10000x128xf32, #tpu.memory_space<hbm>> -> memref<10000x128xf32, #tpu.memory_space<hbm>>
        tpu.wait_indirect_dma semaphore(%arg19 : memref<!tpu.dma_semaphore, #tpu.memory_space<semaphore_mem>>) src(%dma_wait3A_87 : memref<10000x128xf32, #tpu.memory_space<hbm>>) dst(%arg12 : memref<80x128xf32, #tpu.memory_space<vmem>>)
        %ge3A = arith.constant 2 : i32
        %ge3A_88 = arith.cmpi sge, %scan3A_35, %ge3A : i32
        %convert_element_type3A_89 = arith.extui %ge3A_88 : i1 to i32
        %cond3A_90 = arith.constant 0 : i32
        %cond3A_91 = arith.cmpi ne, %convert_element_type3A_89, %cond3A_90 : i32
        scf.if %cond3A_91 {
          %sub3A = arith.constant 2 : i32
          %sub3A_108 = arith.subi %scan3A_35, %sub3A : i32
          %mul3A_109 = arith.constant 2000 : i32
          %mul3A_110 = arith.muli %add3A, %mul3A_109 : i32
          %mul3A_111 = arith.constant 80 : i32
          %mul3A_112 = arith.muli %sub3A_108, %mul3A_111 : i32
          %add3A_113 = arith.addi %mul3A_110, %mul3A_112 : i32
          %multiple_of3A_114 = tpu.assume_multiple %add3A_113, 16 : i32
          %dma_wait3A_115 = arith.constant 0 : i32
          %dma_wait3A_116 = tpu.memref_slice %arg6[%multiple_of3A_114, %dma_wait3A_115] : memref<64000x128xf32, #tpu.memory_space<hbm>> -> memref<80x128xf32, #tpu.memory_space<hbm>>
          %dma_wait3A_117 = arith.constant 0 : i32
          %dma_wait3A_118 = tpu.memref_slice %arg6[%multiple_of3A_114, %dma_wait3A_117] : memref<64000x128xf32, #tpu.memory_space<hbm>> -> memref<80x128xf32, #tpu.memory_space<hbm>>
          tpu.wait_dma2 semaphore(%arg20 : memref<!tpu.dma_semaphore, #tpu.memory_space<semaphore_mem>>) src(%arg14 : memref<80x128xf32, #tpu.memory_space<vmem>>) dst(%dma_wait3A_118 : memref<80x128xf32, #tpu.memory_space<hbm>>)
        } else {
        }
        %scan3A_92 = arith.constant 0 : i32
        %scan3A_93 = arith.constant 0 : i32
        %scan3A_94 = arith.constant 80 : i32
        %scan3A_95 = arith.addi %scan3A_93, %scan3A_94 : i32
        %scan3A_96 = arith.constant 1 : i32
        scf.for %scan3A_108 = %scan3A_93 to %scan3A_95 step %scan3A_96  : i32 {
          %get3A = arith.index_cast %scan3A_108 : i32 to index
          %get3A_109 = arith.constant 0 : index
          %get3A_110 = tpu.vector_load %arg11[%get3A, %get3A_109] {strides = array<i32>} : memref<80x128xf32, #tpu.memory_space<vmem>>, vector<1x16xf32>,
          %get3A_111 = vector.shape_cast %get3A_110 : vector<1x16xf32> to vector<16xf32>
          %get3A_112 = arith.index_cast %scan3A_108 : i32 to index
          %get3A_113 = arith.constant 0 : index
          %get3A_114 = tpu.vector_load %arg12[%get3A_112, %get3A_113] {strides = array<i32>} : memref<80x128xf32, #tpu.memory_space<vmem>>, vector<1x16xf32>,
          %get3A_115 = vector.shape_cast %get3A_114 : vector<1x16xf32> to vector<16xf32>
          %add3A_116 = arith.addf %get3A_111, %get3A_115 : vector<16xf32>
          %swap3A = arith.index_cast %scan3A_108 : i32 to index
          %swap3A_117 = arith.constant 0 : index
          %swap3A_118 = tpu.vector_load %arg14[%swap3A, %swap3A_117] {strides = array<i32>} : memref<80x128xf32, #tpu.memory_space<vmem>>, vector<1x16xf32>,
          %swap3A_119 = vector.shape_cast %swap3A_118 : vector<1x16xf32> to vector<16xf32>
          %swap3A_120 = vector.shape_cast %add3A_116 : vector<16xf32> to vector<1x16xf32>
          tpu.vector_store %arg14[%swap3A, %swap3A_117], %swap3A_120 {strides = array<i32>} : memref<80x128xf32, #tpu.memory_space<vmem>>, vector<1x16xf32>,
          %get3A_121 = arith.index_cast %scan3A_108 : i32 to index
          %get3A_122 = arith.constant 16 : index
          %get3A_123 = tpu.vector_load %arg11[%get3A_121, %get3A_122] {strides = array<i32>} : memref<80x128xf32, #tpu.memory_space<vmem>>, vector<1x16xf32>,
          %get3A_124 = vector.shape_cast %get3A_123 : vector<1x16xf32> to vector<16xf32>
          %get3A_125 = arith.index_cast %scan3A_108 : i32 to index
          %get3A_126 = arith.constant 16 : index
          %get3A_127 = tpu.vector_load %arg12[%get3A_125, %get3A_126] {strides = array<i32>} : memref<80x128xf32, #tpu.memory_space<vmem>>, vector<1x16xf32>,
          %get3A_128 = vector.shape_cast %get3A_127 : vector<1x16xf32> to vector<16xf32>
          %add3A_129 = arith.addf %get3A_124, %get3A_128 : vector<16xf32>
          %swap3A_130 = arith.index_cast %scan3A_108 : i32 to index
          %swap3A_131 = arith.constant 16 : index
          %swap3A_132 = tpu.vector_load %arg14[%swap3A_130, %swap3A_131] {strides = array<i32>} : memref<80x128xf32, #tpu.memory_space<vmem>>, vector<1x16xf32>,
          %swap3A_133 = vector.shape_cast %swap3A_132 : vector<1x16xf32> to vector<16xf32>
          %swap3A_134 = vector.shape_cast %add3A_129 : vector<16xf32> to vector<1x16xf32>
          tpu.vector_store %arg14[%swap3A_130, %swap3A_131], %swap3A_134 {strides = array<i32>} : memref<80x128xf32, #tpu.memory_space<vmem>>, vector<1x16xf32>,
          %get3A_135 = arith.index_cast %scan3A_108 : i32 to index
          %get3A_136 = arith.constant 32 : index
          %get3A_137 = tpu.vector_load %arg11[%get3A_135, %get3A_136] {strides = array<i32>} : memref<80x128xf32, #tpu.memory_space<vmem>>, vector<1x16xf32>,
          %get3A_138 = vector.shape_cast %get3A_137 : vector<1x16xf32> to vector<16xf32>
          %get3A_139 = arith.index_cast %scan3A_108 : i32 to index
          %get3A_140 = arith.constant 32 : index
          %get3A_141 = tpu.vector_load %arg12[%get3A_139, %get3A_140] {strides = array<i32>} : memref<80x128xf32, #tpu.memory_space<vmem>>, vector<1x16xf32>,
          %get3A_142 = vector.shape_cast %get3A_141 : vector<1x16xf32> to vector<16xf32>
          %add3A_143 = arith.addf %get3A_138, %get3A_142 : vector<16xf32>
          %swap3A_144 = arith.index_cast %scan3A_108 : i32 to index
          %swap3A_145 = arith.constant 32 : index
          %swap3A_146 = tpu.vector_load %arg14[%swap3A_144, %swap3A_145] {strides = array<i32>} : memref<80x128xf32, #tpu.memory_space<vmem>>, vector<1x16xf32>,
          %swap3A_147 = vector.shape_cast %swap3A_146 : vector<1x16xf32> to vector<16xf32>
          %swap3A_148 = vector.shape_cast %add3A_143 : vector<16xf32> to vector<1x16xf32>
          tpu.vector_store %arg14[%swap3A_144, %swap3A_145], %swap3A_148 {strides = array<i32>} : memref<80x128xf32, #tpu.memory_space<vmem>>, vector<1x16xf32>,
          %get3A_149 = arith.index_cast %scan3A_108 : i32 to index
          %get3A_150 = arith.constant 48 : index
          %get3A_151 = tpu.vector_load %arg11[%get3A_149, %get3A_150] {strides = array<i32>} : memref<80x128xf32, #tpu.memory_space<vmem>>, vector<1x16xf32>,
          %get3A_152 = vector.shape_cast %get3A_151 : vector<1x16xf32> to vector<16xf32>
          %get3A_153 = arith.index_cast %scan3A_108 : i32 to index
          %get3A_154 = arith.constant 48 : index
          %get3A_155 = tpu.vector_load %arg12[%get3A_153, %get3A_154] {strides = array<i32>} : memref<80x128xf32, #tpu.memory_space<vmem>>, vector<1x16xf32>,
          %get3A_156 = vector.shape_cast %get3A_155 : vector<1x16xf32> to vector<16xf32>
          %add3A_157 = arith.addf %get3A_152, %get3A_156 : vector<16xf32>
          %swap3A_158 = arith.index_cast %scan3A_108 : i32 to index
          %swap3A_159 = arith.constant 48 : index
          %swap3A_160 = tpu.vector_load %arg14[%swap3A_158, %swap3A_159] {strides = array<i32>} : memref<80x128xf32, #tpu.memory_space<vmem>>, vector<1x16xf32>,
          %swap3A_161 = vector.shape_cast %swap3A_160 : vector<1x16xf32> to vector<16xf32>
          %swap3A_162 = vector.shape_cast %add3A_157 : vector<16xf32> to vector<1x16xf32>
          tpu.vector_store %arg14[%swap3A_158, %swap3A_159], %swap3A_162 {strides = array<i32>} : memref<80x128xf32, #tpu.memory_space<vmem>>, vector<1x16xf32>,
          %get3A_163 = arith.index_cast %scan3A_108 : i32 to index
          %get3A_164 = arith.constant 64 : index
          %get3A_165 = tpu.vector_load %arg11[%get3A_163, %get3A_164] {strides = array<i32>} : memref<80x128xf32, #tpu.memory_space<vmem>>, vector<1x16xf32>,
          %get3A_166 = vector.shape_cast %get3A_165 : vector<1x16xf32> to vector<16xf32>
          %get3A_167 = arith.index_cast %scan3A_108 : i32 to index
          %get3A_168 = arith.constant 64 : index
          %get3A_169 = tpu.vector_load %arg12[%get3A_167, %get3A_168] {strides = array<i32>} : memref<80x128xf32, #tpu.memory_space<vmem>>, vector<1x16xf32>,
          %get3A_170 = vector.shape_cast %get3A_169 : vector<1x16xf32> to vector<16xf32>
          %add3A_171 = arith.addf %get3A_166, %get3A_170 : vector<16xf32>
          %swap3A_172 = arith.index_cast %scan3A_108 : i32 to index
          %swap3A_173 = arith.constant 64 : index
          %swap3A_174 = tpu.vector_load %arg14[%swap3A_172, %swap3A_173] {strides = array<i32>} : memref<80x128xf32, #tpu.memory_space<vmem>>, vector<1x16xf32>,
          %swap3A_175 = vector.shape_cast %swap3A_174 : vector<1x16xf32> to vector<16xf32>
          %swap3A_176 = vector.shape_cast %add3A_171 : vector<16xf32> to vector<1x16xf32>
          tpu.vector_store %arg14[%swap3A_172, %swap3A_173], %swap3A_176 {strides = array<i32>} : memref<80x128xf32, #tpu.memory_space<vmem>>, vector<1x16xf32>,
          %get3A_177 = arith.index_cast %scan3A_108 : i32 to index
          %get3A_178 = arith.constant 80 : index
          %get3A_179 = tpu.vector_load %arg11[%get3A_177, %get3A_178] {strides = array<i32>} : memref<80x128xf32, #tpu.memory_space<vmem>>, vector<1x16xf32>,
          %get3A_180 = vector.shape_cast %get3A_179 : vector<1x16xf32> to vector<16xf32>
          %get3A_181 = arith.index_cast %scan3A_108 : i32 to index
          %get3A_182 = arith.constant 80 : index
          %get3A_183 = tpu.vector_load %arg12[%get3A_181, %get3A_182] {strides = array<i32>} : memref<80x128xf32, #tpu.memory_space<vmem>>, vector<1x16xf32>,
          %get3A_184 = vector.shape_cast %get3A_183 : vector<1x16xf32> to vector<16xf32>
          %add3A_185 = arith.addf %get3A_180, %get3A_184 : vector<16xf32>
          %swap3A_186 = arith.index_cast %scan3A_108 : i32 to index
          %swap3A_187 = arith.constant 80 : index
          %swap3A_188 = tpu.vector_load %arg14[%swap3A_186, %swap3A_187] {strides = array<i32>} : memref<80x128xf32, #tpu.memory_space<vmem>>, vector<1x16xf32>,
          %swap3A_189 = vector.shape_cast %swap3A_188 : vector<1x16xf32> to vector<16xf32>
          %swap3A_190 = vector.shape_cast %add3A_185 : vector<16xf32> to vector<1x16xf32>
          tpu.vector_store %arg14[%swap3A_186, %swap3A_187], %swap3A_190 {strides = array<i32>} : memref<80x128xf32, #tpu.memory_space<vmem>>, vector<1x16xf32>,
          %get3A_191 = arith.index_cast %scan3A_108 : i32 to index
          %get3A_192 = arith.constant 96 : index
          %get3A_193 = tpu.vector_load %arg11[%get3A_191, %get3A_192] {strides = array<i32>} : memref<80x128xf32, #tpu.memory_space<vmem>>, vector<1x16xf32>,
          %get3A_194 = vector.shape_cast %get3A_193 : vector<1x16xf32> to vector<16xf32>
          %get3A_195 = arith.index_cast %scan3A_108 : i32 to index
          %get3A_196 = arith.constant 96 : index
          %get3A_197 = tpu.vector_load %arg12[%get3A_195, %get3A_196] {strides = array<i32>} : memref<80x128xf32, #tpu.memory_space<vmem>>, vector<1x16xf32>,
          %get3A_198 = vector.shape_cast %get3A_197 : vector<1x16xf32> to vector<16xf32>
          %add3A_199 = arith.addf %get3A_194, %get3A_198 : vector<16xf32>
          %swap3A_200 = arith.index_cast %scan3A_108 : i32 to index
          %swap3A_201 = arith.constant 96 : index
          %swap3A_202 = tpu.vector_load %arg14[%swap3A_200, %swap3A_201] {strides = array<i32>} : memref<80x128xf32, #tpu.memory_space<vmem>>, vector<1x16xf32>,
          %swap3A_203 = vector.shape_cast %swap3A_202 : vector<1x16xf32> to vector<16xf32>
          %swap3A_204 = vector.shape_cast %add3A_199 : vector<16xf32> to vector<1x16xf32>
          tpu.vector_store %arg14[%swap3A_200, %swap3A_201], %swap3A_204 {strides = array<i32>} : memref<80x128xf32, #tpu.memory_space<vmem>>, vector<1x16xf32>,
          %get3A_205 = arith.index_cast %scan3A_108 : i32 to index
          %get3A_206 = arith.constant 112 : index
          %get3A_207 = tpu.vector_load %arg11[%get3A_205, %get3A_206] {strides = array<i32>} : memref<80x128xf32, #tpu.memory_space<vmem>>, vector<1x16xf32>,
          %get3A_208 = vector.shape_cast %get3A_207 : vector<1x16xf32> to vector<16xf32>
          %get3A_209 = arith.index_cast %scan3A_108 : i32 to index
          %get3A_210 = arith.constant 112 : index
          %get3A_211 = tpu.vector_load %arg12[%get3A_209, %get3A_210] {strides = array<i32>} : memref<80x128xf32, #tpu.memory_space<vmem>>, vector<1x16xf32>,
          %get3A_212 = vector.shape_cast %get3A_211 : vector<1x16xf32> to vector<16xf32>
          %add3A_213 = arith.addf %get3A_208, %get3A_212 : vector<16xf32>
          %swap3A_214 = arith.index_cast %scan3A_108 : i32 to index
          %swap3A_215 = arith.constant 112 : index
          %swap3A_216 = tpu.vector_load %arg14[%swap3A_214, %swap3A_215] {strides = array<i32>} : memref<80x128xf32, #tpu.memory_space<vmem>>, vector<1x16xf32>,
          %swap3A_217 = vector.shape_cast %swap3A_216 : vector<1x16xf32> to vector<16xf32>
          %swap3A_218 = vector.shape_cast %add3A_213 : vector<16xf32> to vector<1x16xf32>
          tpu.vector_store %arg14[%swap3A_214, %swap3A_215], %swap3A_218 {strides = array<i32>} : memref<80x128xf32, #tpu.memory_space<vmem>>, vector<1x16xf32>,
        }
        %scan3A_97 = arith.constant 80 : i32
        %mul3A_98 = arith.constant 2000 : i32
        %mul3A_99 = arith.muli %add3A, %mul3A_98 : i32
        %mul3A_100 = arith.constant 80 : i32
        %mul3A_101 = arith.muli %scan3A_35, %mul3A_100 : i32
        %add3A_102 = arith.addi %mul3A_99, %mul3A_101 : i32
        %multiple_of3A_103 = tpu.assume_multiple %add3A_102, 16 : i32
        %dma_start3A_104 = arith.constant 0 : i32
        %dma_start3A_105 = tpu.memref_slice %arg6[%multiple_of3A_103, %dma_start3A_104] : memref<64000x128xf32, #tpu.memory_space<hbm>> -> memref<80x128xf32, #tpu.memory_space<hbm>>
        %dma_start3A_106 = arith.constant 0 : i32
        %dma_start3A_107 = tpu.memref_slice %arg6[%multiple_of3A_103, %dma_start3A_106] : memref<64000x128xf32, #tpu.memory_space<hbm>> -> memref<80x128xf32, #tpu.memory_space<hbm>>
        tpu.enqueue_dma source(%arg14 : memref<80x128xf32, #tpu.memory_space<vmem>>) target(%dma_start3A_107 : memref<80x128xf32, #tpu.memory_space<hbm>>) target_semaphore(%arg20 : memref<!tpu.dma_semaphore, #tpu.memory_space<semaphore_mem>>)
      } else {
      }
    }
    %scan3A_18 = arith.constant 25 : i32
    %mul3A_19 = arith.constant 2000 : i32
    %mul3A_20 = arith.muli %add3A, %mul3A_19 : i32
    %add3A_21 = arith.constant 1920 : i32
    %add3A_22 = arith.addi %mul3A_20, %add3A_21 : i32
    %multiple_of3A = tpu.assume_multiple %add3A_22, 16 : i32
    %dma_wait3A = arith.constant 0 : i32
    %dma_wait3A_23 = tpu.memref_slice %arg6[%multiple_of3A, %dma_wait3A] : memref<64000x128xf32, #tpu.memory_space<hbm>> -> memref<80x128xf32, #tpu.memory_space<hbm>>
    %dma_wait3A_24 = arith.constant 0 : i32
    %dma_wait3A_25 = tpu.memref_slice %arg6[%multiple_of3A, %dma_wait3A_24] : memref<64000x128xf32, #tpu.memory_space<hbm>> -> memref<80x128xf32, #tpu.memory_space<hbm>>
    tpu.wait_dma2 semaphore(%arg17 : memref<!tpu.dma_semaphore, #tpu.memory_space<semaphore_mem>>) src(%arg13 : memref<80x128xf32, #tpu.memory_space<vmem>>) dst(%dma_wait3A_25 : memref<80x128xf32, #tpu.memory_space<hbm>>)
    %mul3A_26 = arith.constant 2000 : i32
    %mul3A_27 = arith.muli %add3A, %mul3A_26 : i32
    %add3A_28 = arith.constant 1840 : i32
    %add3A_29 = arith.addi %mul3A_27, %add3A_28 : i32
    %multiple_of3A_30 = tpu.assume_multiple %add3A_29, 16 : i32
    %dma_wait3A_31 = arith.constant 0 : i32
    %dma_wait3A_32 = tpu.memref_slice %arg6[%multiple_of3A_30, %dma_wait3A_31] : memref<64000x128xf32, #tpu.memory_space<hbm>> -> memref<80x128xf32, #tpu.memory_space<hbm>>
    %dma_wait3A_33 = arith.constant 0 : i32
    %dma_wait3A_34 = tpu.memref_slice %arg6[%multiple_of3A_30, %dma_wait3A_33] : memref<64000x128xf32, #tpu.memory_space<hbm>> -> memref<80x128xf32, #tpu.memory_space<hbm>>
    tpu.wait_dma2 semaphore(%arg20 : memref<!tpu.dma_semaphore, #tpu.memory_space<semaphore_mem>>) src(%arg14 : memref<80x128xf32, #tpu.memory_space<vmem>>) dst(%dma_wait3A_34 : memref<80x128xf32, #tpu.memory_space<hbm>>)
    return
  }
}

#map = affine_map<(d0, d1) -> (0, 0)>
#map1 = affine_map<(d0, d1) -> (0, 0, 0)>
module attributes {stable_mosaic.version = 14 : i64} {
  func.func @body(%arg0: i32, %arg1: i32, %arg2: memref<10000x128xf32, #tpu.memory_space<hbm>>, %arg3: memref<10000x128xf32, #tpu.memory_space<hbm>>, %arg4: memref<32x25x80xi32, #tpu.memory_space<hbm>>, %arg5: memref<32x25x80xi32, #tpu.memory_space<hbm>>, %arg6: memref<64000x128xf32, #tpu.memory_space<hbm>>, %arg7: memref<25x80xi32, #tpu.memory_space<vmem>>, %arg8: memref<25x80xi32, #tpu.memory_space<vmem>>, %arg9: memref<80x128xf32, #tpu.memory_space<vmem>>, %arg10: memref<80x128xf32, #tpu.memory_space<vmem>>, %arg11: memref<80x128xf32, #tpu.memory_space<vmem>>, %arg12: memref<80x128xf32, #tpu.memory_space<vmem>>, %arg13: memref<80x128xf32, #tpu.memory_space<vmem>>, %arg14: memref<80x128xf32, #tpu.memory_space<vmem>>, %arg15: memref<!tpu.dma_semaphore, #tpu.memory_space<semaphore_mem>>, %arg16: memref<!tpu.dma_semaphore, #tpu.memory_space<semaphore_mem>>, %arg17: memref<!tpu.dma_semaphore, #tpu.memory_space<semaphore_mem>>, %arg18: memref<!tpu.dma_semaphore, #tpu.memory_space<semaphore_mem>>, %arg19: memref<!tpu.dma_semaphore, #tpu.memory_space<semaphore_mem>>, %arg20: memref<!tpu.dma_semaphore, #tpu.memory_space<semaphore_mem>>) attributes {dimension_semantics = [#tpu.dimension_semantics<core_parallel>, #tpu.dimension_semantics<subcore_parallel>], iteration_bounds = array<i64: 2, 16>, scalar_prefetch = 0 : i64, scratch_operands = 14 : i64, tpu.core_type = #tpu.core_type<sc_vector_subcore>, window_params = [{transform_indices = #map}, {transform_indices = #map}, {transform_indices = #map1}, {transform_indices = #map1}, {transform_indices = #map}]} {
    %mul3A = arith.constant 2 : i32
    %mul3A_0 = arith.muli %arg1, %mul3A : i32
    %add3A = arith.addi %mul3A_0, %arg0 : i32
    "tpu.region"() ({
      %run_scoped3A = tpu.sem_alloc : memref<!tpu.dma_semaphore, #tpu.memory_space<semaphore_mem>>
      %dma_start3A_35 = arith.constant 0 : i32
      %dma_start3A_36 = arith.constant 0 : i32
      %dma_start3A_37 = tpu.memref_slice %arg4[%add3A, %dma_start3A_35, %dma_start3A_36] : memref<32x25x80xi32, #tpu.memory_space<hbm>> -> memref<1x25x80xi32, #tpu.memory_space<hbm>>
      %dma_start3A_38 = tpu.memref_squeeze %dma_start3A_37 : memref<1x25x80xi32, #tpu.memory_space<hbm>> -> memref<25x80xi32, #tpu.memory_space<hbm>>
      %dma_start3A_39 = arith.constant 0 : i32
      %dma_start3A_40 = arith.constant 0 : i32
      %dma_start3A_41 = tpu.memref_slice %arg4[%add3A, %dma_start3A_39, %dma_start3A_40] : memref<32x25x80xi32, #tpu.memory_space<hbm>> -> memref<1x25x80xi32, #tpu.memory_space<hbm>>
      %dma_start3A_42 = tpu.memref_squeeze %dma_start3A_41 : memref<1x25x80xi32, #tpu.memory_space<hbm>> -> memref<25x80xi32, #tpu.memory_space<hbm>>
      tpu.enqueue_dma source(%dma_start3A_42 : memref<25x80xi32, #tpu.memory_space<hbm>>) target(%arg7 : memref<25x80xi32, #tpu.memory_space<vmem>>) target_semaphore(%run_scoped3A : memref<!tpu.dma_semaphore, #tpu.memory_space<semaphore_mem>>)
      %dma_wait3A_43 = arith.constant 0 : i32
      %dma_wait3A_44 = arith.constant 0 : i32
      %dma_wait3A_45 = tpu.memref_slice %arg4[%add3A, %dma_wait3A_43, %dma_wait3A_44] : memref<32x25x80xi32, #tpu.memory_space<hbm>> -> memref<1x25x80xi32, #tpu.memory_space<hbm>>
      %dma_wait3A_46 = tpu.memref_squeeze %dma_wait3A_45 : memref<1x25x80xi32, #tpu.memory_space<hbm>> -> memref<25x80xi32, #tpu.memory_space<hbm>>
      %dma_wait3A_47 = arith.constant 0 : i32
      %dma_wait3A_48 = arith.constant 0 : i32
      %dma_wait3A_49 = tpu.memref_slice %arg4[%add3A, %dma_wait3A_47, %dma_wait3A_48] : memref<32x25x80xi32, #tpu.memory_space<hbm>> -> memref<1x25x80xi32, #tpu.memory_space<hbm>>
      %dma_wait3A_50 = tpu.memref_squeeze %dma_wait3A_49 : memref<1x25x80xi32, #tpu.memory_space<hbm>> -> memref<25x80xi32, #tpu.memory_space<hbm>>
      tpu.wait_dma2 semaphore(%run_scoped3A : memref<!tpu.dma_semaphore, #tpu.memory_space<semaphore_mem>>) src(%dma_wait3A_50 : memref<25x80xi32, #tpu.memory_space<hbm>>) dst(%arg7 : memref<25x80xi32, #tpu.memory_space<vmem>>)
      tpu.yield
    }) : () -> ()
    "tpu.region"() ({
      %run_scoped3A = tpu.sem_alloc : memref<!tpu.dma_semaphore, #tpu.memory_space<semaphore_mem>>
      %dma_start3A_35 = arith.constant 0 : i32
      %dma_start3A_36 = arith.constant 0 : i32
      %dma_start3A_37 = tpu.memref_slice %arg5[%add3A, %dma_start3A_35, %dma_start3A_36] : memref<32x25x80xi32, #tpu.memory_space<hbm>> -> memref<1x25x80xi32, #tpu.memory_space<hbm>>
      %dma_start3A_38 = tpu.memref_squeeze %dma_start3A_37 : memref<1x25x80xi32, #tpu.memory_space<hbm>> -> memref<25x80xi32, #tpu.memory_space<hbm>>
      %dma_start3A_39 = arith.constant 0 : i32
      %dma_start3A_40 = arith.constant 0 : i32
      %dma_start3A_41 = tpu.memref_slice %arg5[%add3A, %dma_start3A_39, %dma_start3A_40] : memref<32x25x80xi32, #tpu.memory_space<hbm>> -> memref<1x25x80xi32, #tpu.memory_space<hbm>>
      %dma_start3A_42 = tpu.memref_squeeze %dma_start3A_41 : memref<1x25x80xi32, #tpu.memory_space<hbm>> -> memref<25x80xi32, #tpu.memory_space<hbm>>
      tpu.enqueue_dma source(%dma_start3A_42 : memref<25x80xi32, #tpu.memory_space<hbm>>) target(%arg8 : memref<25x80xi32, #tpu.memory_space<vmem>>) target_semaphore(%run_scoped3A : memref<!tpu.dma_semaphore, #tpu.memory_space<semaphore_mem>>)
      %dma_wait3A_43 = arith.constant 0 : i32
      %dma_wait3A_44 = arith.constant 0 : i32
      %dma_wait3A_45 = tpu.memref_slice %arg5[%add3A, %dma_wait3A_43, %dma_wait3A_44] : memref<32x25x80xi32, #tpu.memory_space<hbm>> -> memref<1x25x80xi32, #tpu.memory_space<hbm>>
      %dma_wait3A_46 = tpu.memref_squeeze %dma_wait3A_45 : memref<1x25x80xi32, #tpu.memory_space<hbm>> -> memref<25x80xi32, #tpu.memory_space<hbm>>
      %dma_wait3A_47 = arith.constant 0 : i32
      %dma_wait3A_48 = arith.constant 0 : i32
      %dma_wait3A_49 = tpu.memref_slice %arg5[%add3A, %dma_wait3A_47, %dma_wait3A_48] : memref<32x25x80xi32, #tpu.memory_space<hbm>> -> memref<1x25x80xi32, #tpu.memory_space<hbm>>
      %dma_wait3A_50 = tpu.memref_squeeze %dma_wait3A_49 : memref<1x25x80xi32, #tpu.memory_space<hbm>> -> memref<25x80xi32, #tpu.memory_space<hbm>>
      tpu.wait_dma2 semaphore(%run_scoped3A : memref<!tpu.dma_semaphore, #tpu.memory_space<semaphore_mem>>) src(%dma_wait3A_50 : memref<25x80xi32, #tpu.memory_space<hbm>>) dst(%arg8 : memref<25x80xi32, #tpu.memory_space<vmem>>)
      tpu.yield
    }) : () -> ()
    %dma_start3A = arith.constant 0 : i32
    %dma_start3A_1 = arith.constant 0 : i32
    %dma_start3A_2 = tpu.memref_slice %arg7[%dma_start3A, %dma_start3A_1] : memref<25x80xi32, #tpu.memory_space<vmem>> -> memref<1x80xi32, #tpu.memory_space<vmem>>
    %dma_start3A_3 = tpu.memref_squeeze %dma_start3A_2 : memref<1x80xi32, #tpu.memory_space<vmem>> -> memref<80xi32, #tpu.memory_space<vmem>>
    %dma_start3A_4 = arith.constant 0 : i32
    %dma_start3A_5 = arith.constant 0 : i32
    %dma_start3A_6 = tpu.memref_slice %arg2[%dma_start3A_4, %dma_start3A_5] : memref<10000x128xf32, #tpu.memory_space<hbm>> -> memref<10000x128xf32, #tpu.memory_space<hbm>>
    tpu.enqueue_indirect_dma source(%dma_start3A_6 : memref<10000x128xf32, #tpu.memory_space<hbm>>) target(%arg9 : memref<80x128xf32, #tpu.memory_space<vmem>>) offsets(%dma_start3A_3 : memref<80xi32, #tpu.memory_space<vmem>>) semaphore(%arg15 : memref<!tpu.dma_semaphore, #tpu.memory_space<semaphore_mem>>)
    %dma_start3A_7 = arith.constant 0 : i32
    %dma_start3A_8 = arith.constant 0 : i32
    %dma_start3A_9 = tpu.memref_slice %arg8[%dma_start3A_7, %dma_start3A_8] : memref<25x80xi32, #tpu.memory_space<vmem>> -> memref<1x80xi32, #tpu.memory_space<vmem>>
    %dma_start3A_10 = tpu.memref_squeeze %dma_start3A_9 : memref<1x80xi32, #tpu.memory_space<vmem>> -> memref<80xi32, #tpu.memory_space<vmem>>
    %dma_start3A_11 = arith.constant 0 : i32
    %dma_start3A_12 = arith.constant 0 : i32
    %dma_start3A_13 = tpu.memref_slice %arg3[%dma_start3A_11, %dma_start3A_12] : memref<10000x128xf32, #tpu.memory_space<hbm>> -> memref<10000x128xf32, #tpu.memory_space<hbm>>
    tpu.enqueue_indirect_dma source(%dma_start3A_13 : memref<10000x128xf32, #tpu.memory_space<hbm>>) target(%arg10 : memref<80x128xf32, #tpu.memory_space<vmem>>) offsets(%dma_start3A_10 : memref<80xi32, #tpu.memory_space<vmem>>) semaphore(%arg16 : memref<!tpu.dma_semaphore, #tpu.memory_space<semaphore_mem>>)
    %scan3A = arith.constant 0 : i32
    %scan3A_14 = arith.constant 0 : i32
    %scan3A_15 = arith.constant 25 : i32
    %scan3A_16 = arith.addi %scan3A_14, %scan3A_15 : i32
    %scan3A_17 = arith.constant 1 : i32
    scf.for %scan3A_35 = %scan3A_14 to %scan3A_16 step %scan3A_17  : i32 {
      %jit3A = arith.constant 2 : i32
      %eq3A = arith.constant 0 : i32
      %eq3A_36 = arith.cmpi eq, %jit3A, %eq3A : i32
      %jit3A_37 = arith.constant 1 : i32
      %select_n3A = arith.select %eq3A_36, %jit3A_37, %jit3A : i32
      %rem3A = arith.remsi %scan3A_35, %select_n3A : i32
      %ne3A = arith.constant 0 : i32
      %ne3A_38 = arith.cmpi ne, %rem3A, %ne3A : i32
      %lt3A = arith.constant 0 : i32
      %lt3A_39 = arith.cmpi slt, %rem3A, %lt3A : i32
      %lt3A_40 = arith.constant 0 : i32
      %lt3A_41 = arith.cmpi slt, %select_n3A, %lt3A_40 : i32
      %ne3A_42 = arith.xori %lt3A_39, %lt3A_41 : i1
      %and3A = arith.andi %ne3A_42, %ne3A_38 : i1
      %add3A_43 = arith.addi %rem3A, %select_n3A : i32
      %select_n3A_44 = arith.select %and3A, %add3A_43, %rem3A : i32
      %eq3A_45 = arith.constant 0 : i32
      %eq3A_46 = arith.cmpi eq, %select_n3A_44, %eq3A_45 : i32
      %convert_element_type3A = arith.extui %eq3A_46 : i1 to i32
      %cond3A = arith.constant 0 : i32
      %cond3A_47 = arith.cmpi ne, %convert_element_type3A, %cond3A : i32
      scf.if %cond3A_47 {
        %add3A_69 = arith.constant 1 : i32
        %add3A_70 = arith.addi %scan3A_35, %add3A_69 : i32
        %lt3A_71 = arith.constant 25 : i32
        %lt3A_72 = arith.cmpi slt, %add3A_70, %lt3A_71 : i32
        %convert_element_type3A_73 = arith.extui %lt3A_72 : i1 to i32
        %cond3A_74 = arith.constant 0 : i32
        %cond3A_75 = arith.cmpi ne, %convert_element_type3A_73, %cond3A_74 : i32
        scf.if %cond3A_75 {
          %add3A_108 = arith.constant 1 : i32
          %add3A_109 = arith.addi %scan3A_35, %add3A_108 : i32
          %dma_start3A_110 = arith.constant 0 : i32
          %dma_start3A_111 = tpu.memref_slice %arg7[%add3A_109, %dma_start3A_110] : memref<25x80xi32, #tpu.memory_space<vmem>> -> memref<1x80xi32, #tpu.memory_space<vmem>>
          %dma_start3A_112 = tpu.memref_squeeze %dma_start3A_111 : memref<1x80xi32, #tpu.memory_space<vmem>> -> memref<80xi32, #tpu.memory_space<vmem>>
          %dma_start3A_113 = arith.constant 0 : i32
          %dma_start3A_114 = arith.constant 0 : i32
          %dma_start3A_115 = tpu.memref_slice %arg2[%dma_start3A_113, %dma_start3A_114] : memref<10000x128xf32, #tpu.memory_space<hbm>> -> memref<10000x128xf32, #tpu.memory_space<hbm>>
          tpu.enqueue_indirect_dma source(%dma_start3A_115 : memref<10000x128xf32, #tpu.memory_space<hbm>>) target(%arg11 : memref<80x128xf32, #tpu.memory_space<vmem>>) offsets(%dma_start3A_112 : memref<80xi32, #tpu.memory_space<vmem>>) semaphore(%arg18 : memref<!tpu.dma_semaphore, #tpu.memory_space<semaphore_mem>>)
          %dma_start3A_116 = arith.constant 0 : i32
          %dma_start3A_117 = tpu.memref_slice %arg8[%add3A_109, %dma_start3A_116] : memref<25x80xi32, #tpu.memory_space<vmem>> -> memref<1x80xi32, #tpu.memory_space<vmem>>
          %dma_start3A_118 = tpu.memref_squeeze %dma_start3A_117 : memref<1x80xi32, #tpu.memory_space<vmem>> -> memref<80xi32, #tpu.memory_space<vmem>>
          %dma_start3A_119 = arith.constant 0 : i32
          %dma_start3A_120 = arith.constant 0 : i32
          %dma_start3A_121 = tpu.memref_slice %arg3[%dma_start3A_119, %dma_start3A_120] : memref<10000x128xf32, #tpu.memory_space<hbm>> -> memref<10000x128xf32, #tpu.memory_space<hbm>>
          tpu.enqueue_indirect_dma source(%dma_start3A_121 : memref<10000x128xf32, #tpu.memory_space<hbm>>) target(%arg12 : memref<80x128xf32, #tpu.memory_space<vmem>>) offsets(%dma_start3A_118 : memref<80xi32, #tpu.memory_space<vmem>>) semaphore(%arg19 : memref<!tpu.dma_semaphore, #tpu.memory_space<semaphore_mem>>)
        } else {
        }
        %dma_wait3A_76 = arith.constant 0 : i32
        %dma_wait3A_77 = tpu.memref_slice %arg7[%scan3A_35, %dma_wait3A_76] : memref<25x80xi32, #tpu.memory_space<vmem>> -> memref<1x80xi32, #tpu.memory_space<vmem>>
        %dma_wait3A_78 = tpu.memref_squeeze %dma_wait3A_77 : memref<1x80xi32, #tpu.memory_space<vmem>> -> memref<80xi32, #tpu.memory_space<vmem>>
        %dma_wait3A_79 = arith.constant 0 : i32
        %dma_wait3A_80 = arith.constant 0 : i32
        %dma_wait3A_81 = tpu.memref_slice %arg2[%dma_wait3A_79, %dma_wait3A_80] : memref<10000x128xf32, #tpu.memory_space<hbm>> -> memref<10000x128xf32, #tpu.memory_space<hbm>>
        tpu.wait_indirect_dma semaphore(%arg15 : memref<!tpu.dma_semaphore, #tpu.memory_space<semaphore_mem>>) src(%dma_wait3A_81 : memref<10000x128xf32, #tpu.memory_space<hbm>>) dst(%arg9 : memref<80x128xf32, #tpu.memory_space<vmem>>)
        %dma_wait3A_82 = arith.constant 0 : i32
        %dma_wait3A_83 = tpu.memref_slice %arg8[%scan3A_35, %dma_wait3A_82] : memref<25x80xi32, #tpu.memory_space<vmem>> -> memref<1x80xi32, #tpu.memory_space<vmem>>
        %dma_wait3A_84 = tpu.memref_squeeze %dma_wait3A_83 : memref<1x80xi32, #tpu.memory_space<vmem>> -> memref<80xi32, #tpu.memory_space<vmem>>
        %dma_wait3A_85 = arith.constant 0 : i32
        %dma_wait3A_86 = arith.constant 0 : i32
        %dma_wait3A_87 = tpu.memref_slice %arg3[%dma_wait3A_85, %dma_wait3A_86] : memref<10000x128xf32, #tpu.memory_space<hbm>> -> memref<10000x128xf32, #tpu.memory_space<hbm>>
        tpu.wait_indirect_dma semaphore(%arg16 : memref<!tpu.dma_semaphore, #tpu.memory_space<semaphore_mem>>) src(%dma_wait3A_87 : memref<10000x128xf32, #tpu.memory_space<hbm>>) dst(%arg10 : memref<80x128xf32, #tpu.memory_space<vmem>>)
        %ge3A = arith.constant 2 : i32
        %ge3A_88 = arith.cmpi sge, %scan3A_35, %ge3A : i32
        %convert_element_type3A_89 = arith.extui %ge3A_88 : i1 to i32
        %cond3A_90 = arith.constant 0 : i32
        %cond3A_91 = arith.cmpi ne, %convert_element_type3A_89, %cond3A_90 : i32
        scf.if %cond3A_91 {
          %sub3A = arith.constant 2 : i32
          %sub3A_108 = arith.subi %scan3A_35, %sub3A : i32
          %mul3A_109 = arith.constant 2000 : i32
          %mul3A_110 = arith.muli %add3A, %mul3A_109 : i32
          %mul3A_111 = arith.constant 80 : i32
          %mul3A_112 = arith.muli %sub3A_108, %mul3A_111 : i32
          %add3A_113 = arith.addi %mul3A_110, %mul3A_112 : i32
          %multiple_of3A_114 = tpu.assume_multiple %add3A_113, 16 : i32
          %dma_wait3A_115 = arith.constant 0 : i32
          %dma_wait3A_116 = tpu.memref_slice %arg6[%multiple_of3A_114, %dma_wait3A_115] : memref<64000x128xf32, #tpu.memory_space<hbm>> -> memref<80x128xf32, #tpu.memory_space<hbm>>
          %dma_wait3A_117 = arith.constant 0 : i32
          %dma_wait3A_118 = tpu.memref_slice %arg6[%multiple_of3A_114, %dma_wait3A_117] : memref<64000x128xf32, #tpu.memory_space<hbm>> -> memref<80x128xf32, #tpu.memory_space<hbm>>
          tpu.wait_dma2 semaphore(%arg17 : memref<!tpu.dma_semaphore, #tpu.memory_space<semaphore_mem>>) src(%arg13 : memref<80x128xf32, #tpu.memory_space<vmem>>) dst(%dma_wait3A_118 : memref<80x128xf32, #tpu.memory_space<hbm>>)
        } else {
        }
        %scan3A_92 = arith.constant 0 : i32
        %scan3A_93 = arith.constant 0 : i32
        %scan3A_94 = arith.constant 80 : i32
        %scan3A_95 = arith.addi %scan3A_93, %scan3A_94 : i32
        %scan3A_96 = arith.constant 1 : i32
        scf.for %scan3A_108 = %scan3A_93 to %scan3A_95 step %scan3A_96  : i32 {
          %get3A = arith.index_cast %scan3A_108 : i32 to index
          %get3A_109 = arith.constant 0 : index
          %get3A_110 = tpu.vector_load %arg9[%get3A, %get3A_109] {strides = array<i32>} : memref<80x128xf32, #tpu.memory_space<vmem>>, vector<1x16xf32>,
          %get3A_111 = vector.shape_cast %get3A_110 : vector<1x16xf32> to vector<16xf32>
          %get3A_112 = arith.index_cast %scan3A_108 : i32 to index
          %get3A_113 = arith.constant 0 : index
          %get3A_114 = tpu.vector_load %arg10[%get3A_112, %get3A_113] {strides = array<i32>} : memref<80x128xf32, #tpu.memory_space<vmem>>, vector<1x16xf32>,
          %get3A_115 = vector.shape_cast %get3A_114 : vector<1x16xf32> to vector<16xf32>
          %add3A_116 = arith.addf %get3A_111, %get3A_115 : vector<16xf32>
          %swap3A = arith.index_cast %scan3A_108 : i32 to index
          %swap3A_117 = arith.constant 0 : index
          %swap3A_118 = tpu.vector_load %arg13[%swap3A, %swap3A_117] {strides = array<i32>} : memref<80x128xf32, #tpu.memory_space<vmem>>, vector<1x16xf32>,
          %swap3A_119 = vector.shape_cast %swap3A_118 : vector<1x16xf32> to vector<16xf32>
          %swap3A_120 = vector.shape_cast %add3A_116 : vector<16xf32> to vector<1x16xf32>
          tpu.vector_store %arg13[%swap3A, %swap3A_117], %swap3A_120 {strides = array<i32>} : memref<80x128xf32, #tpu.memory_space<vmem>>, vector<1x16xf32>,
          %get3A_121 = arith.index_cast %scan3A_108 : i32 to index
          %get3A_122 = arith.constant 16 : index
          %get3A_123 = tpu.vector_load %arg9[%get3A_121, %get3A_122] {strides = array<i32>} : memref<80x128xf32, #tpu.memory_space<vmem>>, vector<1x16xf32>,
          %get3A_124 = vector.shape_cast %get3A_123 : vector<1x16xf32> to vector<16xf32>
          %get3A_125 = arith.index_cast %scan3A_108 : i32 to index
          %get3A_126 = arith.constant 16 : index
          %get3A_127 = tpu.vector_load %arg10[%get3A_125, %get3A_126] {strides = array<i32>} : memref<80x128xf32, #tpu.memory_space<vmem>>, vector<1x16xf32>,
          %get3A_128 = vector.shape_cast %get3A_127 : vector<1x16xf32> to vector<16xf32>
          %add3A_129 = arith.addf %get3A_124, %get3A_128 : vector<16xf32>
          %swap3A_130 = arith.index_cast %scan3A_108 : i32 to index
          %swap3A_131 = arith.constant 16 : index
          %swap3A_132 = tpu.vector_load %arg13[%swap3A_130, %swap3A_131] {strides = array<i32>} : memref<80x128xf32, #tpu.memory_space<vmem>>, vector<1x16xf32>,
          %swap3A_133 = vector.shape_cast %swap3A_132 : vector<1x16xf32> to vector<16xf32>
          %swap3A_134 = vector.shape_cast %add3A_129 : vector<16xf32> to vector<1x16xf32>
          tpu.vector_store %arg13[%swap3A_130, %swap3A_131], %swap3A_134 {strides = array<i32>} : memref<80x128xf32, #tpu.memory_space<vmem>>, vector<1x16xf32>,
          %get3A_135 = arith.index_cast %scan3A_108 : i32 to index
          %get3A_136 = arith.constant 32 : index
          %get3A_137 = tpu.vector_load %arg9[%get3A_135, %get3A_136] {strides = array<i32>} : memref<80x128xf32, #tpu.memory_space<vmem>>, vector<1x16xf32>,
          %get3A_138 = vector.shape_cast %get3A_137 : vector<1x16xf32> to vector<16xf32>
          %get3A_139 = arith.index_cast %scan3A_108 : i32 to index
          %get3A_140 = arith.constant 32 : index
          %get3A_141 = tpu.vector_load %arg10[%get3A_139, %get3A_140] {strides = array<i32>} : memref<80x128xf32, #tpu.memory_space<vmem>>, vector<1x16xf32>,
          %get3A_142 = vector.shape_cast %get3A_141 : vector<1x16xf32> to vector<16xf32>
          %add3A_143 = arith.addf %get3A_138, %get3A_142 : vector<16xf32>
          %swap3A_144 = arith.index_cast %scan3A_108 : i32 to index
          %swap3A_145 = arith.constant 32 : index
          %swap3A_146 = tpu.vector_load %arg13[%swap3A_144, %swap3A_145] {strides = array<i32>} : memref<80x128xf32, #tpu.memory_space<vmem>>, vector<1x16xf32>,
          %swap3A_147 = vector.shape_cast %swap3A_146 : vector<1x16xf32> to vector<16xf32>
          %swap3A_148 = vector.shape_cast %add3A_143 : vector<16xf32> to vector<1x16xf32>
          tpu.vector_store %arg13[%swap3A_144, %swap3A_145], %swap3A_148 {strides = array<i32>} : memref<80x128xf32, #tpu.memory_space<vmem>>, vector<1x16xf32>,
          %get3A_149 = arith.index_cast %scan3A_108 : i32 to index
          %get3A_150 = arith.constant 48 : index
          %get3A_151 = tpu.vector_load %arg9[%get3A_149, %get3A_150] {strides = array<i32>} : memref<80x128xf32, #tpu.memory_space<vmem>>, vector<1x16xf32>,
          %get3A_152 = vector.shape_cast %get3A_151 : vector<1x16xf32> to vector<16xf32>
          %get3A_153 = arith.index_cast %scan3A_108 : i32 to index
          %get3A_154 = arith.constant 48 : index
          %get3A_155 = tpu.vector_load %arg10[%get3A_153, %get3A_154] {strides = array<i32>} : memref<80x128xf32, #tpu.memory_space<vmem>>, vector<1x16xf32>,
          %get3A_156 = vector.shape_cast %get3A_155 : vector<1x16xf32> to vector<16xf32>
          %add3A_157 = arith.addf %get3A_152, %get3A_156 : vector<16xf32>
          %swap3A_158 = arith.index_cast %scan3A_108 : i32 to index
          %swap3A_159 = arith.constant 48 : index
          %swap3A_160 = tpu.vector_load %arg13[%swap3A_158, %swap3A_159] {strides = array<i32>} : memref<80x128xf32, #tpu.memory_space<vmem>>, vector<1x16xf32>,
          %swap3A_161 = vector.shape_cast %swap3A_160 : vector<1x16xf32> to vector<16xf32>
          %swap3A_162 = vector.shape_cast %add3A_157 : vector<16xf32> to vector<1x16xf32>
          tpu.vector_store %arg13[%swap3A_158, %swap3A_159], %swap3A_162 {strides = array<i32>} : memref<80x128xf32, #tpu.memory_space<vmem>>, vector<1x16xf32>,
          %get3A_163 = arith.index_cast %scan3A_108 : i32 to index
          %get3A_164 = arith.constant 64 : index
          %get3A_165 = tpu.vector_load %arg9[%get3A_163, %get3A_164] {strides = array<i32>} : memref<80x128xf32, #tpu.memory_space<vmem>>, vector<1x16xf32>,
          %get3A_166 = vector.shape_cast %get3A_165 : vector<1x16xf32> to vector<16xf32>
          %get3A_167 = arith.index_cast %scan3A_108 : i32 to index
          %get3A_168 = arith.constant 64 : index
          %get3A_169 = tpu.vector_load %arg10[%get3A_167, %get3A_168] {strides = array<i32>} : memref<80x128xf32, #tpu.memory_space<vmem>>, vector<1x16xf32>,
          %get3A_170 = vector.shape_cast %get3A_169 : vector<1x16xf32> to vector<16xf32>
          %add3A_171 = arith.addf %get3A_166, %get3A_170 : vector<16xf32>
          %swap3A_172 = arith.index_cast %scan3A_108 : i32 to index
          %swap3A_173 = arith.constant 64 : index
          %swap3A_174 = tpu.vector_load %arg13[%swap3A_172, %swap3A_173] {strides = array<i32>} : memref<80x128xf32, #tpu.memory_space<vmem>>, vector<1x16xf32>,
          %swap3A_175 = vector.shape_cast %swap3A_174 : vector<1x16xf32> to vector<16xf32>
          %swap3A_176 = vector.shape_cast %add3A_171 : vector<16xf32> to vector<1x16xf32>
          tpu.vector_store %arg13[%swap3A_172, %swap3A_173], %swap3A_176 {strides = array<i32>} : memref<80x128xf32, #tpu.memory_space<vmem>>, vector<1x16xf32>,
          %get3A_177 = arith.index_cast %scan3A_108 : i32 to index
          %get3A_178 = arith.constant 80 : index
          %get3A_179 = tpu.vector_load %arg9[%get3A_177, %get3A_178] {strides = array<i32>} : memref<80x128xf32, #tpu.memory_space<vmem>>, vector<1x16xf32>,
          %get3A_180 = vector.shape_cast %get3A_179 : vector<1x16xf32> to vector<16xf32>
          %get3A_181 = arith.index_cast %scan3A_108 : i32 to index
          %get3A_182 = arith.constant 80 : index
          %get3A_183 = tpu.vector_load %arg10[%get3A_181, %get3A_182] {strides = array<i32>} : memref<80x128xf32, #tpu.memory_space<vmem>>, vector<1x16xf32>,
          %get3A_184 = vector.shape_cast %get3A_183 : vector<1x16xf32> to vector<16xf32>
          %add3A_185 = arith.addf %get3A_180, %get3A_184 : vector<16xf32>
          %swap3A_186 = arith.index_cast %scan3A_108 : i32 to index
          %swap3A_187 = arith.constant 80 : index
          %swap3A_188 = tpu.vector_load %arg13[%swap3A_186, %swap3A_187] {strides = array<i32>} : memref<80x128xf32, #tpu.memory_space<vmem>>, vector<1x16xf32>,
          %swap3A_189 = vector.shape_cast %swap3A_188 : vector<1x16xf32> to vector<16xf32>
          %swap3A_190 = vector.shape_cast %add3A_185 : vector<16xf32> to vector<1x16xf32>
          tpu.vector_store %arg13[%swap3A_186, %swap3A_187], %swap3A_190 {strides = array<i32>} : memref<80x128xf32, #tpu.memory_space<vmem>>, vector<1x16xf32>,
          %get3A_191 = arith.index_cast %scan3A_108 : i32 to index
          %get3A_192 = arith.constant 96 : index
          %get3A_193 = tpu.vector_load %arg9[%get3A_191, %get3A_192] {strides = array<i32>} : memref<80x128xf32, #tpu.memory_space<vmem>>, vector<1x16xf32>,
          %get3A_194 = vector.shape_cast %get3A_193 : vector<1x16xf32> to vector<16xf32>
          %get3A_195 = arith.index_cast %scan3A_108 : i32 to index
          %get3A_196 = arith.constant 96 : index
          %get3A_197 = tpu.vector_load %arg10[%get3A_195, %get3A_196] {strides = array<i32>} : memref<80x128xf32, #tpu.memory_space<vmem>>, vector<1x16xf32>,
          %get3A_198 = vector.shape_cast %get3A_197 : vector<1x16xf32> to vector<16xf32>
          %add3A_199 = arith.addf %get3A_194, %get3A_198 : vector<16xf32>
          %swap3A_200 = arith.index_cast %scan3A_108 : i32 to index
          %swap3A_201 = arith.constant 96 : index
          %swap3A_202 = tpu.vector_load %arg13[%swap3A_200, %swap3A_201] {strides = array<i32>} : memref<80x128xf32, #tpu.memory_space<vmem>>, vector<1x16xf32>,
          %swap3A_203 = vector.shape_cast %swap3A_202 : vector<1x16xf32> to vector<16xf32>
          %swap3A_204 = vector.shape_cast %add3A_199 : vector<16xf32> to vector<1x16xf32>
          tpu.vector_store %arg13[%swap3A_200, %swap3A_201], %swap3A_204 {strides = array<i32>} : memref<80x128xf32, #tpu.memory_space<vmem>>, vector<1x16xf32>,
          %get3A_205 = arith.index_cast %scan3A_108 : i32 to index
          %get3A_206 = arith.constant 112 : index
          %get3A_207 = tpu.vector_load %arg9[%get3A_205, %get3A_206] {strides = array<i32>} : memref<80x128xf32, #tpu.memory_space<vmem>>, vector<1x16xf32>,
          %get3A_208 = vector.shape_cast %get3A_207 : vector<1x16xf32> to vector<16xf32>
          %get3A_209 = arith.index_cast %scan3A_108 : i32 to index
          %get3A_210 = arith.constant 112 : index
          %get3A_211 = tpu.vector_load %arg10[%get3A_209, %get3A_210] {strides = array<i32>} : memref<80x128xf32, #tpu.memory_space<vmem>>, vector<1x16xf32>,
          %get3A_212 = vector.shape_cast %get3A_211 : vector<1x16xf32> to vector<16xf32>
          %add3A_213 = arith.addf %get3A_208, %get3A_212 : vector<16xf32>
          %swap3A_214 = arith.index_cast %scan3A_108 : i32 to index
          %swap3A_215 = arith.constant 112 : index
          %swap3A_216 = tpu.vector_load %arg13[%swap3A_214, %swap3A_215] {strides = array<i32>} : memref<80x128xf32, #tpu.memory_space<vmem>>, vector<1x16xf32>,
          %swap3A_217 = vector.shape_cast %swap3A_216 : vector<1x16xf32> to vector<16xf32>
          %swap3A_218 = vector.shape_cast %add3A_213 : vector<16xf32> to vector<1x16xf32>
          tpu.vector_store %arg13[%swap3A_214, %swap3A_215], %swap3A_218 {strides = array<i32>} : memref<80x128xf32, #tpu.memory_space<vmem>>, vector<1x16xf32>,
        }
        %scan3A_97 = arith.constant 80 : i32
        %mul3A_98 = arith.constant 2000 : i32
        %mul3A_99 = arith.muli %add3A, %mul3A_98 : i32
        %mul3A_100 = arith.constant 80 : i32
        %mul3A_101 = arith.muli %scan3A_35, %mul3A_100 : i32
        %add3A_102 = arith.addi %mul3A_99, %mul3A_101 : i32
        %multiple_of3A_103 = tpu.assume_multiple %add3A_102, 16 : i32
        %dma_start3A_104 = arith.constant 0 : i32
        %dma_start3A_105 = tpu.memref_slice %arg6[%multiple_of3A_103, %dma_start3A_104] : memref<64000x128xf32, #tpu.memory_space<hbm>> -> memref<80x128xf32, #tpu.memory_space<hbm>>
        %dma_start3A_106 = arith.constant 0 : i32
        %dma_start3A_107 = tpu.memref_slice %arg6[%multiple_of3A_103, %dma_start3A_106] : memref<64000x128xf32, #tpu.memory_space<hbm>> -> memref<80x128xf32, #tpu.memory_space<hbm>>
        tpu.enqueue_dma source(%arg13 : memref<80x128xf32, #tpu.memory_space<vmem>>) target(%dma_start3A_107 : memref<80x128xf32, #tpu.memory_space<hbm>>) target_semaphore(%arg17 : memref<!tpu.dma_semaphore, #tpu.memory_space<semaphore_mem>>)
      } else {
      }
      %jit3A_48 = arith.constant 2 : i32
      %eq3A_49 = arith.constant 0 : i32
      %eq3A_50 = arith.cmpi eq, %jit3A_48, %eq3A_49 : i32
      %jit3A_51 = arith.constant 1 : i32
      %select_n3A_52 = arith.select %eq3A_50, %jit3A_51, %jit3A_48 : i32
      %rem3A_53 = arith.remsi %scan3A_35, %select_n3A_52 : i32
      %ne3A_54 = arith.constant 0 : i32
      %ne3A_55 = arith.cmpi ne, %rem3A_53, %ne3A_54 : i32
      %lt3A_56 = arith.constant 0 : i32
      %lt3A_57 = arith.cmpi slt, %rem3A_53, %lt3A_56 : i32
      %lt3A_58 = arith.constant 0 : i32
      %lt3A_59 = arith.cmpi slt, %select_n3A_52, %lt3A_58 : i32
      %ne3A_60 = arith.xori %lt3A_57, %lt3A_59 : i1
      %and3A_61 = arith.andi %ne3A_60, %ne3A_55 : i1
      %add3A_62 = arith.addi %rem3A_53, %select_n3A_52 : i32
      %select_n3A_63 = arith.select %and3A_61, %add3A_62, %rem3A_53 : i32
      %eq3A_64 = arith.constant 1 : i32
      %eq3A_65 = arith.cmpi eq, %select_n3A_63, %eq3A_64 : i32
      %convert_element_type3A_66 = arith.extui %eq3A_65 : i1 to i32
      %cond3A_67 = arith.constant 0 : i32
      %cond3A_68 = arith.cmpi ne, %convert_element_type3A_66, %cond3A_67 : i32
      scf.if %cond3A_68 {
        %add3A_69 = arith.constant 1 : i32
        %add3A_70 = arith.addi %scan3A_35, %add3A_69 : i32
        %lt3A_71 = arith.constant 25 : i32
        %lt3A_72 = arith.cmpi slt, %add3A_70, %lt3A_71 : i32
        %convert_element_type3A_73 = arith.extui %lt3A_72 : i1 to i32
        %cond3A_74 = arith.constant 0 : i32
        %cond3A_75 = arith.cmpi ne, %convert_element_type3A_73, %cond3A_74 : i32
        scf.if %cond3A_75 {
          %add3A_108 = arith.constant 1 : i32
          %add3A_109 = arith.addi %scan3A_35, %add3A_108 : i32
          %dma_start3A_110 = arith.constant 0 : i32
          %dma_start3A_111 = tpu.memref_slice %arg7[%add3A_109, %dma_start3A_110] : memref<25x80xi32, #tpu.memory_space<vmem>> -> memref<1x80xi32, #tpu.memory_space<vmem>>
          %dma_start3A_112 = tpu.memref_squeeze %dma_start3A_111 : memref<1x80xi32, #tpu.memory_space<vmem>> -> memref<80xi32, #tpu.memory_space<vmem>>
          %dma_start3A_113 = arith.constant 0 : i32
          %dma_start3A_114 = arith.constant 0 : i32
          %dma_start3A_115 = tpu.memref_slice %arg2[%dma_start3A_113, %dma_start3A_114] : memref<10000x128xf32, #tpu.memory_space<hbm>> -> memref<10000x128xf32, #tpu.memory_space<hbm>>
          tpu.enqueue_indirect_dma source(%dma_start3A_115 : memref<10000x128xf32, #tpu.memory_space<hbm>>) target(%arg9 : memref<80x128xf32, #tpu.memory_space<vmem>>) offsets(%dma_start3A_112 : memref<80xi32, #tpu.memory_space<vmem>>) semaphore(%arg15 : memref<!tpu.dma_semaphore, #tpu.memory_space<semaphore_mem>>)
          %dma_start3A_116 = arith.constant 0 : i32
          %dma_start3A_117 = tpu.memref_slice %arg8[%add3A_109, %dma_start3A_116] : memref<25x80xi32, #tpu.memory_space<vmem>> -> memref<1x80xi32, #tpu.memory_space<vmem>>
          %dma_start3A_118 = tpu.memref_squeeze %dma_start3A_117 : memref<1x80xi32, #tpu.memory_space<vmem>> -> memref<80xi32, #tpu.memory_space<vmem>>
          %dma_start3A_119 = arith.constant 0 : i32
          %dma_start3A_120 = arith.constant 0 : i32
          %dma_start3A_121 = tpu.memref_slice %arg3[%dma_start3A_119, %dma_start3A_120] : memref<10000x128xf32, #tpu.memory_space<hbm>> -> memref<10000x128xf32, #tpu.memory_space<hbm>>
          tpu.enqueue_indirect_dma source(%dma_start3A_121 : memref<10000x128xf32, #tpu.memory_space<hbm>>) target(%arg10 : memref<80x128xf32, #tpu.memory_space<vmem>>) offsets(%dma_start3A_118 : memref<80xi32, #tpu.memory_space<vmem>>) semaphore(%arg16 : memref<!tpu.dma_semaphore, #tpu.memory_space<semaphore_mem>>)
        } else {
        }
        %dma_wait3A_76 = arith.constant 0 : i32
        %dma_wait3A_77 = tpu.memref_slice %arg7[%scan3A_35, %dma_wait3A_76] : memref<25x80xi32, #tpu.memory_space<vmem>> -> memref<1x80xi32, #tpu.memory_space<vmem>>
        %dma_wait3A_78 = tpu.memref_squeeze %dma_wait3A_77 : memref<1x80xi32, #tpu.memory_space<vmem>> -> memref<80xi32, #tpu.memory_space<vmem>>
        %dma_wait3A_79 = arith.constant 0 : i32
        %dma_wait3A_80 = arith.constant 0 : i32
        %dma_wait3A_81 = tpu.memref_slice %arg2[%dma_wait3A_79, %dma_wait3A_80] : memref<10000x128xf32, #tpu.memory_space<hbm>> -> memref<10000x128xf32, #tpu.memory_space<hbm>>
        tpu.wait_indirect_dma semaphore(%arg18 : memref<!tpu.dma_semaphore, #tpu.memory_space<semaphore_mem>>) src(%dma_wait3A_81 : memref<10000x128xf32, #tpu.memory_space<hbm>>) dst(%arg11 : memref<80x128xf32, #tpu.memory_space<vmem>>)
        %dma_wait3A_82 = arith.constant 0 : i32
        %dma_wait3A_83 = tpu.memref_slice %arg8[%scan3A_35, %dma_wait3A_82] : memref<25x80xi32, #tpu.memory_space<vmem>> -> memref<1x80xi32, #tpu.memory_space<vmem>>
        %dma_wait3A_84 = tpu.memref_squeeze %dma_wait3A_83 : memref<1x80xi32, #tpu.memory_space<vmem>> -> memref<80xi32, #tpu.memory_space<vmem>>
        %dma_wait3A_85 = arith.constant 0 : i32
        %dma_wait3A_86 = arith.constant 0 : i32
        %dma_wait3A_87 = tpu.memref_slice %arg3[%dma_wait3A_85, %dma_wait3A_86] : memref<10000x128xf32, #tpu.memory_space<hbm>> -> memref<10000x128xf32, #tpu.memory_space<hbm>>
        tpu.wait_indirect_dma semaphore(%arg19 : memref<!tpu.dma_semaphore, #tpu.memory_space<semaphore_mem>>) src(%dma_wait3A_87 : memref<10000x128xf32, #tpu.memory_space<hbm>>) dst(%arg12 : memref<80x128xf32, #tpu.memory_space<vmem>>)
        %ge3A = arith.constant 2 : i32
        %ge3A_88 = arith.cmpi sge, %scan3A_35, %ge3A : i32
        %convert_element_type3A_89 = arith.extui %ge3A_88 : i1 to i32
        %cond3A_90 = arith.constant 0 : i32
        %cond3A_91 = arith.cmpi ne, %convert_element_type3A_89, %cond3A_90 : i32
        scf.if %cond3A_91 {
          %sub3A = arith.constant 2 : i32
          %sub3A_108 = arith.subi %scan3A_35, %sub3A : i32
          %mul3A_109 = arith.constant 2000 : i32
          %mul3A_110 = arith.muli %add3A, %mul3A_109 : i32
          %mul3A_111 = arith.constant 80 : i32
          %mul3A_112 = arith.muli %sub3A_108, %mul3A_111 : i32
          %add3A_113 = arith.addi %mul3A_110, %mul3A_112 : i32
          %multiple_of3A_114 = tpu.assume_multiple %add3A_113, 16 : i32
          %dma_wait3A_115 = arith.constant 0 : i32
          %dma_wait3A_116 = tpu.memref_slice %arg6[%multiple_of3A_114, %dma_wait3A_115] : memref<64000x128xf32, #tpu.memory_space<hbm>> -> memref<80x128xf32, #tpu.memory_space<hbm>>
          %dma_wait3A_117 = arith.constant 0 : i32
          %dma_wait3A_118 = tpu.memref_slice %arg6[%multiple_of3A_114, %dma_wait3A_117] : memref<64000x128xf32, #tpu.memory_space<hbm>> -> memref<80x128xf32, #tpu.memory_space<hbm>>
          tpu.wait_dma2 semaphore(%arg20 : memref<!tpu.dma_semaphore, #tpu.memory_space<semaphore_mem>>) src(%arg14 : memref<80x128xf32, #tpu.memory_space<vmem>>) dst(%dma_wait3A_118 : memref<80x128xf32, #tpu.memory_space<hbm>>)
        } else {
        }
        %scan3A_92 = arith.constant 0 : i32
        %scan3A_93 = arith.constant 0 : i32
        %scan3A_94 = arith.constant 80 : i32
        %scan3A_95 = arith.addi %scan3A_93, %scan3A_94 : i32
        %scan3A_96 = arith.constant 1 : i32
        scf.for %scan3A_108 = %scan3A_93 to %scan3A_95 step %scan3A_96  : i32 {
          %get3A = arith.index_cast %scan3A_108 : i32 to index
          %get3A_109 = arith.constant 0 : index
          %get3A_110 = tpu.vector_load %arg11[%get3A, %get3A_109] {strides = array<i32>} : memref<80x128xf32, #tpu.memory_space<vmem>>, vector<1x16xf32>,
          %get3A_111 = vector.shape_cast %get3A_110 : vector<1x16xf32> to vector<16xf32>
          %get3A_112 = arith.index_cast %scan3A_108 : i32 to index
          %get3A_113 = arith.constant 0 : index
          %get3A_114 = tpu.vector_load %arg12[%get3A_112, %get3A_113] {strides = array<i32>} : memref<80x128xf32, #tpu.memory_space<vmem>>, vector<1x16xf32>,
          %get3A_115 = vector.shape_cast %get3A_114 : vector<1x16xf32> to vector<16xf32>
          %add3A_116 = arith.addf %get3A_111, %get3A_115 : vector<16xf32>
          %swap3A = arith.index_cast %scan3A_108 : i32 to index
          %swap3A_117 = arith.constant 0 : index
          %swap3A_118 = tpu.vector_load %arg14[%swap3A, %swap3A_117] {strides = array<i32>} : memref<80x128xf32, #tpu.memory_space<vmem>>, vector<1x16xf32>,
          %swap3A_119 = vector.shape_cast %swap3A_118 : vector<1x16xf32> to vector<16xf32>
          %swap3A_120 = vector.shape_cast %add3A_116 : vector<16xf32> to vector<1x16xf32>
          tpu.vector_store %arg14[%swap3A, %swap3A_117], %swap3A_120 {strides = array<i32>} : memref<80x128xf32, #tpu.memory_space<vmem>>, vector<1x16xf32>,
          %get3A_121 = arith.index_cast %scan3A_108 : i32 to index
          %get3A_122 = arith.constant 16 : index
          %get3A_123 = tpu.vector_load %arg11[%get3A_121, %get3A_122] {strides = array<i32>} : memref<80x128xf32, #tpu.memory_space<vmem>>, vector<1x16xf32>,
          %get3A_124 = vector.shape_cast %get3A_123 : vector<1x16xf32> to vector<16xf32>
          %get3A_125 = arith.index_cast %scan3A_108 : i32 to index
          %get3A_126 = arith.constant 16 : index
          %get3A_127 = tpu.vector_load %arg12[%get3A_125, %get3A_126] {strides = array<i32>} : memref<80x128xf32, #tpu.memory_space<vmem>>, vector<1x16xf32>,
          %get3A_128 = vector.shape_cast %get3A_127 : vector<1x16xf32> to vector<16xf32>
          %add3A_129 = arith.addf %get3A_124, %get3A_128 : vector<16xf32>
          %swap3A_130 = arith.index_cast %scan3A_108 : i32 to index
          %swap3A_131 = arith.constant 16 : index
          %swap3A_132 = tpu.vector_load %arg14[%swap3A_130, %swap3A_131] {strides = array<i32>} : memref<80x128xf32, #tpu.memory_space<vmem>>, vector<1x16xf32>,
          %swap3A_133 = vector.shape_cast %swap3A_132 : vector<1x16xf32> to vector<16xf32>
          %swap3A_134 = vector.shape_cast %add3A_129 : vector<16xf32> to vector<1x16xf32>
          tpu.vector_store %arg14[%swap3A_130, %swap3A_131], %swap3A_134 {strides = array<i32>} : memref<80x128xf32, #tpu.memory_space<vmem>>, vector<1x16xf32>,
          %get3A_135 = arith.index_cast %scan3A_108 : i32 to index
          %get3A_136 = arith.constant 32 : index
          %get3A_137 = tpu.vector_load %arg11[%get3A_135, %get3A_136] {strides = array<i32>} : memref<80x128xf32, #tpu.memory_space<vmem>>, vector<1x16xf32>,
          %get3A_138 = vector.shape_cast %get3A_137 : vector<1x16xf32> to vector<16xf32>
          %get3A_139 = arith.index_cast %scan3A_108 : i32 to index
          %get3A_140 = arith.constant 32 : index
          %get3A_141 = tpu.vector_load %arg12[%get3A_139, %get3A_140] {strides = array<i32>} : memref<80x128xf32, #tpu.memory_space<vmem>>, vector<1x16xf32>,
          %get3A_142 = vector.shape_cast %get3A_141 : vector<1x16xf32> to vector<16xf32>
          %add3A_143 = arith.addf %get3A_138, %get3A_142 : vector<16xf32>
          %swap3A_144 = arith.index_cast %scan3A_108 : i32 to index
          %swap3A_145 = arith.constant 32 : index
          %swap3A_146 = tpu.vector_load %arg14[%swap3A_144, %swap3A_145] {strides = array<i32>} : memref<80x128xf32, #tpu.memory_space<vmem>>, vector<1x16xf32>,
          %swap3A_147 = vector.shape_cast %swap3A_146 : vector<1x16xf32> to vector<16xf32>
          %swap3A_148 = vector.shape_cast %add3A_143 : vector<16xf32> to vector<1x16xf32>
          tpu.vector_store %arg14[%swap3A_144, %swap3A_145], %swap3A_148 {strides = array<i32>} : memref<80x128xf32, #tpu.memory_space<vmem>>, vector<1x16xf32>,
          %get3A_149 = arith.index_cast %scan3A_108 : i32 to index
          %get3A_150 = arith.constant 48 : index
          %get3A_151 = tpu.vector_load %arg11[%get3A_149, %get3A_150] {strides = array<i32>} : memref<80x128xf32, #tpu.memory_space<vmem>>, vector<1x16xf32>,
          %get3A_152 = vector.shape_cast %get3A_151 : vector<1x16xf32> to vector<16xf32>
          %get3A_153 = arith.index_cast %scan3A_108 : i32 to index
          %get3A_154 = arith.constant 48 : index
          %get3A_155 = tpu.vector_load %arg12[%get3A_153, %get3A_154] {strides = array<i32>} : memref<80x128xf32, #tpu.memory_space<vmem>>, vector<1x16xf32>,
          %get3A_156 = vector.shape_cast %get3A_155 : vector<1x16xf32> to vector<16xf32>
          %add3A_157 = arith.addf %get3A_152, %get3A_156 : vector<16xf32>
          %swap3A_158 = arith.index_cast %scan3A_108 : i32 to index
          %swap3A_159 = arith.constant 48 : index
          %swap3A_160 = tpu.vector_load %arg14[%swap3A_158, %swap3A_159] {strides = array<i32>} : memref<80x128xf32, #tpu.memory_space<vmem>>, vector<1x16xf32>,
          %swap3A_161 = vector.shape_cast %swap3A_160 : vector<1x16xf32> to vector<16xf32>
          %swap3A_162 = vector.shape_cast %add3A_157 : vector<16xf32> to vector<1x16xf32>
          tpu.vector_store %arg14[%swap3A_158, %swap3A_159], %swap3A_162 {strides = array<i32>} : memref<80x128xf32, #tpu.memory_space<vmem>>, vector<1x16xf32>,
          %get3A_163 = arith.index_cast %scan3A_108 : i32 to index
          %get3A_164 = arith.constant 64 : index
          %get3A_165 = tpu.vector_load %arg11[%get3A_163, %get3A_164] {strides = array<i32>} : memref<80x128xf32, #tpu.memory_space<vmem>>, vector<1x16xf32>,
          %get3A_166 = vector.shape_cast %get3A_165 : vector<1x16xf32> to vector<16xf32>
          %get3A_167 = arith.index_cast %scan3A_108 : i32 to index
          %get3A_168 = arith.constant 64 : index
          %get3A_169 = tpu.vector_load %arg12[%get3A_167, %get3A_168] {strides = array<i32>} : memref<80x128xf32, #tpu.memory_space<vmem>>, vector<1x16xf32>,
          %get3A_170 = vector.shape_cast %get3A_169 : vector<1x16xf32> to vector<16xf32>
          %add3A_171 = arith.addf %get3A_166, %get3A_170 : vector<16xf32>
          %swap3A_172 = arith.index_cast %scan3A_108 : i32 to index
          %swap3A_173 = arith.constant 64 : index
          %swap3A_174 = tpu.vector_load %arg14[%swap3A_172, %swap3A_173] {strides = array<i32>} : memref<80x128xf32, #tpu.memory_space<vmem>>, vector<1x16xf32>,
          %swap3A_175 = vector.shape_cast %swap3A_174 : vector<1x16xf32> to vector<16xf32>
          %swap3A_176 = vector.shape_cast %add3A_171 : vector<16xf32> to vector<1x16xf32>
          tpu.vector_store %arg14[%swap3A_172, %swap3A_173], %swap3A_176 {strides = array<i32>} : memref<80x128xf32, #tpu.memory_space<vmem>>, vector<1x16xf32>,
          %get3A_177 = arith.index_cast %scan3A_108 : i32 to index
          %get3A_178 = arith.constant 80 : index
          %get3A_179 = tpu.vector_load %arg11[%get3A_177, %get3A_178] {strides = array<i32>} : memref<80x128xf32, #tpu.memory_space<vmem>>, vector<1x16xf32>,
          %get3A_180 = vector.shape_cast %get3A_179 : vector<1x16xf32> to vector<16xf32>
          %get3A_181 = arith.index_cast %scan3A_108 : i32 to index
          %get3A_182 = arith.constant 80 : index
          %get3A_183 = tpu.vector_load %arg12[%get3A_181, %get3A_182] {strides = array<i32>} : memref<80x128xf32, #tpu.memory_space<vmem>>, vector<1x16xf32>,
          %get3A_184 = vector.shape_cast %get3A_183 : vector<1x16xf32> to vector<16xf32>
          %add3A_185 = arith.addf %get3A_180, %get3A_184 : vector<16xf32>
          %swap3A_186 = arith.index_cast %scan3A_108 : i32 to index
          %swap3A_187 = arith.constant 80 : index
          %swap3A_188 = tpu.vector_load %arg14[%swap3A_186, %swap3A_187] {strides = array<i32>} : memref<80x128xf32, #tpu.memory_space<vmem>>, vector<1x16xf32>,
          %swap3A_189 = vector.shape_cast %swap3A_188 : vector<1x16xf32> to vector<16xf32>
          %swap3A_190 = vector.shape_cast %add3A_185 : vector<16xf32> to vector<1x16xf32>
          tpu.vector_store %arg14[%swap3A_186, %swap3A_187], %swap3A_190 {strides = array<i32>} : memref<80x128xf32, #tpu.memory_space<vmem>>, vector<1x16xf32>,
          %get3A_191 = arith.index_cast %scan3A_108 : i32 to index
          %get3A_192 = arith.constant 96 : index
          %get3A_193 = tpu.vector_load %arg11[%get3A_191, %get3A_192] {strides = array<i32>} : memref<80x128xf32, #tpu.memory_space<vmem>>, vector<1x16xf32>,
          %get3A_194 = vector.shape_cast %get3A_193 : vector<1x16xf32> to vector<16xf32>
          %get3A_195 = arith.index_cast %scan3A_108 : i32 to index
          %get3A_196 = arith.constant 96 : index
          %get3A_197 = tpu.vector_load %arg12[%get3A_195, %get3A_196] {strides = array<i32>} : memref<80x128xf32, #tpu.memory_space<vmem>>, vector<1x16xf32>,
          %get3A_198 = vector.shape_cast %get3A_197 : vector<1x16xf32> to vector<16xf32>
          %add3A_199 = arith.addf %get3A_194, %get3A_198 : vector<16xf32>
          %swap3A_200 = arith.index_cast %scan3A_108 : i32 to index
          %swap3A_201 = arith.constant 96 : index
          %swap3A_202 = tpu.vector_load %arg14[%swap3A_200, %swap3A_201] {strides = array<i32>} : memref<80x128xf32, #tpu.memory_space<vmem>>, vector<1x16xf32>,
          %swap3A_203 = vector.shape_cast %swap3A_202 : vector<1x16xf32> to vector<16xf32>
          %swap3A_204 = vector.shape_cast %add3A_199 : vector<16xf32> to vector<1x16xf32>
          tpu.vector_store %arg14[%swap3A_200, %swap3A_201], %swap3A_204 {strides = array<i32>} : memref<80x128xf32, #tpu.memory_space<vmem>>, vector<1x16xf32>,
          %get3A_205 = arith.index_cast %scan3A_108 : i32 to index
          %get3A_206 = arith.constant 112 : index
          %get3A_207 = tpu.vector_load %arg11[%get3A_205, %get3A_206] {strides = array<i32>} : memref<80x128xf32, #tpu.memory_space<vmem>>, vector<1x16xf32>,
          %get3A_208 = vector.shape_cast %get3A_207 : vector<1x16xf32> to vector<16xf32>
          %get3A_209 = arith.index_cast %scan3A_108 : i32 to index
          %get3A_210 = arith.constant 112 : index
          %get3A_211 = tpu.vector_load %arg12[%get3A_209, %get3A_210] {strides = array<i32>} : memref<80x128xf32, #tpu.memory_space<vmem>>, vector<1x16xf32>,
          %get3A_212 = vector.shape_cast %get3A_211 : vector<1x16xf32> to vector<16xf32>
          %add3A_213 = arith.addf %get3A_208, %get3A_212 : vector<16xf32>
          %swap3A_214 = arith.index_cast %scan3A_108 : i32 to index
          %swap3A_215 = arith.constant 112 : index
          %swap3A_216 = tpu.vector_load %arg14[%swap3A_214, %swap3A_215] {strides = array<i32>} : memref<80x128xf32, #tpu.memory_space<vmem>>, vector<1x16xf32>,
          %swap3A_217 = vector.shape_cast %swap3A_216 : vector<1x16xf32> to vector<16xf32>
          %swap3A_218 = vector.shape_cast %add3A_213 : vector<16xf32> to vector<1x16xf32>
          tpu.vector_store %arg14[%swap3A_214, %swap3A_215], %swap3A_218 {strides = array<i32>} : memref<80x128xf32, #tpu.memory_space<vmem>>, vector<1x16xf32>,
        }
        %scan3A_97 = arith.constant 80 : i32
        %mul3A_98 = arith.constant 2000 : i32
        %mul3A_99 = arith.muli %add3A, %mul3A_98 : i32
        %mul3A_100 = arith.constant 80 : i32
        %mul3A_101 = arith.muli %scan3A_35, %mul3A_100 : i32
        %add3A_102 = arith.addi %mul3A_99, %mul3A_101 : i32
        %multiple_of3A_103 = tpu.assume_multiple %add3A_102, 16 : i32
        %dma_start3A_104 = arith.constant 0 : i32
        %dma_start3A_105 = tpu.memref_slice %arg6[%multiple_of3A_103, %dma_start3A_104] : memref<64000x128xf32, #tpu.memory_space<hbm>> -> memref<80x128xf32, #tpu.memory_space<hbm>>
        %dma_start3A_106 = arith.constant 0 : i32
        %dma_start3A_107 = tpu.memref_slice %arg6[%multiple_of3A_103, %dma_start3A_106] : memref<64000x128xf32, #tpu.memory_space<hbm>> -> memref<80x128xf32, #tpu.memory_space<hbm>>
        tpu.enqueue_dma source(%arg14 : memref<80x128xf32, #tpu.memory_space<vmem>>) target(%dma_start3A_107 : memref<80x128xf32, #tpu.memory_space<hbm>>) target_semaphore(%arg20 : memref<!tpu.dma_semaphore, #tpu.memory_space<semaphore_mem>>)
      } else {
      }
    }
    %scan3A_18 = arith.constant 25 : i32
    %mul3A_19 = arith.constant 2000 : i32
    %mul3A_20 = arith.muli %add3A, %mul3A_19 : i32
    %add3A_21 = arith.constant 1920 : i32
    %add3A_22 = arith.addi %mul3A_20, %add3A_21 : i32
    %multiple_of3A = tpu.assume_multiple %add3A_22, 16 : i32
    %dma_wait3A = arith.constant 0 : i32
    %dma_wait3A_23 = tpu.memref_slice %arg6[%multiple_of3A, %dma_wait3A] : memref<64000x128xf32, #tpu.memory_space<hbm>> -> memref<80x128xf32, #tpu.memory_space<hbm>>
    %dma_wait3A_24 = arith.constant 0 : i32
    %dma_wait3A_25 = tpu.memref_slice %arg6[%multiple_of3A, %dma_wait3A_24] : memref<64000x128xf32, #tpu.memory_space<hbm>> -> memref<80x128xf32, #tpu.memory_space<hbm>>
    tpu.wait_dma2 semaphore(%arg17 : memref<!tpu.dma_semaphore, #tpu.memory_space<semaphore_mem>>) src(%arg13 : memref<80x128xf32, #tpu.memory_space<vmem>>) dst(%dma_wait3A_25 : memref<80x128xf32, #tpu.memory_space<hbm>>)
    %mul3A_26 = arith.constant 2000 : i32
    %mul3A_27 = arith.muli %add3A, %mul3A_26 : i32
    %add3A_28 = arith.constant 1840 : i32
    %add3A_29 = arith.addi %mul3A_27, %add3A_28 : i32
    %multiple_of3A_30 = tpu.assume_multiple %add3A_29, 16 : i32
    %dma_wait3A_31 = arith.constant 0 : i32
    %dma_wait3A_32 = tpu.memref_slice %arg6[%multiple_of3A_30, %dma_wait3A_31] : memref<64000x128xf32, #tpu.memory_space<hbm>> -> memref<80x128xf32, #tpu.memory_space<hbm>>
    %dma_wait3A_33 = arith.constant 0 : i32
    %dma_wait3A_34 = tpu.memref_slice %arg6[%multiple_of3A_30, %dma_wait3A_33] : memref<64000x128xf32, #tpu.memory_space<hbm>> -> memref<80x128xf32, #tpu.memory_space<hbm>>
    tpu.wait_dma2 semaphore(%arg20 : memref<!tpu.dma_semaphore, #tpu.memory_space<semaphore_mem>>) src(%arg14 : memref<80x128xf32, #tpu.memory_space<vmem>>) dst(%dma_wait3A_34 : memref<80x128xf32, #tpu.memory_space<hbm>>)
    return
  }
}

#map = affine_map<(d0, d1) -> (0, 0)>
#map1 = affine_map<(d0, d1) -> (0, 0, 0)>
module attributes {stable_mosaic.version = 14 : i64} {
  func.func @body(%arg0: i32, %arg1: i32, %arg2: memref<10000x128xf32, #tpu.memory_space<hbm>>, %arg3: memref<10000x128xf32, #tpu.memory_space<hbm>>, %arg4: memref<32x25x80xi32, #tpu.memory_space<hbm>>, %arg5: memref<32x25x80xi32, #tpu.memory_space<hbm>>, %arg6: memref<64000x128xf32, #tpu.memory_space<hbm>>, %arg7: memref<25x80xi32, #tpu.memory_space<vmem>>, %arg8: memref<25x80xi32, #tpu.memory_space<vmem>>, %arg9: memref<80x128xf32, #tpu.memory_space<vmem>>, %arg10: memref<80x128xf32, #tpu.memory_space<vmem>>, %arg11: memref<80x128xf32, #tpu.memory_space<vmem>>, %arg12: memref<80x128xf32, #tpu.memory_space<vmem>>, %arg13: memref<80x128xf32, #tpu.memory_space<vmem>>, %arg14: memref<80x128xf32, #tpu.memory_space<vmem>>, %arg15: memref<!tpu.dma_semaphore, #tpu.memory_space<semaphore_mem>>, %arg16: memref<!tpu.dma_semaphore, #tpu.memory_space<semaphore_mem>>, %arg17: memref<!tpu.dma_semaphore, #tpu.memory_space<semaphore_mem>>, %arg18: memref<!tpu.dma_semaphore, #tpu.memory_space<semaphore_mem>>, %arg19: memref<!tpu.dma_semaphore, #tpu.memory_space<semaphore_mem>>, %arg20: memref<!tpu.dma_semaphore, #tpu.memory_space<semaphore_mem>>) attributes {dimension_semantics = [#tpu.dimension_semantics<core_parallel>, #tpu.dimension_semantics<subcore_parallel>], iteration_bounds = array<i64: 2, 16>, scalar_prefetch = 0 : i64, scratch_operands = 14 : i64, tpu.core_type = #tpu.core_type<sc_vector_subcore>, window_params = [{transform_indices = #map}, {transform_indices = #map}, {transform_indices = #map1}, {transform_indices = #map1}, {transform_indices = #map}]} {
    %mul3A = arith.constant 2 : i32
    %mul3A_0 = arith.muli %arg1, %mul3A : i32
    %add3A = arith.addi %mul3A_0, %arg0 : i32
    "tpu.region"() ({
      %run_scoped3A = tpu.sem_alloc : memref<!tpu.dma_semaphore, #tpu.memory_space<semaphore_mem>>
      %dma_start3A_35 = arith.constant 0 : i32
      %dma_start3A_36 = arith.constant 0 : i32
      %dma_start3A_37 = tpu.memref_slice %arg4[%add3A, %dma_start3A_35, %dma_start3A_36] : memref<32x25x80xi32, #tpu.memory_space<hbm>> -> memref<1x25x80xi32, #tpu.memory_space<hbm>>
      %dma_start3A_38 = tpu.memref_squeeze %dma_start3A_37 : memref<1x25x80xi32, #tpu.memory_space<hbm>> -> memref<25x80xi32, #tpu.memory_space<hbm>>
      %dma_start3A_39 = arith.constant 0 : i32
      %dma_start3A_40 = arith.constant 0 : i32
      %dma_start3A_41 = tpu.memref_slice %arg4[%add3A, %dma_start3A_39, %dma_start3A_40] : memref<32x25x80xi32, #tpu.memory_space<hbm>> -> memref<1x25x80xi32, #tpu.memory_space<hbm>>
      %dma_start3A_42 = tpu.memref_squeeze %dma_start3A_41 : memref<1x25x80xi32, #tpu.memory_space<hbm>> -> memref<25x80xi32, #tpu.memory_space<hbm>>
      tpu.enqueue_dma source(%dma_start3A_42 : memref<25x80xi32, #tpu.memory_space<hbm>>) target(%arg7 : memref<25x80xi32, #tpu.memory_space<vmem>>) target_semaphore(%run_scoped3A : memref<!tpu.dma_semaphore, #tpu.memory_space<semaphore_mem>>)
      %dma_wait3A_43 = arith.constant 0 : i32
      %dma_wait3A_44 = arith.constant 0 : i32
      %dma_wait3A_45 = tpu.memref_slice %arg4[%add3A, %dma_wait3A_43, %dma_wait3A_44] : memref<32x25x80xi32, #tpu.memory_space<hbm>> -> memref<1x25x80xi32, #tpu.memory_space<hbm>>
      %dma_wait3A_46 = tpu.memref_squeeze %dma_wait3A_45 : memref<1x25x80xi32, #tpu.memory_space<hbm>> -> memref<25x80xi32, #tpu.memory_space<hbm>>
      %dma_wait3A_47 = arith.constant 0 : i32
      %dma_wait3A_48 = arith.constant 0 : i32
      %dma_wait3A_49 = tpu.memref_slice %arg4[%add3A, %dma_wait3A_47, %dma_wait3A_48] : memref<32x25x80xi32, #tpu.memory_space<hbm>> -> memref<1x25x80xi32, #tpu.memory_space<hbm>>
      %dma_wait3A_50 = tpu.memref_squeeze %dma_wait3A_49 : memref<1x25x80xi32, #tpu.memory_space<hbm>> -> memref<25x80xi32, #tpu.memory_space<hbm>>
      tpu.wait_dma2 semaphore(%run_scoped3A : memref<!tpu.dma_semaphore, #tpu.memory_space<semaphore_mem>>) src(%dma_wait3A_50 : memref<25x80xi32, #tpu.memory_space<hbm>>) dst(%arg7 : memref<25x80xi32, #tpu.memory_space<vmem>>)
      tpu.yield
    }) : () -> ()
    "tpu.region"() ({
      %run_scoped3A = tpu.sem_alloc : memref<!tpu.dma_semaphore, #tpu.memory_space<semaphore_mem>>
      %dma_start3A_35 = arith.constant 0 : i32
      %dma_start3A_36 = arith.constant 0 : i32
      %dma_start3A_37 = tpu.memref_slice %arg5[%add3A, %dma_start3A_35, %dma_start3A_36] : memref<32x25x80xi32, #tpu.memory_space<hbm>> -> memref<1x25x80xi32, #tpu.memory_space<hbm>>
      %dma_start3A_38 = tpu.memref_squeeze %dma_start3A_37 : memref<1x25x80xi32, #tpu.memory_space<hbm>> -> memref<25x80xi32, #tpu.memory_space<hbm>>
      %dma_start3A_39 = arith.constant 0 : i32
      %dma_start3A_40 = arith.constant 0 : i32
      %dma_start3A_41 = tpu.memref_slice %arg5[%add3A, %dma_start3A_39, %dma_start3A_40] : memref<32x25x80xi32, #tpu.memory_space<hbm>> -> memref<1x25x80xi32, #tpu.memory_space<hbm>>
      %dma_start3A_42 = tpu.memref_squeeze %dma_start3A_41 : memref<1x25x80xi32, #tpu.memory_space<hbm>> -> memref<25x80xi32, #tpu.memory_space<hbm>>
      tpu.enqueue_dma source(%dma_start3A_42 : memref<25x80xi32, #tpu.memory_space<hbm>>) target(%arg8 : memref<25x80xi32, #tpu.memory_space<vmem>>) target_semaphore(%run_scoped3A : memref<!tpu.dma_semaphore, #tpu.memory_space<semaphore_mem>>)
      %dma_wait3A_43 = arith.constant 0 : i32
      %dma_wait3A_44 = arith.constant 0 : i32
      %dma_wait3A_45 = tpu.memref_slice %arg5[%add3A, %dma_wait3A_43, %dma_wait3A_44] : memref<32x25x80xi32, #tpu.memory_space<hbm>> -> memref<1x25x80xi32, #tpu.memory_space<hbm>>
      %dma_wait3A_46 = tpu.memref_squeeze %dma_wait3A_45 : memref<1x25x80xi32, #tpu.memory_space<hbm>> -> memref<25x80xi32, #tpu.memory_space<hbm>>
      %dma_wait3A_47 = arith.constant 0 : i32
      %dma_wait3A_48 = arith.constant 0 : i32
      %dma_wait3A_49 = tpu.memref_slice %arg5[%add3A, %dma_wait3A_47, %dma_wait3A_48] : memref<32x25x80xi32, #tpu.memory_space<hbm>> -> memref<1x25x80xi32, #tpu.memory_space<hbm>>
      %dma_wait3A_50 = tpu.memref_squeeze %dma_wait3A_49 : memref<1x25x80xi32, #tpu.memory_space<hbm>> -> memref<25x80xi32, #tpu.memory_space<hbm>>
      tpu.wait_dma2 semaphore(%run_scoped3A : memref<!tpu.dma_semaphore, #tpu.memory_space<semaphore_mem>>) src(%dma_wait3A_50 : memref<25x80xi32, #tpu.memory_space<hbm>>) dst(%arg8 : memref<25x80xi32, #tpu.memory_space<vmem>>)
      tpu.yield
    }) : () -> ()
    %dma_start3A = arith.constant 0 : i32
    %dma_start3A_1 = arith.constant 0 : i32
    %dma_start3A_2 = tpu.memref_slice %arg7[%dma_start3A, %dma_start3A_1] : memref<25x80xi32, #tpu.memory_space<vmem>> -> memref<1x80xi32, #tpu.memory_space<vmem>>
    %dma_start3A_3 = tpu.memref_squeeze %dma_start3A_2 : memref<1x80xi32, #tpu.memory_space<vmem>> -> memref<80xi32, #tpu.memory_space<vmem>>
    %dma_start3A_4 = arith.constant 0 : i32
    %dma_start3A_5 = arith.constant 0 : i32
    %dma_start3A_6 = tpu.memref_slice %arg2[%dma_start3A_4, %dma_start3A_5] : memref<10000x128xf32, #tpu.memory_space<hbm>> -> memref<10000x128xf32, #tpu.memory_space<hbm>>
    tpu.enqueue_indirect_dma source(%dma_start3A_6 : memref<10000x128xf32, #tpu.memory_space<hbm>>) target(%arg9 : memref<80x128xf32, #tpu.memory_space<vmem>>) offsets(%dma_start3A_3 : memref<80xi32, #tpu.memory_space<vmem>>) semaphore(%arg15 : memref<!tpu.dma_semaphore, #tpu.memory_space<semaphore_mem>>)
    %dma_start3A_7 = arith.constant 0 : i32
    %dma_start3A_8 = arith.constant 0 : i32
    %dma_start3A_9 = tpu.memref_slice %arg8[%dma_start3A_7, %dma_start3A_8] : memref<25x80xi32, #tpu.memory_space<vmem>> -> memref<1x80xi32, #tpu.memory_space<vmem>>
    %dma_start3A_10 = tpu.memref_squeeze %dma_start3A_9 : memref<1x80xi32, #tpu.memory_space<vmem>> -> memref<80xi32, #tpu.memory_space<vmem>>
    %dma_start3A_11 = arith.constant 0 : i32
    %dma_start3A_12 = arith.constant 0 : i32
    %dma_start3A_13 = tpu.memref_slice %arg3[%dma_start3A_11, %dma_start3A_12] : memref<10000x128xf32, #tpu.memory_space<hbm>> -> memref<10000x128xf32, #tpu.memory_space<hbm>>
    tpu.enqueue_indirect_dma source(%dma_start3A_13 : memref<10000x128xf32, #tpu.memory_space<hbm>>) target(%arg10 : memref<80x128xf32, #tpu.memory_space<vmem>>) offsets(%dma_start3A_10 : memref<80xi32, #tpu.memory_space<vmem>>) semaphore(%arg16 : memref<!tpu.dma_semaphore, #tpu.memory_space<semaphore_mem>>)
    %scan3A = arith.constant 0 : i32
    %scan3A_14 = arith.constant 0 : i32
    %scan3A_15 = arith.constant 25 : i32
    %scan3A_16 = arith.addi %scan3A_14, %scan3A_15 : i32
    %scan3A_17 = arith.constant 1 : i32
    scf.for %scan3A_35 = %scan3A_14 to %scan3A_16 step %scan3A_17  : i32 {
      %jit3A = arith.constant 2 : i32
      %eq3A = arith.constant 0 : i32
      %eq3A_36 = arith.cmpi eq, %jit3A, %eq3A : i32
      %jit3A_37 = arith.constant 1 : i32
      %select_n3A = arith.select %eq3A_36, %jit3A_37, %jit3A : i32
      %rem3A = arith.remsi %scan3A_35, %select_n3A : i32
      %ne3A = arith.constant 0 : i32
      %ne3A_38 = arith.cmpi ne, %rem3A, %ne3A : i32
      %lt3A = arith.constant 0 : i32
      %lt3A_39 = arith.cmpi slt, %rem3A, %lt3A : i32
      %lt3A_40 = arith.constant 0 : i32
      %lt3A_41 = arith.cmpi slt, %select_n3A, %lt3A_40 : i32
      %ne3A_42 = arith.xori %lt3A_39, %lt3A_41 : i1
      %and3A = arith.andi %ne3A_42, %ne3A_38 : i1
      %add3A_43 = arith.addi %rem3A, %select_n3A : i32
      %select_n3A_44 = arith.select %and3A, %add3A_43, %rem3A : i32
      %eq3A_45 = arith.constant 0 : i32
      %eq3A_46 = arith.cmpi eq, %select_n3A_44, %eq3A_45 : i32
      %convert_element_type3A = arith.extui %eq3A_46 : i1 to i32
      %cond3A = arith.constant 0 : i32
      %cond3A_47 = arith.cmpi ne, %convert_element_type3A, %cond3A : i32
      scf.if %cond3A_47 {
        %add3A_69 = arith.constant 1 : i32
        %add3A_70 = arith.addi %scan3A_35, %add3A_69 : i32
        %lt3A_71 = arith.constant 25 : i32
        %lt3A_72 = arith.cmpi slt, %add3A_70, %lt3A_71 : i32
        %convert_element_type3A_73 = arith.extui %lt3A_72 : i1 to i32
        %cond3A_74 = arith.constant 0 : i32
        %cond3A_75 = arith.cmpi ne, %convert_element_type3A_73, %cond3A_74 : i32
        scf.if %cond3A_75 {
          %add3A_108 = arith.constant 1 : i32
          %add3A_109 = arith.addi %scan3A_35, %add3A_108 : i32
          %dma_start3A_110 = arith.constant 0 : i32
          %dma_start3A_111 = tpu.memref_slice %arg7[%add3A_109, %dma_start3A_110] : memref<25x80xi32, #tpu.memory_space<vmem>> -> memref<1x80xi32, #tpu.memory_space<vmem>>
          %dma_start3A_112 = tpu.memref_squeeze %dma_start3A_111 : memref<1x80xi32, #tpu.memory_space<vmem>> -> memref<80xi32, #tpu.memory_space<vmem>>
          %dma_start3A_113 = arith.constant 0 : i32
          %dma_start3A_114 = arith.constant 0 : i32
          %dma_start3A_115 = tpu.memref_slice %arg2[%dma_start3A_113, %dma_start3A_114] : memref<10000x128xf32, #tpu.memory_space<hbm>> -> memref<10000x128xf32, #tpu.memory_space<hbm>>
          tpu.enqueue_indirect_dma source(%dma_start3A_115 : memref<10000x128xf32, #tpu.memory_space<hbm>>) target(%arg11 : memref<80x128xf32, #tpu.memory_space<vmem>>) offsets(%dma_start3A_112 : memref<80xi32, #tpu.memory_space<vmem>>) semaphore(%arg18 : memref<!tpu.dma_semaphore, #tpu.memory_space<semaphore_mem>>)
          %dma_start3A_116 = arith.constant 0 : i32
          %dma_start3A_117 = tpu.memref_slice %arg8[%add3A_109, %dma_start3A_116] : memref<25x80xi32, #tpu.memory_space<vmem>> -> memref<1x80xi32, #tpu.memory_space<vmem>>
          %dma_start3A_118 = tpu.memref_squeeze %dma_start3A_117 : memref<1x80xi32, #tpu.memory_space<vmem>> -> memref<80xi32, #tpu.memory_space<vmem>>
          %dma_start3A_119 = arith.constant 0 : i32
          %dma_start3A_120 = arith.constant 0 : i32
          %dma_start3A_121 = tpu.memref_slice %arg3[%dma_start3A_119, %dma_start3A_120] : memref<10000x128xf32, #tpu.memory_space<hbm>> -> memref<10000x128xf32, #tpu.memory_space<hbm>>
          tpu.enqueue_indirect_dma source(%dma_start3A_121 : memref<10000x128xf32, #tpu.memory_space<hbm>>) target(%arg12 : memref<80x128xf32, #tpu.memory_space<vmem>>) offsets(%dma_start3A_118 : memref<80xi32, #tpu.memory_space<vmem>>) semaphore(%arg19 : memref<!tpu.dma_semaphore, #tpu.memory_space<semaphore_mem>>)
        } else {
        }
        %dma_wait3A_76 = arith.constant 0 : i32
        %dma_wait3A_77 = tpu.memref_slice %arg7[%scan3A_35, %dma_wait3A_76] : memref<25x80xi32, #tpu.memory_space<vmem>> -> memref<1x80xi32, #tpu.memory_space<vmem>>
        %dma_wait3A_78 = tpu.memref_squeeze %dma_wait3A_77 : memref<1x80xi32, #tpu.memory_space<vmem>> -> memref<80xi32, #tpu.memory_space<vmem>>
        %dma_wait3A_79 = arith.constant 0 : i32
        %dma_wait3A_80 = arith.constant 0 : i32
        %dma_wait3A_81 = tpu.memref_slice %arg2[%dma_wait3A_79, %dma_wait3A_80] : memref<10000x128xf32, #tpu.memory_space<hbm>> -> memref<10000x128xf32, #tpu.memory_space<hbm>>
        tpu.wait_indirect_dma semaphore(%arg15 : memref<!tpu.dma_semaphore, #tpu.memory_space<semaphore_mem>>) src(%dma_wait3A_81 : memref<10000x128xf32, #tpu.memory_space<hbm>>) dst(%arg9 : memref<80x128xf32, #tpu.memory_space<vmem>>)
        %dma_wait3A_82 = arith.constant 0 : i32
        %dma_wait3A_83 = tpu.memref_slice %arg8[%scan3A_35, %dma_wait3A_82] : memref<25x80xi32, #tpu.memory_space<vmem>> -> memref<1x80xi32, #tpu.memory_space<vmem>>
        %dma_wait3A_84 = tpu.memref_squeeze %dma_wait3A_83 : memref<1x80xi32, #tpu.memory_space<vmem>> -> memref<80xi32, #tpu.memory_space<vmem>>
        %dma_wait3A_85 = arith.constant 0 : i32
        %dma_wait3A_86 = arith.constant 0 : i32
        %dma_wait3A_87 = tpu.memref_slice %arg3[%dma_wait3A_85, %dma_wait3A_86] : memref<10000x128xf32, #tpu.memory_space<hbm>> -> memref<10000x128xf32, #tpu.memory_space<hbm>>
        tpu.wait_indirect_dma semaphore(%arg16 : memref<!tpu.dma_semaphore, #tpu.memory_space<semaphore_mem>>) src(%dma_wait3A_87 : memref<10000x128xf32, #tpu.memory_space<hbm>>) dst(%arg10 : memref<80x128xf32, #tpu.memory_space<vmem>>)
        %ge3A = arith.constant 2 : i32
        %ge3A_88 = arith.cmpi sge, %scan3A_35, %ge3A : i32
        %convert_element_type3A_89 = arith.extui %ge3A_88 : i1 to i32
        %cond3A_90 = arith.constant 0 : i32
        %cond3A_91 = arith.cmpi ne, %convert_element_type3A_89, %cond3A_90 : i32
        scf.if %cond3A_91 {
          %sub3A = arith.constant 2 : i32
          %sub3A_108 = arith.subi %scan3A_35, %sub3A : i32
          %mul3A_109 = arith.constant 2000 : i32
          %mul3A_110 = arith.muli %add3A, %mul3A_109 : i32
          %mul3A_111 = arith.constant 80 : i32
          %mul3A_112 = arith.muli %sub3A_108, %mul3A_111 : i32
          %add3A_113 = arith.addi %mul3A_110, %mul3A_112 : i32
          %multiple_of3A_114 = tpu.assume_multiple %add3A_113, 16 : i32
          %dma_wait3A_115 = arith.constant 0 : i32
          %dma_wait3A_116 = tpu.memref_slice %arg6[%multiple_of3A_114, %dma_wait3A_115] : memref<64000x128xf32, #tpu.memory_space<hbm>> -> memref<80x128xf32, #tpu.memory_space<hbm>>
          %dma_wait3A_117 = arith.constant 0 : i32
          %dma_wait3A_118 = tpu.memref_slice %arg6[%multiple_of3A_114, %dma_wait3A_117] : memref<64000x128xf32, #tpu.memory_space<hbm>> -> memref<80x128xf32, #tpu.memory_space<hbm>>
          tpu.wait_dma2 semaphore(%arg17 : memref<!tpu.dma_semaphore, #tpu.memory_space<semaphore_mem>>) src(%arg13 : memref<80x128xf32, #tpu.memory_space<vmem>>) dst(%dma_wait3A_118 : memref<80x128xf32, #tpu.memory_space<hbm>>)
        } else {
        }
        %scan3A_92 = arith.constant 0 : i32
        %scan3A_93 = arith.constant 0 : i32
        %scan3A_94 = arith.constant 80 : i32
        %scan3A_95 = arith.addi %scan3A_93, %scan3A_94 : i32
        %scan3A_96 = arith.constant 1 : i32
        scf.for %scan3A_108 = %scan3A_93 to %scan3A_95 step %scan3A_96  : i32 {
          %get3A = arith.index_cast %scan3A_108 : i32 to index
          %get3A_109 = arith.constant 0 : index
          %get3A_110 = tpu.vector_load %arg9[%get3A, %get3A_109] {strides = array<i32>} : memref<80x128xf32, #tpu.memory_space<vmem>>, vector<1x16xf32>,
          %get3A_111 = vector.shape_cast %get3A_110 : vector<1x16xf32> to vector<16xf32>
          %get3A_112 = arith.index_cast %scan3A_108 : i32 to index
          %get3A_113 = arith.constant 0 : index
          %get3A_114 = tpu.vector_load %arg10[%get3A_112, %get3A_113] {strides = array<i32>} : memref<80x128xf32, #tpu.memory_space<vmem>>, vector<1x16xf32>,
          %get3A_115 = vector.shape_cast %get3A_114 : vector<1x16xf32> to vector<16xf32>
          %add3A_116 = arith.addf %get3A_111, %get3A_115 : vector<16xf32>
          %swap3A = arith.index_cast %scan3A_108 : i32 to index
          %swap3A_117 = arith.constant 0 : index
          %swap3A_118 = tpu.vector_load %arg13[%swap3A, %swap3A_117] {strides = array<i32>} : memref<80x128xf32, #tpu.memory_space<vmem>>, vector<1x16xf32>,
          %swap3A_119 = vector.shape_cast %swap3A_118 : vector<1x16xf32> to vector<16xf32>
          %swap3A_120 = vector.shape_cast %add3A_116 : vector<16xf32> to vector<1x16xf32>
          tpu.vector_store %arg13[%swap3A, %swap3A_117], %swap3A_120 {strides = array<i32>} : memref<80x128xf32, #tpu.memory_space<vmem>>, vector<1x16xf32>,
          %get3A_121 = arith.index_cast %scan3A_108 : i32 to index
          %get3A_122 = arith.constant 16 : index
          %get3A_123 = tpu.vector_load %arg9[%get3A_121, %get3A_122] {strides = array<i32>} : memref<80x128xf32, #tpu.memory_space<vmem>>, vector<1x16xf32>,
          %get3A_124 = vector.shape_cast %get3A_123 : vector<1x16xf32> to vector<16xf32>
          %get3A_125 = arith.index_cast %scan3A_108 : i32 to index
          %get3A_126 = arith.constant 16 : index
          %get3A_127 = tpu.vector_load %arg10[%get3A_125, %get3A_126] {strides = array<i32>} : memref<80x128xf32, #tpu.memory_space<vmem>>, vector<1x16xf32>,
          %get3A_128 = vector.shape_cast %get3A_127 : vector<1x16xf32> to vector<16xf32>
          %add3A_129 = arith.addf %get3A_124, %get3A_128 : vector<16xf32>
          %swap3A_130 = arith.index_cast %scan3A_108 : i32 to index
          %swap3A_131 = arith.constant 16 : index
          %swap3A_132 = tpu.vector_load %arg13[%swap3A_130, %swap3A_131] {strides = array<i32>} : memref<80x128xf32, #tpu.memory_space<vmem>>, vector<1x16xf32>,
          %swap3A_133 = vector.shape_cast %swap3A_132 : vector<1x16xf32> to vector<16xf32>
          %swap3A_134 = vector.shape_cast %add3A_129 : vector<16xf32> to vector<1x16xf32>
          tpu.vector_store %arg13[%swap3A_130, %swap3A_131], %swap3A_134 {strides = array<i32>} : memref<80x128xf32, #tpu.memory_space<vmem>>, vector<1x16xf32>,
          %get3A_135 = arith.index_cast %scan3A_108 : i32 to index
          %get3A_136 = arith.constant 32 : index
          %get3A_137 = tpu.vector_load %arg9[%get3A_135, %get3A_136] {strides = array<i32>} : memref<80x128xf32, #tpu.memory_space<vmem>>, vector<1x16xf32>,
          %get3A_138 = vector.shape_cast %get3A_137 : vector<1x16xf32> to vector<16xf32>
          %get3A_139 = arith.index_cast %scan3A_108 : i32 to index
          %get3A_140 = arith.constant 32 : index
          %get3A_141 = tpu.vector_load %arg10[%get3A_139, %get3A_140] {strides = array<i32>} : memref<80x128xf32, #tpu.memory_space<vmem>>, vector<1x16xf32>,
          %get3A_142 = vector.shape_cast %get3A_141 : vector<1x16xf32> to vector<16xf32>
          %add3A_143 = arith.addf %get3A_138, %get3A_142 : vector<16xf32>
          %swap3A_144 = arith.index_cast %scan3A_108 : i32 to index
          %swap3A_145 = arith.constant 32 : index
          %swap3A_146 = tpu.vector_load %arg13[%swap3A_144, %swap3A_145] {strides = array<i32>} : memref<80x128xf32, #tpu.memory_space<vmem>>, vector<1x16xf32>,
          %swap3A_147 = vector.shape_cast %swap3A_146 : vector<1x16xf32> to vector<16xf32>
          %swap3A_148 = vector.shape_cast %add3A_143 : vector<16xf32> to vector<1x16xf32>
          tpu.vector_store %arg13[%swap3A_144, %swap3A_145], %swap3A_148 {strides = array<i32>} : memref<80x128xf32, #tpu.memory_space<vmem>>, vector<1x16xf32>,
          %get3A_149 = arith.index_cast %scan3A_108 : i32 to index
          %get3A_150 = arith.constant 48 : index
          %get3A_151 = tpu.vector_load %arg9[%get3A_149, %get3A_150] {strides = array<i32>} : memref<80x128xf32, #tpu.memory_space<vmem>>, vector<1x16xf32>,
          %get3A_152 = vector.shape_cast %get3A_151 : vector<1x16xf32> to vector<16xf32>
          %get3A_153 = arith.index_cast %scan3A_108 : i32 to index
          %get3A_154 = arith.constant 48 : index
          %get3A_155 = tpu.vector_load %arg10[%get3A_153, %get3A_154] {strides = array<i32>} : memref<80x128xf32, #tpu.memory_space<vmem>>, vector<1x16xf32>,
          %get3A_156 = vector.shape_cast %get3A_155 : vector<1x16xf32> to vector<16xf32>
          %add3A_157 = arith.addf %get3A_152, %get3A_156 : vector<16xf32>
          %swap3A_158 = arith.index_cast %scan3A_108 : i32 to index
          %swap3A_159 = arith.constant 48 : index
          %swap3A_160 = tpu.vector_load %arg13[%swap3A_158, %swap3A_159] {strides = array<i32>} : memref<80x128xf32, #tpu.memory_space<vmem>>, vector<1x16xf32>,
          %swap3A_161 = vector.shape_cast %swap3A_160 : vector<1x16xf32> to vector<16xf32>
          %swap3A_162 = vector.shape_cast %add3A_157 : vector<16xf32> to vector<1x16xf32>
          tpu.vector_store %arg13[%swap3A_158, %swap3A_159], %swap3A_162 {strides = array<i32>} : memref<80x128xf32, #tpu.memory_space<vmem>>, vector<1x16xf32>,
          %get3A_163 = arith.index_cast %scan3A_108 : i32 to index
          %get3A_164 = arith.constant 64 : index
          %get3A_165 = tpu.vector_load %arg9[%get3A_163, %get3A_164] {strides = array<i32>} : memref<80x128xf32, #tpu.memory_space<vmem>>, vector<1x16xf32>,
          %get3A_166 = vector.shape_cast %get3A_165 : vector<1x16xf32> to vector<16xf32>
          %get3A_167 = arith.index_cast %scan3A_108 : i32 to index
          %get3A_168 = arith.constant 64 : index
          %get3A_169 = tpu.vector_load %arg10[%get3A_167, %get3A_168] {strides = array<i32>} : memref<80x128xf32, #tpu.memory_space<vmem>>, vector<1x16xf32>,
          %get3A_170 = vector.shape_cast %get3A_169 : vector<1x16xf32> to vector<16xf32>
          %add3A_171 = arith.addf %get3A_166, %get3A_170 : vector<16xf32>
          %swap3A_172 = arith.index_cast %scan3A_108 : i32 to index
          %swap3A_173 = arith.constant 64 : index
          %swap3A_174 = tpu.vector_load %arg13[%swap3A_172, %swap3A_173] {strides = array<i32>} : memref<80x128xf32, #tpu.memory_space<vmem>>, vector<1x16xf32>,
          %swap3A_175 = vector.shape_cast %swap3A_174 : vector<1x16xf32> to vector<16xf32>
          %swap3A_176 = vector.shape_cast %add3A_171 : vector<16xf32> to vector<1x16xf32>
          tpu.vector_store %arg13[%swap3A_172, %swap3A_173], %swap3A_176 {strides = array<i32>} : memref<80x128xf32, #tpu.memory_space<vmem>>, vector<1x16xf32>,
          %get3A_177 = arith.index_cast %scan3A_108 : i32 to index
          %get3A_178 = arith.constant 80 : index
          %get3A_179 = tpu.vector_load %arg9[%get3A_177, %get3A_178] {strides = array<i32>} : memref<80x128xf32, #tpu.memory_space<vmem>>, vector<1x16xf32>,
          %get3A_180 = vector.shape_cast %get3A_179 : vector<1x16xf32> to vector<16xf32>
          %get3A_181 = arith.index_cast %scan3A_108 : i32 to index
          %get3A_182 = arith.constant 80 : index
          %get3A_183 = tpu.vector_load %arg10[%get3A_181, %get3A_182] {strides = array<i32>} : memref<80x128xf32, #tpu.memory_space<vmem>>, vector<1x16xf32>,
          %get3A_184 = vector.shape_cast %get3A_183 : vector<1x16xf32> to vector<16xf32>
          %add3A_185 = arith.addf %get3A_180, %get3A_184 : vector<16xf32>
          %swap3A_186 = arith.index_cast %scan3A_108 : i32 to index
          %swap3A_187 = arith.constant 80 : index
          %swap3A_188 = tpu.vector_load %arg13[%swap3A_186, %swap3A_187] {strides = array<i32>} : memref<80x128xf32, #tpu.memory_space<vmem>>, vector<1x16xf32>,
          %swap3A_189 = vector.shape_cast %swap3A_188 : vector<1x16xf32> to vector<16xf32>
          %swap3A_190 = vector.shape_cast %add3A_185 : vector<16xf32> to vector<1x16xf32>
          tpu.vector_store %arg13[%swap3A_186, %swap3A_187], %swap3A_190 {strides = array<i32>} : memref<80x128xf32, #tpu.memory_space<vmem>>, vector<1x16xf32>,
          %get3A_191 = arith.index_cast %scan3A_108 : i32 to index
          %get3A_192 = arith.constant 96 : index
          %get3A_193 = tpu.vector_load %arg9[%get3A_191, %get3A_192] {strides = array<i32>} : memref<80x128xf32, #tpu.memory_space<vmem>>, vector<1x16xf32>,
          %get3A_194 = vector.shape_cast %get3A_193 : vector<1x16xf32> to vector<16xf32>
          %get3A_195 = arith.index_cast %scan3A_108 : i32 to index
          %get3A_196 = arith.constant 96 : index
          %get3A_197 = tpu.vector_load %arg10[%get3A_195, %get3A_196] {strides = array<i32>} : memref<80x128xf32, #tpu.memory_space<vmem>>, vector<1x16xf32>,
          %get3A_198 = vector.shape_cast %get3A_197 : vector<1x16xf32> to vector<16xf32>
          %add3A_199 = arith.addf %get3A_194, %get3A_198 : vector<16xf32>
          %swap3A_200 = arith.index_cast %scan3A_108 : i32 to index
          %swap3A_201 = arith.constant 96 : index
          %swap3A_202 = tpu.vector_load %arg13[%swap3A_200, %swap3A_201] {strides = array<i32>} : memref<80x128xf32, #tpu.memory_space<vmem>>, vector<1x16xf32>,
          %swap3A_203 = vector.shape_cast %swap3A_202 : vector<1x16xf32> to vector<16xf32>
          %swap3A_204 = vector.shape_cast %add3A_199 : vector<16xf32> to vector<1x16xf32>
          tpu.vector_store %arg13[%swap3A_200, %swap3A_201], %swap3A_204 {strides = array<i32>} : memref<80x128xf32, #tpu.memory_space<vmem>>, vector<1x16xf32>,
          %get3A_205 = arith.index_cast %scan3A_108 : i32 to index
          %get3A_206 = arith.constant 112 : index
          %get3A_207 = tpu.vector_load %arg9[%get3A_205, %get3A_206] {strides = array<i32>} : memref<80x128xf32, #tpu.memory_space<vmem>>, vector<1x16xf32>,
          %get3A_208 = vector.shape_cast %get3A_207 : vector<1x16xf32> to vector<16xf32>
          %get3A_209 = arith.index_cast %scan3A_108 : i32 to index
          %get3A_210 = arith.constant 112 : index
          %get3A_211 = tpu.vector_load %arg10[%get3A_209, %get3A_210] {strides = array<i32>} : memref<80x128xf32, #tpu.memory_space<vmem>>, vector<1x16xf32>,
          %get3A_212 = vector.shape_cast %get3A_211 : vector<1x16xf32> to vector<16xf32>
          %add3A_213 = arith.addf %get3A_208, %get3A_212 : vector<16xf32>
          %swap3A_214 = arith.index_cast %scan3A_108 : i32 to index
          %swap3A_215 = arith.constant 112 : index
          %swap3A_216 = tpu.vector_load %arg13[%swap3A_214, %swap3A_215] {strides = array<i32>} : memref<80x128xf32, #tpu.memory_space<vmem>>, vector<1x16xf32>,
          %swap3A_217 = vector.shape_cast %swap3A_216 : vector<1x16xf32> to vector<16xf32>
          %swap3A_218 = vector.shape_cast %add3A_213 : vector<16xf32> to vector<1x16xf32>
          tpu.vector_store %arg13[%swap3A_214, %swap3A_215], %swap3A_218 {strides = array<i32>} : memref<80x128xf32, #tpu.memory_space<vmem>>, vector<1x16xf32>,
        }
        %scan3A_97 = arith.constant 80 : i32
        %mul3A_98 = arith.constant 2000 : i32
        %mul3A_99 = arith.muli %add3A, %mul3A_98 : i32
        %mul3A_100 = arith.constant 80 : i32
        %mul3A_101 = arith.muli %scan3A_35, %mul3A_100 : i32
        %add3A_102 = arith.addi %mul3A_99, %mul3A_101 : i32
        %multiple_of3A_103 = tpu.assume_multiple %add3A_102, 16 : i32
        %dma_start3A_104 = arith.constant 0 : i32
        %dma_start3A_105 = tpu.memref_slice %arg6[%multiple_of3A_103, %dma_start3A_104] : memref<64000x128xf32, #tpu.memory_space<hbm>> -> memref<80x128xf32, #tpu.memory_space<hbm>>
        %dma_start3A_106 = arith.constant 0 : i32
        %dma_start3A_107 = tpu.memref_slice %arg6[%multiple_of3A_103, %dma_start3A_106] : memref<64000x128xf32, #tpu.memory_space<hbm>> -> memref<80x128xf32, #tpu.memory_space<hbm>>
        tpu.enqueue_dma source(%arg13 : memref<80x128xf32, #tpu.memory_space<vmem>>) target(%dma_start3A_107 : memref<80x128xf32, #tpu.memory_space<hbm>>) target_semaphore(%arg17 : memref<!tpu.dma_semaphore, #tpu.memory_space<semaphore_mem>>)
      } else {
      }
      %jit3A_48 = arith.constant 2 : i32
      %eq3A_49 = arith.constant 0 : i32
      %eq3A_50 = arith.cmpi eq, %jit3A_48, %eq3A_49 : i32
      %jit3A_51 = arith.constant 1 : i32
      %select_n3A_52 = arith.select %eq3A_50, %jit3A_51, %jit3A_48 : i32
      %rem3A_53 = arith.remsi %scan3A_35, %select_n3A_52 : i32
      %ne3A_54 = arith.constant 0 : i32
      %ne3A_55 = arith.cmpi ne, %rem3A_53, %ne3A_54 : i32
      %lt3A_56 = arith.constant 0 : i32
      %lt3A_57 = arith.cmpi slt, %rem3A_53, %lt3A_56 : i32
      %lt3A_58 = arith.constant 0 : i32
      %lt3A_59 = arith.cmpi slt, %select_n3A_52, %lt3A_58 : i32
      %ne3A_60 = arith.xori %lt3A_57, %lt3A_59 : i1
      %and3A_61 = arith.andi %ne3A_60, %ne3A_55 : i1
      %add3A_62 = arith.addi %rem3A_53, %select_n3A_52 : i32
      %select_n3A_63 = arith.select %and3A_61, %add3A_62, %rem3A_53 : i32
      %eq3A_64 = arith.constant 1 : i32
      %eq3A_65 = arith.cmpi eq, %select_n3A_63, %eq3A_64 : i32
      %convert_element_type3A_66 = arith.extui %eq3A_65 : i1 to i32
      %cond3A_67 = arith.constant 0 : i32
      %cond3A_68 = arith.cmpi ne, %convert_element_type3A_66, %cond3A_67 : i32
      scf.if %cond3A_68 {
        %add3A_69 = arith.constant 1 : i32
        %add3A_70 = arith.addi %scan3A_35, %add3A_69 : i32
        %lt3A_71 = arith.constant 25 : i32
        %lt3A_72 = arith.cmpi slt, %add3A_70, %lt3A_71 : i32
        %convert_element_type3A_73 = arith.extui %lt3A_72 : i1 to i32
        %cond3A_74 = arith.constant 0 : i32
        %cond3A_75 = arith.cmpi ne, %convert_element_type3A_73, %cond3A_74 : i32
        scf.if %cond3A_75 {
          %add3A_108 = arith.constant 1 : i32
          %add3A_109 = arith.addi %scan3A_35, %add3A_108 : i32
          %dma_start3A_110 = arith.constant 0 : i32
          %dma_start3A_111 = tpu.memref_slice %arg7[%add3A_109, %dma_start3A_110] : memref<25x80xi32, #tpu.memory_space<vmem>> -> memref<1x80xi32, #tpu.memory_space<vmem>>
          %dma_start3A_112 = tpu.memref_squeeze %dma_start3A_111 : memref<1x80xi32, #tpu.memory_space<vmem>> -> memref<80xi32, #tpu.memory_space<vmem>>
          %dma_start3A_113 = arith.constant 0 : i32
          %dma_start3A_114 = arith.constant 0 : i32
          %dma_start3A_115 = tpu.memref_slice %arg2[%dma_start3A_113, %dma_start3A_114] : memref<10000x128xf32, #tpu.memory_space<hbm>> -> memref<10000x128xf32, #tpu.memory_space<hbm>>
          tpu.enqueue_indirect_dma source(%dma_start3A_115 : memref<10000x128xf32, #tpu.memory_space<hbm>>) target(%arg9 : memref<80x128xf32, #tpu.memory_space<vmem>>) offsets(%dma_start3A_112 : memref<80xi32, #tpu.memory_space<vmem>>) semaphore(%arg15 : memref<!tpu.dma_semaphore, #tpu.memory_space<semaphore_mem>>)
          %dma_start3A_116 = arith.constant 0 : i32
          %dma_start3A_117 = tpu.memref_slice %arg8[%add3A_109, %dma_start3A_116] : memref<25x80xi32, #tpu.memory_space<vmem>> -> memref<1x80xi32, #tpu.memory_space<vmem>>
          %dma_start3A_118 = tpu.memref_squeeze %dma_start3A_117 : memref<1x80xi32, #tpu.memory_space<vmem>> -> memref<80xi32, #tpu.memory_space<vmem>>
          %dma_start3A_119 = arith.constant 0 : i32
          %dma_start3A_120 = arith.constant 0 : i32
          %dma_start3A_121 = tpu.memref_slice %arg3[%dma_start3A_119, %dma_start3A_120] : memref<10000x128xf32, #tpu.memory_space<hbm>> -> memref<10000x128xf32, #tpu.memory_space<hbm>>
          tpu.enqueue_indirect_dma source(%dma_start3A_121 : memref<10000x128xf32, #tpu.memory_space<hbm>>) target(%arg10 : memref<80x128xf32, #tpu.memory_space<vmem>>) offsets(%dma_start3A_118 : memref<80xi32, #tpu.memory_space<vmem>>) semaphore(%arg16 : memref<!tpu.dma_semaphore, #tpu.memory_space<semaphore_mem>>)
        } else {
        }
        %dma_wait3A_76 = arith.constant 0 : i32
        %dma_wait3A_77 = tpu.memref_slice %arg7[%scan3A_35, %dma_wait3A_76] : memref<25x80xi32, #tpu.memory_space<vmem>> -> memref<1x80xi32, #tpu.memory_space<vmem>>
        %dma_wait3A_78 = tpu.memref_squeeze %dma_wait3A_77 : memref<1x80xi32, #tpu.memory_space<vmem>> -> memref<80xi32, #tpu.memory_space<vmem>>
        %dma_wait3A_79 = arith.constant 0 : i32
        %dma_wait3A_80 = arith.constant 0 : i32
        %dma_wait3A_81 = tpu.memref_slice %arg2[%dma_wait3A_79, %dma_wait3A_80] : memref<10000x128xf32, #tpu.memory_space<hbm>> -> memref<10000x128xf32, #tpu.memory_space<hbm>>
        tpu.wait_indirect_dma semaphore(%arg18 : memref<!tpu.dma_semaphore, #tpu.memory_space<semaphore_mem>>) src(%dma_wait3A_81 : memref<10000x128xf32, #tpu.memory_space<hbm>>) dst(%arg11 : memref<80x128xf32, #tpu.memory_space<vmem>>)
        %dma_wait3A_82 = arith.constant 0 : i32
        %dma_wait3A_83 = tpu.memref_slice %arg8[%scan3A_35, %dma_wait3A_82] : memref<25x80xi32, #tpu.memory_space<vmem>> -> memref<1x80xi32, #tpu.memory_space<vmem>>
        %dma_wait3A_84 = tpu.memref_squeeze %dma_wait3A_83 : memref<1x80xi32, #tpu.memory_space<vmem>> -> memref<80xi32, #tpu.memory_space<vmem>>
        %dma_wait3A_85 = arith.constant 0 : i32
        %dma_wait3A_86 = arith.constant 0 : i32
        %dma_wait3A_87 = tpu.memref_slice %arg3[%dma_wait3A_85, %dma_wait3A_86] : memref<10000x128xf32, #tpu.memory_space<hbm>> -> memref<10000x128xf32, #tpu.memory_space<hbm>>
        tpu.wait_indirect_dma semaphore(%arg19 : memref<!tpu.dma_semaphore, #tpu.memory_space<semaphore_mem>>) src(%dma_wait3A_87 : memref<10000x128xf32, #tpu.memory_space<hbm>>) dst(%arg12 : memref<80x128xf32, #tpu.memory_space<vmem>>)
        %ge3A = arith.constant 2 : i32
        %ge3A_88 = arith.cmpi sge, %scan3A_35, %ge3A : i32
        %convert_element_type3A_89 = arith.extui %ge3A_88 : i1 to i32
        %cond3A_90 = arith.constant 0 : i32
        %cond3A_91 = arith.cmpi ne, %convert_element_type3A_89, %cond3A_90 : i32
        scf.if %cond3A_91 {
          %sub3A = arith.constant 2 : i32
          %sub3A_108 = arith.subi %scan3A_35, %sub3A : i32
          %mul3A_109 = arith.constant 2000 : i32
          %mul3A_110 = arith.muli %add3A, %mul3A_109 : i32
          %mul3A_111 = arith.constant 80 : i32
          %mul3A_112 = arith.muli %sub3A_108, %mul3A_111 : i32
          %add3A_113 = arith.addi %mul3A_110, %mul3A_112 : i32
          %multiple_of3A_114 = tpu.assume_multiple %add3A_113, 16 : i32
          %dma_wait3A_115 = arith.constant 0 : i32
          %dma_wait3A_116 = tpu.memref_slice %arg6[%multiple_of3A_114, %dma_wait3A_115] : memref<64000x128xf32, #tpu.memory_space<hbm>> -> memref<80x128xf32, #tpu.memory_space<hbm>>
          %dma_wait3A_117 = arith.constant 0 : i32
          %dma_wait3A_118 = tpu.memref_slice %arg6[%multiple_of3A_114, %dma_wait3A_117] : memref<64000x128xf32, #tpu.memory_space<hbm>> -> memref<80x128xf32, #tpu.memory_space<hbm>>
          tpu.wait_dma2 semaphore(%arg20 : memref<!tpu.dma_semaphore, #tpu.memory_space<semaphore_mem>>) src(%arg14 : memref<80x128xf32, #tpu.memory_space<vmem>>) dst(%dma_wait3A_118 : memref<80x128xf32, #tpu.memory_space<hbm>>)
        } else {
        }
        %scan3A_92 = arith.constant 0 : i32
        %scan3A_93 = arith.constant 0 : i32
        %scan3A_94 = arith.constant 80 : i32
        %scan3A_95 = arith.addi %scan3A_93, %scan3A_94 : i32
        %scan3A_96 = arith.constant 1 : i32
        scf.for %scan3A_108 = %scan3A_93 to %scan3A_95 step %scan3A_96  : i32 {
          %get3A = arith.index_cast %scan3A_108 : i32 to index
          %get3A_109 = arith.constant 0 : index
          %get3A_110 = tpu.vector_load %arg11[%get3A, %get3A_109] {strides = array<i32>} : memref<80x128xf32, #tpu.memory_space<vmem>>, vector<1x16xf32>,
          %get3A_111 = vector.shape_cast %get3A_110 : vector<1x16xf32> to vector<16xf32>
          %get3A_112 = arith.index_cast %scan3A_108 : i32 to index
          %get3A_113 = arith.constant 0 : index
          %get3A_114 = tpu.vector_load %arg12[%get3A_112, %get3A_113] {strides = array<i32>} : memref<80x128xf32, #tpu.memory_space<vmem>>, vector<1x16xf32>,
          %get3A_115 = vector.shape_cast %get3A_114 : vector<1x16xf32> to vector<16xf32>
          %add3A_116 = arith.addf %get3A_111, %get3A_115 : vector<16xf32>
          %swap3A = arith.index_cast %scan3A_108 : i32 to index
          %swap3A_117 = arith.constant 0 : index
          %swap3A_118 = tpu.vector_load %arg14[%swap3A, %swap3A_117] {strides = array<i32>} : memref<80x128xf32, #tpu.memory_space<vmem>>, vector<1x16xf32>,
          %swap3A_119 = vector.shape_cast %swap3A_118 : vector<1x16xf32> to vector<16xf32>
          %swap3A_120 = vector.shape_cast %add3A_116 : vector<16xf32> to vector<1x16xf32>
          tpu.vector_store %arg14[%swap3A, %swap3A_117], %swap3A_120 {strides = array<i32>} : memref<80x128xf32, #tpu.memory_space<vmem>>, vector<1x16xf32>,
          %get3A_121 = arith.index_cast %scan3A_108 : i32 to index
          %get3A_122 = arith.constant 16 : index
          %get3A_123 = tpu.vector_load %arg11[%get3A_121, %get3A_122] {strides = array<i32>} : memref<80x128xf32, #tpu.memory_space<vmem>>, vector<1x16xf32>,
          %get3A_124 = vector.shape_cast %get3A_123 : vector<1x16xf32> to vector<16xf32>
          %get3A_125 = arith.index_cast %scan3A_108 : i32 to index
          %get3A_126 = arith.constant 16 : index
          %get3A_127 = tpu.vector_load %arg12[%get3A_125, %get3A_126] {strides = array<i32>} : memref<80x128xf32, #tpu.memory_space<vmem>>, vector<1x16xf32>,
          %get3A_128 = vector.shape_cast %get3A_127 : vector<1x16xf32> to vector<16xf32>
          %add3A_129 = arith.addf %get3A_124, %get3A_128 : vector<16xf32>
          %swap3A_130 = arith.index_cast %scan3A_108 : i32 to index
          %swap3A_131 = arith.constant 16 : index
          %swap3A_132 = tpu.vector_load %arg14[%swap3A_130, %swap3A_131] {strides = array<i32>} : memref<80x128xf32, #tpu.memory_space<vmem>>, vector<1x16xf32>,
          %swap3A_133 = vector.shape_cast %swap3A_132 : vector<1x16xf32> to vector<16xf32>
          %swap3A_134 = vector.shape_cast %add3A_129 : vector<16xf32> to vector<1x16xf32>
          tpu.vector_store %arg14[%swap3A_130, %swap3A_131], %swap3A_134 {strides = array<i32>} : memref<80x128xf32, #tpu.memory_space<vmem>>, vector<1x16xf32>,
          %get3A_135 = arith.index_cast %scan3A_108 : i32 to index
          %get3A_136 = arith.constant 32 : index
          %get3A_137 = tpu.vector_load %arg11[%get3A_135, %get3A_136] {strides = array<i32>} : memref<80x128xf32, #tpu.memory_space<vmem>>, vector<1x16xf32>,
          %get3A_138 = vector.shape_cast %get3A_137 : vector<1x16xf32> to vector<16xf32>
          %get3A_139 = arith.index_cast %scan3A_108 : i32 to index
          %get3A_140 = arith.constant 32 : index
          %get3A_141 = tpu.vector_load %arg12[%get3A_139, %get3A_140] {strides = array<i32>} : memref<80x128xf32, #tpu.memory_space<vmem>>, vector<1x16xf32>,
          %get3A_142 = vector.shape_cast %get3A_141 : vector<1x16xf32> to vector<16xf32>
          %add3A_143 = arith.addf %get3A_138, %get3A_142 : vector<16xf32>
          %swap3A_144 = arith.index_cast %scan3A_108 : i32 to index
          %swap3A_145 = arith.constant 32 : index
          %swap3A_146 = tpu.vector_load %arg14[%swap3A_144, %swap3A_145] {strides = array<i32>} : memref<80x128xf32, #tpu.memory_space<vmem>>, vector<1x16xf32>,
          %swap3A_147 = vector.shape_cast %swap3A_146 : vector<1x16xf32> to vector<16xf32>
          %swap3A_148 = vector.shape_cast %add3A_143 : vector<16xf32> to vector<1x16xf32>
          tpu.vector_store %arg14[%swap3A_144, %swap3A_145], %swap3A_148 {strides = array<i32>} : memref<80x128xf32, #tpu.memory_space<vmem>>, vector<1x16xf32>,
          %get3A_149 = arith.index_cast %scan3A_108 : i32 to index
          %get3A_150 = arith.constant 48 : index
          %get3A_151 = tpu.vector_load %arg11[%get3A_149, %get3A_150] {strides = array<i32>} : memref<80x128xf32, #tpu.memory_space<vmem>>, vector<1x16xf32>,
          %get3A_152 = vector.shape_cast %get3A_151 : vector<1x16xf32> to vector<16xf32>
          %get3A_153 = arith.index_cast %scan3A_108 : i32 to index
          %get3A_154 = arith.constant 48 : index
          %get3A_155 = tpu.vector_load %arg12[%get3A_153, %get3A_154] {strides = array<i32>} : memref<80x128xf32, #tpu.memory_space<vmem>>, vector<1x16xf32>,
          %get3A_156 = vector.shape_cast %get3A_155 : vector<1x16xf32> to vector<16xf32>
          %add3A_157 = arith.addf %get3A_152, %get3A_156 : vector<16xf32>
          %swap3A_158 = arith.index_cast %scan3A_108 : i32 to index
          %swap3A_159 = arith.constant 48 : index
          %swap3A_160 = tpu.vector_load %arg14[%swap3A_158, %swap3A_159] {strides = array<i32>} : memref<80x128xf32, #tpu.memory_space<vmem>>, vector<1x16xf32>,
          %swap3A_161 = vector.shape_cast %swap3A_160 : vector<1x16xf32> to vector<16xf32>
          %swap3A_162 = vector.shape_cast %add3A_157 : vector<16xf32> to vector<1x16xf32>
          tpu.vector_store %arg14[%swap3A_158, %swap3A_159], %swap3A_162 {strides = array<i32>} : memref<80x128xf32, #tpu.memory_space<vmem>>, vector<1x16xf32>,
          %get3A_163 = arith.index_cast %scan3A_108 : i32 to index
          %get3A_164 = arith.constant 64 : index
          %get3A_165 = tpu.vector_load %arg11[%get3A_163, %get3A_164] {strides = array<i32>} : memref<80x128xf32, #tpu.memory_space<vmem>>, vector<1x16xf32>,
          %get3A_166 = vector.shape_cast %get3A_165 : vector<1x16xf32> to vector<16xf32>
          %get3A_167 = arith.index_cast %scan3A_108 : i32 to index
          %get3A_168 = arith.constant 64 : index
          %get3A_169 = tpu.vector_load %arg12[%get3A_167, %get3A_168] {strides = array<i32>} : memref<80x128xf32, #tpu.memory_space<vmem>>, vector<1x16xf32>,
          %get3A_170 = vector.shape_cast %get3A_169 : vector<1x16xf32> to vector<16xf32>
          %add3A_171 = arith.addf %get3A_166, %get3A_170 : vector<16xf32>
          %swap3A_172 = arith.index_cast %scan3A_108 : i32 to index
          %swap3A_173 = arith.constant 64 : index
          %swap3A_174 = tpu.vector_load %arg14[%swap3A_172, %swap3A_173] {strides = array<i32>} : memref<80x128xf32, #tpu.memory_space<vmem>>, vector<1x16xf32>,
          %swap3A_175 = vector.shape_cast %swap3A_174 : vector<1x16xf32> to vector<16xf32>
          %swap3A_176 = vector.shape_cast %add3A_171 : vector<16xf32> to vector<1x16xf32>
          tpu.vector_store %arg14[%swap3A_172, %swap3A_173], %swap3A_176 {strides = array<i32>} : memref<80x128xf32, #tpu.memory_space<vmem>>, vector<1x16xf32>,
          %get3A_177 = arith.index_cast %scan3A_108 : i32 to index
          %get3A_178 = arith.constant 80 : index
          %get3A_179 = tpu.vector_load %arg11[%get3A_177, %get3A_178] {strides = array<i32>} : memref<80x128xf32, #tpu.memory_space<vmem>>, vector<1x16xf32>,
          %get3A_180 = vector.shape_cast %get3A_179 : vector<1x16xf32> to vector<16xf32>
          %get3A_181 = arith.index_cast %scan3A_108 : i32 to index
          %get3A_182 = arith.constant 80 : index
          %get3A_183 = tpu.vector_load %arg12[%get3A_181, %get3A_182] {strides = array<i32>} : memref<80x128xf32, #tpu.memory_space<vmem>>, vector<1x16xf32>,
          %get3A_184 = vector.shape_cast %get3A_183 : vector<1x16xf32> to vector<16xf32>
          %add3A_185 = arith.addf %get3A_180, %get3A_184 : vector<16xf32>
          %swap3A_186 = arith.index_cast %scan3A_108 : i32 to index
          %swap3A_187 = arith.constant 80 : index
          %swap3A_188 = tpu.vector_load %arg14[%swap3A_186, %swap3A_187] {strides = array<i32>} : memref<80x128xf32, #tpu.memory_space<vmem>>, vector<1x16xf32>,
          %swap3A_189 = vector.shape_cast %swap3A_188 : vector<1x16xf32> to vector<16xf32>
          %swap3A_190 = vector.shape_cast %add3A_185 : vector<16xf32> to vector<1x16xf32>
          tpu.vector_store %arg14[%swap3A_186, %swap3A_187], %swap3A_190 {strides = array<i32>} : memref<80x128xf32, #tpu.memory_space<vmem>>, vector<1x16xf32>,
          %get3A_191 = arith.index_cast %scan3A_108 : i32 to index
          %get3A_192 = arith.constant 96 : index
          %get3A_193 = tpu.vector_load %arg11[%get3A_191, %get3A_192] {strides = array<i32>} : memref<80x128xf32, #tpu.memory_space<vmem>>, vector<1x16xf32>,
          %get3A_194 = vector.shape_cast %get3A_193 : vector<1x16xf32> to vector<16xf32>
          %get3A_195 = arith.index_cast %scan3A_108 : i32 to index
          %get3A_196 = arith.constant 96 : index
          %get3A_197 = tpu.vector_load %arg12[%get3A_195, %get3A_196] {strides = array<i32>} : memref<80x128xf32, #tpu.memory_space<vmem>>, vector<1x16xf32>,
          %get3A_198 = vector.shape_cast %get3A_197 : vector<1x16xf32> to vector<16xf32>
          %add3A_199 = arith.addf %get3A_194, %get3A_198 : vector<16xf32>
          %swap3A_200 = arith.index_cast %scan3A_108 : i32 to index
          %swap3A_201 = arith.constant 96 : index
          %swap3A_202 = tpu.vector_load %arg14[%swap3A_200, %swap3A_201] {strides = array<i32>} : memref<80x128xf32, #tpu.memory_space<vmem>>, vector<1x16xf32>,
          %swap3A_203 = vector.shape_cast %swap3A_202 : vector<1x16xf32> to vector<16xf32>
          %swap3A_204 = vector.shape_cast %add3A_199 : vector<16xf32> to vector<1x16xf32>
          tpu.vector_store %arg14[%swap3A_200, %swap3A_201], %swap3A_204 {strides = array<i32>} : memref<80x128xf32, #tpu.memory_space<vmem>>, vector<1x16xf32>,
          %get3A_205 = arith.index_cast %scan3A_108 : i32 to index
          %get3A_206 = arith.constant 112 : index
          %get3A_207 = tpu.vector_load %arg11[%get3A_205, %get3A_206] {strides = array<i32>} : memref<80x128xf32, #tpu.memory_space<vmem>>, vector<1x16xf32>,
          %get3A_208 = vector.shape_cast %get3A_207 : vector<1x16xf32> to vector<16xf32>
          %get3A_209 = arith.index_cast %scan3A_108 : i32 to index
          %get3A_210 = arith.constant 112 : index
          %get3A_211 = tpu.vector_load %arg12[%get3A_209, %get3A_210] {strides = array<i32>} : memref<80x128xf32, #tpu.memory_space<vmem>>, vector<1x16xf32>,
          %get3A_212 = vector.shape_cast %get3A_211 : vector<1x16xf32> to vector<16xf32>
          %add3A_213 = arith.addf %get3A_208, %get3A_212 : vector<16xf32>
          %swap3A_214 = arith.index_cast %scan3A_108 : i32 to index
          %swap3A_215 = arith.constant 112 : index
          %swap3A_216 = tpu.vector_load %arg14[%swap3A_214, %swap3A_215] {strides = array<i32>} : memref<80x128xf32, #tpu.memory_space<vmem>>, vector<1x16xf32>,
          %swap3A_217 = vector.shape_cast %swap3A_216 : vector<1x16xf32> to vector<16xf32>
          %swap3A_218 = vector.shape_cast %add3A_213 : vector<16xf32> to vector<1x16xf32>
          tpu.vector_store %arg14[%swap3A_214, %swap3A_215], %swap3A_218 {strides = array<i32>} : memref<80x128xf32, #tpu.memory_space<vmem>>, vector<1x16xf32>,
        }
        %scan3A_97 = arith.constant 80 : i32
        %mul3A_98 = arith.constant 2000 : i32
        %mul3A_99 = arith.muli %add3A, %mul3A_98 : i32
        %mul3A_100 = arith.constant 80 : i32
        %mul3A_101 = arith.muli %scan3A_35, %mul3A_100 : i32
        %add3A_102 = arith.addi %mul3A_99, %mul3A_101 : i32
        %multiple_of3A_103 = tpu.assume_multiple %add3A_102, 16 : i32
        %dma_start3A_104 = arith.constant 0 : i32
        %dma_start3A_105 = tpu.memref_slice %arg6[%multiple_of3A_103, %dma_start3A_104] : memref<64000x128xf32, #tpu.memory_space<hbm>> -> memref<80x128xf32, #tpu.memory_space<hbm>>
        %dma_start3A_106 = arith.constant 0 : i32
        %dma_start3A_107 = tpu.memref_slice %arg6[%multiple_of3A_103, %dma_start3A_106] : memref<64000x128xf32, #tpu.memory_space<hbm>> -> memref<80x128xf32, #tpu.memory_space<hbm>>
        tpu.enqueue_dma source(%arg14 : memref<80x128xf32, #tpu.memory_space<vmem>>) target(%dma_start3A_107 : memref<80x128xf32, #tpu.memory_space<hbm>>) target_semaphore(%arg20 : memref<!tpu.dma_semaphore, #tpu.memory_space<semaphore_mem>>)
      } else {
      }
    }
    %scan3A_18 = arith.constant 25 : i32
    %mul3A_19 = arith.constant 2000 : i32
    %mul3A_20 = arith.muli %add3A, %mul3A_19 : i32
    %add3A_21 = arith.constant 1920 : i32
    %add3A_22 = arith.addi %mul3A_20, %add3A_21 : i32
    %multiple_of3A = tpu.assume_multiple %add3A_22, 16 : i32
    %dma_wait3A = arith.constant 0 : i32
    %dma_wait3A_23 = tpu.memref_slice %arg6[%multiple_of3A, %dma_wait3A] : memref<64000x128xf32, #tpu.memory_space<hbm>> -> memref<80x128xf32, #tpu.memory_space<hbm>>
    %dma_wait3A_24 = arith.constant 0 : i32
    %dma_wait3A_25 = tpu.memref_slice %arg6[%multiple_of3A, %dma_wait3A_24] : memref<64000x128xf32, #tpu.memory_space<hbm>> -> memref<80x128xf32, #tpu.memory_space<hbm>>
    tpu.wait_dma2 semaphore(%arg17 : memref<!tpu.dma_semaphore, #tpu.memory_space<semaphore_mem>>) src(%arg13 : memref<80x128xf32, #tpu.memory_space<vmem>>) dst(%dma_wait3A_25 : memref<80x128xf32, #tpu.memory_space<hbm>>)
    %mul3A_26 = arith.constant 2000 : i32
    %mul3A_27 = arith.muli %add3A, %mul3A_26 : i32
    %add3A_28 = arith.constant 1840 : i32
    %add3A_29 = arith.addi %mul3A_27, %add3A_28 : i32
    %multiple_of3A_30 = tpu.assume_multiple %add3A_29, 16 : i32
    %dma_wait3A_31 = arith.constant 0 : i32
    %dma_wait3A_32 = tpu.memref_slice %arg6[%multiple_of3A_30, %dma_wait3A_31] : memref<64000x128xf32, #tpu.memory_space<hbm>> -> memref<80x128xf32, #tpu.memory_space<hbm>>
    %dma_wait3A_33 = arith.constant 0 : i32
    %dma_wait3A_34 = tpu.memref_slice %arg6[%multiple_of3A_30, %dma_wait3A_33] : memref<64000x128xf32, #tpu.memory_space<hbm>> -> memref<80x128xf32, #tpu.memory_space<hbm>>
    tpu.wait_dma2 semaphore(%arg20 : memref<!tpu.dma_semaphore, #tpu.memory_space<semaphore_mem>>) src(%arg14 : memref<80x128xf32, #tpu.memory_space<vmem>>) dst(%dma_wait3A_34 : memref<80x128xf32, #tpu.memory_space<hbm>>)
    return
  }
}

#map = affine_map<(d0, d1) -> (0, 0)>
#map1 = affine_map<(d0, d1) -> (0, 0, 0)>
module attributes {stable_mosaic.version = 14 : i64} {
  func.func @body(%arg0: i32, %arg1: i32, %arg2: memref<10000x128xf32, #tpu.memory_space<hbm>>, %arg3: memref<10000x128xf32, #tpu.memory_space<hbm>>, %arg4: memref<32x25x80xi32, #tpu.memory_space<hbm>>, %arg5: memref<32x25x80xi32, #tpu.memory_space<hbm>>, %arg6: memref<64000x128xf32, #tpu.memory_space<hbm>>, %arg7: memref<25x80xi32, #tpu.memory_space<vmem>>, %arg8: memref<25x80xi32, #tpu.memory_space<vmem>>, %arg9: memref<80x128xf32, #tpu.memory_space<vmem>>, %arg10: memref<80x128xf32, #tpu.memory_space<vmem>>, %arg11: memref<80x128xf32, #tpu.memory_space<vmem>>, %arg12: memref<80x128xf32, #tpu.memory_space<vmem>>, %arg13: memref<80x128xf32, #tpu.memory_space<vmem>>, %arg14: memref<80x128xf32, #tpu.memory_space<vmem>>, %arg15: memref<!tpu.dma_semaphore, #tpu.memory_space<semaphore_mem>>, %arg16: memref<!tpu.dma_semaphore, #tpu.memory_space<semaphore_mem>>, %arg17: memref<!tpu.dma_semaphore, #tpu.memory_space<semaphore_mem>>, %arg18: memref<!tpu.dma_semaphore, #tpu.memory_space<semaphore_mem>>, %arg19: memref<!tpu.dma_semaphore, #tpu.memory_space<semaphore_mem>>, %arg20: memref<!tpu.dma_semaphore, #tpu.memory_space<semaphore_mem>>) attributes {dimension_semantics = [#tpu.dimension_semantics<core_parallel>, #tpu.dimension_semantics<subcore_parallel>], iteration_bounds = array<i64: 2, 16>, scalar_prefetch = 0 : i64, scratch_operands = 14 : i64, tpu.core_type = #tpu.core_type<sc_vector_subcore>, window_params = [{transform_indices = #map}, {transform_indices = #map}, {transform_indices = #map1}, {transform_indices = #map1}, {transform_indices = #map}]} {
    %mul3A = arith.constant 2 : i32
    %mul3A_0 = arith.muli %arg1, %mul3A : i32
    %add3A = arith.addi %mul3A_0, %arg0 : i32
    "tpu.region"() ({
      %run_scoped3A = tpu.sem_alloc : memref<!tpu.dma_semaphore, #tpu.memory_space<semaphore_mem>>
      %dma_start3A_35 = arith.constant 0 : i32
      %dma_start3A_36 = arith.constant 0 : i32
      %dma_start3A_37 = tpu.memref_slice %arg4[%add3A, %dma_start3A_35, %dma_start3A_36] : memref<32x25x80xi32, #tpu.memory_space<hbm>> -> memref<1x25x80xi32, #tpu.memory_space<hbm>>
      %dma_start3A_38 = tpu.memref_squeeze %dma_start3A_37 : memref<1x25x80xi32, #tpu.memory_space<hbm>> -> memref<25x80xi32, #tpu.memory_space<hbm>>
      %dma_start3A_39 = arith.constant 0 : i32
      %dma_start3A_40 = arith.constant 0 : i32
      %dma_start3A_41 = tpu.memref_slice %arg4[%add3A, %dma_start3A_39, %dma_start3A_40] : memref<32x25x80xi32, #tpu.memory_space<hbm>> -> memref<1x25x80xi32, #tpu.memory_space<hbm>>
      %dma_start3A_42 = tpu.memref_squeeze %dma_start3A_41 : memref<1x25x80xi32, #tpu.memory_space<hbm>> -> memref<25x80xi32, #tpu.memory_space<hbm>>
      tpu.enqueue_dma source(%dma_start3A_42 : memref<25x80xi32, #tpu.memory_space<hbm>>) target(%arg7 : memref<25x80xi32, #tpu.memory_space<vmem>>) target_semaphore(%run_scoped3A : memref<!tpu.dma_semaphore, #tpu.memory_space<semaphore_mem>>)
      %dma_wait3A_43 = arith.constant 0 : i32
      %dma_wait3A_44 = arith.constant 0 : i32
      %dma_wait3A_45 = tpu.memref_slice %arg4[%add3A, %dma_wait3A_43, %dma_wait3A_44] : memref<32x25x80xi32, #tpu.memory_space<hbm>> -> memref<1x25x80xi32, #tpu.memory_space<hbm>>
      %dma_wait3A_46 = tpu.memref_squeeze %dma_wait3A_45 : memref<1x25x80xi32, #tpu.memory_space<hbm>> -> memref<25x80xi32, #tpu.memory_space<hbm>>
      %dma_wait3A_47 = arith.constant 0 : i32
      %dma_wait3A_48 = arith.constant 0 : i32
      %dma_wait3A_49 = tpu.memref_slice %arg4[%add3A, %dma_wait3A_47, %dma_wait3A_48] : memref<32x25x80xi32, #tpu.memory_space<hbm>> -> memref<1x25x80xi32, #tpu.memory_space<hbm>>
      %dma_wait3A_50 = tpu.memref_squeeze %dma_wait3A_49 : memref<1x25x80xi32, #tpu.memory_space<hbm>> -> memref<25x80xi32, #tpu.memory_space<hbm>>
      tpu.wait_dma2 semaphore(%run_scoped3A : memref<!tpu.dma_semaphore, #tpu.memory_space<semaphore_mem>>) src(%dma_wait3A_50 : memref<25x80xi32, #tpu.memory_space<hbm>>) dst(%arg7 : memref<25x80xi32, #tpu.memory_space<vmem>>)
      tpu.yield
    }) : () -> ()
    "tpu.region"() ({
      %run_scoped3A = tpu.sem_alloc : memref<!tpu.dma_semaphore, #tpu.memory_space<semaphore_mem>>
      %dma_start3A_35 = arith.constant 0 : i32
      %dma_start3A_36 = arith.constant 0 : i32
      %dma_start3A_37 = tpu.memref_slice %arg5[%add3A, %dma_start3A_35, %dma_start3A_36] : memref<32x25x80xi32, #tpu.memory_space<hbm>> -> memref<1x25x80xi32, #tpu.memory_space<hbm>>
      %dma_start3A_38 = tpu.memref_squeeze %dma_start3A_37 : memref<1x25x80xi32, #tpu.memory_space<hbm>> -> memref<25x80xi32, #tpu.memory_space<hbm>>
      %dma_start3A_39 = arith.constant 0 : i32
      %dma_start3A_40 = arith.constant 0 : i32
      %dma_start3A_41 = tpu.memref_slice %arg5[%add3A, %dma_start3A_39, %dma_start3A_40] : memref<32x25x80xi32, #tpu.memory_space<hbm>> -> memref<1x25x80xi32, #tpu.memory_space<hbm>>
      %dma_start3A_42 = tpu.memref_squeeze %dma_start3A_41 : memref<1x25x80xi32, #tpu.memory_space<hbm>> -> memref<25x80xi32, #tpu.memory_space<hbm>>
      tpu.enqueue_dma source(%dma_start3A_42 : memref<25x80xi32, #tpu.memory_space<hbm>>) target(%arg8 : memref<25x80xi32, #tpu.memory_space<vmem>>) target_semaphore(%run_scoped3A : memref<!tpu.dma_semaphore, #tpu.memory_space<semaphore_mem>>)
      %dma_wait3A_43 = arith.constant 0 : i32
      %dma_wait3A_44 = arith.constant 0 : i32
      %dma_wait3A_45 = tpu.memref_slice %arg5[%add3A, %dma_wait3A_43, %dma_wait3A_44] : memref<32x25x80xi32, #tpu.memory_space<hbm>> -> memref<1x25x80xi32, #tpu.memory_space<hbm>>
      %dma_wait3A_46 = tpu.memref_squeeze %dma_wait3A_45 : memref<1x25x80xi32, #tpu.memory_space<hbm>> -> memref<25x80xi32, #tpu.memory_space<hbm>>
      %dma_wait3A_47 = arith.constant 0 : i32
      %dma_wait3A_48 = arith.constant 0 : i32
      %dma_wait3A_49 = tpu.memref_slice %arg5[%add3A, %dma_wait3A_47, %dma_wait3A_48] : memref<32x25x80xi32, #tpu.memory_space<hbm>> -> memref<1x25x80xi32, #tpu.memory_space<hbm>>
      %dma_wait3A_50 = tpu.memref_squeeze %dma_wait3A_49 : memref<1x25x80xi32, #tpu.memory_space<hbm>> -> memref<25x80xi32, #tpu.memory_space<hbm>>
      tpu.wait_dma2 semaphore(%run_scoped3A : memref<!tpu.dma_semaphore, #tpu.memory_space<semaphore_mem>>) src(%dma_wait3A_50 : memref<25x80xi32, #tpu.memory_space<hbm>>) dst(%arg8 : memref<25x80xi32, #tpu.memory_space<vmem>>)
      tpu.yield
    }) : () -> ()
    %dma_start3A = arith.constant 0 : i32
    %dma_start3A_1 = arith.constant 0 : i32
    %dma_start3A_2 = tpu.memref_slice %arg7[%dma_start3A, %dma_start3A_1] : memref<25x80xi32, #tpu.memory_space<vmem>> -> memref<1x80xi32, #tpu.memory_space<vmem>>
    %dma_start3A_3 = tpu.memref_squeeze %dma_start3A_2 : memref<1x80xi32, #tpu.memory_space<vmem>> -> memref<80xi32, #tpu.memory_space<vmem>>
    %dma_start3A_4 = arith.constant 0 : i32
    %dma_start3A_5 = arith.constant 0 : i32
    %dma_start3A_6 = tpu.memref_slice %arg2[%dma_start3A_4, %dma_start3A_5] : memref<10000x128xf32, #tpu.memory_space<hbm>> -> memref<10000x128xf32, #tpu.memory_space<hbm>>
    tpu.enqueue_indirect_dma source(%dma_start3A_6 : memref<10000x128xf32, #tpu.memory_space<hbm>>) target(%arg9 : memref<80x128xf32, #tpu.memory_space<vmem>>) offsets(%dma_start3A_3 : memref<80xi32, #tpu.memory_space<vmem>>) semaphore(%arg15 : memref<!tpu.dma_semaphore, #tpu.memory_space<semaphore_mem>>)
    %dma_start3A_7 = arith.constant 0 : i32
    %dma_start3A_8 = arith.constant 0 : i32
    %dma_start3A_9 = tpu.memref_slice %arg8[%dma_start3A_7, %dma_start3A_8] : memref<25x80xi32, #tpu.memory_space<vmem>> -> memref<1x80xi32, #tpu.memory_space<vmem>>
    %dma_start3A_10 = tpu.memref_squeeze %dma_start3A_9 : memref<1x80xi32, #tpu.memory_space<vmem>> -> memref<80xi32, #tpu.memory_space<vmem>>
    %dma_start3A_11 = arith.constant 0 : i32
    %dma_start3A_12 = arith.constant 0 : i32
    %dma_start3A_13 = tpu.memref_slice %arg3[%dma_start3A_11, %dma_start3A_12] : memref<10000x128xf32, #tpu.memory_space<hbm>> -> memref<10000x128xf32, #tpu.memory_space<hbm>>
    tpu.enqueue_indirect_dma source(%dma_start3A_13 : memref<10000x128xf32, #tpu.memory_space<hbm>>) target(%arg10 : memref<80x128xf32, #tpu.memory_space<vmem>>) offsets(%dma_start3A_10 : memref<80xi32, #tpu.memory_space<vmem>>) semaphore(%arg16 : memref<!tpu.dma_semaphore, #tpu.memory_space<semaphore_mem>>)
    %scan3A = arith.constant 0 : i32
    %scan3A_14 = arith.constant 0 : i32
    %scan3A_15 = arith.constant 25 : i32
    %scan3A_16 = arith.addi %scan3A_14, %scan3A_15 : i32
    %scan3A_17 = arith.constant 1 : i32
    scf.for %scan3A_35 = %scan3A_14 to %scan3A_16 step %scan3A_17  : i32 {
      %jit3A = arith.constant 2 : i32
      %eq3A = arith.constant 0 : i32
      %eq3A_36 = arith.cmpi eq, %jit3A, %eq3A : i32
      %jit3A_37 = arith.constant 1 : i32
      %select_n3A = arith.select %eq3A_36, %jit3A_37, %jit3A : i32
      %rem3A = arith.remsi %scan3A_35, %select_n3A : i32
      %ne3A = arith.constant 0 : i32
      %ne3A_38 = arith.cmpi ne, %rem3A, %ne3A : i32
      %lt3A = arith.constant 0 : i32
      %lt3A_39 = arith.cmpi slt, %rem3A, %lt3A : i32
      %lt3A_40 = arith.constant 0 : i32
      %lt3A_41 = arith.cmpi slt, %select_n3A, %lt3A_40 : i32
      %ne3A_42 = arith.xori %lt3A_39, %lt3A_41 : i1
      %and3A = arith.andi %ne3A_42, %ne3A_38 : i1
      %add3A_43 = arith.addi %rem3A, %select_n3A : i32
      %select_n3A_44 = arith.select %and3A, %add3A_43, %rem3A : i32
      %eq3A_45 = arith.constant 0 : i32
      %eq3A_46 = arith.cmpi eq, %select_n3A_44, %eq3A_45 : i32
      %convert_element_type3A = arith.extui %eq3A_46 : i1 to i32
      %cond3A = arith.constant 0 : i32
      %cond3A_47 = arith.cmpi ne, %convert_element_type3A, %cond3A : i32
      scf.if %cond3A_47 {
        %add3A_69 = arith.constant 1 : i32
        %add3A_70 = arith.addi %scan3A_35, %add3A_69 : i32
        %lt3A_71 = arith.constant 25 : i32
        %lt3A_72 = arith.cmpi slt, %add3A_70, %lt3A_71 : i32
        %convert_element_type3A_73 = arith.extui %lt3A_72 : i1 to i32
        %cond3A_74 = arith.constant 0 : i32
        %cond3A_75 = arith.cmpi ne, %convert_element_type3A_73, %cond3A_74 : i32
        scf.if %cond3A_75 {
          %add3A_108 = arith.constant 1 : i32
          %add3A_109 = arith.addi %scan3A_35, %add3A_108 : i32
          %dma_start3A_110 = arith.constant 0 : i32
          %dma_start3A_111 = tpu.memref_slice %arg7[%add3A_109, %dma_start3A_110] : memref<25x80xi32, #tpu.memory_space<vmem>> -> memref<1x80xi32, #tpu.memory_space<vmem>>
          %dma_start3A_112 = tpu.memref_squeeze %dma_start3A_111 : memref<1x80xi32, #tpu.memory_space<vmem>> -> memref<80xi32, #tpu.memory_space<vmem>>
          %dma_start3A_113 = arith.constant 0 : i32
          %dma_start3A_114 = arith.constant 0 : i32
          %dma_start3A_115 = tpu.memref_slice %arg2[%dma_start3A_113, %dma_start3A_114] : memref<10000x128xf32, #tpu.memory_space<hbm>> -> memref<10000x128xf32, #tpu.memory_space<hbm>>
          tpu.enqueue_indirect_dma source(%dma_start3A_115 : memref<10000x128xf32, #tpu.memory_space<hbm>>) target(%arg11 : memref<80x128xf32, #tpu.memory_space<vmem>>) offsets(%dma_start3A_112 : memref<80xi32, #tpu.memory_space<vmem>>) semaphore(%arg18 : memref<!tpu.dma_semaphore, #tpu.memory_space<semaphore_mem>>)
          %dma_start3A_116 = arith.constant 0 : i32
          %dma_start3A_117 = tpu.memref_slice %arg8[%add3A_109, %dma_start3A_116] : memref<25x80xi32, #tpu.memory_space<vmem>> -> memref<1x80xi32, #tpu.memory_space<vmem>>
          %dma_start3A_118 = tpu.memref_squeeze %dma_start3A_117 : memref<1x80xi32, #tpu.memory_space<vmem>> -> memref<80xi32, #tpu.memory_space<vmem>>
          %dma_start3A_119 = arith.constant 0 : i32
          %dma_start3A_120 = arith.constant 0 : i32
          %dma_start3A_121 = tpu.memref_slice %arg3[%dma_start3A_119, %dma_start3A_120] : memref<10000x128xf32, #tpu.memory_space<hbm>> -> memref<10000x128xf32, #tpu.memory_space<hbm>>
          tpu.enqueue_indirect_dma source(%dma_start3A_121 : memref<10000x128xf32, #tpu.memory_space<hbm>>) target(%arg12 : memref<80x128xf32, #tpu.memory_space<vmem>>) offsets(%dma_start3A_118 : memref<80xi32, #tpu.memory_space<vmem>>) semaphore(%arg19 : memref<!tpu.dma_semaphore, #tpu.memory_space<semaphore_mem>>)
        } else {
        }
        %dma_wait3A_76 = arith.constant 0 : i32
        %dma_wait3A_77 = tpu.memref_slice %arg7[%scan3A_35, %dma_wait3A_76] : memref<25x80xi32, #tpu.memory_space<vmem>> -> memref<1x80xi32, #tpu.memory_space<vmem>>
        %dma_wait3A_78 = tpu.memref_squeeze %dma_wait3A_77 : memref<1x80xi32, #tpu.memory_space<vmem>> -> memref<80xi32, #tpu.memory_space<vmem>>
        %dma_wait3A_79 = arith.constant 0 : i32
        %dma_wait3A_80 = arith.constant 0 : i32
        %dma_wait3A_81 = tpu.memref_slice %arg2[%dma_wait3A_79, %dma_wait3A_80] : memref<10000x128xf32, #tpu.memory_space<hbm>> -> memref<10000x128xf32, #tpu.memory_space<hbm>>
        tpu.wait_indirect_dma semaphore(%arg15 : memref<!tpu.dma_semaphore, #tpu.memory_space<semaphore_mem>>) src(%dma_wait3A_81 : memref<10000x128xf32, #tpu.memory_space<hbm>>) dst(%arg9 : memref<80x128xf32, #tpu.memory_space<vmem>>)
        %dma_wait3A_82 = arith.constant 0 : i32
        %dma_wait3A_83 = tpu.memref_slice %arg8[%scan3A_35, %dma_wait3A_82] : memref<25x80xi32, #tpu.memory_space<vmem>> -> memref<1x80xi32, #tpu.memory_space<vmem>>
        %dma_wait3A_84 = tpu.memref_squeeze %dma_wait3A_83 : memref<1x80xi32, #tpu.memory_space<vmem>> -> memref<80xi32, #tpu.memory_space<vmem>>
        %dma_wait3A_85 = arith.constant 0 : i32
        %dma_wait3A_86 = arith.constant 0 : i32
        %dma_wait3A_87 = tpu.memref_slice %arg3[%dma_wait3A_85, %dma_wait3A_86] : memref<10000x128xf32, #tpu.memory_space<hbm>> -> memref<10000x128xf32, #tpu.memory_space<hbm>>
        tpu.wait_indirect_dma semaphore(%arg16 : memref<!tpu.dma_semaphore, #tpu.memory_space<semaphore_mem>>) src(%dma_wait3A_87 : memref<10000x128xf32, #tpu.memory_space<hbm>>) dst(%arg10 : memref<80x128xf32, #tpu.memory_space<vmem>>)
        %ge3A = arith.constant 2 : i32
        %ge3A_88 = arith.cmpi sge, %scan3A_35, %ge3A : i32
        %convert_element_type3A_89 = arith.extui %ge3A_88 : i1 to i32
        %cond3A_90 = arith.constant 0 : i32
        %cond3A_91 = arith.cmpi ne, %convert_element_type3A_89, %cond3A_90 : i32
        scf.if %cond3A_91 {
          %sub3A = arith.constant 2 : i32
          %sub3A_108 = arith.subi %scan3A_35, %sub3A : i32
          %mul3A_109 = arith.constant 2000 : i32
          %mul3A_110 = arith.muli %add3A, %mul3A_109 : i32
          %mul3A_111 = arith.constant 80 : i32
          %mul3A_112 = arith.muli %sub3A_108, %mul3A_111 : i32
          %add3A_113 = arith.addi %mul3A_110, %mul3A_112 : i32
          %multiple_of3A_114 = tpu.assume_multiple %add3A_113, 16 : i32
          %dma_wait3A_115 = arith.constant 0 : i32
          %dma_wait3A_116 = tpu.memref_slice %arg6[%multiple_of3A_114, %dma_wait3A_115] : memref<64000x128xf32, #tpu.memory_space<hbm>> -> memref<80x128xf32, #tpu.memory_space<hbm>>
          %dma_wait3A_117 = arith.constant 0 : i32
          %dma_wait3A_118 = tpu.memref_slice %arg6[%multiple_of3A_114, %dma_wait3A_117] : memref<64000x128xf32, #tpu.memory_space<hbm>> -> memref<80x128xf32, #tpu.memory_space<hbm>>
          tpu.wait_dma2 semaphore(%arg17 : memref<!tpu.dma_semaphore, #tpu.memory_space<semaphore_mem>>) src(%arg13 : memref<80x128xf32, #tpu.memory_space<vmem>>) dst(%dma_wait3A_118 : memref<80x128xf32, #tpu.memory_space<hbm>>)
        } else {
        }
        %scan3A_92 = arith.constant 0 : i32
        %scan3A_93 = arith.constant 0 : i32
        %scan3A_94 = arith.constant 80 : i32
        %scan3A_95 = arith.addi %scan3A_93, %scan3A_94 : i32
        %scan3A_96 = arith.constant 1 : i32
        scf.for %scan3A_108 = %scan3A_93 to %scan3A_95 step %scan3A_96  : i32 {
          %get3A = arith.index_cast %scan3A_108 : i32 to index
          %get3A_109 = arith.constant 0 : index
          %get3A_110 = tpu.vector_load %arg9[%get3A, %get3A_109] {strides = array<i32>} : memref<80x128xf32, #tpu.memory_space<vmem>>, vector<1x16xf32>,
          %get3A_111 = vector.shape_cast %get3A_110 : vector<1x16xf32> to vector<16xf32>
          %get3A_112 = arith.index_cast %scan3A_108 : i32 to index
          %get3A_113 = arith.constant 0 : index
          %get3A_114 = tpu.vector_load %arg10[%get3A_112, %get3A_113] {strides = array<i32>} : memref<80x128xf32, #tpu.memory_space<vmem>>, vector<1x16xf32>,
          %get3A_115 = vector.shape_cast %get3A_114 : vector<1x16xf32> to vector<16xf32>
          %add3A_116 = arith.addf %get3A_111, %get3A_115 : vector<16xf32>
          %swap3A = arith.index_cast %scan3A_108 : i32 to index
          %swap3A_117 = arith.constant 0 : index
          %swap3A_118 = tpu.vector_load %arg13[%swap3A, %swap3A_117] {strides = array<i32>} : memref<80x128xf32, #tpu.memory_space<vmem>>, vector<1x16xf32>,
          %swap3A_119 = vector.shape_cast %swap3A_118 : vector<1x16xf32> to vector<16xf32>
          %swap3A_120 = vector.shape_cast %add3A_116 : vector<16xf32> to vector<1x16xf32>
          tpu.vector_store %arg13[%swap3A, %swap3A_117], %swap3A_120 {strides = array<i32>} : memref<80x128xf32, #tpu.memory_space<vmem>>, vector<1x16xf32>,
          %get3A_121 = arith.index_cast %scan3A_108 : i32 to index
          %get3A_122 = arith.constant 16 : index
          %get3A_123 = tpu.vector_load %arg9[%get3A_121, %get3A_122] {strides = array<i32>} : memref<80x128xf32, #tpu.memory_space<vmem>>, vector<1x16xf32>,
          %get3A_124 = vector.shape_cast %get3A_123 : vector<1x16xf32> to vector<16xf32>
          %get3A_125 = arith.index_cast %scan3A_108 : i32 to index
          %get3A_126 = arith.constant 16 : index
          %get3A_127 = tpu.vector_load %arg10[%get3A_125, %get3A_126] {strides = array<i32>} : memref<80x128xf32, #tpu.memory_space<vmem>>, vector<1x16xf32>,
          %get3A_128 = vector.shape_cast %get3A_127 : vector<1x16xf32> to vector<16xf32>
          %add3A_129 = arith.addf %get3A_124, %get3A_128 : vector<16xf32>
          %swap3A_130 = arith.index_cast %scan3A_108 : i32 to index
          %swap3A_131 = arith.constant 16 : index
          %swap3A_132 = tpu.vector_load %arg13[%swap3A_130, %swap3A_131] {strides = array<i32>} : memref<80x128xf32, #tpu.memory_space<vmem>>, vector<1x16xf32>,
          %swap3A_133 = vector.shape_cast %swap3A_132 : vector<1x16xf32> to vector<16xf32>
          %swap3A_134 = vector.shape_cast %add3A_129 : vector<16xf32> to vector<1x16xf32>
          tpu.vector_store %arg13[%swap3A_130, %swap3A_131], %swap3A_134 {strides = array<i32>} : memref<80x128xf32, #tpu.memory_space<vmem>>, vector<1x16xf32>,
          %get3A_135 = arith.index_cast %scan3A_108 : i32 to index
          %get3A_136 = arith.constant 32 : index
          %get3A_137 = tpu.vector_load %arg9[%get3A_135, %get3A_136] {strides = array<i32>} : memref<80x128xf32, #tpu.memory_space<vmem>>, vector<1x16xf32>,
          %get3A_138 = vector.shape_cast %get3A_137 : vector<1x16xf32> to vector<16xf32>
          %get3A_139 = arith.index_cast %scan3A_108 : i32 to index
          %get3A_140 = arith.constant 32 : index
          %get3A_141 = tpu.vector_load %arg10[%get3A_139, %get3A_140] {strides = array<i32>} : memref<80x128xf32, #tpu.memory_space<vmem>>, vector<1x16xf32>,
          %get3A_142 = vector.shape_cast %get3A_141 : vector<1x16xf32> to vector<16xf32>
          %add3A_143 = arith.addf %get3A_138, %get3A_142 : vector<16xf32>
          %swap3A_144 = arith.index_cast %scan3A_108 : i32 to index
          %swap3A_145 = arith.constant 32 : index
          %swap3A_146 = tpu.vector_load %arg13[%swap3A_144, %swap3A_145] {strides = array<i32>} : memref<80x128xf32, #tpu.memory_space<vmem>>, vector<1x16xf32>,
          %swap3A_147 = vector.shape_cast %swap3A_146 : vector<1x16xf32> to vector<16xf32>
          %swap3A_148 = vector.shape_cast %add3A_143 : vector<16xf32> to vector<1x16xf32>
          tpu.vector_store %arg13[%swap3A_144, %swap3A_145], %swap3A_148 {strides = array<i32>} : memref<80x128xf32, #tpu.memory_space<vmem>>, vector<1x16xf32>,
          %get3A_149 = arith.index_cast %scan3A_108 : i32 to index
          %get3A_150 = arith.constant 48 : index
          %get3A_151 = tpu.vector_load %arg9[%get3A_149, %get3A_150] {strides = array<i32>} : memref<80x128xf32, #tpu.memory_space<vmem>>, vector<1x16xf32>,
          %get3A_152 = vector.shape_cast %get3A_151 : vector<1x16xf32> to vector<16xf32>
          %get3A_153 = arith.index_cast %scan3A_108 : i32 to index
          %get3A_154 = arith.constant 48 : index
          %get3A_155 = tpu.vector_load %arg10[%get3A_153, %get3A_154] {strides = array<i32>} : memref<80x128xf32, #tpu.memory_space<vmem>>, vector<1x16xf32>,
          %get3A_156 = vector.shape_cast %get3A_155 : vector<1x16xf32> to vector<16xf32>
          %add3A_157 = arith.addf %get3A_152, %get3A_156 : vector<16xf32>
          %swap3A_158 = arith.index_cast %scan3A_108 : i32 to index
          %swap3A_159 = arith.constant 48 : index
          %swap3A_160 = tpu.vector_load %arg13[%swap3A_158, %swap3A_159] {strides = array<i32>} : memref<80x128xf32, #tpu.memory_space<vmem>>, vector<1x16xf32>,
          %swap3A_161 = vector.shape_cast %swap3A_160 : vector<1x16xf32> to vector<16xf32>
          %swap3A_162 = vector.shape_cast %add3A_157 : vector<16xf32> to vector<1x16xf32>
          tpu.vector_store %arg13[%swap3A_158, %swap3A_159], %swap3A_162 {strides = array<i32>} : memref<80x128xf32, #tpu.memory_space<vmem>>, vector<1x16xf32>,
          %get3A_163 = arith.index_cast %scan3A_108 : i32 to index
          %get3A_164 = arith.constant 64 : index
          %get3A_165 = tpu.vector_load %arg9[%get3A_163, %get3A_164] {strides = array<i32>} : memref<80x128xf32, #tpu.memory_space<vmem>>, vector<1x16xf32>,
          %get3A_166 = vector.shape_cast %get3A_165 : vector<1x16xf32> to vector<16xf32>
          %get3A_167 = arith.index_cast %scan3A_108 : i32 to index
          %get3A_168 = arith.constant 64 : index
          %get3A_169 = tpu.vector_load %arg10[%get3A_167, %get3A_168] {strides = array<i32>} : memref<80x128xf32, #tpu.memory_space<vmem>>, vector<1x16xf32>,
          %get3A_170 = vector.shape_cast %get3A_169 : vector<1x16xf32> to vector<16xf32>
          %add3A_171 = arith.addf %get3A_166, %get3A_170 : vector<16xf32>
          %swap3A_172 = arith.index_cast %scan3A_108 : i32 to index
          %swap3A_173 = arith.constant 64 : index
          %swap3A_174 = tpu.vector_load %arg13[%swap3A_172, %swap3A_173] {strides = array<i32>} : memref<80x128xf32, #tpu.memory_space<vmem>>, vector<1x16xf32>,
          %swap3A_175 = vector.shape_cast %swap3A_174 : vector<1x16xf32> to vector<16xf32>
          %swap3A_176 = vector.shape_cast %add3A_171 : vector<16xf32> to vector<1x16xf32>
          tpu.vector_store %arg13[%swap3A_172, %swap3A_173], %swap3A_176 {strides = array<i32>} : memref<80x128xf32, #tpu.memory_space<vmem>>, vector<1x16xf32>,
          %get3A_177 = arith.index_cast %scan3A_108 : i32 to index
          %get3A_178 = arith.constant 80 : index
          %get3A_179 = tpu.vector_load %arg9[%get3A_177, %get3A_178] {strides = array<i32>} : memref<80x128xf32, #tpu.memory_space<vmem>>, vector<1x16xf32>,
          %get3A_180 = vector.shape_cast %get3A_179 : vector<1x16xf32> to vector<16xf32>
          %get3A_181 = arith.index_cast %scan3A_108 : i32 to index
          %get3A_182 = arith.constant 80 : index
          %get3A_183 = tpu.vector_load %arg10[%get3A_181, %get3A_182] {strides = array<i32>} : memref<80x128xf32, #tpu.memory_space<vmem>>, vector<1x16xf32>,
          %get3A_184 = vector.shape_cast %get3A_183 : vector<1x16xf32> to vector<16xf32>
          %add3A_185 = arith.addf %get3A_180, %get3A_184 : vector<16xf32>
          %swap3A_186 = arith.index_cast %scan3A_108 : i32 to index
          %swap3A_187 = arith.constant 80 : index
          %swap3A_188 = tpu.vector_load %arg13[%swap3A_186, %swap3A_187] {strides = array<i32>} : memref<80x128xf32, #tpu.memory_space<vmem>>, vector<1x16xf32>,
          %swap3A_189 = vector.shape_cast %swap3A_188 : vector<1x16xf32> to vector<16xf32>
          %swap3A_190 = vector.shape_cast %add3A_185 : vector<16xf32> to vector<1x16xf32>
          tpu.vector_store %arg13[%swap3A_186, %swap3A_187], %swap3A_190 {strides = array<i32>} : memref<80x128xf32, #tpu.memory_space<vmem>>, vector<1x16xf32>,
          %get3A_191 = arith.index_cast %scan3A_108 : i32 to index
          %get3A_192 = arith.constant 96 : index
          %get3A_193 = tpu.vector_load %arg9[%get3A_191, %get3A_192] {strides = array<i32>} : memref<80x128xf32, #tpu.memory_space<vmem>>, vector<1x16xf32>,
          %get3A_194 = vector.shape_cast %get3A_193 : vector<1x16xf32> to vector<16xf32>
          %get3A_195 = arith.index_cast %scan3A_108 : i32 to index
          %get3A_196 = arith.constant 96 : index
          %get3A_197 = tpu.vector_load %arg10[%get3A_195, %get3A_196] {strides = array<i32>} : memref<80x128xf32, #tpu.memory_space<vmem>>, vector<1x16xf32>,
          %get3A_198 = vector.shape_cast %get3A_197 : vector<1x16xf32> to vector<16xf32>
          %add3A_199 = arith.addf %get3A_194, %get3A_198 : vector<16xf32>
          %swap3A_200 = arith.index_cast %scan3A_108 : i32 to index
          %swap3A_201 = arith.constant 96 : index
          %swap3A_202 = tpu.vector_load %arg13[%swap3A_200, %swap3A_201] {strides = array<i32>} : memref<80x128xf32, #tpu.memory_space<vmem>>, vector<1x16xf32>,
          %swap3A_203 = vector.shape_cast %swap3A_202 : vector<1x16xf32> to vector<16xf32>
          %swap3A_204 = vector.shape_cast %add3A_199 : vector<16xf32> to vector<1x16xf32>
          tpu.vector_store %arg13[%swap3A_200, %swap3A_201], %swap3A_204 {strides = array<i32>} : memref<80x128xf32, #tpu.memory_space<vmem>>, vector<1x16xf32>,
          %get3A_205 = arith.index_cast %scan3A_108 : i32 to index
          %get3A_206 = arith.constant 112 : index
          %get3A_207 = tpu.vector_load %arg9[%get3A_205, %get3A_206] {strides = array<i32>} : memref<80x128xf32, #tpu.memory_space<vmem>>, vector<1x16xf32>,
          %get3A_208 = vector.shape_cast %get3A_207 : vector<1x16xf32> to vector<16xf32>
          %get3A_209 = arith.index_cast %scan3A_108 : i32 to index
          %get3A_210 = arith.constant 112 : index
          %get3A_211 = tpu.vector_load %arg10[%get3A_209, %get3A_210] {strides = array<i32>} : memref<80x128xf32, #tpu.memory_space<vmem>>, vector<1x16xf32>,
          %get3A_212 = vector.shape_cast %get3A_211 : vector<1x16xf32> to vector<16xf32>
          %add3A_213 = arith.addf %get3A_208, %get3A_212 : vector<16xf32>
          %swap3A_214 = arith.index_cast %scan3A_108 : i32 to index
          %swap3A_215 = arith.constant 112 : index
          %swap3A_216 = tpu.vector_load %arg13[%swap3A_214, %swap3A_215] {strides = array<i32>} : memref<80x128xf32, #tpu.memory_space<vmem>>, vector<1x16xf32>,
          %swap3A_217 = vector.shape_cast %swap3A_216 : vector<1x16xf32> to vector<16xf32>
          %swap3A_218 = vector.shape_cast %add3A_213 : vector<16xf32> to vector<1x16xf32>
          tpu.vector_store %arg13[%swap3A_214, %swap3A_215], %swap3A_218 {strides = array<i32>} : memref<80x128xf32, #tpu.memory_space<vmem>>, vector<1x16xf32>,
        }
        %scan3A_97 = arith.constant 80 : i32
        %mul3A_98 = arith.constant 2000 : i32
        %mul3A_99 = arith.muli %add3A, %mul3A_98 : i32
        %mul3A_100 = arith.constant 80 : i32
        %mul3A_101 = arith.muli %scan3A_35, %mul3A_100 : i32
        %add3A_102 = arith.addi %mul3A_99, %mul3A_101 : i32
        %multiple_of3A_103 = tpu.assume_multiple %add3A_102, 16 : i32
        %dma_start3A_104 = arith.constant 0 : i32
        %dma_start3A_105 = tpu.memref_slice %arg6[%multiple_of3A_103, %dma_start3A_104] : memref<64000x128xf32, #tpu.memory_space<hbm>> -> memref<80x128xf32, #tpu.memory_space<hbm>>
        %dma_start3A_106 = arith.constant 0 : i32
        %dma_start3A_107 = tpu.memref_slice %arg6[%multiple_of3A_103, %dma_start3A_106] : memref<64000x128xf32, #tpu.memory_space<hbm>> -> memref<80x128xf32, #tpu.memory_space<hbm>>
        tpu.enqueue_dma source(%arg13 : memref<80x128xf32, #tpu.memory_space<vmem>>) target(%dma_start3A_107 : memref<80x128xf32, #tpu.memory_space<hbm>>) target_semaphore(%arg17 : memref<!tpu.dma_semaphore, #tpu.memory_space<semaphore_mem>>)
      } else {
      }
      %jit3A_48 = arith.constant 2 : i32
      %eq3A_49 = arith.constant 0 : i32
      %eq3A_50 = arith.cmpi eq, %jit3A_48, %eq3A_49 : i32
      %jit3A_51 = arith.constant 1 : i32
      %select_n3A_52 = arith.select %eq3A_50, %jit3A_51, %jit3A_48 : i32
      %rem3A_53 = arith.remsi %scan3A_35, %select_n3A_52 : i32
      %ne3A_54 = arith.constant 0 : i32
      %ne3A_55 = arith.cmpi ne, %rem3A_53, %ne3A_54 : i32
      %lt3A_56 = arith.constant 0 : i32
      %lt3A_57 = arith.cmpi slt, %rem3A_53, %lt3A_56 : i32
      %lt3A_58 = arith.constant 0 : i32
      %lt3A_59 = arith.cmpi slt, %select_n3A_52, %lt3A_58 : i32
      %ne3A_60 = arith.xori %lt3A_57, %lt3A_59 : i1
      %and3A_61 = arith.andi %ne3A_60, %ne3A_55 : i1
      %add3A_62 = arith.addi %rem3A_53, %select_n3A_52 : i32
      %select_n3A_63 = arith.select %and3A_61, %add3A_62, %rem3A_53 : i32
      %eq3A_64 = arith.constant 1 : i32
      %eq3A_65 = arith.cmpi eq, %select_n3A_63, %eq3A_64 : i32
      %convert_element_type3A_66 = arith.extui %eq3A_65 : i1 to i32
      %cond3A_67 = arith.constant 0 : i32
      %cond3A_68 = arith.cmpi ne, %convert_element_type3A_66, %cond3A_67 : i32
      scf.if %cond3A_68 {
        %add3A_69 = arith.constant 1 : i32
        %add3A_70 = arith.addi %scan3A_35, %add3A_69 : i32
        %lt3A_71 = arith.constant 25 : i32
        %lt3A_72 = arith.cmpi slt, %add3A_70, %lt3A_71 : i32
        %convert_element_type3A_73 = arith.extui %lt3A_72 : i1 to i32
        %cond3A_74 = arith.constant 0 : i32
        %cond3A_75 = arith.cmpi ne, %convert_element_type3A_73, %cond3A_74 : i32
        scf.if %cond3A_75 {
          %add3A_108 = arith.constant 1 : i32
          %add3A_109 = arith.addi %scan3A_35, %add3A_108 : i32
          %dma_start3A_110 = arith.constant 0 : i32
          %dma_start3A_111 = tpu.memref_slice %arg7[%add3A_109, %dma_start3A_110] : memref<25x80xi32, #tpu.memory_space<vmem>> -> memref<1x80xi32, #tpu.memory_space<vmem>>
          %dma_start3A_112 = tpu.memref_squeeze %dma_start3A_111 : memref<1x80xi32, #tpu.memory_space<vmem>> -> memref<80xi32, #tpu.memory_space<vmem>>
          %dma_start3A_113 = arith.constant 0 : i32
          %dma_start3A_114 = arith.constant 0 : i32
          %dma_start3A_115 = tpu.memref_slice %arg2[%dma_start3A_113, %dma_start3A_114] : memref<10000x128xf32, #tpu.memory_space<hbm>> -> memref<10000x128xf32, #tpu.memory_space<hbm>>
          tpu.enqueue_indirect_dma source(%dma_start3A_115 : memref<10000x128xf32, #tpu.memory_space<hbm>>) target(%arg9 : memref<80x128xf32, #tpu.memory_space<vmem>>) offsets(%dma_start3A_112 : memref<80xi32, #tpu.memory_space<vmem>>) semaphore(%arg15 : memref<!tpu.dma_semaphore, #tpu.memory_space<semaphore_mem>>)
          %dma_start3A_116 = arith.constant 0 : i32
          %dma_start3A_117 = tpu.memref_slice %arg8[%add3A_109, %dma_start3A_116] : memref<25x80xi32, #tpu.memory_space<vmem>> -> memref<1x80xi32, #tpu.memory_space<vmem>>
          %dma_start3A_118 = tpu.memref_squeeze %dma_start3A_117 : memref<1x80xi32, #tpu.memory_space<vmem>> -> memref<80xi32, #tpu.memory_space<vmem>>
          %dma_start3A_119 = arith.constant 0 : i32
          %dma_start3A_120 = arith.constant 0 : i32
          %dma_start3A_121 = tpu.memref_slice %arg3[%dma_start3A_119, %dma_start3A_120] : memref<10000x128xf32, #tpu.memory_space<hbm>> -> memref<10000x128xf32, #tpu.memory_space<hbm>>
          tpu.enqueue_indirect_dma source(%dma_start3A_121 : memref<10000x128xf32, #tpu.memory_space<hbm>>) target(%arg10 : memref<80x128xf32, #tpu.memory_space<vmem>>) offsets(%dma_start3A_118 : memref<80xi32, #tpu.memory_space<vmem>>) semaphore(%arg16 : memref<!tpu.dma_semaphore, #tpu.memory_space<semaphore_mem>>)
        } else {
        }
        %dma_wait3A_76 = arith.constant 0 : i32
        %dma_wait3A_77 = tpu.memref_slice %arg7[%scan3A_35, %dma_wait3A_76] : memref<25x80xi32, #tpu.memory_space<vmem>> -> memref<1x80xi32, #tpu.memory_space<vmem>>
        %dma_wait3A_78 = tpu.memref_squeeze %dma_wait3A_77 : memref<1x80xi32, #tpu.memory_space<vmem>> -> memref<80xi32, #tpu.memory_space<vmem>>
        %dma_wait3A_79 = arith.constant 0 : i32
        %dma_wait3A_80 = arith.constant 0 : i32
        %dma_wait3A_81 = tpu.memref_slice %arg2[%dma_wait3A_79, %dma_wait3A_80] : memref<10000x128xf32, #tpu.memory_space<hbm>> -> memref<10000x128xf32, #tpu.memory_space<hbm>>
        tpu.wait_indirect_dma semaphore(%arg18 : memref<!tpu.dma_semaphore, #tpu.memory_space<semaphore_mem>>) src(%dma_wait3A_81 : memref<10000x128xf32, #tpu.memory_space<hbm>>) dst(%arg11 : memref<80x128xf32, #tpu.memory_space<vmem>>)
        %dma_wait3A_82 = arith.constant 0 : i32
        %dma_wait3A_83 = tpu.memref_slice %arg8[%scan3A_35, %dma_wait3A_82] : memref<25x80xi32, #tpu.memory_space<vmem>> -> memref<1x80xi32, #tpu.memory_space<vmem>>
        %dma_wait3A_84 = tpu.memref_squeeze %dma_wait3A_83 : memref<1x80xi32, #tpu.memory_space<vmem>> -> memref<80xi32, #tpu.memory_space<vmem>>
        %dma_wait3A_85 = arith.constant 0 : i32
        %dma_wait3A_86 = arith.constant 0 : i32
        %dma_wait3A_87 = tpu.memref_slice %arg3[%dma_wait3A_85, %dma_wait3A_86] : memref<10000x128xf32, #tpu.memory_space<hbm>> -> memref<10000x128xf32, #tpu.memory_space<hbm>>
        tpu.wait_indirect_dma semaphore(%arg19 : memref<!tpu.dma_semaphore, #tpu.memory_space<semaphore_mem>>) src(%dma_wait3A_87 : memref<10000x128xf32, #tpu.memory_space<hbm>>) dst(%arg12 : memref<80x128xf32, #tpu.memory_space<vmem>>)
        %ge3A = arith.constant 2 : i32
        %ge3A_88 = arith.cmpi sge, %scan3A_35, %ge3A : i32
        %convert_element_type3A_89 = arith.extui %ge3A_88 : i1 to i32
        %cond3A_90 = arith.constant 0 : i32
        %cond3A_91 = arith.cmpi ne, %convert_element_type3A_89, %cond3A_90 : i32
        scf.if %cond3A_91 {
          %sub3A = arith.constant 2 : i32
          %sub3A_108 = arith.subi %scan3A_35, %sub3A : i32
          %mul3A_109 = arith.constant 2000 : i32
          %mul3A_110 = arith.muli %add3A, %mul3A_109 : i32
          %mul3A_111 = arith.constant 80 : i32
          %mul3A_112 = arith.muli %sub3A_108, %mul3A_111 : i32
          %add3A_113 = arith.addi %mul3A_110, %mul3A_112 : i32
          %multiple_of3A_114 = tpu.assume_multiple %add3A_113, 16 : i32
          %dma_wait3A_115 = arith.constant 0 : i32
          %dma_wait3A_116 = tpu.memref_slice %arg6[%multiple_of3A_114, %dma_wait3A_115] : memref<64000x128xf32, #tpu.memory_space<hbm>> -> memref<80x128xf32, #tpu.memory_space<hbm>>
          %dma_wait3A_117 = arith.constant 0 : i32
          %dma_wait3A_118 = tpu.memref_slice %arg6[%multiple_of3A_114, %dma_wait3A_117] : memref<64000x128xf32, #tpu.memory_space<hbm>> -> memref<80x128xf32, #tpu.memory_space<hbm>>
          tpu.wait_dma2 semaphore(%arg20 : memref<!tpu.dma_semaphore, #tpu.memory_space<semaphore_mem>>) src(%arg14 : memref<80x128xf32, #tpu.memory_space<vmem>>) dst(%dma_wait3A_118 : memref<80x128xf32, #tpu.memory_space<hbm>>)
        } else {
        }
        %scan3A_92 = arith.constant 0 : i32
        %scan3A_93 = arith.constant 0 : i32
        %scan3A_94 = arith.constant 80 : i32
        %scan3A_95 = arith.addi %scan3A_93, %scan3A_94 : i32
        %scan3A_96 = arith.constant 1 : i32
        scf.for %scan3A_108 = %scan3A_93 to %scan3A_95 step %scan3A_96  : i32 {
          %get3A = arith.index_cast %scan3A_108 : i32 to index
          %get3A_109 = arith.constant 0 : index
          %get3A_110 = tpu.vector_load %arg11[%get3A, %get3A_109] {strides = array<i32>} : memref<80x128xf32, #tpu.memory_space<vmem>>, vector<1x16xf32>,
          %get3A_111 = vector.shape_cast %get3A_110 : vector<1x16xf32> to vector<16xf32>
          %get3A_112 = arith.index_cast %scan3A_108 : i32 to index
          %get3A_113 = arith.constant 0 : index
          %get3A_114 = tpu.vector_load %arg12[%get3A_112, %get3A_113] {strides = array<i32>} : memref<80x128xf32, #tpu.memory_space<vmem>>, vector<1x16xf32>,
          %get3A_115 = vector.shape_cast %get3A_114 : vector<1x16xf32> to vector<16xf32>
          %add3A_116 = arith.addf %get3A_111, %get3A_115 : vector<16xf32>
          %swap3A = arith.index_cast %scan3A_108 : i32 to index
          %swap3A_117 = arith.constant 0 : index
          %swap3A_118 = tpu.vector_load %arg14[%swap3A, %swap3A_117] {strides = array<i32>} : memref<80x128xf32, #tpu.memory_space<vmem>>, vector<1x16xf32>,
          %swap3A_119 = vector.shape_cast %swap3A_118 : vector<1x16xf32> to vector<16xf32>
          %swap3A_120 = vector.shape_cast %add3A_116 : vector<16xf32> to vector<1x16xf32>
          tpu.vector_store %arg14[%swap3A, %swap3A_117], %swap3A_120 {strides = array<i32>} : memref<80x128xf32, #tpu.memory_space<vmem>>, vector<1x16xf32>,
          %get3A_121 = arith.index_cast %scan3A_108 : i32 to index
          %get3A_122 = arith.constant 16 : index
          %get3A_123 = tpu.vector_load %arg11[%get3A_121, %get3A_122] {strides = array<i32>} : memref<80x128xf32, #tpu.memory_space<vmem>>, vector<1x16xf32>,
          %get3A_124 = vector.shape_cast %get3A_123 : vector<1x16xf32> to vector<16xf32>
          %get3A_125 = arith.index_cast %scan3A_108 : i32 to index
          %get3A_126 = arith.constant 16 : index
          %get3A_127 = tpu.vector_load %arg12[%get3A_125, %get3A_126] {strides = array<i32>} : memref<80x128xf32, #tpu.memory_space<vmem>>, vector<1x16xf32>,
          %get3A_128 = vector.shape_cast %get3A_127 : vector<1x16xf32> to vector<16xf32>
          %add3A_129 = arith.addf %get3A_124, %get3A_128 : vector<16xf32>
          %swap3A_130 = arith.index_cast %scan3A_108 : i32 to index
          %swap3A_131 = arith.constant 16 : index
          %swap3A_132 = tpu.vector_load %arg14[%swap3A_130, %swap3A_131] {strides = array<i32>} : memref<80x128xf32, #tpu.memory_space<vmem>>, vector<1x16xf32>,
          %swap3A_133 = vector.shape_cast %swap3A_132 : vector<1x16xf32> to vector<16xf32>
          %swap3A_134 = vector.shape_cast %add3A_129 : vector<16xf32> to vector<1x16xf32>
          tpu.vector_store %arg14[%swap3A_130, %swap3A_131], %swap3A_134 {strides = array<i32>} : memref<80x128xf32, #tpu.memory_space<vmem>>, vector<1x16xf32>,
          %get3A_135 = arith.index_cast %scan3A_108 : i32 to index
          %get3A_136 = arith.constant 32 : index
          %get3A_137 = tpu.vector_load %arg11[%get3A_135, %get3A_136] {strides = array<i32>} : memref<80x128xf32, #tpu.memory_space<vmem>>, vector<1x16xf32>,
          %get3A_138 = vector.shape_cast %get3A_137 : vector<1x16xf32> to vector<16xf32>
          %get3A_139 = arith.index_cast %scan3A_108 : i32 to index
          %get3A_140 = arith.constant 32 : index
          %get3A_141 = tpu.vector_load %arg12[%get3A_139, %get3A_140] {strides = array<i32>} : memref<80x128xf32, #tpu.memory_space<vmem>>, vector<1x16xf32>,
          %get3A_142 = vector.shape_cast %get3A_141 : vector<1x16xf32> to vector<16xf32>
          %add3A_143 = arith.addf %get3A_138, %get3A_142 : vector<16xf32>
          %swap3A_144 = arith.index_cast %scan3A_108 : i32 to index
          %swap3A_145 = arith.constant 32 : index
          %swap3A_146 = tpu.vector_load %arg14[%swap3A_144, %swap3A_145] {strides = array<i32>} : memref<80x128xf32, #tpu.memory_space<vmem>>, vector<1x16xf32>,
          %swap3A_147 = vector.shape_cast %swap3A_146 : vector<1x16xf32> to vector<16xf32>
          %swap3A_148 = vector.shape_cast %add3A_143 : vector<16xf32> to vector<1x16xf32>
          tpu.vector_store %arg14[%swap3A_144, %swap3A_145], %swap3A_148 {strides = array<i32>} : memref<80x128xf32, #tpu.memory_space<vmem>>, vector<1x16xf32>,
          %get3A_149 = arith.index_cast %scan3A_108 : i32 to index
          %get3A_150 = arith.constant 48 : index
          %get3A_151 = tpu.vector_load %arg11[%get3A_149, %get3A_150] {strides = array<i32>} : memref<80x128xf32, #tpu.memory_space<vmem>>, vector<1x16xf32>,
          %get3A_152 = vector.shape_cast %get3A_151 : vector<1x16xf32> to vector<16xf32>
          %get3A_153 = arith.index_cast %scan3A_108 : i32 to index
          %get3A_154 = arith.constant 48 : index
          %get3A_155 = tpu.vector_load %arg12[%get3A_153, %get3A_154] {strides = array<i32>} : memref<80x128xf32, #tpu.memory_space<vmem>>, vector<1x16xf32>,
          %get3A_156 = vector.shape_cast %get3A_155 : vector<1x16xf32> to vector<16xf32>
          %add3A_157 = arith.addf %get3A_152, %get3A_156 : vector<16xf32>
          %swap3A_158 = arith.index_cast %scan3A_108 : i32 to index
          %swap3A_159 = arith.constant 48 : index
          %swap3A_160 = tpu.vector_load %arg14[%swap3A_158, %swap3A_159] {strides = array<i32>} : memref<80x128xf32, #tpu.memory_space<vmem>>, vector<1x16xf32>,
          %swap3A_161 = vector.shape_cast %swap3A_160 : vector<1x16xf32> to vector<16xf32>
          %swap3A_162 = vector.shape_cast %add3A_157 : vector<16xf32> to vector<1x16xf32>
          tpu.vector_store %arg14[%swap3A_158, %swap3A_159], %swap3A_162 {strides = array<i32>} : memref<80x128xf32, #tpu.memory_space<vmem>>, vector<1x16xf32>,
          %get3A_163 = arith.index_cast %scan3A_108 : i32 to index
          %get3A_164 = arith.constant 64 : index
          %get3A_165 = tpu.vector_load %arg11[%get3A_163, %get3A_164] {strides = array<i32>} : memref<80x128xf32, #tpu.memory_space<vmem>>, vector<1x16xf32>,
          %get3A_166 = vector.shape_cast %get3A_165 : vector<1x16xf32> to vector<16xf32>
          %get3A_167 = arith.index_cast %scan3A_108 : i32 to index
          %get3A_168 = arith.constant 64 : index
          %get3A_169 = tpu.vector_load %arg12[%get3A_167, %get3A_168] {strides = array<i32>} : memref<80x128xf32, #tpu.memory_space<vmem>>, vector<1x16xf32>,
          %get3A_170 = vector.shape_cast %get3A_169 : vector<1x16xf32> to vector<16xf32>
          %add3A_171 = arith.addf %get3A_166, %get3A_170 : vector<16xf32>
          %swap3A_172 = arith.index_cast %scan3A_108 : i32 to index
          %swap3A_173 = arith.constant 64 : index
          %swap3A_174 = tpu.vector_load %arg14[%swap3A_172, %swap3A_173] {strides = array<i32>} : memref<80x128xf32, #tpu.memory_space<vmem>>, vector<1x16xf32>,
          %swap3A_175 = vector.shape_cast %swap3A_174 : vector<1x16xf32> to vector<16xf32>
          %swap3A_176 = vector.shape_cast %add3A_171 : vector<16xf32> to vector<1x16xf32>
          tpu.vector_store %arg14[%swap3A_172, %swap3A_173], %swap3A_176 {strides = array<i32>} : memref<80x128xf32, #tpu.memory_space<vmem>>, vector<1x16xf32>,
          %get3A_177 = arith.index_cast %scan3A_108 : i32 to index
          %get3A_178 = arith.constant 80 : index
          %get3A_179 = tpu.vector_load %arg11[%get3A_177, %get3A_178] {strides = array<i32>} : memref<80x128xf32, #tpu.memory_space<vmem>>, vector<1x16xf32>,
          %get3A_180 = vector.shape_cast %get3A_179 : vector<1x16xf32> to vector<16xf32>
          %get3A_181 = arith.index_cast %scan3A_108 : i32 to index
          %get3A_182 = arith.constant 80 : index
          %get3A_183 = tpu.vector_load %arg12[%get3A_181, %get3A_182] {strides = array<i32>} : memref<80x128xf32, #tpu.memory_space<vmem>>, vector<1x16xf32>,
          %get3A_184 = vector.shape_cast %get3A_183 : vector<1x16xf32> to vector<16xf32>
          %add3A_185 = arith.addf %get3A_180, %get3A_184 : vector<16xf32>
          %swap3A_186 = arith.index_cast %scan3A_108 : i32 to index
          %swap3A_187 = arith.constant 80 : index
          %swap3A_188 = tpu.vector_load %arg14[%swap3A_186, %swap3A_187] {strides = array<i32>} : memref<80x128xf32, #tpu.memory_space<vmem>>, vector<1x16xf32>,
          %swap3A_189 = vector.shape_cast %swap3A_188 : vector<1x16xf32> to vector<16xf32>
          %swap3A_190 = vector.shape_cast %add3A_185 : vector<16xf32> to vector<1x16xf32>
          tpu.vector_store %arg14[%swap3A_186, %swap3A_187], %swap3A_190 {strides = array<i32>} : memref<80x128xf32, #tpu.memory_space<vmem>>, vector<1x16xf32>,
          %get3A_191 = arith.index_cast %scan3A_108 : i32 to index
          %get3A_192 = arith.constant 96 : index
          %get3A_193 = tpu.vector_load %arg11[%get3A_191, %get3A_192] {strides = array<i32>} : memref<80x128xf32, #tpu.memory_space<vmem>>, vector<1x16xf32>,
          %get3A_194 = vector.shape_cast %get3A_193 : vector<1x16xf32> to vector<16xf32>
          %get3A_195 = arith.index_cast %scan3A_108 : i32 to index
          %get3A_196 = arith.constant 96 : index
          %get3A_197 = tpu.vector_load %arg12[%get3A_195, %get3A_196] {strides = array<i32>} : memref<80x128xf32, #tpu.memory_space<vmem>>, vector<1x16xf32>,
          %get3A_198 = vector.shape_cast %get3A_197 : vector<1x16xf32> to vector<16xf32>
          %add3A_199 = arith.addf %get3A_194, %get3A_198 : vector<16xf32>
          %swap3A_200 = arith.index_cast %scan3A_108 : i32 to index
          %swap3A_201 = arith.constant 96 : index
          %swap3A_202 = tpu.vector_load %arg14[%swap3A_200, %swap3A_201] {strides = array<i32>} : memref<80x128xf32, #tpu.memory_space<vmem>>, vector<1x16xf32>,
          %swap3A_203 = vector.shape_cast %swap3A_202 : vector<1x16xf32> to vector<16xf32>
          %swap3A_204 = vector.shape_cast %add3A_199 : vector<16xf32> to vector<1x16xf32>
          tpu.vector_store %arg14[%swap3A_200, %swap3A_201], %swap3A_204 {strides = array<i32>} : memref<80x128xf32, #tpu.memory_space<vmem>>, vector<1x16xf32>,
          %get3A_205 = arith.index_cast %scan3A_108 : i32 to index
          %get3A_206 = arith.constant 112 : index
          %get3A_207 = tpu.vector_load %arg11[%get3A_205, %get3A_206] {strides = array<i32>} : memref<80x128xf32, #tpu.memory_space<vmem>>, vector<1x16xf32>,
          %get3A_208 = vector.shape_cast %get3A_207 : vector<1x16xf32> to vector<16xf32>
          %get3A_209 = arith.index_cast %scan3A_108 : i32 to index
          %get3A_210 = arith.constant 112 : index
          %get3A_211 = tpu.vector_load %arg12[%get3A_209, %get3A_210] {strides = array<i32>} : memref<80x128xf32, #tpu.memory_space<vmem>>, vector<1x16xf32>,
          %get3A_212 = vector.shape_cast %get3A_211 : vector<1x16xf32> to vector<16xf32>
          %add3A_213 = arith.addf %get3A_208, %get3A_212 : vector<16xf32>
          %swap3A_214 = arith.index_cast %scan3A_108 : i32 to index
          %swap3A_215 = arith.constant 112 : index
          %swap3A_216 = tpu.vector_load %arg14[%swap3A_214, %swap3A_215] {strides = array<i32>} : memref<80x128xf32, #tpu.memory_space<vmem>>, vector<1x16xf32>,
          %swap3A_217 = vector.shape_cast %swap3A_216 : vector<1x16xf32> to vector<16xf32>
          %swap3A_218 = vector.shape_cast %add3A_213 : vector<16xf32> to vector<1x16xf32>
          tpu.vector_store %arg14[%swap3A_214, %swap3A_215], %swap3A_218 {strides = array<i32>} : memref<80x128xf32, #tpu.memory_space<vmem>>, vector<1x16xf32>,
        }
        %scan3A_97 = arith.constant 80 : i32
        %mul3A_98 = arith.constant 2000 : i32
        %mul3A_99 = arith.muli %add3A, %mul3A_98 : i32
        %mul3A_100 = arith.constant 80 : i32
        %mul3A_101 = arith.muli %scan3A_35, %mul3A_100 : i32
        %add3A_102 = arith.addi %mul3A_99, %mul3A_101 : i32
        %multiple_of3A_103 = tpu.assume_multiple %add3A_102, 16 : i32
        %dma_start3A_104 = arith.constant 0 : i32
        %dma_start3A_105 = tpu.memref_slice %arg6[%multiple_of3A_103, %dma_start3A_104] : memref<64000x128xf32, #tpu.memory_space<hbm>> -> memref<80x128xf32, #tpu.memory_space<hbm>>
        %dma_start3A_106 = arith.constant 0 : i32
        %dma_start3A_107 = tpu.memref_slice %arg6[%multiple_of3A_103, %dma_start3A_106] : memref<64000x128xf32, #tpu.memory_space<hbm>> -> memref<80x128xf32, #tpu.memory_space<hbm>>
        tpu.enqueue_dma source(%arg14 : memref<80x128xf32, #tpu.memory_space<vmem>>) target(%dma_start3A_107 : memref<80x128xf32, #tpu.memory_space<hbm>>) target_semaphore(%arg20 : memref<!tpu.dma_semaphore, #tpu.memory_space<semaphore_mem>>)
      } else {
      }
    }
    %scan3A_18 = arith.constant 25 : i32
    %mul3A_19 = arith.constant 2000 : i32
    %mul3A_20 = arith.muli %add3A, %mul3A_19 : i32
    %add3A_21 = arith.constant 1920 : i32
    %add3A_22 = arith.addi %mul3A_20, %add3A_21 : i32
    %multiple_of3A = tpu.assume_multiple %add3A_22, 16 : i32
    %dma_wait3A = arith.constant 0 : i32
    %dma_wait3A_23 = tpu.memref_slice %arg6[%multiple_of3A, %dma_wait3A] : memref<64000x128xf32, #tpu.memory_space<hbm>> -> memref<80x128xf32, #tpu.memory_space<hbm>>
    %dma_wait3A_24 = arith.constant 0 : i32
    %dma_wait3A_25 = tpu.memref_slice %arg6[%multiple_of3A, %dma_wait3A_24] : memref<64000x128xf32, #tpu.memory_space<hbm>> -> memref<80x128xf32, #tpu.memory_space<hbm>>
    tpu.wait_dma2 semaphore(%arg17 : memref<!tpu.dma_semaphore, #tpu.memory_space<semaphore_mem>>) src(%arg13 : memref<80x128xf32, #tpu.memory_space<vmem>>) dst(%dma_wait3A_25 : memref<80x128xf32, #tpu.memory_space<hbm>>)
    %mul3A_26 = arith.constant 2000 : i32
    %mul3A_27 = arith.muli %add3A, %mul3A_26 : i32
    %add3A_28 = arith.constant 1840 : i32
    %add3A_29 = arith.addi %mul3A_27, %add3A_28 : i32
    %multiple_of3A_30 = tpu.assume_multiple %add3A_29, 16 : i32
    %dma_wait3A_31 = arith.constant 0 : i32
    %dma_wait3A_32 = tpu.memref_slice %arg6[%multiple_of3A_30, %dma_wait3A_31] : memref<64000x128xf32, #tpu.memory_space<hbm>> -> memref<80x128xf32, #tpu.memory_space<hbm>>
    %dma_wait3A_33 = arith.constant 0 : i32
    %dma_wait3A_34 = tpu.memref_slice %arg6[%multiple_of3A_30, %dma_wait3A_33] : memref<64000x128xf32, #tpu.memory_space<hbm>> -> memref<80x128xf32, #tpu.memory_space<hbm>>
    tpu.wait_dma2 semaphore(%arg20 : memref<!tpu.dma_semaphore, #tpu.memory_space<semaphore_mem>>) src(%arg14 : memref<80x128xf32, #tpu.memory_space<vmem>>) dst(%dma_wait3A_34 : memref<80x128xf32, #tpu.memory_space<hbm>>)
    return
  }
}

#map = affine_map<(d0, d1) -> (0, 0)>
#map1 = affine_map<(d0, d1) -> (0, 0, 0)>
module attributes {stable_mosaic.version = 14 : i64} {
  func.func @body(%arg0: i32, %arg1: i32, %arg2: memref<10000x128xf32, #tpu.memory_space<hbm>>, %arg3: memref<10000x128xf32, #tpu.memory_space<hbm>>, %arg4: memref<32x25x80xi32, #tpu.memory_space<hbm>>, %arg5: memref<32x25x80xi32, #tpu.memory_space<hbm>>, %arg6: memref<64000x128xf32, #tpu.memory_space<hbm>>, %arg7: memref<25x80xi32, #tpu.memory_space<vmem>>, %arg8: memref<25x80xi32, #tpu.memory_space<vmem>>, %arg9: memref<80x128xf32, #tpu.memory_space<vmem>>, %arg10: memref<80x128xf32, #tpu.memory_space<vmem>>, %arg11: memref<80x128xf32, #tpu.memory_space<vmem>>, %arg12: memref<80x128xf32, #tpu.memory_space<vmem>>, %arg13: memref<80x128xf32, #tpu.memory_space<vmem>>, %arg14: memref<80x128xf32, #tpu.memory_space<vmem>>, %arg15: memref<!tpu.dma_semaphore, #tpu.memory_space<semaphore_mem>>, %arg16: memref<!tpu.dma_semaphore, #tpu.memory_space<semaphore_mem>>, %arg17: memref<!tpu.dma_semaphore, #tpu.memory_space<semaphore_mem>>, %arg18: memref<!tpu.dma_semaphore, #tpu.memory_space<semaphore_mem>>, %arg19: memref<!tpu.dma_semaphore, #tpu.memory_space<semaphore_mem>>, %arg20: memref<!tpu.dma_semaphore, #tpu.memory_space<semaphore_mem>>) attributes {dimension_semantics = [#tpu.dimension_semantics<core_parallel>, #tpu.dimension_semantics<subcore_parallel>], iteration_bounds = array<i64: 2, 16>, scalar_prefetch = 0 : i64, scratch_operands = 14 : i64, tpu.core_type = #tpu.core_type<sc_vector_subcore>, window_params = [{transform_indices = #map}, {transform_indices = #map}, {transform_indices = #map1}, {transform_indices = #map1}, {transform_indices = #map}]} {
    %mul3A = arith.constant 2 : i32
    %mul3A_0 = arith.muli %arg1, %mul3A : i32
    %add3A = arith.addi %mul3A_0, %arg0 : i32
    "tpu.region"() ({
      %run_scoped3A = tpu.sem_alloc : memref<!tpu.dma_semaphore, #tpu.memory_space<semaphore_mem>>
      %dma_start3A_35 = arith.constant 0 : i32
      %dma_start3A_36 = arith.constant 0 : i32
      %dma_start3A_37 = tpu.memref_slice %arg4[%add3A, %dma_start3A_35, %dma_start3A_36] : memref<32x25x80xi32, #tpu.memory_space<hbm>> -> memref<1x25x80xi32, #tpu.memory_space<hbm>>
      %dma_start3A_38 = tpu.memref_squeeze %dma_start3A_37 : memref<1x25x80xi32, #tpu.memory_space<hbm>> -> memref<25x80xi32, #tpu.memory_space<hbm>>
      %dma_start3A_39 = arith.constant 0 : i32
      %dma_start3A_40 = arith.constant 0 : i32
      %dma_start3A_41 = tpu.memref_slice %arg4[%add3A, %dma_start3A_39, %dma_start3A_40] : memref<32x25x80xi32, #tpu.memory_space<hbm>> -> memref<1x25x80xi32, #tpu.memory_space<hbm>>
      %dma_start3A_42 = tpu.memref_squeeze %dma_start3A_41 : memref<1x25x80xi32, #tpu.memory_space<hbm>> -> memref<25x80xi32, #tpu.memory_space<hbm>>
      tpu.enqueue_dma source(%dma_start3A_42 : memref<25x80xi32, #tpu.memory_space<hbm>>) target(%arg7 : memref<25x80xi32, #tpu.memory_space<vmem>>) target_semaphore(%run_scoped3A : memref<!tpu.dma_semaphore, #tpu.memory_space<semaphore_mem>>)
      %dma_wait3A_43 = arith.constant 0 : i32
      %dma_wait3A_44 = arith.constant 0 : i32
      %dma_wait3A_45 = tpu.memref_slice %arg4[%add3A, %dma_wait3A_43, %dma_wait3A_44] : memref<32x25x80xi32, #tpu.memory_space<hbm>> -> memref<1x25x80xi32, #tpu.memory_space<hbm>>
      %dma_wait3A_46 = tpu.memref_squeeze %dma_wait3A_45 : memref<1x25x80xi32, #tpu.memory_space<hbm>> -> memref<25x80xi32, #tpu.memory_space<hbm>>
      %dma_wait3A_47 = arith.constant 0 : i32
      %dma_wait3A_48 = arith.constant 0 : i32
      %dma_wait3A_49 = tpu.memref_slice %arg4[%add3A, %dma_wait3A_47, %dma_wait3A_48] : memref<32x25x80xi32, #tpu.memory_space<hbm>> -> memref<1x25x80xi32, #tpu.memory_space<hbm>>
      %dma_wait3A_50 = tpu.memref_squeeze %dma_wait3A_49 : memref<1x25x80xi32, #tpu.memory_space<hbm>> -> memref<25x80xi32, #tpu.memory_space<hbm>>
      tpu.wait_dma2 semaphore(%run_scoped3A : memref<!tpu.dma_semaphore, #tpu.memory_space<semaphore_mem>>) src(%dma_wait3A_50 : memref<25x80xi32, #tpu.memory_space<hbm>>) dst(%arg7 : memref<25x80xi32, #tpu.memory_space<vmem>>)
      tpu.yield
    }) : () -> ()
    "tpu.region"() ({
      %run_scoped3A = tpu.sem_alloc : memref<!tpu.dma_semaphore, #tpu.memory_space<semaphore_mem>>
      %dma_start3A_35 = arith.constant 0 : i32
      %dma_start3A_36 = arith.constant 0 : i32
      %dma_start3A_37 = tpu.memref_slice %arg5[%add3A, %dma_start3A_35, %dma_start3A_36] : memref<32x25x80xi32, #tpu.memory_space<hbm>> -> memref<1x25x80xi32, #tpu.memory_space<hbm>>
      %dma_start3A_38 = tpu.memref_squeeze %dma_start3A_37 : memref<1x25x80xi32, #tpu.memory_space<hbm>> -> memref<25x80xi32, #tpu.memory_space<hbm>>
      %dma_start3A_39 = arith.constant 0 : i32
      %dma_start3A_40 = arith.constant 0 : i32
      %dma_start3A_41 = tpu.memref_slice %arg5[%add3A, %dma_start3A_39, %dma_start3A_40] : memref<32x25x80xi32, #tpu.memory_space<hbm>> -> memref<1x25x80xi32, #tpu.memory_space<hbm>>
      %dma_start3A_42 = tpu.memref_squeeze %dma_start3A_41 : memref<1x25x80xi32, #tpu.memory_space<hbm>> -> memref<25x80xi32, #tpu.memory_space<hbm>>
      tpu.enqueue_dma source(%dma_start3A_42 : memref<25x80xi32, #tpu.memory_space<hbm>>) target(%arg8 : memref<25x80xi32, #tpu.memory_space<vmem>>) target_semaphore(%run_scoped3A : memref<!tpu.dma_semaphore, #tpu.memory_space<semaphore_mem>>)
      %dma_wait3A_43 = arith.constant 0 : i32
      %dma_wait3A_44 = arith.constant 0 : i32
      %dma_wait3A_45 = tpu.memref_slice %arg5[%add3A, %dma_wait3A_43, %dma_wait3A_44] : memref<32x25x80xi32, #tpu.memory_space<hbm>> -> memref<1x25x80xi32, #tpu.memory_space<hbm>>
      %dma_wait3A_46 = tpu.memref_squeeze %dma_wait3A_45 : memref<1x25x80xi32, #tpu.memory_space<hbm>> -> memref<25x80xi32, #tpu.memory_space<hbm>>
      %dma_wait3A_47 = arith.constant 0 : i32
      %dma_wait3A_48 = arith.constant 0 : i32
      %dma_wait3A_49 = tpu.memref_slice %arg5[%add3A, %dma_wait3A_47, %dma_wait3A_48] : memref<32x25x80xi32, #tpu.memory_space<hbm>> -> memref<1x25x80xi32, #tpu.memory_space<hbm>>
      %dma_wait3A_50 = tpu.memref_squeeze %dma_wait3A_49 : memref<1x25x80xi32, #tpu.memory_space<hbm>> -> memref<25x80xi32, #tpu.memory_space<hbm>>
      tpu.wait_dma2 semaphore(%run_scoped3A : memref<!tpu.dma_semaphore, #tpu.memory_space<semaphore_mem>>) src(%dma_wait3A_50 : memref<25x80xi32, #tpu.memory_space<hbm>>) dst(%arg8 : memref<25x80xi32, #tpu.memory_space<vmem>>)
      tpu.yield
    }) : () -> ()
    %dma_start3A = arith.constant 0 : i32
    %dma_start3A_1 = arith.constant 0 : i32
    %dma_start3A_2 = tpu.memref_slice %arg7[%dma_start3A, %dma_start3A_1] : memref<25x80xi32, #tpu.memory_space<vmem>> -> memref<1x80xi32, #tpu.memory_space<vmem>>
    %dma_start3A_3 = tpu.memref_squeeze %dma_start3A_2 : memref<1x80xi32, #tpu.memory_space<vmem>> -> memref<80xi32, #tpu.memory_space<vmem>>
    %dma_start3A_4 = arith.constant 0 : i32
    %dma_start3A_5 = arith.constant 0 : i32
    %dma_start3A_6 = tpu.memref_slice %arg2[%dma_start3A_4, %dma_start3A_5] : memref<10000x128xf32, #tpu.memory_space<hbm>> -> memref<10000x128xf32, #tpu.memory_space<hbm>>
    tpu.enqueue_indirect_dma source(%dma_start3A_6 : memref<10000x128xf32, #tpu.memory_space<hbm>>) target(%arg9 : memref<80x128xf32, #tpu.memory_space<vmem>>) offsets(%dma_start3A_3 : memref<80xi32, #tpu.memory_space<vmem>>) semaphore(%arg15 : memref<!tpu.dma_semaphore, #tpu.memory_space<semaphore_mem>>)
    %dma_start3A_7 = arith.constant 0 : i32
    %dma_start3A_8 = arith.constant 0 : i32
    %dma_start3A_9 = tpu.memref_slice %arg8[%dma_start3A_7, %dma_start3A_8] : memref<25x80xi32, #tpu.memory_space<vmem>> -> memref<1x80xi32, #tpu.memory_space<vmem>>
    %dma_start3A_10 = tpu.memref_squeeze %dma_start3A_9 : memref<1x80xi32, #tpu.memory_space<vmem>> -> memref<80xi32, #tpu.memory_space<vmem>>
    %dma_start3A_11 = arith.constant 0 : i32
    %dma_start3A_12 = arith.constant 0 : i32
    %dma_start3A_13 = tpu.memref_slice %arg3[%dma_start3A_11, %dma_start3A_12] : memref<10000x128xf32, #tpu.memory_space<hbm>> -> memref<10000x128xf32, #tpu.memory_space<hbm>>
    tpu.enqueue_indirect_dma source(%dma_start3A_13 : memref<10000x128xf32, #tpu.memory_space<hbm>>) target(%arg10 : memref<80x128xf32, #tpu.memory_space<vmem>>) offsets(%dma_start3A_10 : memref<80xi32, #tpu.memory_space<vmem>>) semaphore(%arg16 : memref<!tpu.dma_semaphore, #tpu.memory_space<semaphore_mem>>)
    %scan3A = arith.constant 0 : i32
    %scan3A_14 = arith.constant 0 : i32
    %scan3A_15 = arith.constant 25 : i32
    %scan3A_16 = arith.addi %scan3A_14, %scan3A_15 : i32
    %scan3A_17 = arith.constant 1 : i32
    scf.for %scan3A_35 = %scan3A_14 to %scan3A_16 step %scan3A_17  : i32 {
      %jit3A = arith.constant 2 : i32
      %eq3A = arith.constant 0 : i32
      %eq3A_36 = arith.cmpi eq, %jit3A, %eq3A : i32
      %jit3A_37 = arith.constant 1 : i32
      %select_n3A = arith.select %eq3A_36, %jit3A_37, %jit3A : i32
      %rem3A = arith.remsi %scan3A_35, %select_n3A : i32
      %ne3A = arith.constant 0 : i32
      %ne3A_38 = arith.cmpi ne, %rem3A, %ne3A : i32
      %lt3A = arith.constant 0 : i32
      %lt3A_39 = arith.cmpi slt, %rem3A, %lt3A : i32
      %lt3A_40 = arith.constant 0 : i32
      %lt3A_41 = arith.cmpi slt, %select_n3A, %lt3A_40 : i32
      %ne3A_42 = arith.xori %lt3A_39, %lt3A_41 : i1
      %and3A = arith.andi %ne3A_42, %ne3A_38 : i1
      %add3A_43 = arith.addi %rem3A, %select_n3A : i32
      %select_n3A_44 = arith.select %and3A, %add3A_43, %rem3A : i32
      %eq3A_45 = arith.constant 0 : i32
      %eq3A_46 = arith.cmpi eq, %select_n3A_44, %eq3A_45 : i32
      %convert_element_type3A = arith.extui %eq3A_46 : i1 to i32
      %cond3A = arith.constant 0 : i32
      %cond3A_47 = arith.cmpi ne, %convert_element_type3A, %cond3A : i32
      scf.if %cond3A_47 {
        %add3A_69 = arith.constant 1 : i32
        %add3A_70 = arith.addi %scan3A_35, %add3A_69 : i32
        %lt3A_71 = arith.constant 25 : i32
        %lt3A_72 = arith.cmpi slt, %add3A_70, %lt3A_71 : i32
        %convert_element_type3A_73 = arith.extui %lt3A_72 : i1 to i32
        %cond3A_74 = arith.constant 0 : i32
        %cond3A_75 = arith.cmpi ne, %convert_element_type3A_73, %cond3A_74 : i32
        scf.if %cond3A_75 {
          %add3A_108 = arith.constant 1 : i32
          %add3A_109 = arith.addi %scan3A_35, %add3A_108 : i32
          %dma_start3A_110 = arith.constant 0 : i32
          %dma_start3A_111 = tpu.memref_slice %arg7[%add3A_109, %dma_start3A_110] : memref<25x80xi32, #tpu.memory_space<vmem>> -> memref<1x80xi32, #tpu.memory_space<vmem>>
          %dma_start3A_112 = tpu.memref_squeeze %dma_start3A_111 : memref<1x80xi32, #tpu.memory_space<vmem>> -> memref<80xi32, #tpu.memory_space<vmem>>
          %dma_start3A_113 = arith.constant 0 : i32
          %dma_start3A_114 = arith.constant 0 : i32
          %dma_start3A_115 = tpu.memref_slice %arg2[%dma_start3A_113, %dma_start3A_114] : memref<10000x128xf32, #tpu.memory_space<hbm>> -> memref<10000x128xf32, #tpu.memory_space<hbm>>
          tpu.enqueue_indirect_dma source(%dma_start3A_115 : memref<10000x128xf32, #tpu.memory_space<hbm>>) target(%arg11 : memref<80x128xf32, #tpu.memory_space<vmem>>) offsets(%dma_start3A_112 : memref<80xi32, #tpu.memory_space<vmem>>) semaphore(%arg18 : memref<!tpu.dma_semaphore, #tpu.memory_space<semaphore_mem>>)
          %dma_start3A_116 = arith.constant 0 : i32
          %dma_start3A_117 = tpu.memref_slice %arg8[%add3A_109, %dma_start3A_116] : memref<25x80xi32, #tpu.memory_space<vmem>> -> memref<1x80xi32, #tpu.memory_space<vmem>>
          %dma_start3A_118 = tpu.memref_squeeze %dma_start3A_117 : memref<1x80xi32, #tpu.memory_space<vmem>> -> memref<80xi32, #tpu.memory_space<vmem>>
          %dma_start3A_119 = arith.constant 0 : i32
          %dma_start3A_120 = arith.constant 0 : i32
          %dma_start3A_121 = tpu.memref_slice %arg3[%dma_start3A_119, %dma_start3A_120] : memref<10000x128xf32, #tpu.memory_space<hbm>> -> memref<10000x128xf32, #tpu.memory_space<hbm>>
          tpu.enqueue_indirect_dma source(%dma_start3A_121 : memref<10000x128xf32, #tpu.memory_space<hbm>>) target(%arg12 : memref<80x128xf32, #tpu.memory_space<vmem>>) offsets(%dma_start3A_118 : memref<80xi32, #tpu.memory_space<vmem>>) semaphore(%arg19 : memref<!tpu.dma_semaphore, #tpu.memory_space<semaphore_mem>>)
        } else {
        }
        %dma_wait3A_76 = arith.constant 0 : i32
        %dma_wait3A_77 = tpu.memref_slice %arg7[%scan3A_35, %dma_wait3A_76] : memref<25x80xi32, #tpu.memory_space<vmem>> -> memref<1x80xi32, #tpu.memory_space<vmem>>
        %dma_wait3A_78 = tpu.memref_squeeze %dma_wait3A_77 : memref<1x80xi32, #tpu.memory_space<vmem>> -> memref<80xi32, #tpu.memory_space<vmem>>
        %dma_wait3A_79 = arith.constant 0 : i32
        %dma_wait3A_80 = arith.constant 0 : i32
        %dma_wait3A_81 = tpu.memref_slice %arg2[%dma_wait3A_79, %dma_wait3A_80] : memref<10000x128xf32, #tpu.memory_space<hbm>> -> memref<10000x128xf32, #tpu.memory_space<hbm>>
        tpu.wait_indirect_dma semaphore(%arg15 : memref<!tpu.dma_semaphore, #tpu.memory_space<semaphore_mem>>) src(%dma_wait3A_81 : memref<10000x128xf32, #tpu.memory_space<hbm>>) dst(%arg9 : memref<80x128xf32, #tpu.memory_space<vmem>>)
        %dma_wait3A_82 = arith.constant 0 : i32
        %dma_wait3A_83 = tpu.memref_slice %arg8[%scan3A_35, %dma_wait3A_82] : memref<25x80xi32, #tpu.memory_space<vmem>> -> memref<1x80xi32, #tpu.memory_space<vmem>>
        %dma_wait3A_84 = tpu.memref_squeeze %dma_wait3A_83 : memref<1x80xi32, #tpu.memory_space<vmem>> -> memref<80xi32, #tpu.memory_space<vmem>>
        %dma_wait3A_85 = arith.constant 0 : i32
        %dma_wait3A_86 = arith.constant 0 : i32
        %dma_wait3A_87 = tpu.memref_slice %arg3[%dma_wait3A_85, %dma_wait3A_86] : memref<10000x128xf32, #tpu.memory_space<hbm>> -> memref<10000x128xf32, #tpu.memory_space<hbm>>
        tpu.wait_indirect_dma semaphore(%arg16 : memref<!tpu.dma_semaphore, #tpu.memory_space<semaphore_mem>>) src(%dma_wait3A_87 : memref<10000x128xf32, #tpu.memory_space<hbm>>) dst(%arg10 : memref<80x128xf32, #tpu.memory_space<vmem>>)
        %ge3A = arith.constant 2 : i32
        %ge3A_88 = arith.cmpi sge, %scan3A_35, %ge3A : i32
        %convert_element_type3A_89 = arith.extui %ge3A_88 : i1 to i32
        %cond3A_90 = arith.constant 0 : i32
        %cond3A_91 = arith.cmpi ne, %convert_element_type3A_89, %cond3A_90 : i32
        scf.if %cond3A_91 {
          %sub3A = arith.constant 2 : i32
          %sub3A_108 = arith.subi %scan3A_35, %sub3A : i32
          %mul3A_109 = arith.constant 2000 : i32
          %mul3A_110 = arith.muli %add3A, %mul3A_109 : i32
          %mul3A_111 = arith.constant 80 : i32
          %mul3A_112 = arith.muli %sub3A_108, %mul3A_111 : i32
          %add3A_113 = arith.addi %mul3A_110, %mul3A_112 : i32
          %multiple_of3A_114 = tpu.assume_multiple %add3A_113, 16 : i32
          %dma_wait3A_115 = arith.constant 0 : i32
          %dma_wait3A_116 = tpu.memref_slice %arg6[%multiple_of3A_114, %dma_wait3A_115] : memref<64000x128xf32, #tpu.memory_space<hbm>> -> memref<80x128xf32, #tpu.memory_space<hbm>>
          %dma_wait3A_117 = arith.constant 0 : i32
          %dma_wait3A_118 = tpu.memref_slice %arg6[%multiple_of3A_114, %dma_wait3A_117] : memref<64000x128xf32, #tpu.memory_space<hbm>> -> memref<80x128xf32, #tpu.memory_space<hbm>>
          tpu.wait_dma2 semaphore(%arg17 : memref<!tpu.dma_semaphore, #tpu.memory_space<semaphore_mem>>) src(%arg13 : memref<80x128xf32, #tpu.memory_space<vmem>>) dst(%dma_wait3A_118 : memref<80x128xf32, #tpu.memory_space<hbm>>)
        } else {
        }
        %scan3A_92 = arith.constant 0 : i32
        %scan3A_93 = arith.constant 0 : i32
        %scan3A_94 = arith.constant 80 : i32
        %scan3A_95 = arith.addi %scan3A_93, %scan3A_94 : i32
        %scan3A_96 = arith.constant 1 : i32
        scf.for %scan3A_108 = %scan3A_93 to %scan3A_95 step %scan3A_96  : i32 {
          %get3A = arith.index_cast %scan3A_108 : i32 to index
          %get3A_109 = arith.constant 0 : index
          %get3A_110 = tpu.vector_load %arg9[%get3A, %get3A_109] {strides = array<i32>} : memref<80x128xf32, #tpu.memory_space<vmem>>, vector<1x16xf32>,
          %get3A_111 = vector.shape_cast %get3A_110 : vector<1x16xf32> to vector<16xf32>
          %get3A_112 = arith.index_cast %scan3A_108 : i32 to index
          %get3A_113 = arith.constant 0 : index
          %get3A_114 = tpu.vector_load %arg10[%get3A_112, %get3A_113] {strides = array<i32>} : memref<80x128xf32, #tpu.memory_space<vmem>>, vector<1x16xf32>,
          %get3A_115 = vector.shape_cast %get3A_114 : vector<1x16xf32> to vector<16xf32>
          %add3A_116 = arith.addf %get3A_111, %get3A_115 : vector<16xf32>
          %swap3A = arith.index_cast %scan3A_108 : i32 to index
          %swap3A_117 = arith.constant 0 : index
          %swap3A_118 = tpu.vector_load %arg13[%swap3A, %swap3A_117] {strides = array<i32>} : memref<80x128xf32, #tpu.memory_space<vmem>>, vector<1x16xf32>,
          %swap3A_119 = vector.shape_cast %swap3A_118 : vector<1x16xf32> to vector<16xf32>
          %swap3A_120 = vector.shape_cast %add3A_116 : vector<16xf32> to vector<1x16xf32>
          tpu.vector_store %arg13[%swap3A, %swap3A_117], %swap3A_120 {strides = array<i32>} : memref<80x128xf32, #tpu.memory_space<vmem>>, vector<1x16xf32>,
          %get3A_121 = arith.index_cast %scan3A_108 : i32 to index
          %get3A_122 = arith.constant 16 : index
          %get3A_123 = tpu.vector_load %arg9[%get3A_121, %get3A_122] {strides = array<i32>} : memref<80x128xf32, #tpu.memory_space<vmem>>, vector<1x16xf32>,
          %get3A_124 = vector.shape_cast %get3A_123 : vector<1x16xf32> to vector<16xf32>
          %get3A_125 = arith.index_cast %scan3A_108 : i32 to index
          %get3A_126 = arith.constant 16 : index
          %get3A_127 = tpu.vector_load %arg10[%get3A_125, %get3A_126] {strides = array<i32>} : memref<80x128xf32, #tpu.memory_space<vmem>>, vector<1x16xf32>,
          %get3A_128 = vector.shape_cast %get3A_127 : vector<1x16xf32> to vector<16xf32>
          %add3A_129 = arith.addf %get3A_124, %get3A_128 : vector<16xf32>
          %swap3A_130 = arith.index_cast %scan3A_108 : i32 to index
          %swap3A_131 = arith.constant 16 : index
          %swap3A_132 = tpu.vector_load %arg13[%swap3A_130, %swap3A_131] {strides = array<i32>} : memref<80x128xf32, #tpu.memory_space<vmem>>, vector<1x16xf32>,
          %swap3A_133 = vector.shape_cast %swap3A_132 : vector<1x16xf32> to vector<16xf32>
          %swap3A_134 = vector.shape_cast %add3A_129 : vector<16xf32> to vector<1x16xf32>
          tpu.vector_store %arg13[%swap3A_130, %swap3A_131], %swap3A_134 {strides = array<i32>} : memref<80x128xf32, #tpu.memory_space<vmem>>, vector<1x16xf32>,
          %get3A_135 = arith.index_cast %scan3A_108 : i32 to index
          %get3A_136 = arith.constant 32 : index
          %get3A_137 = tpu.vector_load %arg9[%get3A_135, %get3A_136] {strides = array<i32>} : memref<80x128xf32, #tpu.memory_space<vmem>>, vector<1x16xf32>,
          %get3A_138 = vector.shape_cast %get3A_137 : vector<1x16xf32> to vector<16xf32>
          %get3A_139 = arith.index_cast %scan3A_108 : i32 to index
          %get3A_140 = arith.constant 32 : index
          %get3A_141 = tpu.vector_load %arg10[%get3A_139, %get3A_140] {strides = array<i32>} : memref<80x128xf32, #tpu.memory_space<vmem>>, vector<1x16xf32>,
          %get3A_142 = vector.shape_cast %get3A_141 : vector<1x16xf32> to vector<16xf32>
          %add3A_143 = arith.addf %get3A_138, %get3A_142 : vector<16xf32>
          %swap3A_144 = arith.index_cast %scan3A_108 : i32 to index
          %swap3A_145 = arith.constant 32 : index
          %swap3A_146 = tpu.vector_load %arg13[%swap3A_144, %swap3A_145] {strides = array<i32>} : memref<80x128xf32, #tpu.memory_space<vmem>>, vector<1x16xf32>,
          %swap3A_147 = vector.shape_cast %swap3A_146 : vector<1x16xf32> to vector<16xf32>
          %swap3A_148 = vector.shape_cast %add3A_143 : vector<16xf32> to vector<1x16xf32>
          tpu.vector_store %arg13[%swap3A_144, %swap3A_145], %swap3A_148 {strides = array<i32>} : memref<80x128xf32, #tpu.memory_space<vmem>>, vector<1x16xf32>,
          %get3A_149 = arith.index_cast %scan3A_108 : i32 to index
          %get3A_150 = arith.constant 48 : index
          %get3A_151 = tpu.vector_load %arg9[%get3A_149, %get3A_150] {strides = array<i32>} : memref<80x128xf32, #tpu.memory_space<vmem>>, vector<1x16xf32>,
          %get3A_152 = vector.shape_cast %get3A_151 : vector<1x16xf32> to vector<16xf32>
          %get3A_153 = arith.index_cast %scan3A_108 : i32 to index
          %get3A_154 = arith.constant 48 : index
          %get3A_155 = tpu.vector_load %arg10[%get3A_153, %get3A_154] {strides = array<i32>} : memref<80x128xf32, #tpu.memory_space<vmem>>, vector<1x16xf32>,
          %get3A_156 = vector.shape_cast %get3A_155 : vector<1x16xf32> to vector<16xf32>
          %add3A_157 = arith.addf %get3A_152, %get3A_156 : vector<16xf32>
          %swap3A_158 = arith.index_cast %scan3A_108 : i32 to index
          %swap3A_159 = arith.constant 48 : index
          %swap3A_160 = tpu.vector_load %arg13[%swap3A_158, %swap3A_159] {strides = array<i32>} : memref<80x128xf32, #tpu.memory_space<vmem>>, vector<1x16xf32>,
          %swap3A_161 = vector.shape_cast %swap3A_160 : vector<1x16xf32> to vector<16xf32>
          %swap3A_162 = vector.shape_cast %add3A_157 : vector<16xf32> to vector<1x16xf32>
          tpu.vector_store %arg13[%swap3A_158, %swap3A_159], %swap3A_162 {strides = array<i32>} : memref<80x128xf32, #tpu.memory_space<vmem>>, vector<1x16xf32>,
          %get3A_163 = arith.index_cast %scan3A_108 : i32 to index
          %get3A_164 = arith.constant 64 : index
          %get3A_165 = tpu.vector_load %arg9[%get3A_163, %get3A_164] {strides = array<i32>} : memref<80x128xf32, #tpu.memory_space<vmem>>, vector<1x16xf32>,
          %get3A_166 = vector.shape_cast %get3A_165 : vector<1x16xf32> to vector<16xf32>
          %get3A_167 = arith.index_cast %scan3A_108 : i32 to index
          %get3A_168 = arith.constant 64 : index
          %get3A_169 = tpu.vector_load %arg10[%get3A_167, %get3A_168] {strides = array<i32>} : memref<80x128xf32, #tpu.memory_space<vmem>>, vector<1x16xf32>,
          %get3A_170 = vector.shape_cast %get3A_169 : vector<1x16xf32> to vector<16xf32>
          %add3A_171 = arith.addf %get3A_166, %get3A_170 : vector<16xf32>
          %swap3A_172 = arith.index_cast %scan3A_108 : i32 to index
          %swap3A_173 = arith.constant 64 : index
          %swap3A_174 = tpu.vector_load %arg13[%swap3A_172, %swap3A_173] {strides = array<i32>} : memref<80x128xf32, #tpu.memory_space<vmem>>, vector<1x16xf32>,
          %swap3A_175 = vector.shape_cast %swap3A_174 : vector<1x16xf32> to vector<16xf32>
          %swap3A_176 = vector.shape_cast %add3A_171 : vector<16xf32> to vector<1x16xf32>
          tpu.vector_store %arg13[%swap3A_172, %swap3A_173], %swap3A_176 {strides = array<i32>} : memref<80x128xf32, #tpu.memory_space<vmem>>, vector<1x16xf32>,
          %get3A_177 = arith.index_cast %scan3A_108 : i32 to index
          %get3A_178 = arith.constant 80 : index
          %get3A_179 = tpu.vector_load %arg9[%get3A_177, %get3A_178] {strides = array<i32>} : memref<80x128xf32, #tpu.memory_space<vmem>>, vector<1x16xf32>,
          %get3A_180 = vector.shape_cast %get3A_179 : vector<1x16xf32> to vector<16xf32>
          %get3A_181 = arith.index_cast %scan3A_108 : i32 to index
          %get3A_182 = arith.constant 80 : index
          %get3A_183 = tpu.vector_load %arg10[%get3A_181, %get3A_182] {strides = array<i32>} : memref<80x128xf32, #tpu.memory_space<vmem>>, vector<1x16xf32>,
          %get3A_184 = vector.shape_cast %get3A_183 : vector<1x16xf32> to vector<16xf32>
          %add3A_185 = arith.addf %get3A_180, %get3A_184 : vector<16xf32>
          %swap3A_186 = arith.index_cast %scan3A_108 : i32 to index
          %swap3A_187 = arith.constant 80 : index
          %swap3A_188 = tpu.vector_load %arg13[%swap3A_186, %swap3A_187] {strides = array<i32>} : memref<80x128xf32, #tpu.memory_space<vmem>>, vector<1x16xf32>,
          %swap3A_189 = vector.shape_cast %swap3A_188 : vector<1x16xf32> to vector<16xf32>
          %swap3A_190 = vector.shape_cast %add3A_185 : vector<16xf32> to vector<1x16xf32>
          tpu.vector_store %arg13[%swap3A_186, %swap3A_187], %swap3A_190 {strides = array<i32>} : memref<80x128xf32, #tpu.memory_space<vmem>>, vector<1x16xf32>,
          %get3A_191 = arith.index_cast %scan3A_108 : i32 to index
          %get3A_192 = arith.constant 96 : index
          %get3A_193 = tpu.vector_load %arg9[%get3A_191, %get3A_192] {strides = array<i32>} : memref<80x128xf32, #tpu.memory_space<vmem>>, vector<1x16xf32>,
          %get3A_194 = vector.shape_cast %get3A_193 : vector<1x16xf32> to vector<16xf32>
          %get3A_195 = arith.index_cast %scan3A_108 : i32 to index
          %get3A_196 = arith.constant 96 : index
          %get3A_197 = tpu.vector_load %arg10[%get3A_195, %get3A_196] {strides = array<i32>} : memref<80x128xf32, #tpu.memory_space<vmem>>, vector<1x16xf32>,
          %get3A_198 = vector.shape_cast %get3A_197 : vector<1x16xf32> to vector<16xf32>
          %add3A_199 = arith.addf %get3A_194, %get3A_198 : vector<16xf32>
          %swap3A_200 = arith.index_cast %scan3A_108 : i32 to index
          %swap3A_201 = arith.constant 96 : index
          %swap3A_202 = tpu.vector_load %arg13[%swap3A_200, %swap3A_201] {strides = array<i32>} : memref<80x128xf32, #tpu.memory_space<vmem>>, vector<1x16xf32>,
          %swap3A_203 = vector.shape_cast %swap3A_202 : vector<1x16xf32> to vector<16xf32>
          %swap3A_204 = vector.shape_cast %add3A_199 : vector<16xf32> to vector<1x16xf32>
          tpu.vector_store %arg13[%swap3A_200, %swap3A_201], %swap3A_204 {strides = array<i32>} : memref<80x128xf32, #tpu.memory_space<vmem>>, vector<1x16xf32>,
          %get3A_205 = arith.index_cast %scan3A_108 : i32 to index
          %get3A_206 = arith.constant 112 : index
          %get3A_207 = tpu.vector_load %arg9[%get3A_205, %get3A_206] {strides = array<i32>} : memref<80x128xf32, #tpu.memory_space<vmem>>, vector<1x16xf32>,
          %get3A_208 = vector.shape_cast %get3A_207 : vector<1x16xf32> to vector<16xf32>
          %get3A_209 = arith.index_cast %scan3A_108 : i32 to index
          %get3A_210 = arith.constant 112 : index
          %get3A_211 = tpu.vector_load %arg10[%get3A_209, %get3A_210] {strides = array<i32>} : memref<80x128xf32, #tpu.memory_space<vmem>>, vector<1x16xf32>,
          %get3A_212 = vector.shape_cast %get3A_211 : vector<1x16xf32> to vector<16xf32>
          %add3A_213 = arith.addf %get3A_208, %get3A_212 : vector<16xf32>
          %swap3A_214 = arith.index_cast %scan3A_108 : i32 to index
          %swap3A_215 = arith.constant 112 : index
          %swap3A_216 = tpu.vector_load %arg13[%swap3A_214, %swap3A_215] {strides = array<i32>} : memref<80x128xf32, #tpu.memory_space<vmem>>, vector<1x16xf32>,
          %swap3A_217 = vector.shape_cast %swap3A_216 : vector<1x16xf32> to vector<16xf32>
          %swap3A_218 = vector.shape_cast %add3A_213 : vector<16xf32> to vector<1x16xf32>
          tpu.vector_store %arg13[%swap3A_214, %swap3A_215], %swap3A_218 {strides = array<i32>} : memref<80x128xf32, #tpu.memory_space<vmem>>, vector<1x16xf32>,
        }
        %scan3A_97 = arith.constant 80 : i32
        %mul3A_98 = arith.constant 2000 : i32
        %mul3A_99 = arith.muli %add3A, %mul3A_98 : i32
        %mul3A_100 = arith.constant 80 : i32
        %mul3A_101 = arith.muli %scan3A_35, %mul3A_100 : i32
        %add3A_102 = arith.addi %mul3A_99, %mul3A_101 : i32
        %multiple_of3A_103 = tpu.assume_multiple %add3A_102, 16 : i32
        %dma_start3A_104 = arith.constant 0 : i32
        %dma_start3A_105 = tpu.memref_slice %arg6[%multiple_of3A_103, %dma_start3A_104] : memref<64000x128xf32, #tpu.memory_space<hbm>> -> memref<80x128xf32, #tpu.memory_space<hbm>>
        %dma_start3A_106 = arith.constant 0 : i32
        %dma_start3A_107 = tpu.memref_slice %arg6[%multiple_of3A_103, %dma_start3A_106] : memref<64000x128xf32, #tpu.memory_space<hbm>> -> memref<80x128xf32, #tpu.memory_space<hbm>>
        tpu.enqueue_dma source(%arg13 : memref<80x128xf32, #tpu.memory_space<vmem>>) target(%dma_start3A_107 : memref<80x128xf32, #tpu.memory_space<hbm>>) target_semaphore(%arg17 : memref<!tpu.dma_semaphore, #tpu.memory_space<semaphore_mem>>)
      } else {
      }
      %jit3A_48 = arith.constant 2 : i32
      %eq3A_49 = arith.constant 0 : i32
      %eq3A_50 = arith.cmpi eq, %jit3A_48, %eq3A_49 : i32
      %jit3A_51 = arith.constant 1 : i32
      %select_n3A_52 = arith.select %eq3A_50, %jit3A_51, %jit3A_48 : i32
      %rem3A_53 = arith.remsi %scan3A_35, %select_n3A_52 : i32
      %ne3A_54 = arith.constant 0 : i32
      %ne3A_55 = arith.cmpi ne, %rem3A_53, %ne3A_54 : i32
      %lt3A_56 = arith.constant 0 : i32
      %lt3A_57 = arith.cmpi slt, %rem3A_53, %lt3A_56 : i32
      %lt3A_58 = arith.constant 0 : i32
      %lt3A_59 = arith.cmpi slt, %select_n3A_52, %lt3A_58 : i32
      %ne3A_60 = arith.xori %lt3A_57, %lt3A_59 : i1
      %and3A_61 = arith.andi %ne3A_60, %ne3A_55 : i1
      %add3A_62 = arith.addi %rem3A_53, %select_n3A_52 : i32
      %select_n3A_63 = arith.select %and3A_61, %add3A_62, %rem3A_53 : i32
      %eq3A_64 = arith.constant 1 : i32
      %eq3A_65 = arith.cmpi eq, %select_n3A_63, %eq3A_64 : i32
      %convert_element_type3A_66 = arith.extui %eq3A_65 : i1 to i32
      %cond3A_67 = arith.constant 0 : i32
      %cond3A_68 = arith.cmpi ne, %convert_element_type3A_66, %cond3A_67 : i32
      scf.if %cond3A_68 {
        %add3A_69 = arith.constant 1 : i32
        %add3A_70 = arith.addi %scan3A_35, %add3A_69 : i32
        %lt3A_71 = arith.constant 25 : i32
        %lt3A_72 = arith.cmpi slt, %add3A_70, %lt3A_71 : i32
        %convert_element_type3A_73 = arith.extui %lt3A_72 : i1 to i32
        %cond3A_74 = arith.constant 0 : i32
        %cond3A_75 = arith.cmpi ne, %convert_element_type3A_73, %cond3A_74 : i32
        scf.if %cond3A_75 {
          %add3A_108 = arith.constant 1 : i32
          %add3A_109 = arith.addi %scan3A_35, %add3A_108 : i32
          %dma_start3A_110 = arith.constant 0 : i32
          %dma_start3A_111 = tpu.memref_slice %arg7[%add3A_109, %dma_start3A_110] : memref<25x80xi32, #tpu.memory_space<vmem>> -> memref<1x80xi32, #tpu.memory_space<vmem>>
          %dma_start3A_112 = tpu.memref_squeeze %dma_start3A_111 : memref<1x80xi32, #tpu.memory_space<vmem>> -> memref<80xi32, #tpu.memory_space<vmem>>
          %dma_start3A_113 = arith.constant 0 : i32
          %dma_start3A_114 = arith.constant 0 : i32
          %dma_start3A_115 = tpu.memref_slice %arg2[%dma_start3A_113, %dma_start3A_114] : memref<10000x128xf32, #tpu.memory_space<hbm>> -> memref<10000x128xf32, #tpu.memory_space<hbm>>
          tpu.enqueue_indirect_dma source(%dma_start3A_115 : memref<10000x128xf32, #tpu.memory_space<hbm>>) target(%arg9 : memref<80x128xf32, #tpu.memory_space<vmem>>) offsets(%dma_start3A_112 : memref<80xi32, #tpu.memory_space<vmem>>) semaphore(%arg15 : memref<!tpu.dma_semaphore, #tpu.memory_space<semaphore_mem>>)
          %dma_start3A_116 = arith.constant 0 : i32
          %dma_start3A_117 = tpu.memref_slice %arg8[%add3A_109, %dma_start3A_116] : memref<25x80xi32, #tpu.memory_space<vmem>> -> memref<1x80xi32, #tpu.memory_space<vmem>>
          %dma_start3A_118 = tpu.memref_squeeze %dma_start3A_117 : memref<1x80xi32, #tpu.memory_space<vmem>> -> memref<80xi32, #tpu.memory_space<vmem>>
          %dma_start3A_119 = arith.constant 0 : i32
          %dma_start3A_120 = arith.constant 0 : i32
          %dma_start3A_121 = tpu.memref_slice %arg3[%dma_start3A_119, %dma_start3A_120] : memref<10000x128xf32, #tpu.memory_space<hbm>> -> memref<10000x128xf32, #tpu.memory_space<hbm>>
          tpu.enqueue_indirect_dma source(%dma_start3A_121 : memref<10000x128xf32, #tpu.memory_space<hbm>>) target(%arg10 : memref<80x128xf32, #tpu.memory_space<vmem>>) offsets(%dma_start3A_118 : memref<80xi32, #tpu.memory_space<vmem>>) semaphore(%arg16 : memref<!tpu.dma_semaphore, #tpu.memory_space<semaphore_mem>>)
        } else {
        }
        %dma_wait3A_76 = arith.constant 0 : i32
        %dma_wait3A_77 = tpu.memref_slice %arg7[%scan3A_35, %dma_wait3A_76] : memref<25x80xi32, #tpu.memory_space<vmem>> -> memref<1x80xi32, #tpu.memory_space<vmem>>
        %dma_wait3A_78 = tpu.memref_squeeze %dma_wait3A_77 : memref<1x80xi32, #tpu.memory_space<vmem>> -> memref<80xi32, #tpu.memory_space<vmem>>
        %dma_wait3A_79 = arith.constant 0 : i32
        %dma_wait3A_80 = arith.constant 0 : i32
        %dma_wait3A_81 = tpu.memref_slice %arg2[%dma_wait3A_79, %dma_wait3A_80] : memref<10000x128xf32, #tpu.memory_space<hbm>> -> memref<10000x128xf32, #tpu.memory_space<hbm>>
        tpu.wait_indirect_dma semaphore(%arg18 : memref<!tpu.dma_semaphore, #tpu.memory_space<semaphore_mem>>) src(%dma_wait3A_81 : memref<10000x128xf32, #tpu.memory_space<hbm>>) dst(%arg11 : memref<80x128xf32, #tpu.memory_space<vmem>>)
        %dma_wait3A_82 = arith.constant 0 : i32
        %dma_wait3A_83 = tpu.memref_slice %arg8[%scan3A_35, %dma_wait3A_82] : memref<25x80xi32, #tpu.memory_space<vmem>> -> memref<1x80xi32, #tpu.memory_space<vmem>>
        %dma_wait3A_84 = tpu.memref_squeeze %dma_wait3A_83 : memref<1x80xi32, #tpu.memory_space<vmem>> -> memref<80xi32, #tpu.memory_space<vmem>>
        %dma_wait3A_85 = arith.constant 0 : i32
        %dma_wait3A_86 = arith.constant 0 : i32
        %dma_wait3A_87 = tpu.memref_slice %arg3[%dma_wait3A_85, %dma_wait3A_86] : memref<10000x128xf32, #tpu.memory_space<hbm>> -> memref<10000x128xf32, #tpu.memory_space<hbm>>
        tpu.wait_indirect_dma semaphore(%arg19 : memref<!tpu.dma_semaphore, #tpu.memory_space<semaphore_mem>>) src(%dma_wait3A_87 : memref<10000x128xf32, #tpu.memory_space<hbm>>) dst(%arg12 : memref<80x128xf32, #tpu.memory_space<vmem>>)
        %ge3A = arith.constant 2 : i32
        %ge3A_88 = arith.cmpi sge, %scan3A_35, %ge3A : i32
        %convert_element_type3A_89 = arith.extui %ge3A_88 : i1 to i32
        %cond3A_90 = arith.constant 0 : i32
        %cond3A_91 = arith.cmpi ne, %convert_element_type3A_89, %cond3A_90 : i32
        scf.if %cond3A_91 {
          %sub3A = arith.constant 2 : i32
          %sub3A_108 = arith.subi %scan3A_35, %sub3A : i32
          %mul3A_109 = arith.constant 2000 : i32
          %mul3A_110 = arith.muli %add3A, %mul3A_109 : i32
          %mul3A_111 = arith.constant 80 : i32
          %mul3A_112 = arith.muli %sub3A_108, %mul3A_111 : i32
          %add3A_113 = arith.addi %mul3A_110, %mul3A_112 : i32
          %multiple_of3A_114 = tpu.assume_multiple %add3A_113, 16 : i32
          %dma_wait3A_115 = arith.constant 0 : i32
          %dma_wait3A_116 = tpu.memref_slice %arg6[%multiple_of3A_114, %dma_wait3A_115] : memref<64000x128xf32, #tpu.memory_space<hbm>> -> memref<80x128xf32, #tpu.memory_space<hbm>>
          %dma_wait3A_117 = arith.constant 0 : i32
          %dma_wait3A_118 = tpu.memref_slice %arg6[%multiple_of3A_114, %dma_wait3A_117] : memref<64000x128xf32, #tpu.memory_space<hbm>> -> memref<80x128xf32, #tpu.memory_space<hbm>>
          tpu.wait_dma2 semaphore(%arg20 : memref<!tpu.dma_semaphore, #tpu.memory_space<semaphore_mem>>) src(%arg14 : memref<80x128xf32, #tpu.memory_space<vmem>>) dst(%dma_wait3A_118 : memref<80x128xf32, #tpu.memory_space<hbm>>)
        } else {
        }
        %scan3A_92 = arith.constant 0 : i32
        %scan3A_93 = arith.constant 0 : i32
        %scan3A_94 = arith.constant 80 : i32
        %scan3A_95 = arith.addi %scan3A_93, %scan3A_94 : i32
        %scan3A_96 = arith.constant 1 : i32
        scf.for %scan3A_108 = %scan3A_93 to %scan3A_95 step %scan3A_96  : i32 {
          %get3A = arith.index_cast %scan3A_108 : i32 to index
          %get3A_109 = arith.constant 0 : index
          %get3A_110 = tpu.vector_load %arg11[%get3A, %get3A_109] {strides = array<i32>} : memref<80x128xf32, #tpu.memory_space<vmem>>, vector<1x16xf32>,
          %get3A_111 = vector.shape_cast %get3A_110 : vector<1x16xf32> to vector<16xf32>
          %get3A_112 = arith.index_cast %scan3A_108 : i32 to index
          %get3A_113 = arith.constant 0 : index
          %get3A_114 = tpu.vector_load %arg12[%get3A_112, %get3A_113] {strides = array<i32>} : memref<80x128xf32, #tpu.memory_space<vmem>>, vector<1x16xf32>,
          %get3A_115 = vector.shape_cast %get3A_114 : vector<1x16xf32> to vector<16xf32>
          %add3A_116 = arith.addf %get3A_111, %get3A_115 : vector<16xf32>
          %swap3A = arith.index_cast %scan3A_108 : i32 to index
          %swap3A_117 = arith.constant 0 : index
          %swap3A_118 = tpu.vector_load %arg14[%swap3A, %swap3A_117] {strides = array<i32>} : memref<80x128xf32, #tpu.memory_space<vmem>>, vector<1x16xf32>,
          %swap3A_119 = vector.shape_cast %swap3A_118 : vector<1x16xf32> to vector<16xf32>
          %swap3A_120 = vector.shape_cast %add3A_116 : vector<16xf32> to vector<1x16xf32>
          tpu.vector_store %arg14[%swap3A, %swap3A_117], %swap3A_120 {strides = array<i32>} : memref<80x128xf32, #tpu.memory_space<vmem>>, vector<1x16xf32>,
          %get3A_121 = arith.index_cast %scan3A_108 : i32 to index
          %get3A_122 = arith.constant 16 : index
          %get3A_123 = tpu.vector_load %arg11[%get3A_121, %get3A_122] {strides = array<i32>} : memref<80x128xf32, #tpu.memory_space<vmem>>, vector<1x16xf32>,
          %get3A_124 = vector.shape_cast %get3A_123 : vector<1x16xf32> to vector<16xf32>
          %get3A_125 = arith.index_cast %scan3A_108 : i32 to index
          %get3A_126 = arith.constant 16 : index
          %get3A_127 = tpu.vector_load %arg12[%get3A_125, %get3A_126] {strides = array<i32>} : memref<80x128xf32, #tpu.memory_space<vmem>>, vector<1x16xf32>,
          %get3A_128 = vector.shape_cast %get3A_127 : vector<1x16xf32> to vector<16xf32>
          %add3A_129 = arith.addf %get3A_124, %get3A_128 : vector<16xf32>
          %swap3A_130 = arith.index_cast %scan3A_108 : i32 to index
          %swap3A_131 = arith.constant 16 : index
          %swap3A_132 = tpu.vector_load %arg14[%swap3A_130, %swap3A_131] {strides = array<i32>} : memref<80x128xf32, #tpu.memory_space<vmem>>, vector<1x16xf32>,
          %swap3A_133 = vector.shape_cast %swap3A_132 : vector<1x16xf32> to vector<16xf32>
          %swap3A_134 = vector.shape_cast %add3A_129 : vector<16xf32> to vector<1x16xf32>
          tpu.vector_store %arg14[%swap3A_130, %swap3A_131], %swap3A_134 {strides = array<i32>} : memref<80x128xf32, #tpu.memory_space<vmem>>, vector<1x16xf32>,
          %get3A_135 = arith.index_cast %scan3A_108 : i32 to index
          %get3A_136 = arith.constant 32 : index
          %get3A_137 = tpu.vector_load %arg11[%get3A_135, %get3A_136] {strides = array<i32>} : memref<80x128xf32, #tpu.memory_space<vmem>>, vector<1x16xf32>,
          %get3A_138 = vector.shape_cast %get3A_137 : vector<1x16xf32> to vector<16xf32>
          %get3A_139 = arith.index_cast %scan3A_108 : i32 to index
          %get3A_140 = arith.constant 32 : index
          %get3A_141 = tpu.vector_load %arg12[%get3A_139, %get3A_140] {strides = array<i32>} : memref<80x128xf32, #tpu.memory_space<vmem>>, vector<1x16xf32>,
          %get3A_142 = vector.shape_cast %get3A_141 : vector<1x16xf32> to vector<16xf32>
          %add3A_143 = arith.addf %get3A_138, %get3A_142 : vector<16xf32>
          %swap3A_144 = arith.index_cast %scan3A_108 : i32 to index
          %swap3A_145 = arith.constant 32 : index
          %swap3A_146 = tpu.vector_load %arg14[%swap3A_144, %swap3A_145] {strides = array<i32>} : memref<80x128xf32, #tpu.memory_space<vmem>>, vector<1x16xf32>,
          %swap3A_147 = vector.shape_cast %swap3A_146 : vector<1x16xf32> to vector<16xf32>
          %swap3A_148 = vector.shape_cast %add3A_143 : vector<16xf32> to vector<1x16xf32>
          tpu.vector_store %arg14[%swap3A_144, %swap3A_145], %swap3A_148 {strides = array<i32>} : memref<80x128xf32, #tpu.memory_space<vmem>>, vector<1x16xf32>,
          %get3A_149 = arith.index_cast %scan3A_108 : i32 to index
          %get3A_150 = arith.constant 48 : index
          %get3A_151 = tpu.vector_load %arg11[%get3A_149, %get3A_150] {strides = array<i32>} : memref<80x128xf32, #tpu.memory_space<vmem>>, vector<1x16xf32>,
          %get3A_152 = vector.shape_cast %get3A_151 : vector<1x16xf32> to vector<16xf32>
          %get3A_153 = arith.index_cast %scan3A_108 : i32 to index
          %get3A_154 = arith.constant 48 : index
          %get3A_155 = tpu.vector_load %arg12[%get3A_153, %get3A_154] {strides = array<i32>} : memref<80x128xf32, #tpu.memory_space<vmem>>, vector<1x16xf32>,
          %get3A_156 = vector.shape_cast %get3A_155 : vector<1x16xf32> to vector<16xf32>
          %add3A_157 = arith.addf %get3A_152, %get3A_156 : vector<16xf32>
          %swap3A_158 = arith.index_cast %scan3A_108 : i32 to index
          %swap3A_159 = arith.constant 48 : index
          %swap3A_160 = tpu.vector_load %arg14[%swap3A_158, %swap3A_159] {strides = array<i32>} : memref<80x128xf32, #tpu.memory_space<vmem>>, vector<1x16xf32>,
          %swap3A_161 = vector.shape_cast %swap3A_160 : vector<1x16xf32> to vector<16xf32>
          %swap3A_162 = vector.shape_cast %add3A_157 : vector<16xf32> to vector<1x16xf32>
          tpu.vector_store %arg14[%swap3A_158, %swap3A_159], %swap3A_162 {strides = array<i32>} : memref<80x128xf32, #tpu.memory_space<vmem>>, vector<1x16xf32>,
          %get3A_163 = arith.index_cast %scan3A_108 : i32 to index
          %get3A_164 = arith.constant 64 : index
          %get3A_165 = tpu.vector_load %arg11[%get3A_163, %get3A_164] {strides = array<i32>} : memref<80x128xf32, #tpu.memory_space<vmem>>, vector<1x16xf32>,
          %get3A_166 = vector.shape_cast %get3A_165 : vector<1x16xf32> to vector<16xf32>
          %get3A_167 = arith.index_cast %scan3A_108 : i32 to index
          %get3A_168 = arith.constant 64 : index
          %get3A_169 = tpu.vector_load %arg12[%get3A_167, %get3A_168] {strides = array<i32>} : memref<80x128xf32, #tpu.memory_space<vmem>>, vector<1x16xf32>,
          %get3A_170 = vector.shape_cast %get3A_169 : vector<1x16xf32> to vector<16xf32>
          %add3A_171 = arith.addf %get3A_166, %get3A_170 : vector<16xf32>
          %swap3A_172 = arith.index_cast %scan3A_108 : i32 to index
          %swap3A_173 = arith.constant 64 : index
          %swap3A_174 = tpu.vector_load %arg14[%swap3A_172, %swap3A_173] {strides = array<i32>} : memref<80x128xf32, #tpu.memory_space<vmem>>, vector<1x16xf32>,
          %swap3A_175 = vector.shape_cast %swap3A_174 : vector<1x16xf32> to vector<16xf32>
          %swap3A_176 = vector.shape_cast %add3A_171 : vector<16xf32> to vector<1x16xf32>
          tpu.vector_store %arg14[%swap3A_172, %swap3A_173], %swap3A_176 {strides = array<i32>} : memref<80x128xf32, #tpu.memory_space<vmem>>, vector<1x16xf32>,
          %get3A_177 = arith.index_cast %scan3A_108 : i32 to index
          %get3A_178 = arith.constant 80 : index
          %get3A_179 = tpu.vector_load %arg11[%get3A_177, %get3A_178] {strides = array<i32>} : memref<80x128xf32, #tpu.memory_space<vmem>>, vector<1x16xf32>,
          %get3A_180 = vector.shape_cast %get3A_179 : vector<1x16xf32> to vector<16xf32>
          %get3A_181 = arith.index_cast %scan3A_108 : i32 to index
          %get3A_182 = arith.constant 80 : index
          %get3A_183 = tpu.vector_load %arg12[%get3A_181, %get3A_182] {strides = array<i32>} : memref<80x128xf32, #tpu.memory_space<vmem>>, vector<1x16xf32>,
          %get3A_184 = vector.shape_cast %get3A_183 : vector<1x16xf32> to vector<16xf32>
          %add3A_185 = arith.addf %get3A_180, %get3A_184 : vector<16xf32>
          %swap3A_186 = arith.index_cast %scan3A_108 : i32 to index
          %swap3A_187 = arith.constant 80 : index
          %swap3A_188 = tpu.vector_load %arg14[%swap3A_186, %swap3A_187] {strides = array<i32>} : memref<80x128xf32, #tpu.memory_space<vmem>>, vector<1x16xf32>,
          %swap3A_189 = vector.shape_cast %swap3A_188 : vector<1x16xf32> to vector<16xf32>
          %swap3A_190 = vector.shape_cast %add3A_185 : vector<16xf32> to vector<1x16xf32>
          tpu.vector_store %arg14[%swap3A_186, %swap3A_187], %swap3A_190 {strides = array<i32>} : memref<80x128xf32, #tpu.memory_space<vmem>>, vector<1x16xf32>,
          %get3A_191 = arith.index_cast %scan3A_108 : i32 to index
          %get3A_192 = arith.constant 96 : index
          %get3A_193 = tpu.vector_load %arg11[%get3A_191, %get3A_192] {strides = array<i32>} : memref<80x128xf32, #tpu.memory_space<vmem>>, vector<1x16xf32>,
          %get3A_194 = vector.shape_cast %get3A_193 : vector<1x16xf32> to vector<16xf32>
          %get3A_195 = arith.index_cast %scan3A_108 : i32 to index
          %get3A_196 = arith.constant 96 : index
          %get3A_197 = tpu.vector_load %arg12[%get3A_195, %get3A_196] {strides = array<i32>} : memref<80x128xf32, #tpu.memory_space<vmem>>, vector<1x16xf32>,
          %get3A_198 = vector.shape_cast %get3A_197 : vector<1x16xf32> to vector<16xf32>
          %add3A_199 = arith.addf %get3A_194, %get3A_198 : vector<16xf32>
          %swap3A_200 = arith.index_cast %scan3A_108 : i32 to index
          %swap3A_201 = arith.constant 96 : index
          %swap3A_202 = tpu.vector_load %arg14[%swap3A_200, %swap3A_201] {strides = array<i32>} : memref<80x128xf32, #tpu.memory_space<vmem>>, vector<1x16xf32>,
          %swap3A_203 = vector.shape_cast %swap3A_202 : vector<1x16xf32> to vector<16xf32>
          %swap3A_204 = vector.shape_cast %add3A_199 : vector<16xf32> to vector<1x16xf32>
          tpu.vector_store %arg14[%swap3A_200, %swap3A_201], %swap3A_204 {strides = array<i32>} : memref<80x128xf32, #tpu.memory_space<vmem>>, vector<1x16xf32>,
          %get3A_205 = arith.index_cast %scan3A_108 : i32 to index
          %get3A_206 = arith.constant 112 : index
          %get3A_207 = tpu.vector_load %arg11[%get3A_205, %get3A_206] {strides = array<i32>} : memref<80x128xf32, #tpu.memory_space<vmem>>, vector<1x16xf32>,
          %get3A_208 = vector.shape_cast %get3A_207 : vector<1x16xf32> to vector<16xf32>
          %get3A_209 = arith.index_cast %scan3A_108 : i32 to index
          %get3A_210 = arith.constant 112 : index
          %get3A_211 = tpu.vector_load %arg12[%get3A_209, %get3A_210] {strides = array<i32>} : memref<80x128xf32, #tpu.memory_space<vmem>>, vector<1x16xf32>,
          %get3A_212 = vector.shape_cast %get3A_211 : vector<1x16xf32> to vector<16xf32>
          %add3A_213 = arith.addf %get3A_208, %get3A_212 : vector<16xf32>
          %swap3A_214 = arith.index_cast %scan3A_108 : i32 to index
          %swap3A_215 = arith.constant 112 : index
          %swap3A_216 = tpu.vector_load %arg14[%swap3A_214, %swap3A_215] {strides = array<i32>} : memref<80x128xf32, #tpu.memory_space<vmem>>, vector<1x16xf32>,
          %swap3A_217 = vector.shape_cast %swap3A_216 : vector<1x16xf32> to vector<16xf32>
          %swap3A_218 = vector.shape_cast %add3A_213 : vector<16xf32> to vector<1x16xf32>
          tpu.vector_store %arg14[%swap3A_214, %swap3A_215], %swap3A_218 {strides = array<i32>} : memref<80x128xf32, #tpu.memory_space<vmem>>, vector<1x16xf32>,
        }
        %scan3A_97 = arith.constant 80 : i32
        %mul3A_98 = arith.constant 2000 : i32
        %mul3A_99 = arith.muli %add3A, %mul3A_98 : i32
        %mul3A_100 = arith.constant 80 : i32
        %mul3A_101 = arith.muli %scan3A_35, %mul3A_100 : i32
        %add3A_102 = arith.addi %mul3A_99, %mul3A_101 : i32
        %multiple_of3A_103 = tpu.assume_multiple %add3A_102, 16 : i32
        %dma_start3A_104 = arith.constant 0 : i32
        %dma_start3A_105 = tpu.memref_slice %arg6[%multiple_of3A_103, %dma_start3A_104] : memref<64000x128xf32, #tpu.memory_space<hbm>> -> memref<80x128xf32, #tpu.memory_space<hbm>>
        %dma_start3A_106 = arith.constant 0 : i32
        %dma_start3A_107 = tpu.memref_slice %arg6[%multiple_of3A_103, %dma_start3A_106] : memref<64000x128xf32, #tpu.memory_space<hbm>> -> memref<80x128xf32, #tpu.memory_space<hbm>>
        tpu.enqueue_dma source(%arg14 : memref<80x128xf32, #tpu.memory_space<vmem>>) target(%dma_start3A_107 : memref<80x128xf32, #tpu.memory_space<hbm>>) target_semaphore(%arg20 : memref<!tpu.dma_semaphore, #tpu.memory_space<semaphore_mem>>)
      } else {
      }
    }
    %scan3A_18 = arith.constant 25 : i32
    %mul3A_19 = arith.constant 2000 : i32
    %mul3A_20 = arith.muli %add3A, %mul3A_19 : i32
    %add3A_21 = arith.constant 1920 : i32
    %add3A_22 = arith.addi %mul3A_20, %add3A_21 : i32
    %multiple_of3A = tpu.assume_multiple %add3A_22, 16 : i32
    %dma_wait3A = arith.constant 0 : i32
    %dma_wait3A_23 = tpu.memref_slice %arg6[%multiple_of3A, %dma_wait3A] : memref<64000x128xf32, #tpu.memory_space<hbm>> -> memref<80x128xf32, #tpu.memory_space<hbm>>
    %dma_wait3A_24 = arith.constant 0 : i32
    %dma_wait3A_25 = tpu.memref_slice %arg6[%multiple_of3A, %dma_wait3A_24] : memref<64000x128xf32, #tpu.memory_space<hbm>> -> memref<80x128xf32, #tpu.memory_space<hbm>>
    tpu.wait_dma2 semaphore(%arg17 : memref<!tpu.dma_semaphore, #tpu.memory_space<semaphore_mem>>) src(%arg13 : memref<80x128xf32, #tpu.memory_space<vmem>>) dst(%dma_wait3A_25 : memref<80x128xf32, #tpu.memory_space<hbm>>)
    %mul3A_26 = arith.constant 2000 : i32
    %mul3A_27 = arith.muli %add3A, %mul3A_26 : i32
    %add3A_28 = arith.constant 1840 : i32
    %add3A_29 = arith.addi %mul3A_27, %add3A_28 : i32
    %multiple_of3A_30 = tpu.assume_multiple %add3A_29, 16 : i32
    %dma_wait3A_31 = arith.constant 0 : i32
    %dma_wait3A_32 = tpu.memref_slice %arg6[%multiple_of3A_30, %dma_wait3A_31] : memref<64000x128xf32, #tpu.memory_space<hbm>> -> memref<80x128xf32, #tpu.memory_space<hbm>>
    %dma_wait3A_33 = arith.constant 0 : i32
    %dma_wait3A_34 = tpu.memref_slice %arg6[%multiple_of3A_30, %dma_wait3A_33] : memref<64000x128xf32, #tpu.memory_space<hbm>> -> memref<80x128xf32, #tpu.memory_space<hbm>>
    tpu.wait_dma2 semaphore(%arg20 : memref<!tpu.dma_semaphore, #tpu.memory_space<semaphore_mem>>) src(%arg14 : memref<80x128xf32, #tpu.memory_space<vmem>>) dst(%dma_wait3A_34 : memref<80x128xf32, #tpu.memory_space<hbm>>)
    return
  }
}

#map = affine_map<(d0, d1) -> (0, 0)>
#map1 = affine_map<(d0, d1) -> (0, 0, 0)>
module attributes {stable_mosaic.version = 14 : i64} {
  func.func @body(%arg0: i32, %arg1: i32, %arg2: memref<320000x128xf32, #tpu.memory_space<hbm>>, %arg3: memref<32x125x80xi32, #tpu.memory_space<hbm>>, %arg4: memref<2x10000x128xf32, #tpu.memory_space<hbm>>, %arg5: memref<10000x128xf32, #tpu.memory_space<vmem_shared>>, %arg6: memref<125x80xi32, #tpu.memory_space<vmem>>, %arg7: memref<80x128xf32, #tpu.memory_space<vmem>>, %arg8: memref<80x128xf32, #tpu.memory_space<vmem>>, %arg9: memref<80x128xf32, #tpu.memory_space<vmem>>, %arg10: memref<!tpu.dma_semaphore, #tpu.memory_space<semaphore_mem>>, %arg11: memref<!tpu.dma_semaphore, #tpu.memory_space<semaphore_mem>>) attributes {dimension_semantics = [#tpu.dimension_semantics<core_parallel>, #tpu.dimension_semantics<subcore_parallel>], iteration_bounds = array<i64: 2, 16>, scalar_prefetch = 0 : i64, scratch_operands = 7 : i64, tpu.core_type = #tpu.core_type<sc_vector_subcore>, window_params = [{transform_indices = #map}, {transform_indices = #map1}, {transform_indices = #map1}]} {
    %mul3A = arith.constant 2 : i32
    %mul3A_0 = arith.muli %arg1, %mul3A : i32
    %add3A = arith.addi %mul3A_0, %arg0 : i32
    %scan3A = arith.constant 0 : i32
    %scan3A_1 = arith.constant 0 : i32
    %scan3A_2 = arith.constant 80 : i32
    %scan3A_3 = arith.addi %scan3A_1, %scan3A_2 : i32
    %scan3A_4 = arith.constant 1 : i32
    scf.for %scan3A_129 = %scan3A_1 to %scan3A_3 step %scan3A_4  : i32 {
      %broadcast_in_dim3A = arith.constant 0.000000e+00 : f32
      %broadcast_in_dim3A_130 = vector.broadcast %broadcast_in_dim3A : f32 to vector<16xf32>
      %swap3A = arith.index_cast %scan3A_129 : i32 to index
      %swap3A_131 = arith.constant 0 : index
      %swap3A_132 = tpu.vector_load %arg9[%swap3A, %swap3A_131] {strides = array<i32>} : memref<80x128xf32, #tpu.memory_space<vmem>>, vector<1x16xf32>,
      %swap3A_133 = vector.shape_cast %swap3A_132 : vector<1x16xf32> to vector<16xf32>
      %swap3A_134 = vector.shape_cast %broadcast_in_dim3A_130 : vector<16xf32> to vector<1x16xf32>
      tpu.vector_store %arg9[%swap3A, %swap3A_131], %swap3A_134 {strides = array<i32>} : memref<80x128xf32, #tpu.memory_space<vmem>>, vector<1x16xf32>,
      %broadcast_in_dim3A_135 = arith.constant 0.000000e+00 : f32
      %broadcast_in_dim3A_136 = vector.broadcast %broadcast_in_dim3A_135 : f32 to vector<16xf32>
      %swap3A_137 = arith.index_cast %scan3A_129 : i32 to index
      %swap3A_138 = arith.constant 16 : index
      %swap3A_139 = tpu.vector_load %arg9[%swap3A_137, %swap3A_138] {strides = array<i32>} : memref<80x128xf32, #tpu.memory_space<vmem>>, vector<1x16xf32>,
      %swap3A_140 = vector.shape_cast %swap3A_139 : vector<1x16xf32> to vector<16xf32>
      %swap3A_141 = vector.shape_cast %broadcast_in_dim3A_136 : vector<16xf32> to vector<1x16xf32>
      tpu.vector_store %arg9[%swap3A_137, %swap3A_138], %swap3A_141 {strides = array<i32>} : memref<80x128xf32, #tpu.memory_space<vmem>>, vector<1x16xf32>,
      %broadcast_in_dim3A_142 = arith.constant 0.000000e+00 : f32
      %broadcast_in_dim3A_143 = vector.broadcast %broadcast_in_dim3A_142 : f32 to vector<16xf32>
      %swap3A_144 = arith.index_cast %scan3A_129 : i32 to index
      %swap3A_145 = arith.constant 32 : index
      %swap3A_146 = tpu.vector_load %arg9[%swap3A_144, %swap3A_145] {strides = array<i32>} : memref<80x128xf32, #tpu.memory_space<vmem>>, vector<1x16xf32>,
      %swap3A_147 = vector.shape_cast %swap3A_146 : vector<1x16xf32> to vector<16xf32>
      %swap3A_148 = vector.shape_cast %broadcast_in_dim3A_143 : vector<16xf32> to vector<1x16xf32>
      tpu.vector_store %arg9[%swap3A_144, %swap3A_145], %swap3A_148 {strides = array<i32>} : memref<80x128xf32, #tpu.memory_space<vmem>>, vector<1x16xf32>,
      %broadcast_in_dim3A_149 = arith.constant 0.000000e+00 : f32
      %broadcast_in_dim3A_150 = vector.broadcast %broadcast_in_dim3A_149 : f32 to vector<16xf32>
      %swap3A_151 = arith.index_cast %scan3A_129 : i32 to index
      %swap3A_152 = arith.constant 48 : index
      %swap3A_153 = tpu.vector_load %arg9[%swap3A_151, %swap3A_152] {strides = array<i32>} : memref<80x128xf32, #tpu.memory_space<vmem>>, vector<1x16xf32>,
      %swap3A_154 = vector.shape_cast %swap3A_153 : vector<1x16xf32> to vector<16xf32>
      %swap3A_155 = vector.shape_cast %broadcast_in_dim3A_150 : vector<16xf32> to vector<1x16xf32>
      tpu.vector_store %arg9[%swap3A_151, %swap3A_152], %swap3A_155 {strides = array<i32>} : memref<80x128xf32, #tpu.memory_space<vmem>>, vector<1x16xf32>,
      %broadcast_in_dim3A_156 = arith.constant 0.000000e+00 : f32
      %broadcast_in_dim3A_157 = vector.broadcast %broadcast_in_dim3A_156 : f32 to vector<16xf32>
      %swap3A_158 = arith.index_cast %scan3A_129 : i32 to index
      %swap3A_159 = arith.constant 64 : index
      %swap3A_160 = tpu.vector_load %arg9[%swap3A_158, %swap3A_159] {strides = array<i32>} : memref<80x128xf32, #tpu.memory_space<vmem>>, vector<1x16xf32>,
      %swap3A_161 = vector.shape_cast %swap3A_160 : vector<1x16xf32> to vector<16xf32>
      %swap3A_162 = vector.shape_cast %broadcast_in_dim3A_157 : vector<16xf32> to vector<1x16xf32>
      tpu.vector_store %arg9[%swap3A_158, %swap3A_159], %swap3A_162 {strides = array<i32>} : memref<80x128xf32, #tpu.memory_space<vmem>>, vector<1x16xf32>,
      %broadcast_in_dim3A_163 = arith.constant 0.000000e+00 : f32
      %broadcast_in_dim3A_164 = vector.broadcast %broadcast_in_dim3A_163 : f32 to vector<16xf32>
      %swap3A_165 = arith.index_cast %scan3A_129 : i32 to index
      %swap3A_166 = arith.constant 80 : index
      %swap3A_167 = tpu.vector_load %arg9[%swap3A_165, %swap3A_166] {strides = array<i32>} : memref<80x128xf32, #tpu.memory_space<vmem>>, vector<1x16xf32>,
      %swap3A_168 = vector.shape_cast %swap3A_167 : vector<1x16xf32> to vector<16xf32>
      %swap3A_169 = vector.shape_cast %broadcast_in_dim3A_164 : vector<16xf32> to vector<1x16xf32>
      tpu.vector_store %arg9[%swap3A_165, %swap3A_166], %swap3A_169 {strides = array<i32>} : memref<80x128xf32, #tpu.memory_space<vmem>>, vector<1x16xf32>,
      %broadcast_in_dim3A_170 = arith.constant 0.000000e+00 : f32
      %broadcast_in_dim3A_171 = vector.broadcast %broadcast_in_dim3A_170 : f32 to vector<16xf32>
      %swap3A_172 = arith.index_cast %scan3A_129 : i32 to index
      %swap3A_173 = arith.constant 96 : index
      %swap3A_174 = tpu.vector_load %arg9[%swap3A_172, %swap3A_173] {strides = array<i32>} : memref<80x128xf32, #tpu.memory_space<vmem>>, vector<1x16xf32>,
      %swap3A_175 = vector.shape_cast %swap3A_174 : vector<1x16xf32> to vector<16xf32>
      %swap3A_176 = vector.shape_cast %broadcast_in_dim3A_171 : vector<16xf32> to vector<1x16xf32>
      tpu.vector_store %arg9[%swap3A_172, %swap3A_173], %swap3A_176 {strides = array<i32>} : memref<80x128xf32, #tpu.memory_space<vmem>>, vector<1x16xf32>,
      %broadcast_in_dim3A_177 = arith.constant 0.000000e+00 : f32
      %broadcast_in_dim3A_178 = vector.broadcast %broadcast_in_dim3A_177 : f32 to vector<16xf32>
      %swap3A_179 = arith.index_cast %scan3A_129 : i32 to index
      %swap3A_180 = arith.constant 112 : index
      %swap3A_181 = tpu.vector_load %arg9[%swap3A_179, %swap3A_180] {strides = array<i32>} : memref<80x128xf32, #tpu.memory_space<vmem>>, vector<1x16xf32>,
      %swap3A_182 = vector.shape_cast %swap3A_181 : vector<1x16xf32> to vector<16xf32>
      %swap3A_183 = vector.shape_cast %broadcast_in_dim3A_178 : vector<16xf32> to vector<1x16xf32>
      tpu.vector_store %arg9[%swap3A_179, %swap3A_180], %swap3A_183 {strides = array<i32>} : memref<80x128xf32, #tpu.memory_space<vmem>>, vector<1x16xf32>,
    }
    %scan3A_5 = arith.constant 80 : i32
    %add3A_6 = arith.constant 0 : i32
    %add3A_7 = arith.addi %arg1, %add3A_6 : i32
    %lt3A = arith.constant 125 : i32
    %lt3A_8 = arith.cmpi slt, %add3A_7, %lt3A : i32
    %convert_element_type3A = arith.extui %lt3A_8 : i1 to i32
    %cond3A = arith.constant 0 : i32
    %cond3A_9 = arith.cmpi ne, %convert_element_type3A, %cond3A : i32
    scf.if %cond3A_9 {
      %mul3A_129 = arith.constant 80 : i32
      %mul3A_130 = arith.muli %add3A_7, %mul3A_129 : i32
      "tpu.region"() ({
        %run_scoped3A = tpu.sem_alloc : memref<!tpu.dma_semaphore, #tpu.memory_space<semaphore_mem>>
        %dma_start3A_131 = arith.constant 0 : i32
        %dma_start3A_132 = tpu.memref_slice %arg5[%mul3A_130, %dma_start3A_131] : memref<10000x128xf32, #tpu.memory_space<vmem_shared>> -> memref<80x128xf32, #tpu.memory_space<vmem_shared>>
        %dma_start3A_133 = arith.constant 0 : i32
        %dma_start3A_134 = tpu.memref_slice %arg5[%mul3A_130, %dma_start3A_133] : memref<10000x128xf32, #tpu.memory_space<vmem_shared>> -> memref<80x128xf32, #tpu.memory_space<vmem_shared>>
        tpu.enqueue_dma source(%arg9 : memref<80x128xf32, #tpu.memory_space<vmem>>) target(%dma_start3A_134 : memref<80x128xf32, #tpu.memory_space<vmem_shared>>) target_semaphore(%run_scoped3A : memref<!tpu.dma_semaphore, #tpu.memory_space<semaphore_mem>>)
        %dma_wait3A = arith.constant 0 : i32
        %dma_wait3A_135 = tpu.memref_slice %arg5[%mul3A_130, %dma_wait3A] : memref<10000x128xf32, #tpu.memory_space<vmem_shared>> -> memref<80x128xf32, #tpu.memory_space<vmem_shared>>
        %dma_wait3A_136 = arith.constant 0 : i32
        %dma_wait3A_137 = tpu.memref_slice %arg5[%mul3A_130, %dma_wait3A_136] : memref<10000x128xf32, #tpu.memory_space<vmem_shared>> -> memref<80x128xf32, #tpu.memory_space<vmem_shared>>
        tpu.wait_dma2 semaphore(%run_scoped3A : memref<!tpu.dma_semaphore, #tpu.memory_space<semaphore_mem>>) src(%arg9 : memref<80x128xf32, #tpu.memory_space<vmem>>) dst(%dma_wait3A_137 : memref<80x128xf32, #tpu.memory_space<vmem_shared>>)
        tpu.yield
      }) : () -> ()
    } else {
    }
    %add3A_10 = arith.constant 16 : i32
    %add3A_11 = arith.addi %arg1, %add3A_10 : i32
    %lt3A_12 = arith.constant 125 : i32
    %lt3A_13 = arith.cmpi slt, %add3A_11, %lt3A_12 : i32
    %convert_element_type3A_14 = arith.extui %lt3A_13 : i1 to i32
    %cond3A_15 = arith.constant 0 : i32
    %cond3A_16 = arith.cmpi ne, %convert_element_type3A_14, %cond3A_15 : i32
    scf.if %cond3A_16 {
      %mul3A_129 = arith.constant 80 : i32
      %mul3A_130 = arith.muli %add3A_11, %mul3A_129 : i32
      "tpu.region"() ({
        %run_scoped3A = tpu.sem_alloc : memref<!tpu.dma_semaphore, #tpu.memory_space<semaphore_mem>>
        %dma_start3A_131 = arith.constant 0 : i32
        %dma_start3A_132 = tpu.memref_slice %arg5[%mul3A_130, %dma_start3A_131] : memref<10000x128xf32, #tpu.memory_space<vmem_shared>> -> memref<80x128xf32, #tpu.memory_space<vmem_shared>>
        %dma_start3A_133 = arith.constant 0 : i32
        %dma_start3A_134 = tpu.memref_slice %arg5[%mul3A_130, %dma_start3A_133] : memref<10000x128xf32, #tpu.memory_space<vmem_shared>> -> memref<80x128xf32, #tpu.memory_space<vmem_shared>>
        tpu.enqueue_dma source(%arg9 : memref<80x128xf32, #tpu.memory_space<vmem>>) target(%dma_start3A_134 : memref<80x128xf32, #tpu.memory_space<vmem_shared>>) target_semaphore(%run_scoped3A : memref<!tpu.dma_semaphore, #tpu.memory_space<semaphore_mem>>)
        %dma_wait3A = arith.constant 0 : i32
        %dma_wait3A_135 = tpu.memref_slice %arg5[%mul3A_130, %dma_wait3A] : memref<10000x128xf32, #tpu.memory_space<vmem_shared>> -> memref<80x128xf32, #tpu.memory_space<vmem_shared>>
        %dma_wait3A_136 = arith.constant 0 : i32
        %dma_wait3A_137 = tpu.memref_slice %arg5[%mul3A_130, %dma_wait3A_136] : memref<10000x128xf32, #tpu.memory_space<vmem_shared>> -> memref<80x128xf32, #tpu.memory_space<vmem_shared>>
        tpu.wait_dma2 semaphore(%run_scoped3A : memref<!tpu.dma_semaphore, #tpu.memory_space<semaphore_mem>>) src(%arg9 : memref<80x128xf32, #tpu.memory_space<vmem>>) dst(%dma_wait3A_137 : memref<80x128xf32, #tpu.memory_space<vmem_shared>>)
        tpu.yield
      }) : () -> ()
    } else {
    }
    %add3A_17 = arith.constant 32 : i32
    %add3A_18 = arith.addi %arg1, %add3A_17 : i32
    %lt3A_19 = arith.constant 125 : i32
    %lt3A_20 = arith.cmpi slt, %add3A_18, %lt3A_19 : i32
    %convert_element_type3A_21 = arith.extui %lt3A_20 : i1 to i32
    %cond3A_22 = arith.constant 0 : i32
    %cond3A_23 = arith.cmpi ne, %convert_element_type3A_21, %cond3A_22 : i32
    scf.if %cond3A_23 {
      %mul3A_129 = arith.constant 80 : i32
      %mul3A_130 = arith.muli %add3A_18, %mul3A_129 : i32
      "tpu.region"() ({
        %run_scoped3A = tpu.sem_alloc : memref<!tpu.dma_semaphore, #tpu.memory_space<semaphore_mem>>
        %dma_start3A_131 = arith.constant 0 : i32
        %dma_start3A_132 = tpu.memref_slice %arg5[%mul3A_130, %dma_start3A_131] : memref<10000x128xf32, #tpu.memory_space<vmem_shared>> -> memref<80x128xf32, #tpu.memory_space<vmem_shared>>
        %dma_start3A_133 = arith.constant 0 : i32
        %dma_start3A_134 = tpu.memref_slice %arg5[%mul3A_130, %dma_start3A_133] : memref<10000x128xf32, #tpu.memory_space<vmem_shared>> -> memref<80x128xf32, #tpu.memory_space<vmem_shared>>
        tpu.enqueue_dma source(%arg9 : memref<80x128xf32, #tpu.memory_space<vmem>>) target(%dma_start3A_134 : memref<80x128xf32, #tpu.memory_space<vmem_shared>>) target_semaphore(%run_scoped3A : memref<!tpu.dma_semaphore, #tpu.memory_space<semaphore_mem>>)
        %dma_wait3A = arith.constant 0 : i32
        %dma_wait3A_135 = tpu.memref_slice %arg5[%mul3A_130, %dma_wait3A] : memref<10000x128xf32, #tpu.memory_space<vmem_shared>> -> memref<80x128xf32, #tpu.memory_space<vmem_shared>>
        %dma_wait3A_136 = arith.constant 0 : i32
        %dma_wait3A_137 = tpu.memref_slice %arg5[%mul3A_130, %dma_wait3A_136] : memref<10000x128xf32, #tpu.memory_space<vmem_shared>> -> memref<80x128xf32, #tpu.memory_space<vmem_shared>>
        tpu.wait_dma2 semaphore(%run_scoped3A : memref<!tpu.dma_semaphore, #tpu.memory_space<semaphore_mem>>) src(%arg9 : memref<80x128xf32, #tpu.memory_space<vmem>>) dst(%dma_wait3A_137 : memref<80x128xf32, #tpu.memory_space<vmem_shared>>)
        tpu.yield
      }) : () -> ()
    } else {
    }
    %add3A_24 = arith.constant 48 : i32
    %add3A_25 = arith.addi %arg1, %add3A_24 : i32
    %lt3A_26 = arith.constant 125 : i32
    %lt3A_27 = arith.cmpi slt, %add3A_25, %lt3A_26 : i32
    %convert_element_type3A_28 = arith.extui %lt3A_27 : i1 to i32
    %cond3A_29 = arith.constant 0 : i32
    %cond3A_30 = arith.cmpi ne, %convert_element_type3A_28, %cond3A_29 : i32
    scf.if %cond3A_30 {
      %mul3A_129 = arith.constant 80 : i32
      %mul3A_130 = arith.muli %add3A_25, %mul3A_129 : i32
      "tpu.region"() ({
        %run_scoped3A = tpu.sem_alloc : memref<!tpu.dma_semaphore, #tpu.memory_space<semaphore_mem>>
        %dma_start3A_131 = arith.constant 0 : i32
        %dma_start3A_132 = tpu.memref_slice %arg5[%mul3A_130, %dma_start3A_131] : memref<10000x128xf32, #tpu.memory_space<vmem_shared>> -> memref<80x128xf32, #tpu.memory_space<vmem_shared>>
        %dma_start3A_133 = arith.constant 0 : i32
        %dma_start3A_134 = tpu.memref_slice %arg5[%mul3A_130, %dma_start3A_133] : memref<10000x128xf32, #tpu.memory_space<vmem_shared>> -> memref<80x128xf32, #tpu.memory_space<vmem_shared>>
        tpu.enqueue_dma source(%arg9 : memref<80x128xf32, #tpu.memory_space<vmem>>) target(%dma_start3A_134 : memref<80x128xf32, #tpu.memory_space<vmem_shared>>) target_semaphore(%run_scoped3A : memref<!tpu.dma_semaphore, #tpu.memory_space<semaphore_mem>>)
        %dma_wait3A = arith.constant 0 : i32
        %dma_wait3A_135 = tpu.memref_slice %arg5[%mul3A_130, %dma_wait3A] : memref<10000x128xf32, #tpu.memory_space<vmem_shared>> -> memref<80x128xf32, #tpu.memory_space<vmem_shared>>
        %dma_wait3A_136 = arith.constant 0 : i32
        %dma_wait3A_137 = tpu.memref_slice %arg5[%mul3A_130, %dma_wait3A_136] : memref<10000x128xf32, #tpu.memory_space<vmem_shared>> -> memref<80x128xf32, #tpu.memory_space<vmem_shared>>
        tpu.wait_dma2 semaphore(%run_scoped3A : memref<!tpu.dma_semaphore, #tpu.memory_space<semaphore_mem>>) src(%arg9 : memref<80x128xf32, #tpu.memory_space<vmem>>) dst(%dma_wait3A_137 : memref<80x128xf32, #tpu.memory_space<vmem_shared>>)
        tpu.yield
      }) : () -> ()
    } else {
    }
    %add3A_31 = arith.constant 64 : i32
    %add3A_32 = arith.addi %arg1, %add3A_31 : i32
    %lt3A_33 = arith.constant 125 : i32
    %lt3A_34 = arith.cmpi slt, %add3A_32, %lt3A_33 : i32
    %convert_element_type3A_35 = arith.extui %lt3A_34 : i1 to i32
    %cond3A_36 = arith.constant 0 : i32
    %cond3A_37 = arith.cmpi ne, %convert_element_type3A_35, %cond3A_36 : i32
    scf.if %cond3A_37 {
      %mul3A_129 = arith.constant 80 : i32
      %mul3A_130 = arith.muli %add3A_32, %mul3A_129 : i32
      "tpu.region"() ({
        %run_scoped3A = tpu.sem_alloc : memref<!tpu.dma_semaphore, #tpu.memory_space<semaphore_mem>>
        %dma_start3A_131 = arith.constant 0 : i32
        %dma_start3A_132 = tpu.memref_slice %arg5[%mul3A_130, %dma_start3A_131] : memref<10000x128xf32, #tpu.memory_space<vmem_shared>> -> memref<80x128xf32, #tpu.memory_space<vmem_shared>>
        %dma_start3A_133 = arith.constant 0 : i32
        %dma_start3A_134 = tpu.memref_slice %arg5[%mul3A_130, %dma_start3A_133] : memref<10000x128xf32, #tpu.memory_space<vmem_shared>> -> memref<80x128xf32, #tpu.memory_space<vmem_shared>>
        tpu.enqueue_dma source(%arg9 : memref<80x128xf32, #tpu.memory_space<vmem>>) target(%dma_start3A_134 : memref<80x128xf32, #tpu.memory_space<vmem_shared>>) target_semaphore(%run_scoped3A : memref<!tpu.dma_semaphore, #tpu.memory_space<semaphore_mem>>)
        %dma_wait3A = arith.constant 0 : i32
        %dma_wait3A_135 = tpu.memref_slice %arg5[%mul3A_130, %dma_wait3A] : memref<10000x128xf32, #tpu.memory_space<vmem_shared>> -> memref<80x128xf32, #tpu.memory_space<vmem_shared>>
        %dma_wait3A_136 = arith.constant 0 : i32
        %dma_wait3A_137 = tpu.memref_slice %arg5[%mul3A_130, %dma_wait3A_136] : memref<10000x128xf32, #tpu.memory_space<vmem_shared>> -> memref<80x128xf32, #tpu.memory_space<vmem_shared>>
        tpu.wait_dma2 semaphore(%run_scoped3A : memref<!tpu.dma_semaphore, #tpu.memory_space<semaphore_mem>>) src(%arg9 : memref<80x128xf32, #tpu.memory_space<vmem>>) dst(%dma_wait3A_137 : memref<80x128xf32, #tpu.memory_space<vmem_shared>>)
        tpu.yield
      }) : () -> ()
    } else {
    }
    %add3A_38 = arith.constant 80 : i32
    %add3A_39 = arith.addi %arg1, %add3A_38 : i32
    %lt3A_40 = arith.constant 125 : i32
    %lt3A_41 = arith.cmpi slt, %add3A_39, %lt3A_40 : i32
    %convert_element_type3A_42 = arith.extui %lt3A_41 : i1 to i32
    %cond3A_43 = arith.constant 0 : i32
    %cond3A_44 = arith.cmpi ne, %convert_element_type3A_42, %cond3A_43 : i32
    scf.if %cond3A_44 {
      %mul3A_129 = arith.constant 80 : i32
      %mul3A_130 = arith.muli %add3A_39, %mul3A_129 : i32
      "tpu.region"() ({
        %run_scoped3A = tpu.sem_alloc : memref<!tpu.dma_semaphore, #tpu.memory_space<semaphore_mem>>
        %dma_start3A_131 = arith.constant 0 : i32
        %dma_start3A_132 = tpu.memref_slice %arg5[%mul3A_130, %dma_start3A_131] : memref<10000x128xf32, #tpu.memory_space<vmem_shared>> -> memref<80x128xf32, #tpu.memory_space<vmem_shared>>
        %dma_start3A_133 = arith.constant 0 : i32
        %dma_start3A_134 = tpu.memref_slice %arg5[%mul3A_130, %dma_start3A_133] : memref<10000x128xf32, #tpu.memory_space<vmem_shared>> -> memref<80x128xf32, #tpu.memory_space<vmem_shared>>
        tpu.enqueue_dma source(%arg9 : memref<80x128xf32, #tpu.memory_space<vmem>>) target(%dma_start3A_134 : memref<80x128xf32, #tpu.memory_space<vmem_shared>>) target_semaphore(%run_scoped3A : memref<!tpu.dma_semaphore, #tpu.memory_space<semaphore_mem>>)
        %dma_wait3A = arith.constant 0 : i32
        %dma_wait3A_135 = tpu.memref_slice %arg5[%mul3A_130, %dma_wait3A] : memref<10000x128xf32, #tpu.memory_space<vmem_shared>> -> memref<80x128xf32, #tpu.memory_space<vmem_shared>>
        %dma_wait3A_136 = arith.constant 0 : i32
        %dma_wait3A_137 = tpu.memref_slice %arg5[%mul3A_130, %dma_wait3A_136] : memref<10000x128xf32, #tpu.memory_space<vmem_shared>> -> memref<80x128xf32, #tpu.memory_space<vmem_shared>>
        tpu.wait_dma2 semaphore(%run_scoped3A : memref<!tpu.dma_semaphore, #tpu.memory_space<semaphore_mem>>) src(%arg9 : memref<80x128xf32, #tpu.memory_space<vmem>>) dst(%dma_wait3A_137 : memref<80x128xf32, #tpu.memory_space<vmem_shared>>)
        tpu.yield
      }) : () -> ()
    } else {
    }
    %add3A_45 = arith.constant 96 : i32
    %add3A_46 = arith.addi %arg1, %add3A_45 : i32
    %lt3A_47 = arith.constant 125 : i32
    %lt3A_48 = arith.cmpi slt, %add3A_46, %lt3A_47 : i32
    %convert_element_type3A_49 = arith.extui %lt3A_48 : i1 to i32
    %cond3A_50 = arith.constant 0 : i32
    %cond3A_51 = arith.cmpi ne, %convert_element_type3A_49, %cond3A_50 : i32
    scf.if %cond3A_51 {
      %mul3A_129 = arith.constant 80 : i32
      %mul3A_130 = arith.muli %add3A_46, %mul3A_129 : i32
      "tpu.region"() ({
        %run_scoped3A = tpu.sem_alloc : memref<!tpu.dma_semaphore, #tpu.memory_space<semaphore_mem>>
        %dma_start3A_131 = arith.constant 0 : i32
        %dma_start3A_132 = tpu.memref_slice %arg5[%mul3A_130, %dma_start3A_131] : memref<10000x128xf32, #tpu.memory_space<vmem_shared>> -> memref<80x128xf32, #tpu.memory_space<vmem_shared>>
        %dma_start3A_133 = arith.constant 0 : i32
        %dma_start3A_134 = tpu.memref_slice %arg5[%mul3A_130, %dma_start3A_133] : memref<10000x128xf32, #tpu.memory_space<vmem_shared>> -> memref<80x128xf32, #tpu.memory_space<vmem_shared>>
        tpu.enqueue_dma source(%arg9 : memref<80x128xf32, #tpu.memory_space<vmem>>) target(%dma_start3A_134 : memref<80x128xf32, #tpu.memory_space<vmem_shared>>) target_semaphore(%run_scoped3A : memref<!tpu.dma_semaphore, #tpu.memory_space<semaphore_mem>>)
        %dma_wait3A = arith.constant 0 : i32
        %dma_wait3A_135 = tpu.memref_slice %arg5[%mul3A_130, %dma_wait3A] : memref<10000x128xf32, #tpu.memory_space<vmem_shared>> -> memref<80x128xf32, #tpu.memory_space<vmem_shared>>
        %dma_wait3A_136 = arith.constant 0 : i32
        %dma_wait3A_137 = tpu.memref_slice %arg5[%mul3A_130, %dma_wait3A_136] : memref<10000x128xf32, #tpu.memory_space<vmem_shared>> -> memref<80x128xf32, #tpu.memory_space<vmem_shared>>
        tpu.wait_dma2 semaphore(%run_scoped3A : memref<!tpu.dma_semaphore, #tpu.memory_space<semaphore_mem>>) src(%arg9 : memref<80x128xf32, #tpu.memory_space<vmem>>) dst(%dma_wait3A_137 : memref<80x128xf32, #tpu.memory_space<vmem_shared>>)
        tpu.yield
      }) : () -> ()
    } else {
    }
    %add3A_52 = arith.constant 112 : i32
    %add3A_53 = arith.addi %arg1, %add3A_52 : i32
    %lt3A_54 = arith.constant 125 : i32
    %lt3A_55 = arith.cmpi slt, %add3A_53, %lt3A_54 : i32
    %convert_element_type3A_56 = arith.extui %lt3A_55 : i1 to i32
    %cond3A_57 = arith.constant 0 : i32
    %cond3A_58 = arith.cmpi ne, %convert_element_type3A_56, %cond3A_57 : i32
    scf.if %cond3A_58 {
      %mul3A_129 = arith.constant 80 : i32
      %mul3A_130 = arith.muli %add3A_53, %mul3A_129 : i32
      "tpu.region"() ({
        %run_scoped3A = tpu.sem_alloc : memref<!tpu.dma_semaphore, #tpu.memory_space<semaphore_mem>>
        %dma_start3A_131 = arith.constant 0 : i32
        %dma_start3A_132 = tpu.memref_slice %arg5[%mul3A_130, %dma_start3A_131] : memref<10000x128xf32, #tpu.memory_space<vmem_shared>> -> memref<80x128xf32, #tpu.memory_space<vmem_shared>>
        %dma_start3A_133 = arith.constant 0 : i32
        %dma_start3A_134 = tpu.memref_slice %arg5[%mul3A_130, %dma_start3A_133] : memref<10000x128xf32, #tpu.memory_space<vmem_shared>> -> memref<80x128xf32, #tpu.memory_space<vmem_shared>>
        tpu.enqueue_dma source(%arg9 : memref<80x128xf32, #tpu.memory_space<vmem>>) target(%dma_start3A_134 : memref<80x128xf32, #tpu.memory_space<vmem_shared>>) target_semaphore(%run_scoped3A : memref<!tpu.dma_semaphore, #tpu.memory_space<semaphore_mem>>)
        %dma_wait3A = arith.constant 0 : i32
        %dma_wait3A_135 = tpu.memref_slice %arg5[%mul3A_130, %dma_wait3A] : memref<10000x128xf32, #tpu.memory_space<vmem_shared>> -> memref<80x128xf32, #tpu.memory_space<vmem_shared>>
        %dma_wait3A_136 = arith.constant 0 : i32
        %dma_wait3A_137 = tpu.memref_slice %arg5[%mul3A_130, %dma_wait3A_136] : memref<10000x128xf32, #tpu.memory_space<vmem_shared>> -> memref<80x128xf32, #tpu.memory_space<vmem_shared>>
        tpu.wait_dma2 semaphore(%run_scoped3A : memref<!tpu.dma_semaphore, #tpu.memory_space<semaphore_mem>>) src(%arg9 : memref<80x128xf32, #tpu.memory_space<vmem>>) dst(%dma_wait3A_137 : memref<80x128xf32, #tpu.memory_space<vmem_shared>>)
        tpu.yield
      }) : () -> ()
    } else {
    }
    %barrier3A = arith.constant 0 : index
    tpu.barrier barrier_id(%barrier3A)
    "tpu.region"() ({
      %run_scoped3A = tpu.sem_alloc : memref<!tpu.dma_semaphore, #tpu.memory_space<semaphore_mem>>
      %dma_start3A_129 = arith.constant 0 : i32
      %dma_start3A_130 = arith.constant 0 : i32
      %dma_start3A_131 = tpu.memref_slice %arg3[%add3A, %dma_start3A_129, %dma_start3A_130] : memref<32x125x80xi32, #tpu.memory_space<hbm>> -> memref<1x125x80xi32, #tpu.memory_space<hbm>>
      %dma_start3A_132 = tpu.memref_squeeze %dma_start3A_131 : memref<1x125x80xi32, #tpu.memory_space<hbm>> -> memref<125x80xi32, #tpu.memory_space<hbm>>
      %dma_start3A_133 = arith.constant 0 : i32
      %dma_start3A_134 = arith.constant 0 : i32
      %dma_start3A_135 = tpu.memref_slice %arg3[%add3A, %dma_start3A_133, %dma_start3A_134] : memref<32x125x80xi32, #tpu.memory_space<hbm>> -> memref<1x125x80xi32, #tpu.memory_space<hbm>>
      %dma_start3A_136 = tpu.memref_squeeze %dma_start3A_135 : memref<1x125x80xi32, #tpu.memory_space<hbm>> -> memref<125x80xi32, #tpu.memory_space<hbm>>
      tpu.enqueue_dma source(%dma_start3A_136 : memref<125x80xi32, #tpu.memory_space<hbm>>) target(%arg6 : memref<125x80xi32, #tpu.memory_space<vmem>>) target_semaphore(%run_scoped3A : memref<!tpu.dma_semaphore, #tpu.memory_space<semaphore_mem>>)
      %dma_wait3A = arith.constant 0 : i32
      %dma_wait3A_137 = arith.constant 0 : i32
      %dma_wait3A_138 = tpu.memref_slice %arg3[%add3A, %dma_wait3A, %dma_wait3A_137] : memref<32x125x80xi32, #tpu.memory_space<hbm>> -> memref<1x125x80xi32, #tpu.memory_space<hbm>>
      %dma_wait3A_139 = tpu.memref_squeeze %dma_wait3A_138 : memref<1x125x80xi32, #tpu.memory_space<hbm>> -> memref<125x80xi32, #tpu.memory_space<hbm>>
      %dma_wait3A_140 = arith.constant 0 : i32
      %dma_wait3A_141 = arith.constant 0 : i32
      %dma_wait3A_142 = tpu.memref_slice %arg3[%add3A, %dma_wait3A_140, %dma_wait3A_141] : memref<32x125x80xi32, #tpu.memory_space<hbm>> -> memref<1x125x80xi32, #tpu.memory_space<hbm>>
      %dma_wait3A_143 = tpu.memref_squeeze %dma_wait3A_142 : memref<1x125x80xi32, #tpu.memory_space<hbm>> -> memref<125x80xi32, #tpu.memory_space<hbm>>
      tpu.wait_dma2 semaphore(%run_scoped3A : memref<!tpu.dma_semaphore, #tpu.memory_space<semaphore_mem>>) src(%dma_wait3A_143 : memref<125x80xi32, #tpu.memory_space<hbm>>) dst(%arg6 : memref<125x80xi32, #tpu.memory_space<vmem>>)
      tpu.yield
    }) : () -> ()
    %mul3A_59 = arith.constant 10000 : i32
    %mul3A_60 = arith.muli %add3A, %mul3A_59 : i32
    %add3A_61 = arith.constant 0 : i32
    %add3A_62 = arith.addi %mul3A_60, %add3A_61 : i32
    %dma_start3A = arith.constant 0 : i32
    %dma_start3A_63 = tpu.memref_slice %arg2[%add3A_62, %dma_start3A] : memref<320000x128xf32, #tpu.memory_space<hbm>> -> memref<80x128xf32, #tpu.memory_space<hbm>>
    %dma_start3A_64 = arith.constant 0 : i32
    %dma_start3A_65 = tpu.memref_slice %arg2[%add3A_62, %dma_start3A_64] : memref<320000x128xf32, #tpu.memory_space<hbm>> -> memref<80x128xf32, #tpu.memory_space<hbm>>
    tpu.enqueue_dma source(%dma_start3A_65 : memref<80x128xf32, #tpu.memory_space<hbm>>) target(%arg7 : memref<80x128xf32, #tpu.memory_space<vmem>>) target_semaphore(%arg10 : memref<!tpu.dma_semaphore, #tpu.memory_space<semaphore_mem>>)
    %scan3A_66 = arith.constant 0 : i32
    %scan3A_67 = arith.constant 0 : i32
    %scan3A_68 = arith.constant 125 : i32
    %scan3A_69 = arith.addi %scan3A_67, %scan3A_68 : i32
    %scan3A_70 = arith.constant 1 : i32
    scf.for %scan3A_129 = %scan3A_67 to %scan3A_69 step %scan3A_70  : i32 {
      %jit3A = arith.constant 2 : i32
      %eq3A = arith.constant 0 : i32
      %eq3A_130 = arith.cmpi eq, %jit3A, %eq3A : i32
      %jit3A_131 = arith.constant 1 : i32
      %select_n3A = arith.select %eq3A_130, %jit3A_131, %jit3A : i32
      %rem3A = arith.remsi %scan3A_129, %select_n3A : i32
      %ne3A = arith.constant 0 : i32
      %ne3A_132 = arith.cmpi ne, %rem3A, %ne3A : i32
      %lt3A_133 = arith.constant 0 : i32
      %lt3A_134 = arith.cmpi slt, %rem3A, %lt3A_133 : i32
      %lt3A_135 = arith.constant 0 : i32
      %lt3A_136 = arith.cmpi slt, %select_n3A, %lt3A_135 : i32
      %ne3A_137 = arith.xori %lt3A_134, %lt3A_136 : i1
      %and3A = arith.andi %ne3A_137, %ne3A_132 : i1
      %add3A_138 = arith.addi %rem3A, %select_n3A : i32
      %select_n3A_139 = arith.select %and3A, %add3A_138, %rem3A : i32
      %eq3A_140 = arith.constant 0 : i32
      %eq3A_141 = arith.cmpi eq, %select_n3A_139, %eq3A_140 : i32
      %convert_element_type3A_142 = arith.extui %eq3A_141 : i1 to i32
      %cond3A_143 = arith.constant 0 : i32
      %cond3A_144 = arith.cmpi ne, %convert_element_type3A_142, %cond3A_143 : i32
      scf.if %cond3A_144 {
        %add3A_166 = arith.constant 1 : i32
        %add3A_167 = arith.addi %scan3A_129, %add3A_166 : i32
        %lt3A_168 = arith.constant 125 : i32
        %lt3A_169 = arith.cmpi slt, %add3A_167, %lt3A_168 : i32
        %convert_element_type3A_170 = arith.extui %lt3A_169 : i1 to i32
        %cond3A_171 = arith.constant 0 : i32
        %cond3A_172 = arith.cmpi ne, %convert_element_type3A_170, %cond3A_171 : i32
        scf.if %cond3A_172 {
          %add3A_181 = arith.constant 1 : i32
          %add3A_182 = arith.addi %scan3A_129, %add3A_181 : i32
          %mul3A_183 = arith.constant 10000 : i32
          %mul3A_184 = arith.muli %add3A, %mul3A_183 : i32
          %mul3A_185 = arith.constant 80 : i32
          %mul3A_186 = arith.muli %add3A_182, %mul3A_185 : i32
          %add3A_187 = arith.addi %mul3A_184, %mul3A_186 : i32
          %dma_start3A_188 = arith.constant 0 : i32
          %dma_start3A_189 = tpu.memref_slice %arg2[%add3A_187, %dma_start3A_188] : memref<320000x128xf32, #tpu.memory_space<hbm>> -> memref<80x128xf32, #tpu.memory_space<hbm>>
          %dma_start3A_190 = arith.constant 0 : i32
          %dma_start3A_191 = tpu.memref_slice %arg2[%add3A_187, %dma_start3A_190] : memref<320000x128xf32, #tpu.memory_space<hbm>> -> memref<80x128xf32, #tpu.memory_space<hbm>>
          tpu.enqueue_dma source(%dma_start3A_191 : memref<80x128xf32, #tpu.memory_space<hbm>>) target(%arg8 : memref<80x128xf32, #tpu.memory_space<vmem>>) target_semaphore(%arg11 : memref<!tpu.dma_semaphore, #tpu.memory_space<semaphore_mem>>)
        } else {
        }
        %mul3A_173 = arith.constant 10000 : i32
        %mul3A_174 = arith.muli %add3A, %mul3A_173 : i32
        %mul3A_175 = arith.constant 80 : i32
        %mul3A_176 = arith.muli %scan3A_129, %mul3A_175 : i32
        %add3A_177 = arith.addi %mul3A_174, %mul3A_176 : i32
        %dma_wait3A = arith.constant 0 : i32
        %dma_wait3A_178 = tpu.memref_slice %arg2[%add3A_177, %dma_wait3A] : memref<320000x128xf32, #tpu.memory_space<hbm>> -> memref<80x128xf32, #tpu.memory_space<hbm>>
        %dma_wait3A_179 = arith.constant 0 : i32
        %dma_wait3A_180 = tpu.memref_slice %arg2[%add3A_177, %dma_wait3A_179] : memref<320000x128xf32, #tpu.memory_space<hbm>> -> memref<80x128xf32, #tpu.memory_space<hbm>>
        tpu.wait_dma2 semaphore(%arg10 : memref<!tpu.dma_semaphore, #tpu.memory_space<semaphore_mem>>) src(%dma_wait3A_180 : memref<80x128xf32, #tpu.memory_space<hbm>>) dst(%arg7 : memref<80x128xf32, #tpu.memory_space<vmem>>)
        "tpu.region"() ({
          %run_scoped3A = tpu.sem_alloc : memref<!tpu.dma_semaphore, #tpu.memory_space<semaphore_mem>>
          %dma_start3A_181 = arith.constant 0 : i32
          %dma_start3A_182 = tpu.memref_slice %arg6[%scan3A_129, %dma_start3A_181] : memref<125x80xi32, #tpu.memory_space<vmem>> -> memref<1x80xi32, #tpu.memory_space<vmem>>
          %dma_start3A_183 = tpu.memref_squeeze %dma_start3A_182 : memref<1x80xi32, #tpu.memory_space<vmem>> -> memref<80xi32, #tpu.memory_space<vmem>>
          %dma_start3A_184 = arith.constant 0 : i32
          %dma_start3A_185 = arith.constant 0 : i32
          %dma_start3A_186 = tpu.memref_slice %arg5[%dma_start3A_184, %dma_start3A_185] : memref<10000x128xf32, #tpu.memory_space<vmem_shared>> -> memref<10000x128xf32, #tpu.memory_space<vmem_shared>>
          tpu.enqueue_indirect_dma source(%arg7 : memref<80x128xf32, #tpu.memory_space<vmem>>) target(%dma_start3A_186 : memref<10000x128xf32, #tpu.memory_space<vmem_shared>>) offsets(%dma_start3A_183 : memref<80xi32, #tpu.memory_space<vmem>>) semaphore(%run_scoped3A : memref<!tpu.dma_semaphore, #tpu.memory_space<semaphore_mem>>) {add = true}
          %dma_wait3A_187 = arith.constant 0 : i32
          %dma_wait3A_188 = tpu.memref_slice %arg6[%scan3A_129, %dma_wait3A_187] : memref<125x80xi32, #tpu.memory_space<vmem>> -> memref<1x80xi32, #tpu.memory_space<vmem>>
          %dma_wait3A_189 = tpu.memref_squeeze %dma_wait3A_188 : memref<1x80xi32, #tpu.memory_space<vmem>> -> memref<80xi32, #tpu.memory_space<vmem>>
          %dma_wait3A_190 = arith.constant 0 : i32
          %dma_wait3A_191 = arith.constant 0 : i32
          %dma_wait3A_192 = tpu.memref_slice %arg5[%dma_wait3A_190, %dma_wait3A_191] : memref<10000x128xf32, #tpu.memory_space<vmem_shared>> -> memref<10000x128xf32, #tpu.memory_space<vmem_shared>>
          tpu.wait_indirect_dma semaphore(%run_scoped3A : memref<!tpu.dma_semaphore, #tpu.memory_space<semaphore_mem>>) src(%arg7 : memref<80x128xf32, #tpu.memory_space<vmem>>) dst(%dma_wait3A_192 : memref<10000x128xf32, #tpu.memory_space<vmem_shared>>)
          tpu.yield
        }) : () -> ()
      } else {
      }
      %jit3A_145 = arith.constant 2 : i32
      %eq3A_146 = arith.constant 0 : i32
      %eq3A_147 = arith.cmpi eq, %jit3A_145, %eq3A_146 : i32
      %jit3A_148 = arith.constant 1 : i32
      %select_n3A_149 = arith.select %eq3A_147, %jit3A_148, %jit3A_145 : i32
      %rem3A_150 = arith.remsi %scan3A_129, %select_n3A_149 : i32
      %ne3A_151 = arith.constant 0 : i32
      %ne3A_152 = arith.cmpi ne, %rem3A_150, %ne3A_151 : i32
      %lt3A_153 = arith.constant 0 : i32
      %lt3A_154 = arith.cmpi slt, %rem3A_150, %lt3A_153 : i32
      %lt3A_155 = arith.constant 0 : i32
      %lt3A_156 = arith.cmpi slt, %select_n3A_149, %lt3A_155 : i32
      %ne3A_157 = arith.xori %lt3A_154, %lt3A_156 : i1
      %and3A_158 = arith.andi %ne3A_157, %ne3A_152 : i1
      %add3A_159 = arith.addi %rem3A_150, %select_n3A_149 : i32
      %select_n3A_160 = arith.select %and3A_158, %add3A_159, %rem3A_150 : i32
      %eq3A_161 = arith.constant 1 : i32
      %eq3A_162 = arith.cmpi eq, %select_n3A_160, %eq3A_161 : i32
      %convert_element_type3A_163 = arith.extui %eq3A_162 : i1 to i32
      %cond3A_164 = arith.constant 0 : i32
      %cond3A_165 = arith.cmpi ne, %convert_element_type3A_163, %cond3A_164 : i32
      scf.if %cond3A_165 {
        %add3A_166 = arith.constant 1 : i32
        %add3A_167 = arith.addi %scan3A_129, %add3A_166 : i32
        %lt3A_168 = arith.constant 125 : i32
        %lt3A_169 = arith.cmpi slt, %add3A_167, %lt3A_168 : i32
        %convert_element_type3A_170 = arith.extui %lt3A_169 : i1 to i32
        %cond3A_171 = arith.constant 0 : i32
        %cond3A_172 = arith.cmpi ne, %convert_element_type3A_170, %cond3A_171 : i32
        scf.if %cond3A_172 {
          %add3A_181 = arith.constant 1 : i32
          %add3A_182 = arith.addi %scan3A_129, %add3A_181 : i32
          %mul3A_183 = arith.constant 10000 : i32
          %mul3A_184 = arith.muli %add3A, %mul3A_183 : i32
          %mul3A_185 = arith.constant 80 : i32
          %mul3A_186 = arith.muli %add3A_182, %mul3A_185 : i32
          %add3A_187 = arith.addi %mul3A_184, %mul3A_186 : i32
          %dma_start3A_188 = arith.constant 0 : i32
          %dma_start3A_189 = tpu.memref_slice %arg2[%add3A_187, %dma_start3A_188] : memref<320000x128xf32, #tpu.memory_space<hbm>> -> memref<80x128xf32, #tpu.memory_space<hbm>>
          %dma_start3A_190 = arith.constant 0 : i32
          %dma_start3A_191 = tpu.memref_slice %arg2[%add3A_187, %dma_start3A_190] : memref<320000x128xf32, #tpu.memory_space<hbm>> -> memref<80x128xf32, #tpu.memory_space<hbm>>
          tpu.enqueue_dma source(%dma_start3A_191 : memref<80x128xf32, #tpu.memory_space<hbm>>) target(%arg7 : memref<80x128xf32, #tpu.memory_space<vmem>>) target_semaphore(%arg10 : memref<!tpu.dma_semaphore, #tpu.memory_space<semaphore_mem>>)
        } else {
        }
        %mul3A_173 = arith.constant 10000 : i32
        %mul3A_174 = arith.muli %add3A, %mul3A_173 : i32
        %mul3A_175 = arith.constant 80 : i32
        %mul3A_176 = arith.muli %scan3A_129, %mul3A_175 : i32
        %add3A_177 = arith.addi %mul3A_174, %mul3A_176 : i32
        %dma_wait3A = arith.constant 0 : i32
        %dma_wait3A_178 = tpu.memref_slice %arg2[%add3A_177, %dma_wait3A] : memref<320000x128xf32, #tpu.memory_space<hbm>> -> memref<80x128xf32, #tpu.memory_space<hbm>>
        %dma_wait3A_179 = arith.constant 0 : i32
        %dma_wait3A_180 = tpu.memref_slice %arg2[%add3A_177, %dma_wait3A_179] : memref<320000x128xf32, #tpu.memory_space<hbm>> -> memref<80x128xf32, #tpu.memory_space<hbm>>
        tpu.wait_dma2 semaphore(%arg11 : memref<!tpu.dma_semaphore, #tpu.memory_space<semaphore_mem>>) src(%dma_wait3A_180 : memref<80x128xf32, #tpu.memory_space<hbm>>) dst(%arg8 : memref<80x128xf32, #tpu.memory_space<vmem>>)
        "tpu.region"() ({
          %run_scoped3A = tpu.sem_alloc : memref<!tpu.dma_semaphore, #tpu.memory_space<semaphore_mem>>
          %dma_start3A_181 = arith.constant 0 : i32
          %dma_start3A_182 = tpu.memref_slice %arg6[%scan3A_129, %dma_start3A_181] : memref<125x80xi32, #tpu.memory_space<vmem>> -> memref<1x80xi32, #tpu.memory_space<vmem>>
          %dma_start3A_183 = tpu.memref_squeeze %dma_start3A_182 : memref<1x80xi32, #tpu.memory_space<vmem>> -> memref<80xi32, #tpu.memory_space<vmem>>
          %dma_start3A_184 = arith.constant 0 : i32
          %dma_start3A_185 = arith.constant 0 : i32
          %dma_start3A_186 = tpu.memref_slice %arg5[%dma_start3A_184, %dma_start3A_185] : memref<10000x128xf32, #tpu.memory_space<vmem_shared>> -> memref<10000x128xf32, #tpu.memory_space<vmem_shared>>
          tpu.enqueue_indirect_dma source(%arg8 : memref<80x128xf32, #tpu.memory_space<vmem>>) target(%dma_start3A_186 : memref<10000x128xf32, #tpu.memory_space<vmem_shared>>) offsets(%dma_start3A_183 : memref<80xi32, #tpu.memory_space<vmem>>) semaphore(%run_scoped3A : memref<!tpu.dma_semaphore, #tpu.memory_space<semaphore_mem>>) {add = true}
          %dma_wait3A_187 = arith.constant 0 : i32
          %dma_wait3A_188 = tpu.memref_slice %arg6[%scan3A_129, %dma_wait3A_187] : memref<125x80xi32, #tpu.memory_space<vmem>> -> memref<1x80xi32, #tpu.memory_space<vmem>>
          %dma_wait3A_189 = tpu.memref_squeeze %dma_wait3A_188 : memref<1x80xi32, #tpu.memory_space<vmem>> -> memref<80xi32, #tpu.memory_space<vmem>>
          %dma_wait3A_190 = arith.constant 0 : i32
          %dma_wait3A_191 = arith.constant 0 : i32
          %dma_wait3A_192 = tpu.memref_slice %arg5[%dma_wait3A_190, %dma_wait3A_191] : memref<10000x128xf32, #tpu.memory_space<vmem_shared>> -> memref<10000x128xf32, #tpu.memory_space<vmem_shared>>
          tpu.wait_indirect_dma semaphore(%run_scoped3A : memref<!tpu.dma_semaphore, #tpu.memory_space<semaphore_mem>>) src(%arg8 : memref<80x128xf32, #tpu.memory_space<vmem>>) dst(%dma_wait3A_192 : memref<10000x128xf32, #tpu.memory_space<vmem_shared>>)
          tpu.yield
        }) : () -> ()
      } else {
      }
    }
    %scan3A_71 = arith.constant 125 : i32
    %barrier3A_72 = arith.constant 0 : index
    tpu.barrier barrier_id(%barrier3A_72)
    %add3A_73 = arith.constant 0 : i32
    %add3A_74 = arith.addi %arg1, %add3A_73 : i32
    %lt3A_75 = arith.constant 125 : i32
    %lt3A_76 = arith.cmpi slt, %add3A_74, %lt3A_75 : i32
    %convert_element_type3A_77 = arith.extui %lt3A_76 : i1 to i32
    %cond3A_78 = arith.constant 0 : i32
    %cond3A_79 = arith.cmpi ne, %convert_element_type3A_77, %cond3A_78 : i32
    scf.if %cond3A_79 {
      %mul3A_129 = arith.constant 80 : i32
      %mul3A_130 = arith.muli %add3A_74, %mul3A_129 : i32
      %mul3A_131 = arith.constant 80 : i32
      %mul3A_132 = arith.muli %add3A_74, %mul3A_131 : i32
      "tpu.region"() ({
        %run_scoped3A = tpu.sem_alloc : memref<!tpu.dma_semaphore, #tpu.memory_space<semaphore_mem>>
        %dma_start3A_133 = arith.constant 0 : i32
        %dma_start3A_134 = tpu.memref_slice %arg4[%arg0, %mul3A_132, %dma_start3A_133] : memref<2x10000x128xf32, #tpu.memory_space<hbm>> -> memref<1x80x128xf32, #tpu.memory_space<hbm>>
        %dma_start3A_135 = tpu.memref_squeeze %dma_start3A_134 : memref<1x80x128xf32, #tpu.memory_space<hbm>> -> memref<80x128xf32, #tpu.memory_space<hbm>>
        %dma_start3A_136 = arith.constant 0 : i32
        %dma_start3A_137 = tpu.memref_slice %arg5[%mul3A_130, %dma_start3A_136] : memref<10000x128xf32, #tpu.memory_space<vmem_shared>> -> memref<80x128xf32, #tpu.memory_space<vmem_shared>>
        tpu.enqueue_dma source(%dma_start3A_137 : memref<80x128xf32, #tpu.memory_space<vmem_shared>>) target(%dma_start3A_135 : memref<80x128xf32, #tpu.memory_space<hbm>>) target_semaphore(%run_scoped3A : memref<!tpu.dma_semaphore, #tpu.memory_space<semaphore_mem>>)
        %dma_wait3A = arith.constant 0 : i32
        %dma_wait3A_138 = tpu.memref_slice %arg4[%arg0, %mul3A_132, %dma_wait3A] : memref<2x10000x128xf32, #tpu.memory_space<hbm>> -> memref<1x80x128xf32, #tpu.memory_space<hbm>>
        %dma_wait3A_139 = tpu.memref_squeeze %dma_wait3A_138 : memref<1x80x128xf32, #tpu.memory_space<hbm>> -> memref<80x128xf32, #tpu.memory_space<hbm>>
        %dma_wait3A_140 = arith.constant 0 : i32
        %dma_wait3A_141 = tpu.memref_slice %arg5[%mul3A_130, %dma_wait3A_140] : memref<10000x128xf32, #tpu.memory_space<vmem_shared>> -> memref<80x128xf32, #tpu.memory_space<vmem_shared>>
        tpu.wait_dma2 semaphore(%run_scoped3A : memref<!tpu.dma_semaphore, #tpu.memory_space<semaphore_mem>>) src(%dma_wait3A_141 : memref<80x128xf32, #tpu.memory_space<vmem_shared>>) dst(%dma_wait3A_139 : memref<80x128xf32, #tpu.memory_space<hbm>>)
        tpu.yield
      }) : () -> ()
    } else {
    }
    %add3A_80 = arith.constant 16 : i32
    %add3A_81 = arith.addi %arg1, %add3A_80 : i32
    %lt3A_82 = arith.constant 125 : i32
    %lt3A_83 = arith.cmpi slt, %add3A_81, %lt3A_82 : i32
    %convert_element_type3A_84 = arith.extui %lt3A_83 : i1 to i32
    %cond3A_85 = arith.constant 0 : i32
    %cond3A_86 = arith.cmpi ne, %convert_element_type3A_84, %cond3A_85 : i32
    scf.if %cond3A_86 {
      %mul3A_129 = arith.constant 80 : i32
      %mul3A_130 = arith.muli %add3A_81, %mul3A_129 : i32
      %mul3A_131 = arith.constant 80 : i32
      %mul3A_132 = arith.muli %add3A_81, %mul3A_131 : i32
      "tpu.region"() ({
        %run_scoped3A = tpu.sem_alloc : memref<!tpu.dma_semaphore, #tpu.memory_space<semaphore_mem>>
        %dma_start3A_133 = arith.constant 0 : i32
        %dma_start3A_134 = tpu.memref_slice %arg4[%arg0, %mul3A_132, %dma_start3A_133] : memref<2x10000x128xf32, #tpu.memory_space<hbm>> -> memref<1x80x128xf32, #tpu.memory_space<hbm>>
        %dma_start3A_135 = tpu.memref_squeeze %dma_start3A_134 : memref<1x80x128xf32, #tpu.memory_space<hbm>> -> memref<80x128xf32, #tpu.memory_space<hbm>>
        %dma_start3A_136 = arith.constant 0 : i32
        %dma_start3A_137 = tpu.memref_slice %arg5[%mul3A_130, %dma_start3A_136] : memref<10000x128xf32, #tpu.memory_space<vmem_shared>> -> memref<80x128xf32, #tpu.memory_space<vmem_shared>>
        tpu.enqueue_dma source(%dma_start3A_137 : memref<80x128xf32, #tpu.memory_space<vmem_shared>>) target(%dma_start3A_135 : memref<80x128xf32, #tpu.memory_space<hbm>>) target_semaphore(%run_scoped3A : memref<!tpu.dma_semaphore, #tpu.memory_space<semaphore_mem>>)
        %dma_wait3A = arith.constant 0 : i32
        %dma_wait3A_138 = tpu.memref_slice %arg4[%arg0, %mul3A_132, %dma_wait3A] : memref<2x10000x128xf32, #tpu.memory_space<hbm>> -> memref<1x80x128xf32, #tpu.memory_space<hbm>>
        %dma_wait3A_139 = tpu.memref_squeeze %dma_wait3A_138 : memref<1x80x128xf32, #tpu.memory_space<hbm>> -> memref<80x128xf32, #tpu.memory_space<hbm>>
        %dma_wait3A_140 = arith.constant 0 : i32
        %dma_wait3A_141 = tpu.memref_slice %arg5[%mul3A_130, %dma_wait3A_140] : memref<10000x128xf32, #tpu.memory_space<vmem_shared>> -> memref<80x128xf32, #tpu.memory_space<vmem_shared>>
        tpu.wait_dma2 semaphore(%run_scoped3A : memref<!tpu.dma_semaphore, #tpu.memory_space<semaphore_mem>>) src(%dma_wait3A_141 : memref<80x128xf32, #tpu.memory_space<vmem_shared>>) dst(%dma_wait3A_139 : memref<80x128xf32, #tpu.memory_space<hbm>>)
        tpu.yield
      }) : () -> ()
    } else {
    }
    %add3A_87 = arith.constant 32 : i32
    %add3A_88 = arith.addi %arg1, %add3A_87 : i32
    %lt3A_89 = arith.constant 125 : i32
    %lt3A_90 = arith.cmpi slt, %add3A_88, %lt3A_89 : i32
    %convert_element_type3A_91 = arith.extui %lt3A_90 : i1 to i32
    %cond3A_92 = arith.constant 0 : i32
    %cond3A_93 = arith.cmpi ne, %convert_element_type3A_91, %cond3A_92 : i32
    scf.if %cond3A_93 {
      %mul3A_129 = arith.constant 80 : i32
      %mul3A_130 = arith.muli %add3A_88, %mul3A_129 : i32
      %mul3A_131 = arith.constant 80 : i32
      %mul3A_132 = arith.muli %add3A_88, %mul3A_131 : i32
      "tpu.region"() ({
        %run_scoped3A = tpu.sem_alloc : memref<!tpu.dma_semaphore, #tpu.memory_space<semaphore_mem>>
        %dma_start3A_133 = arith.constant 0 : i32
        %dma_start3A_134 = tpu.memref_slice %arg4[%arg0, %mul3A_132, %dma_start3A_133] : memref<2x10000x128xf32, #tpu.memory_space<hbm>> -> memref<1x80x128xf32, #tpu.memory_space<hbm>>
        %dma_start3A_135 = tpu.memref_squeeze %dma_start3A_134 : memref<1x80x128xf32, #tpu.memory_space<hbm>> -> memref<80x128xf32, #tpu.memory_space<hbm>>
        %dma_start3A_136 = arith.constant 0 : i32
        %dma_start3A_137 = tpu.memref_slice %arg5[%mul3A_130, %dma_start3A_136] : memref<10000x128xf32, #tpu.memory_space<vmem_shared>> -> memref<80x128xf32, #tpu.memory_space<vmem_shared>>
        tpu.enqueue_dma source(%dma_start3A_137 : memref<80x128xf32, #tpu.memory_space<vmem_shared>>) target(%dma_start3A_135 : memref<80x128xf32, #tpu.memory_space<hbm>>) target_semaphore(%run_scoped3A : memref<!tpu.dma_semaphore, #tpu.memory_space<semaphore_mem>>)
        %dma_wait3A = arith.constant 0 : i32
        %dma_wait3A_138 = tpu.memref_slice %arg4[%arg0, %mul3A_132, %dma_wait3A] : memref<2x10000x128xf32, #tpu.memory_space<hbm>> -> memref<1x80x128xf32, #tpu.memory_space<hbm>>
        %dma_wait3A_139 = tpu.memref_squeeze %dma_wait3A_138 : memref<1x80x128xf32, #tpu.memory_space<hbm>> -> memref<80x128xf32, #tpu.memory_space<hbm>>
        %dma_wait3A_140 = arith.constant 0 : i32
        %dma_wait3A_141 = tpu.memref_slice %arg5[%mul3A_130, %dma_wait3A_140] : memref<10000x128xf32, #tpu.memory_space<vmem_shared>> -> memref<80x128xf32, #tpu.memory_space<vmem_shared>>
        tpu.wait_dma2 semaphore(%run_scoped3A : memref<!tpu.dma_semaphore, #tpu.memory_space<semaphore_mem>>) src(%dma_wait3A_141 : memref<80x128xf32, #tpu.memory_space<vmem_shared>>) dst(%dma_wait3A_139 : memref<80x128xf32, #tpu.memory_space<hbm>>)
        tpu.yield
      }) : () -> ()
    } else {
    }
    %add3A_94 = arith.constant 48 : i32
    %add3A_95 = arith.addi %arg1, %add3A_94 : i32
    %lt3A_96 = arith.constant 125 : i32
    %lt3A_97 = arith.cmpi slt, %add3A_95, %lt3A_96 : i32
    %convert_element_type3A_98 = arith.extui %lt3A_97 : i1 to i32
    %cond3A_99 = arith.constant 0 : i32
    %cond3A_100 = arith.cmpi ne, %convert_element_type3A_98, %cond3A_99 : i32
    scf.if %cond3A_100 {
      %mul3A_129 = arith.constant 80 : i32
      %mul3A_130 = arith.muli %add3A_95, %mul3A_129 : i32
      %mul3A_131 = arith.constant 80 : i32
      %mul3A_132 = arith.muli %add3A_95, %mul3A_131 : i32
      "tpu.region"() ({
        %run_scoped3A = tpu.sem_alloc : memref<!tpu.dma_semaphore, #tpu.memory_space<semaphore_mem>>
        %dma_start3A_133 = arith.constant 0 : i32
        %dma_start3A_134 = tpu.memref_slice %arg4[%arg0, %mul3A_132, %dma_start3A_133] : memref<2x10000x128xf32, #tpu.memory_space<hbm>> -> memref<1x80x128xf32, #tpu.memory_space<hbm>>
        %dma_start3A_135 = tpu.memref_squeeze %dma_start3A_134 : memref<1x80x128xf32, #tpu.memory_space<hbm>> -> memref<80x128xf32, #tpu.memory_space<hbm>>
        %dma_start3A_136 = arith.constant 0 : i32
        %dma_start3A_137 = tpu.memref_slice %arg5[%mul3A_130, %dma_start3A_136] : memref<10000x128xf32, #tpu.memory_space<vmem_shared>> -> memref<80x128xf32, #tpu.memory_space<vmem_shared>>
        tpu.enqueue_dma source(%dma_start3A_137 : memref<80x128xf32, #tpu.memory_space<vmem_shared>>) target(%dma_start3A_135 : memref<80x128xf32, #tpu.memory_space<hbm>>) target_semaphore(%run_scoped3A : memref<!tpu.dma_semaphore, #tpu.memory_space<semaphore_mem>>)
        %dma_wait3A = arith.constant 0 : i32
        %dma_wait3A_138 = tpu.memref_slice %arg4[%arg0, %mul3A_132, %dma_wait3A] : memref<2x10000x128xf32, #tpu.memory_space<hbm>> -> memref<1x80x128xf32, #tpu.memory_space<hbm>>
        %dma_wait3A_139 = tpu.memref_squeeze %dma_wait3A_138 : memref<1x80x128xf32, #tpu.memory_space<hbm>> -> memref<80x128xf32, #tpu.memory_space<hbm>>
        %dma_wait3A_140 = arith.constant 0 : i32
        %dma_wait3A_141 = tpu.memref_slice %arg5[%mul3A_130, %dma_wait3A_140] : memref<10000x128xf32, #tpu.memory_space<vmem_shared>> -> memref<80x128xf32, #tpu.memory_space<vmem_shared>>
        tpu.wait_dma2 semaphore(%run_scoped3A : memref<!tpu.dma_semaphore, #tpu.memory_space<semaphore_mem>>) src(%dma_wait3A_141 : memref<80x128xf32, #tpu.memory_space<vmem_shared>>) dst(%dma_wait3A_139 : memref<80x128xf32, #tpu.memory_space<hbm>>)
        tpu.yield
      }) : () -> ()
    } else {
    }
    %add3A_101 = arith.constant 64 : i32
    %add3A_102 = arith.addi %arg1, %add3A_101 : i32
    %lt3A_103 = arith.constant 125 : i32
    %lt3A_104 = arith.cmpi slt, %add3A_102, %lt3A_103 : i32
    %convert_element_type3A_105 = arith.extui %lt3A_104 : i1 to i32
    %cond3A_106 = arith.constant 0 : i32
    %cond3A_107 = arith.cmpi ne, %convert_element_type3A_105, %cond3A_106 : i32
    scf.if %cond3A_107 {
      %mul3A_129 = arith.constant 80 : i32
      %mul3A_130 = arith.muli %add3A_102, %mul3A_129 : i32
      %mul3A_131 = arith.constant 80 : i32
      %mul3A_132 = arith.muli %add3A_102, %mul3A_131 : i32
      "tpu.region"() ({
        %run_scoped3A = tpu.sem_alloc : memref<!tpu.dma_semaphore, #tpu.memory_space<semaphore_mem>>
        %dma_start3A_133 = arith.constant 0 : i32
        %dma_start3A_134 = tpu.memref_slice %arg4[%arg0, %mul3A_132, %dma_start3A_133] : memref<2x10000x128xf32, #tpu.memory_space<hbm>> -> memref<1x80x128xf32, #tpu.memory_space<hbm>>
        %dma_start3A_135 = tpu.memref_squeeze %dma_start3A_134 : memref<1x80x128xf32, #tpu.memory_space<hbm>> -> memref<80x128xf32, #tpu.memory_space<hbm>>
        %dma_start3A_136 = arith.constant 0 : i32
        %dma_start3A_137 = tpu.memref_slice %arg5[%mul3A_130, %dma_start3A_136] : memref<10000x128xf32, #tpu.memory_space<vmem_shared>> -> memref<80x128xf32, #tpu.memory_space<vmem_shared>>
        tpu.enqueue_dma source(%dma_start3A_137 : memref<80x128xf32, #tpu.memory_space<vmem_shared>>) target(%dma_start3A_135 : memref<80x128xf32, #tpu.memory_space<hbm>>) target_semaphore(%run_scoped3A : memref<!tpu.dma_semaphore, #tpu.memory_space<semaphore_mem>>)
        %dma_wait3A = arith.constant 0 : i32
        %dma_wait3A_138 = tpu.memref_slice %arg4[%arg0, %mul3A_132, %dma_wait3A] : memref<2x10000x128xf32, #tpu.memory_space<hbm>> -> memref<1x80x128xf32, #tpu.memory_space<hbm>>
        %dma_wait3A_139 = tpu.memref_squeeze %dma_wait3A_138 : memref<1x80x128xf32, #tpu.memory_space<hbm>> -> memref<80x128xf32, #tpu.memory_space<hbm>>
        %dma_wait3A_140 = arith.constant 0 : i32
        %dma_wait3A_141 = tpu.memref_slice %arg5[%mul3A_130, %dma_wait3A_140] : memref<10000x128xf32, #tpu.memory_space<vmem_shared>> -> memref<80x128xf32, #tpu.memory_space<vmem_shared>>
        tpu.wait_dma2 semaphore(%run_scoped3A : memref<!tpu.dma_semaphore, #tpu.memory_space<semaphore_mem>>) src(%dma_wait3A_141 : memref<80x128xf32, #tpu.memory_space<vmem_shared>>) dst(%dma_wait3A_139 : memref<80x128xf32, #tpu.memory_space<hbm>>)
        tpu.yield
      }) : () -> ()
    } else {
    }
    %add3A_108 = arith.constant 80 : i32
    %add3A_109 = arith.addi %arg1, %add3A_108 : i32
    %lt3A_110 = arith.constant 125 : i32
    %lt3A_111 = arith.cmpi slt, %add3A_109, %lt3A_110 : i32
    %convert_element_type3A_112 = arith.extui %lt3A_111 : i1 to i32
    %cond3A_113 = arith.constant 0 : i32
    %cond3A_114 = arith.cmpi ne, %convert_element_type3A_112, %cond3A_113 : i32
    scf.if %cond3A_114 {
      %mul3A_129 = arith.constant 80 : i32
      %mul3A_130 = arith.muli %add3A_109, %mul3A_129 : i32
      %mul3A_131 = arith.constant 80 : i32
      %mul3A_132 = arith.muli %add3A_109, %mul3A_131 : i32
      "tpu.region"() ({
        %run_scoped3A = tpu.sem_alloc : memref<!tpu.dma_semaphore, #tpu.memory_space<semaphore_mem>>
        %dma_start3A_133 = arith.constant 0 : i32
        %dma_start3A_134 = tpu.memref_slice %arg4[%arg0, %mul3A_132, %dma_start3A_133] : memref<2x10000x128xf32, #tpu.memory_space<hbm>> -> memref<1x80x128xf32, #tpu.memory_space<hbm>>
        %dma_start3A_135 = tpu.memref_squeeze %dma_start3A_134 : memref<1x80x128xf32, #tpu.memory_space<hbm>> -> memref<80x128xf32, #tpu.memory_space<hbm>>
        %dma_start3A_136 = arith.constant 0 : i32
        %dma_start3A_137 = tpu.memref_slice %arg5[%mul3A_130, %dma_start3A_136] : memref<10000x128xf32, #tpu.memory_space<vmem_shared>> -> memref<80x128xf32, #tpu.memory_space<vmem_shared>>
        tpu.enqueue_dma source(%dma_start3A_137 : memref<80x128xf32, #tpu.memory_space<vmem_shared>>) target(%dma_start3A_135 : memref<80x128xf32, #tpu.memory_space<hbm>>) target_semaphore(%run_scoped3A : memref<!tpu.dma_semaphore, #tpu.memory_space<semaphore_mem>>)
        %dma_wait3A = arith.constant 0 : i32
        %dma_wait3A_138 = tpu.memref_slice %arg4[%arg0, %mul3A_132, %dma_wait3A] : memref<2x10000x128xf32, #tpu.memory_space<hbm>> -> memref<1x80x128xf32, #tpu.memory_space<hbm>>
        %dma_wait3A_139 = tpu.memref_squeeze %dma_wait3A_138 : memref<1x80x128xf32, #tpu.memory_space<hbm>> -> memref<80x128xf32, #tpu.memory_space<hbm>>
        %dma_wait3A_140 = arith.constant 0 : i32
        %dma_wait3A_141 = tpu.memref_slice %arg5[%mul3A_130, %dma_wait3A_140] : memref<10000x128xf32, #tpu.memory_space<vmem_shared>> -> memref<80x128xf32, #tpu.memory_space<vmem_shared>>
        tpu.wait_dma2 semaphore(%run_scoped3A : memref<!tpu.dma_semaphore, #tpu.memory_space<semaphore_mem>>) src(%dma_wait3A_141 : memref<80x128xf32, #tpu.memory_space<vmem_shared>>) dst(%dma_wait3A_139 : memref<80x128xf32, #tpu.memory_space<hbm>>)
        tpu.yield
      }) : () -> ()
    } else {
    }
    %add3A_115 = arith.constant 96 : i32
    %add3A_116 = arith.addi %arg1, %add3A_115 : i32
    %lt3A_117 = arith.constant 125 : i32
    %lt3A_118 = arith.cmpi slt, %add3A_116, %lt3A_117 : i32
    %convert_element_type3A_119 = arith.extui %lt3A_118 : i1 to i32
    %cond3A_120 = arith.constant 0 : i32
    %cond3A_121 = arith.cmpi ne, %convert_element_type3A_119, %cond3A_120 : i32
    scf.if %cond3A_121 {
      %mul3A_129 = arith.constant 80 : i32
      %mul3A_130 = arith.muli %add3A_116, %mul3A_129 : i32
      %mul3A_131 = arith.constant 80 : i32
      %mul3A_132 = arith.muli %add3A_116, %mul3A_131 : i32
      "tpu.region"() ({
        %run_scoped3A = tpu.sem_alloc : memref<!tpu.dma_semaphore, #tpu.memory_space<semaphore_mem>>
        %dma_start3A_133 = arith.constant 0 : i32
        %dma_start3A_134 = tpu.memref_slice %arg4[%arg0, %mul3A_132, %dma_start3A_133] : memref<2x10000x128xf32, #tpu.memory_space<hbm>> -> memref<1x80x128xf32, #tpu.memory_space<hbm>>
        %dma_start3A_135 = tpu.memref_squeeze %dma_start3A_134 : memref<1x80x128xf32, #tpu.memory_space<hbm>> -> memref<80x128xf32, #tpu.memory_space<hbm>>
        %dma_start3A_136 = arith.constant 0 : i32
        %dma_start3A_137 = tpu.memref_slice %arg5[%mul3A_130, %dma_start3A_136] : memref<10000x128xf32, #tpu.memory_space<vmem_shared>> -> memref<80x128xf32, #tpu.memory_space<vmem_shared>>
        tpu.enqueue_dma source(%dma_start3A_137 : memref<80x128xf32, #tpu.memory_space<vmem_shared>>) target(%dma_start3A_135 : memref<80x128xf32, #tpu.memory_space<hbm>>) target_semaphore(%run_scoped3A : memref<!tpu.dma_semaphore, #tpu.memory_space<semaphore_mem>>)
        %dma_wait3A = arith.constant 0 : i32
        %dma_wait3A_138 = tpu.memref_slice %arg4[%arg0, %mul3A_132, %dma_wait3A] : memref<2x10000x128xf32, #tpu.memory_space<hbm>> -> memref<1x80x128xf32, #tpu.memory_space<hbm>>
        %dma_wait3A_139 = tpu.memref_squeeze %dma_wait3A_138 : memref<1x80x128xf32, #tpu.memory_space<hbm>> -> memref<80x128xf32, #tpu.memory_space<hbm>>
        %dma_wait3A_140 = arith.constant 0 : i32
        %dma_wait3A_141 = tpu.memref_slice %arg5[%mul3A_130, %dma_wait3A_140] : memref<10000x128xf32, #tpu.memory_space<vmem_shared>> -> memref<80x128xf32, #tpu.memory_space<vmem_shared>>
        tpu.wait_dma2 semaphore(%run_scoped3A : memref<!tpu.dma_semaphore, #tpu.memory_space<semaphore_mem>>) src(%dma_wait3A_141 : memref<80x128xf32, #tpu.memory_space<vmem_shared>>) dst(%dma_wait3A_139 : memref<80x128xf32, #tpu.memory_space<hbm>>)
        tpu.yield
      }) : () -> ()
    } else {
    }
    %add3A_122 = arith.constant 112 : i32
    %add3A_123 = arith.addi %arg1, %add3A_122 : i32
    %lt3A_124 = arith.constant 125 : i32
    %lt3A_125 = arith.cmpi slt, %add3A_123, %lt3A_124 : i32
    %convert_element_type3A_126 = arith.extui %lt3A_125 : i1 to i32
    %cond3A_127 = arith.constant 0 : i32
    %cond3A_128 = arith.cmpi ne, %convert_element_type3A_126, %cond3A_127 : i32
    scf.if %cond3A_128 {
      %mul3A_129 = arith.constant 80 : i32
      %mul3A_130 = arith.muli %add3A_123, %mul3A_129 : i32
      %mul3A_131 = arith.constant 80 : i32
      %mul3A_132 = arith.muli %add3A_123, %mul3A_131 : i32
      "tpu.region"() ({
        %run_scoped3A = tpu.sem_alloc : memref<!tpu.dma_semaphore, #tpu.memory_space<semaphore_mem>>
        %dma_start3A_133 = arith.constant 0 : i32
        %dma_start3A_134 = tpu.memref_slice %arg4[%arg0, %mul3A_132, %dma_start3A_133] : memref<2x10000x128xf32, #tpu.memory_space<hbm>> -> memref<1x80x128xf32, #tpu.memory_space<hbm>>
        %dma_start3A_135 = tpu.memref_squeeze %dma_start3A_134 : memref<1x80x128xf32, #tpu.memory_space<hbm>> -> memref<80x128xf32, #tpu.memory_space<hbm>>
        %dma_start3A_136 = arith.constant 0 : i32
        %dma_start3A_137 = tpu.memref_slice %arg5[%mul3A_130, %dma_start3A_136] : memref<10000x128xf32, #tpu.memory_space<vmem_shared>> -> memref<80x128xf32, #tpu.memory_space<vmem_shared>>
        tpu.enqueue_dma source(%dma_start3A_137 : memref<80x128xf32, #tpu.memory_space<vmem_shared>>) target(%dma_start3A_135 : memref<80x128xf32, #tpu.memory_space<hbm>>) target_semaphore(%run_scoped3A : memref<!tpu.dma_semaphore, #tpu.memory_space<semaphore_mem>>)
        %dma_wait3A = arith.constant 0 : i32
        %dma_wait3A_138 = tpu.memref_slice %arg4[%arg0, %mul3A_132, %dma_wait3A] : memref<2x10000x128xf32, #tpu.memory_space<hbm>> -> memref<1x80x128xf32, #tpu.memory_space<hbm>>
        %dma_wait3A_139 = tpu.memref_squeeze %dma_wait3A_138 : memref<1x80x128xf32, #tpu.memory_space<hbm>> -> memref<80x128xf32, #tpu.memory_space<hbm>>
        %dma_wait3A_140 = arith.constant 0 : i32
        %dma_wait3A_141 = tpu.memref_slice %arg5[%mul3A_130, %dma_wait3A_140] : memref<10000x128xf32, #tpu.memory_space<vmem_shared>> -> memref<80x128xf32, #tpu.memory_space<vmem_shared>>
        tpu.wait_dma2 semaphore(%run_scoped3A : memref<!tpu.dma_semaphore, #tpu.memory_space<semaphore_mem>>) src(%dma_wait3A_141 : memref<80x128xf32, #tpu.memory_space<vmem_shared>>) dst(%dma_wait3A_139 : memref<80x128xf32, #tpu.memory_space<hbm>>)
        tpu.yield
      }) : () -> ()
    } else {
    }
    return
  }
}

module attributes {stable_mosaic.version = 14 : i64} {
  func.func @body(%arg0: i32, %arg1: memref<1000x128xf32, #tpu.memory_space<vmem>>, %arg2: memref<128x128xf32, #tpu.memory_space<vmem>>, %arg3: memref<128x128xf32, #tpu.memory_space<vmem>>, %arg4: memref<1000x128xf32, #tpu.memory_space<vmem>>, %arg5: memref<1000x128xf32, #tpu.memory_space<vmem>>) attributes {dimension_semantics = [#tpu.dimension_semantics<arbitrary>], iteration_bounds = array<i64: 10>, scalar_prefetch = 0 : i64, scratch_operands = 0 : i64, tpu.core_type = #tpu.core_type<tc>, window_params = [{transform_indices = @transform_0, window_bounds = array<i64: 1000, 128>}, {pipeline_mode = #tpu.pipeline_mode<synchronous>, transform_indices = @transform_1, window_bounds = array<i64: 128, 128>}, {pipeline_mode = #tpu.pipeline_mode<synchronous>, transform_indices = @transform_2, window_bounds = array<i64: 128, 128>}, {transform_indices = @transform_3, window_bounds = array<i64: 1000, 128>}, {transform_indices = @transform_4, window_bounds = array<i64: 1000, 128>}]} {
    %get3A = arith.constant 0 : index
    %get3A_0 = arith.constant 0 : index
    %get3A_1 = vector.load %arg1[%get3A, %get3A_0] : memref<1000x128xf32, #tpu.memory_space<vmem>>, vector<1000x128xf32>
    %get3A_2 = arith.constant 0 : index
    %get3A_3 = arith.constant 0 : index
    %get3A_4 = vector.load %arg2[%get3A_2, %get3A_3] : memref<128x128xf32, #tpu.memory_space<vmem>>, vector<128x128xf32>
    %dot_general3A = arith.constant dense<0.000000e+00> : vector<1000x128xf32>
    %dot_general3A_5 = tpu.matmul %get3A_1, %get3A_4, %dot_general3A {dimension_numbers = #tpu.dot_dimension_numbers<[1], [0], [0], [1], [0, 0, 1, 1], [], []>, transpose_lhs_hint = false} : vector<1000x128xf32>, vector<128x128xf32>, vector<1000x128xf32> -> vector<1000x128xf32>
    %swap3A = arith.constant 0 : index
    %swap3A_6 = arith.constant 0 : index
    %swap3A_7 = vector.load %arg4[%swap3A, %swap3A_6] : memref<1000x128xf32, #tpu.memory_space<vmem>>, vector<1000x128xf32>
    tpu.vector_store %arg4[%swap3A, %swap3A_6], %dot_general3A_5 {strides = array<i32>} : memref<1000x128xf32, #tpu.memory_space<vmem>>, vector<1000x128xf32>,
    %get3A_8 = arith.constant 0 : index
    %get3A_9 = arith.constant 0 : index
    %get3A_10 = vector.load %arg3[%get3A_8, %get3A_9] : memref<128x128xf32, #tpu.memory_space<vmem>>, vector<128x128xf32>
    %dot_general3A_11 = arith.constant dense<0.000000e+00> : vector<1000x128xf32>
    %dot_general3A_12 = tpu.matmul %get3A_1, %get3A_10, %dot_general3A_11 {dimension_numbers = #tpu.dot_dimension_numbers<[1], [0], [0], [1], [0, 0, 1, 1], [], []>, transpose_lhs_hint = false} : vector<1000x128xf32>, vector<128x128xf32>, vector<1000x128xf32> -> vector<1000x128xf32>
    %swap3A_13 = arith.constant 0 : index
    %swap3A_14 = arith.constant 0 : index
    %swap3A_15 = vector.load %arg5[%swap3A_13, %swap3A_14] : memref<1000x128xf32, #tpu.memory_space<vmem>>, vector<1000x128xf32>
    tpu.vector_store %arg5[%swap3A_13, %swap3A_14], %dot_general3A_12 {strides = array<i32>} : memref<1000x128xf32, #tpu.memory_space<vmem>>, vector<1000x128xf32>,
    return
  }
  func.func @transform_0(%arg0: i32) -> (i32, i32) {
    %c0_i32 = arith.constant 0 : i32
    %c0_i32_0 = arith.constant 0 : i32
    return %arg0, %c0_i32 : i32, i32
  }
  func.func @transform_1(%arg0: i32) -> (i32, i32) {
    %c0_i32 = arith.constant 0 : i32
    %c0_i32_0 = arith.constant 0 : i32
    %c0_i32_1 = arith.constant 0 : i32
    return %c0_i32, %c0_i32_0 : i32, i32
  }
  func.func @transform_2(%arg0: i32) -> (i32, i32) {
    %c0_i32 = arith.constant 0 : i32
    %c0_i32_0 = arith.constant 0 : i32
    %c0_i32_1 = arith.constant 0 : i32
    return %c0_i32, %c0_i32_0 : i32, i32
  }
  func.func @transform_3(%arg0: i32) -> (i32, i32) {
    %c0_i32 = arith.constant 0 : i32
    %c0_i32_0 = arith.constant 0 : i32
    return %arg0, %c0_i32 : i32, i32
  }
  func.func @transform_4(%arg0: i32) -> (i32, i32) {
    %c0_i32 = arith.constant 0 : i32
    %c0_i32_0 = arith.constant 0 : i32
    return %arg0, %c0_i32 : i32, i32
  }
}

module attributes {stable_mosaic.version = 14 : i64} {
  func.func @body(%arg0: i32, %arg1: memref<6400x128xf32, #tpu.memory_space<vmem>>, %arg2: memref<16x6400xf32, #tpu.memory_space<vmem>>, %arg3: memref<1x6400xf32, #tpu.memory_space<vmem>>, %arg4: memref<16x128xf32, #tpu.memory_space<vmem>>, %arg5: memref<1x128xf32, #tpu.memory_space<vmem>>, %arg6: memref<128x128xbf16, #tpu.memory_space<vmem>>, %arg7: memref<1x128xf32, #tpu.memory_space<vmem>>, %arg8: memref<6400x128xf32, #tpu.memory_space<vmem>>) attributes {dimension_semantics = [#tpu.dimension_semantics<arbitrary>], iteration_bounds = array<i64: 10>, scalar_prefetch = 0 : i64, scratch_operands = 0 : i64, tpu.core_type = #tpu.core_type<tc>, window_params = [{transform_indices = @transform_0, window_bounds = array<i64: 6400, 128>}, {transform_indices = @transform_1, window_bounds = array<i64: 16, 6400>}, {transform_indices = @transform_2, window_bounds = array<i64: 1, 6400>}, {pipeline_mode = #tpu.pipeline_mode<synchronous>, transform_indices = @transform_3, window_bounds = array<i64: 16, 128>}, {pipeline_mode = #tpu.pipeline_mode<synchronous>, transform_indices = @transform_4, window_bounds = array<i64: 1, 128>}, {pipeline_mode = #tpu.pipeline_mode<synchronous>, transform_indices = @transform_5, window_bounds = array<i64: 128, 128>}, {pipeline_mode = #tpu.pipeline_mode<synchronous>, transform_indices = @transform_6, window_bounds = array<i64: 1, 128>}, {transform_indices = @transform_7, window_bounds = array<i64: 6400, 128>}]} {
    %get3A = arith.constant 0 : index
    %get3A_0 = arith.constant 0 : index
    %get3A_1 = vector.load %arg2[%get3A, %get3A_0] : memref<16x6400xf32, #tpu.memory_space<vmem>>, vector<16x6400xf32>
    %get3A_2 = arith.constant 0 : index
    %get3A_3 = arith.constant 0 : index
    %get3A_4 = vector.load %arg4[%get3A_2, %get3A_3] : memref<16x128xf32, #tpu.memory_space<vmem>>, vector<16x128xf32>
    %dot_general3A = arith.constant dense<0.000000e+00> : vector<6400x128xf32>
    %dot_general3A_5 = tpu.matmul %get3A_1, %get3A_4, %dot_general3A {dimension_numbers = #tpu.dot_dimension_numbers<[0], [0], [1], [1], [0, 1, 1, 1], [], []>, transpose_lhs_hint = false} : vector<16x6400xf32>, vector<16x128xf32>, vector<6400x128xf32> -> vector<6400x128xf32>
    %get3A_6 = arith.constant 0 : index
    %get3A_7 = arith.constant 0 : index
    %get3A_8 = vector.load %arg3[%get3A_6, %get3A_7] : memref<1x6400xf32, #tpu.memory_space<vmem>>, vector<1x6400xf32>
    %transpose3A = tpu.transpose %get3A_8, [1, 0] : vector<1x6400xf32> -> vector<6400x1xf32>
    %get3A_9 = arith.constant 0 : index
    %get3A_10 = arith.constant 0 : index
    %get3A_11 = vector.load %arg1[%get3A_9, %get3A_10] : memref<6400x128xf32, #tpu.memory_space<vmem>>, vector<6400x128xf32>
    %add3A = arith.addf %get3A_11, %dot_general3A_5 : vector<6400x128xf32>
    %get3A_12 = arith.constant 0 : index
    %get3A_13 = arith.constant 0 : index
    %get3A_14 = vector.load %arg5[%get3A_12, %get3A_13] : memref<1x128xf32, #tpu.memory_space<vmem>>, vector<1x128xf32>
    %add3A_15 = vector.broadcast %get3A_14 : vector<1x128xf32> to vector<6400x128xf32>
    %add3A_16 = arith.addf %add3A, %add3A_15 : vector<6400x128xf32>
    %max3A = arith.constant 0.000000e+00 : f32
    %max3A_17 = vector.broadcast %max3A : f32 to vector<6400x128xf32>
    %max3A_18 = arith.maximumf %add3A_16, %max3A_17 : vector<6400x128xf32>
    %convert_element_type3A = arith.truncf %max3A_18 : vector<6400x128xf32> to vector<6400x128xbf16>
    %get3A_19 = arith.constant 0 : index
    %get3A_20 = arith.constant 0 : index
    %get3A_21 = vector.load %arg6[%get3A_19, %get3A_20] : memref<128x128xbf16, #tpu.memory_space<vmem>>, vector<128x128xbf16>
    %dot_general3A_22 = arith.constant dense<0.000000e+00> : vector<6400x128xf32>
    %dot_general3A_23 = tpu.matmul %convert_element_type3A, %get3A_21, %dot_general3A_22 {dimension_numbers = #tpu.dot_dimension_numbers<[1], [0], [0], [1], [0, 0, 1, 1], [], []>, transpose_lhs_hint = false} : vector<6400x128xbf16>, vector<128x128xbf16>, vector<6400x128xf32> -> vector<6400x128xf32>
    %get3A_24 = arith.constant 0 : index
    %get3A_25 = arith.constant 0 : index
    %get3A_26 = vector.load %arg7[%get3A_24, %get3A_25] : memref<1x128xf32, #tpu.memory_space<vmem>>, vector<1x128xf32>
    %add3A_27 = vector.broadcast %get3A_26 : vector<1x128xf32> to vector<6400x128xf32>
    %add3A_28 = arith.addf %dot_general3A_23, %add3A_27 : vector<6400x128xf32>
    %mul3A = vector.broadcast %transpose3A : vector<6400x1xf32> to vector<6400x128xf32>
    %mul3A_29 = arith.mulf %add3A_28, %mul3A : vector<6400x128xf32>
    %swap3A = arith.constant 0 : index
    %swap3A_30 = arith.constant 0 : index
    %swap3A_31 = vector.load %arg8[%swap3A, %swap3A_30] : memref<6400x128xf32, #tpu.memory_space<vmem>>, vector<6400x128xf32>
    tpu.vector_store %arg8[%swap3A, %swap3A_30], %mul3A_29 {strides = array<i32>} : memref<6400x128xf32, #tpu.memory_space<vmem>>, vector<6400x128xf32>,
    return
  }
  func.func @transform_0(%arg0: i32) -> (i32, i32) {
    %c0_i32 = arith.constant 0 : i32
    %c0_i32_0 = arith.constant 0 : i32
    return %arg0, %c0_i32 : i32, i32
  }
  func.func @transform_1(%arg0: i32) -> (i32, i32) {
    %add3A = arith.constant 0 : i32
    %add3A_0 = arith.addi %add3A, %arg0 : i32
    %c0_i32 = arith.constant 0 : i32
    %c0_i32_1 = arith.constant 0 : i32
    return %c0_i32, %add3A_0 : i32, i32
  }
  func.func @transform_2(%arg0: i32) -> (i32, i32) {
    %add3A = arith.constant 0 : i32
    %add3A_0 = arith.addi %add3A, %arg0 : i32
    %c0_i32 = arith.constant 0 : i32
    %c0_i32_1 = arith.constant 0 : i32
    return %c0_i32, %add3A_0 : i32, i32
  }
  func.func @transform_3(%arg0: i32) -> (i32, i32) {
    %c0_i32 = arith.constant 0 : i32
    %c0_i32_0 = arith.constant 0 : i32
    %c0_i32_1 = arith.constant 0 : i32
    return %c0_i32, %c0_i32_0 : i32, i32
  }
  func.func @transform_4(%arg0: i32) -> (i32, i32) {
    %c0_i32 = arith.constant 0 : i32
    %c0_i32_0 = arith.constant 0 : i32
    %c0_i32_1 = arith.constant 0 : i32
    return %c0_i32, %c0_i32_0 : i32, i32
  }
  func.func @transform_5(%arg0: i32) -> (i32, i32) {
    %c0_i32 = arith.constant 0 : i32
    %c0_i32_0 = arith.constant 0 : i32
    %c0_i32_1 = arith.constant 0 : i32
    return %c0_i32, %c0_i32_0 : i32, i32
  }
  func.func @transform_6(%arg0: i32) -> (i32, i32) {
    %c0_i32 = arith.constant 0 : i32
    %c0_i32_0 = arith.constant 0 : i32
    %c0_i32_1 = arith.constant 0 : i32
    return %c0_i32, %c0_i32_0 : i32, i32
  }
  func.func @transform_7(%arg0: i32) -> (i32, i32) {
    %add3A = arith.constant 0 : i32
    %add3A_0 = arith.addi %add3A, %arg0 : i32
    %c0_i32 = arith.constant 0 : i32
    %c0_i32_1 = arith.constant 0 : i32
    return %add3A_0, %c0_i32 : i32, i32
  }
}

module attributes {stable_mosaic.version = 14 : i64} {
  func.func @body(%arg0: i32, %arg1: memref<6400x128xf32, #tpu.memory_space<vmem>>, %arg2: memref<16x6400xf32, #tpu.memory_space<vmem>>, %arg3: memref<1x6400xf32, #tpu.memory_space<vmem>>, %arg4: memref<16x128xf32, #tpu.memory_space<vmem>>, %arg5: memref<1x128xf32, #tpu.memory_space<vmem>>, %arg6: memref<128x128xbf16, #tpu.memory_space<vmem>>, %arg7: memref<1x128xf32, #tpu.memory_space<vmem>>, %arg8: memref<320000x128xf32, #tpu.memory_space<any>>, %arg9: memref<6400x128xf32, #tpu.memory_space<vmem>>) attributes {dimension_semantics = [#tpu.dimension_semantics<arbitrary>], iteration_bounds = array<i64: 10>, scalar_prefetch = 0 : i64, scratch_operands = 0 : i64, tpu.core_type = #tpu.core_type<tc>, window_params = [{transform_indices = @transform_0, window_bounds = array<i64: 6400, 128>}, {transform_indices = @transform_1, window_bounds = array<i64: 16, 6400>}, {transform_indices = @transform_2, window_bounds = array<i64: 1, 6400>}, {pipeline_mode = #tpu.pipeline_mode<synchronous>, transform_indices = @transform_3, window_bounds = array<i64: 16, 128>}, {pipeline_mode = #tpu.pipeline_mode<synchronous>, transform_indices = @transform_4, window_bounds = array<i64: 1, 128>}, {pipeline_mode = #tpu.pipeline_mode<synchronous>, transform_indices = @transform_5, window_bounds = array<i64: 128, 128>}, {pipeline_mode = #tpu.pipeline_mode<synchronous>, transform_indices = @transform_6, window_bounds = array<i64: 1, 128>}, {}, {transform_indices = @transform_8, window_bounds = array<i64: 6400, 128>}]} {
    %get3A = arith.constant 0 : index
    %get3A_0 = arith.constant 0 : index
    %get3A_1 = vector.load %arg2[%get3A, %get3A_0] : memref<16x6400xf32, #tpu.memory_space<vmem>>, vector<16x6400xf32>
    %get3A_2 = arith.constant 0 : index
    %get3A_3 = arith.constant 0 : index
    %get3A_4 = vector.load %arg4[%get3A_2, %get3A_3] : memref<16x128xf32, #tpu.memory_space<vmem>>, vector<16x128xf32>
    %dot_general3A = arith.constant dense<0.000000e+00> : vector<6400x128xf32>
    %dot_general3A_5 = tpu.matmul %get3A_1, %get3A_4, %dot_general3A {dimension_numbers = #tpu.dot_dimension_numbers<[0], [0], [1], [1], [0, 1, 1, 1], [], []>, transpose_lhs_hint = false} : vector<16x6400xf32>, vector<16x128xf32>, vector<6400x128xf32> -> vector<6400x128xf32>
    %get3A_6 = arith.constant 0 : index
    %get3A_7 = arith.constant 0 : index
    %get3A_8 = vector.load %arg3[%get3A_6, %get3A_7] : memref<1x6400xf32, #tpu.memory_space<vmem>>, vector<1x6400xf32>
    %transpose3A = tpu.transpose %get3A_8, [1, 0] : vector<1x6400xf32> -> vector<6400x1xf32>
    %get3A_9 = arith.constant 0 : index
    %get3A_10 = arith.constant 0 : index
    %get3A_11 = vector.load %arg1[%get3A_9, %get3A_10] : memref<6400x128xf32, #tpu.memory_space<vmem>>, vector<6400x128xf32>
    %add3A = arith.addf %get3A_11, %dot_general3A_5 : vector<6400x128xf32>
    %get3A_12 = arith.constant 0 : index
    %get3A_13 = arith.constant 0 : index
    %get3A_14 = vector.load %arg5[%get3A_12, %get3A_13] : memref<1x128xf32, #tpu.memory_space<vmem>>, vector<1x128xf32>
    %add3A_15 = vector.broadcast %get3A_14 : vector<1x128xf32> to vector<6400x128xf32>
    %add3A_16 = arith.addf %add3A, %add3A_15 : vector<6400x128xf32>
    %max3A = arith.constant 0.000000e+00 : f32
    %max3A_17 = vector.broadcast %max3A : f32 to vector<6400x128xf32>
    %max3A_18 = arith.maximumf %add3A_16, %max3A_17 : vector<6400x128xf32>
    %convert_element_type3A = arith.truncf %max3A_18 : vector<6400x128xf32> to vector<6400x128xbf16>
    %get3A_19 = arith.constant 0 : index
    %get3A_20 = arith.constant 0 : index
    %get3A_21 = vector.load %arg6[%get3A_19, %get3A_20] : memref<128x128xbf16, #tpu.memory_space<vmem>>, vector<128x128xbf16>
    %dot_general3A_22 = arith.constant dense<0.000000e+00> : vector<6400x128xf32>
    %dot_general3A_23 = tpu.matmul %convert_element_type3A, %get3A_21, %dot_general3A_22 {dimension_numbers = #tpu.dot_dimension_numbers<[1], [0], [0], [1], [0, 0, 1, 1], [], []>, transpose_lhs_hint = false} : vector<6400x128xbf16>, vector<128x128xbf16>, vector<6400x128xf32> -> vector<6400x128xf32>
    %get3A_24 = arith.constant 0 : index
    %get3A_25 = arith.constant 0 : index
    %get3A_26 = vector.load %arg7[%get3A_24, %get3A_25] : memref<1x128xf32, #tpu.memory_space<vmem>>, vector<1x128xf32>
    %add3A_27 = vector.broadcast %get3A_26 : vector<1x128xf32> to vector<6400x128xf32>
    %add3A_28 = arith.addf %dot_general3A_23, %add3A_27 : vector<6400x128xf32>
    %mul3A = vector.broadcast %transpose3A : vector<6400x1xf32> to vector<6400x128xf32>
    %mul3A_29 = arith.mulf %add3A_28, %mul3A : vector<6400x128xf32>
    %swap3A = arith.constant 0 : index
    %swap3A_30 = arith.constant 0 : index
    %swap3A_31 = vector.load %arg9[%swap3A, %swap3A_30] : memref<6400x128xf32, #tpu.memory_space<vmem>>, vector<6400x128xf32>
    tpu.vector_store %arg9[%swap3A, %swap3A_30], %mul3A_29 {strides = array<i32>} : memref<6400x128xf32, #tpu.memory_space<vmem>>, vector<6400x128xf32>,
    return
  }
  func.func @transform_0(%arg0: i32) -> (i32, i32) {
    %c0_i32 = arith.constant 0 : i32
    %c0_i32_0 = arith.constant 0 : i32
    return %arg0, %c0_i32 : i32, i32
  }
  func.func @transform_1(%arg0: i32) -> (i32, i32) {
    %add3A = arith.constant 10 : i32
    %add3A_0 = arith.addi %add3A, %arg0 : i32
    %c0_i32 = arith.constant 0 : i32
    %c0_i32_1 = arith.constant 0 : i32
    return %c0_i32, %add3A_0 : i32, i32
  }
  func.func @transform_2(%arg0: i32) -> (i32, i32) {
    %add3A = arith.constant 10 : i32
    %add3A_0 = arith.addi %add3A, %arg0 : i32
    %c0_i32 = arith.constant 0 : i32
    %c0_i32_1 = arith.constant 0 : i32
    return %c0_i32, %add3A_0 : i32, i32
  }
  func.func @transform_3(%arg0: i32) -> (i32, i32) {
    %c0_i32 = arith.constant 0 : i32
    %c0_i32_0 = arith.constant 0 : i32
    %c0_i32_1 = arith.constant 0 : i32
    return %c0_i32, %c0_i32_0 : i32, i32
  }
  func.func @transform_4(%arg0: i32) -> (i32, i32) {
    %c0_i32 = arith.constant 0 : i32
    %c0_i32_0 = arith.constant 0 : i32
    %c0_i32_1 = arith.constant 0 : i32
    return %c0_i32, %c0_i32_0 : i32, i32
  }
  func.func @transform_5(%arg0: i32) -> (i32, i32) {
    %c0_i32 = arith.constant 0 : i32
    %c0_i32_0 = arith.constant 0 : i32
    %c0_i32_1 = arith.constant 0 : i32
    return %c0_i32, %c0_i32_0 : i32, i32
  }
  func.func @transform_6(%arg0: i32) -> (i32, i32) {
    %c0_i32 = arith.constant 0 : i32
    %c0_i32_0 = arith.constant 0 : i32
    %c0_i32_1 = arith.constant 0 : i32
    return %c0_i32, %c0_i32_0 : i32, i32
  }
  func.func @transform_8(%arg0: i32) -> (i32, i32) {
    %add3A = arith.constant 10 : i32
    %add3A_0 = arith.addi %add3A, %arg0 : i32
    %c0_i32 = arith.constant 0 : i32
    %c0_i32_1 = arith.constant 0 : i32
    return %add3A_0, %c0_i32 : i32, i32
  }
}

module attributes {stable_mosaic.version = 14 : i64} {
  func.func @body(%arg0: i32, %arg1: memref<6400x128xf32, #tpu.memory_space<vmem>>, %arg2: memref<16x6400xf32, #tpu.memory_space<vmem>>, %arg3: memref<1x6400xf32, #tpu.memory_space<vmem>>, %arg4: memref<16x128xf32, #tpu.memory_space<vmem>>, %arg5: memref<1x128xf32, #tpu.memory_space<vmem>>, %arg6: memref<128x128xbf16, #tpu.memory_space<vmem>>, %arg7: memref<1x128xf32, #tpu.memory_space<vmem>>, %arg8: memref<320000x128xf32, #tpu.memory_space<any>>, %arg9: memref<6400x128xf32, #tpu.memory_space<vmem>>) attributes {dimension_semantics = [#tpu.dimension_semantics<arbitrary>], iteration_bounds = array<i64: 10>, scalar_prefetch = 0 : i64, scratch_operands = 0 : i64, tpu.core_type = #tpu.core_type<tc>, window_params = [{transform_indices = @transform_0, window_bounds = array<i64: 6400, 128>}, {transform_indices = @transform_1, window_bounds = array<i64: 16, 6400>}, {transform_indices = @transform_2, window_bounds = array<i64: 1, 6400>}, {pipeline_mode = #tpu.pipeline_mode<synchronous>, transform_indices = @transform_3, window_bounds = array<i64: 16, 128>}, {pipeline_mode = #tpu.pipeline_mode<synchronous>, transform_indices = @transform_4, window_bounds = array<i64: 1, 128>}, {pipeline_mode = #tpu.pipeline_mode<synchronous>, transform_indices = @transform_5, window_bounds = array<i64: 128, 128>}, {pipeline_mode = #tpu.pipeline_mode<synchronous>, transform_indices = @transform_6, window_bounds = array<i64: 1, 128>}, {}, {transform_indices = @transform_8, window_bounds = array<i64: 6400, 128>}]} {
    %get3A = arith.constant 0 : index
    %get3A_0 = arith.constant 0 : index
    %get3A_1 = vector.load %arg2[%get3A, %get3A_0] : memref<16x6400xf32, #tpu.memory_space<vmem>>, vector<16x6400xf32>
    %get3A_2 = arith.constant 0 : index
    %get3A_3 = arith.constant 0 : index
    %get3A_4 = vector.load %arg4[%get3A_2, %get3A_3] : memref<16x128xf32, #tpu.memory_space<vmem>>, vector<16x128xf32>
    %dot_general3A = arith.constant dense<0.000000e+00> : vector<6400x128xf32>
    %dot_general3A_5 = tpu.matmul %get3A_1, %get3A_4, %dot_general3A {dimension_numbers = #tpu.dot_dimension_numbers<[0], [0], [1], [1], [0, 1, 1, 1], [], []>, transpose_lhs_hint = false} : vector<16x6400xf32>, vector<16x128xf32>, vector<6400x128xf32> -> vector<6400x128xf32>
    %get3A_6 = arith.constant 0 : index
    %get3A_7 = arith.constant 0 : index
    %get3A_8 = vector.load %arg3[%get3A_6, %get3A_7] : memref<1x6400xf32, #tpu.memory_space<vmem>>, vector<1x6400xf32>
    %transpose3A = tpu.transpose %get3A_8, [1, 0] : vector<1x6400xf32> -> vector<6400x1xf32>
    %get3A_9 = arith.constant 0 : index
    %get3A_10 = arith.constant 0 : index
    %get3A_11 = vector.load %arg1[%get3A_9, %get3A_10] : memref<6400x128xf32, #tpu.memory_space<vmem>>, vector<6400x128xf32>
    %add3A = arith.addf %get3A_11, %dot_general3A_5 : vector<6400x128xf32>
    %get3A_12 = arith.constant 0 : index
    %get3A_13 = arith.constant 0 : index
    %get3A_14 = vector.load %arg5[%get3A_12, %get3A_13] : memref<1x128xf32, #tpu.memory_space<vmem>>, vector<1x128xf32>
    %add3A_15 = vector.broadcast %get3A_14 : vector<1x128xf32> to vector<6400x128xf32>
    %add3A_16 = arith.addf %add3A, %add3A_15 : vector<6400x128xf32>
    %max3A = arith.constant 0.000000e+00 : f32
    %max3A_17 = vector.broadcast %max3A : f32 to vector<6400x128xf32>
    %max3A_18 = arith.maximumf %add3A_16, %max3A_17 : vector<6400x128xf32>
    %convert_element_type3A = arith.truncf %max3A_18 : vector<6400x128xf32> to vector<6400x128xbf16>
    %get3A_19 = arith.constant 0 : index
    %get3A_20 = arith.constant 0 : index
    %get3A_21 = vector.load %arg6[%get3A_19, %get3A_20] : memref<128x128xbf16, #tpu.memory_space<vmem>>, vector<128x128xbf16>
    %dot_general3A_22 = arith.constant dense<0.000000e+00> : vector<6400x128xf32>
    %dot_general3A_23 = tpu.matmul %convert_element_type3A, %get3A_21, %dot_general3A_22 {dimension_numbers = #tpu.dot_dimension_numbers<[1], [0], [0], [1], [0, 0, 1, 1], [], []>, transpose_lhs_hint = false} : vector<6400x128xbf16>, vector<128x128xbf16>, vector<6400x128xf32> -> vector<6400x128xf32>
    %get3A_24 = arith.constant 0 : index
    %get3A_25 = arith.constant 0 : index
    %get3A_26 = vector.load %arg7[%get3A_24, %get3A_25] : memref<1x128xf32, #tpu.memory_space<vmem>>, vector<1x128xf32>
    %add3A_27 = vector.broadcast %get3A_26 : vector<1x128xf32> to vector<6400x128xf32>
    %add3A_28 = arith.addf %dot_general3A_23, %add3A_27 : vector<6400x128xf32>
    %mul3A = vector.broadcast %transpose3A : vector<6400x1xf32> to vector<6400x128xf32>
    %mul3A_29 = arith.mulf %add3A_28, %mul3A : vector<6400x128xf32>
    %swap3A = arith.constant 0 : index
    %swap3A_30 = arith.constant 0 : index
    %swap3A_31 = vector.load %arg9[%swap3A, %swap3A_30] : memref<6400x128xf32, #tpu.memory_space<vmem>>, vector<6400x128xf32>
    tpu.vector_store %arg9[%swap3A, %swap3A_30], %mul3A_29 {strides = array<i32>} : memref<6400x128xf32, #tpu.memory_space<vmem>>, vector<6400x128xf32>,
    return
  }
  func.func @transform_0(%arg0: i32) -> (i32, i32) {
    %c0_i32 = arith.constant 0 : i32
    %c0_i32_0 = arith.constant 0 : i32
    return %arg0, %c0_i32 : i32, i32
  }
  func.func @transform_1(%arg0: i32) -> (i32, i32) {
    %add3A = arith.constant 20 : i32
    %add3A_0 = arith.addi %add3A, %arg0 : i32
    %c0_i32 = arith.constant 0 : i32
    %c0_i32_1 = arith.constant 0 : i32
    return %c0_i32, %add3A_0 : i32, i32
  }
  func.func @transform_2(%arg0: i32) -> (i32, i32) {
    %add3A = arith.constant 20 : i32
    %add3A_0 = arith.addi %add3A, %arg0 : i32
    %c0_i32 = arith.constant 0 : i32
    %c0_i32_1 = arith.constant 0 : i32
    return %c0_i32, %add3A_0 : i32, i32
  }
  func.func @transform_3(%arg0: i32) -> (i32, i32) {
    %c0_i32 = arith.constant 0 : i32
    %c0_i32_0 = arith.constant 0 : i32
    %c0_i32_1 = arith.constant 0 : i32
    return %c0_i32, %c0_i32_0 : i32, i32
  }
  func.func @transform_4(%arg0: i32) -> (i32, i32) {
    %c0_i32 = arith.constant 0 : i32
    %c0_i32_0 = arith.constant 0 : i32
    %c0_i32_1 = arith.constant 0 : i32
    return %c0_i32, %c0_i32_0 : i32, i32
  }
  func.func @transform_5(%arg0: i32) -> (i32, i32) {
    %c0_i32 = arith.constant 0 : i32
    %c0_i32_0 = arith.constant 0 : i32
    %c0_i32_1 = arith.constant 0 : i32
    return %c0_i32, %c0_i32_0 : i32, i32
  }
  func.func @transform_6(%arg0: i32) -> (i32, i32) {
    %c0_i32 = arith.constant 0 : i32
    %c0_i32_0 = arith.constant 0 : i32
    %c0_i32_1 = arith.constant 0 : i32
    return %c0_i32, %c0_i32_0 : i32, i32
  }
  func.func @transform_8(%arg0: i32) -> (i32, i32) {
    %add3A = arith.constant 20 : i32
    %add3A_0 = arith.addi %add3A, %arg0 : i32
    %c0_i32 = arith.constant 0 : i32
    %c0_i32_1 = arith.constant 0 : i32
    return %add3A_0, %c0_i32 : i32, i32
  }
}

module attributes {stable_mosaic.version = 14 : i64} {
  func.func @body(%arg0: i32, %arg1: memref<6400x128xf32, #tpu.memory_space<vmem>>, %arg2: memref<16x6400xf32, #tpu.memory_space<vmem>>, %arg3: memref<1x6400xf32, #tpu.memory_space<vmem>>, %arg4: memref<16x128xf32, #tpu.memory_space<vmem>>, %arg5: memref<1x128xf32, #tpu.memory_space<vmem>>, %arg6: memref<128x128xbf16, #tpu.memory_space<vmem>>, %arg7: memref<1x128xf32, #tpu.memory_space<vmem>>, %arg8: memref<320000x128xf32, #tpu.memory_space<any>>, %arg9: memref<6400x128xf32, #tpu.memory_space<vmem>>) attributes {dimension_semantics = [#tpu.dimension_semantics<arbitrary>], iteration_bounds = array<i64: 10>, scalar_prefetch = 0 : i64, scratch_operands = 0 : i64, tpu.core_type = #tpu.core_type<tc>, window_params = [{transform_indices = @transform_0, window_bounds = array<i64: 6400, 128>}, {transform_indices = @transform_1, window_bounds = array<i64: 16, 6400>}, {transform_indices = @transform_2, window_bounds = array<i64: 1, 6400>}, {pipeline_mode = #tpu.pipeline_mode<synchronous>, transform_indices = @transform_3, window_bounds = array<i64: 16, 128>}, {pipeline_mode = #tpu.pipeline_mode<synchronous>, transform_indices = @transform_4, window_bounds = array<i64: 1, 128>}, {pipeline_mode = #tpu.pipeline_mode<synchronous>, transform_indices = @transform_5, window_bounds = array<i64: 128, 128>}, {pipeline_mode = #tpu.pipeline_mode<synchronous>, transform_indices = @transform_6, window_bounds = array<i64: 1, 128>}, {}, {transform_indices = @transform_8, window_bounds = array<i64: 6400, 128>}]} {
    %get3A = arith.constant 0 : index
    %get3A_0 = arith.constant 0 : index
    %get3A_1 = vector.load %arg2[%get3A, %get3A_0] : memref<16x6400xf32, #tpu.memory_space<vmem>>, vector<16x6400xf32>
    %get3A_2 = arith.constant 0 : index
    %get3A_3 = arith.constant 0 : index
    %get3A_4 = vector.load %arg4[%get3A_2, %get3A_3] : memref<16x128xf32, #tpu.memory_space<vmem>>, vector<16x128xf32>
    %dot_general3A = arith.constant dense<0.000000e+00> : vector<6400x128xf32>
    %dot_general3A_5 = tpu.matmul %get3A_1, %get3A_4, %dot_general3A {dimension_numbers = #tpu.dot_dimension_numbers<[0], [0], [1], [1], [0, 1, 1, 1], [], []>, transpose_lhs_hint = false} : vector<16x6400xf32>, vector<16x128xf32>, vector<6400x128xf32> -> vector<6400x128xf32>
    %get3A_6 = arith.constant 0 : index
    %get3A_7 = arith.constant 0 : index
    %get3A_8 = vector.load %arg3[%get3A_6, %get3A_7] : memref<1x6400xf32, #tpu.memory_space<vmem>>, vector<1x6400xf32>
    %transpose3A = tpu.transpose %get3A_8, [1, 0] : vector<1x6400xf32> -> vector<6400x1xf32>
    %get3A_9 = arith.constant 0 : index
    %get3A_10 = arith.constant 0 : index
    %get3A_11 = vector.load %arg1[%get3A_9, %get3A_10] : memref<6400x128xf32, #tpu.memory_space<vmem>>, vector<6400x128xf32>
    %add3A = arith.addf %get3A_11, %dot_general3A_5 : vector<6400x128xf32>
    %get3A_12 = arith.constant 0 : index
    %get3A_13 = arith.constant 0 : index
    %get3A_14 = vector.load %arg5[%get3A_12, %get3A_13] : memref<1x128xf32, #tpu.memory_space<vmem>>, vector<1x128xf32>
    %add3A_15 = vector.broadcast %get3A_14 : vector<1x128xf32> to vector<6400x128xf32>
    %add3A_16 = arith.addf %add3A, %add3A_15 : vector<6400x128xf32>
    %max3A = arith.constant 0.000000e+00 : f32
    %max3A_17 = vector.broadcast %max3A : f32 to vector<6400x128xf32>
    %max3A_18 = arith.maximumf %add3A_16, %max3A_17 : vector<6400x128xf32>
    %convert_element_type3A = arith.truncf %max3A_18 : vector<6400x128xf32> to vector<6400x128xbf16>
    %get3A_19 = arith.constant 0 : index
    %get3A_20 = arith.constant 0 : index
    %get3A_21 = vector.load %arg6[%get3A_19, %get3A_20] : memref<128x128xbf16, #tpu.memory_space<vmem>>, vector<128x128xbf16>
    %dot_general3A_22 = arith.constant dense<0.000000e+00> : vector<6400x128xf32>
    %dot_general3A_23 = tpu.matmul %convert_element_type3A, %get3A_21, %dot_general3A_22 {dimension_numbers = #tpu.dot_dimension_numbers<[1], [0], [0], [1], [0, 0, 1, 1], [], []>, transpose_lhs_hint = false} : vector<6400x128xbf16>, vector<128x128xbf16>, vector<6400x128xf32> -> vector<6400x128xf32>
    %get3A_24 = arith.constant 0 : index
    %get3A_25 = arith.constant 0 : index
    %get3A_26 = vector.load %arg7[%get3A_24, %get3A_25] : memref<1x128xf32, #tpu.memory_space<vmem>>, vector<1x128xf32>
    %add3A_27 = vector.broadcast %get3A_26 : vector<1x128xf32> to vector<6400x128xf32>
    %add3A_28 = arith.addf %dot_general3A_23, %add3A_27 : vector<6400x128xf32>
    %mul3A = vector.broadcast %transpose3A : vector<6400x1xf32> to vector<6400x128xf32>
    %mul3A_29 = arith.mulf %add3A_28, %mul3A : vector<6400x128xf32>
    %swap3A = arith.constant 0 : index
    %swap3A_30 = arith.constant 0 : index
    %swap3A_31 = vector.load %arg9[%swap3A, %swap3A_30] : memref<6400x128xf32, #tpu.memory_space<vmem>>, vector<6400x128xf32>
    tpu.vector_store %arg9[%swap3A, %swap3A_30], %mul3A_29 {strides = array<i32>} : memref<6400x128xf32, #tpu.memory_space<vmem>>, vector<6400x128xf32>,
    return
  }
  func.func @transform_0(%arg0: i32) -> (i32, i32) {
    %c0_i32 = arith.constant 0 : i32
    %c0_i32_0 = arith.constant 0 : i32
    return %arg0, %c0_i32 : i32, i32
  }
  func.func @transform_1(%arg0: i32) -> (i32, i32) {
    %add3A = arith.constant 30 : i32
    %add3A_0 = arith.addi %add3A, %arg0 : i32
    %c0_i32 = arith.constant 0 : i32
    %c0_i32_1 = arith.constant 0 : i32
    return %c0_i32, %add3A_0 : i32, i32
  }
  func.func @transform_2(%arg0: i32) -> (i32, i32) {
    %add3A = arith.constant 30 : i32
    %add3A_0 = arith.addi %add3A, %arg0 : i32
    %c0_i32 = arith.constant 0 : i32
    %c0_i32_1 = arith.constant 0 : i32
    return %c0_i32, %add3A_0 : i32, i32
  }
  func.func @transform_3(%arg0: i32) -> (i32, i32) {
    %c0_i32 = arith.constant 0 : i32
    %c0_i32_0 = arith.constant 0 : i32
    %c0_i32_1 = arith.constant 0 : i32
    return %c0_i32, %c0_i32_0 : i32, i32
  }
  func.func @transform_4(%arg0: i32) -> (i32, i32) {
    %c0_i32 = arith.constant 0 : i32
    %c0_i32_0 = arith.constant 0 : i32
    %c0_i32_1 = arith.constant 0 : i32
    return %c0_i32, %c0_i32_0 : i32, i32
  }
  func.func @transform_5(%arg0: i32) -> (i32, i32) {
    %c0_i32 = arith.constant 0 : i32
    %c0_i32_0 = arith.constant 0 : i32
    %c0_i32_1 = arith.constant 0 : i32
    return %c0_i32, %c0_i32_0 : i32, i32
  }
  func.func @transform_6(%arg0: i32) -> (i32, i32) {
    %c0_i32 = arith.constant 0 : i32
    %c0_i32_0 = arith.constant 0 : i32
    %c0_i32_1 = arith.constant 0 : i32
    return %c0_i32, %c0_i32_0 : i32, i32
  }
  func.func @transform_8(%arg0: i32) -> (i32, i32) {
    %add3A = arith.constant 30 : i32
    %add3A_0 = arith.addi %add3A, %arg0 : i32
    %c0_i32 = arith.constant 0 : i32
    %c0_i32_1 = arith.constant 0 : i32
    return %add3A_0, %c0_i32 : i32, i32
  }
}

module attributes {stable_mosaic.version = 14 : i64} {
  func.func @body(%arg0: i32, %arg1: memref<6400x128xf32, #tpu.memory_space<vmem>>, %arg2: memref<16x6400xf32, #tpu.memory_space<vmem>>, %arg3: memref<1x6400xf32, #tpu.memory_space<vmem>>, %arg4: memref<16x128xf32, #tpu.memory_space<vmem>>, %arg5: memref<1x128xf32, #tpu.memory_space<vmem>>, %arg6: memref<128x128xbf16, #tpu.memory_space<vmem>>, %arg7: memref<1x128xf32, #tpu.memory_space<vmem>>, %arg8: memref<320000x128xf32, #tpu.memory_space<any>>, %arg9: memref<6400x128xf32, #tpu.memory_space<vmem>>) attributes {dimension_semantics = [#tpu.dimension_semantics<arbitrary>], iteration_bounds = array<i64: 10>, scalar_prefetch = 0 : i64, scratch_operands = 0 : i64, tpu.core_type = #tpu.core_type<tc>, window_params = [{transform_indices = @transform_0, window_bounds = array<i64: 6400, 128>}, {transform_indices = @transform_1, window_bounds = array<i64: 16, 6400>}, {transform_indices = @transform_2, window_bounds = array<i64: 1, 6400>}, {pipeline_mode = #tpu.pipeline_mode<synchronous>, transform_indices = @transform_3, window_bounds = array<i64: 16, 128>}, {pipeline_mode = #tpu.pipeline_mode<synchronous>, transform_indices = @transform_4, window_bounds = array<i64: 1, 128>}, {pipeline_mode = #tpu.pipeline_mode<synchronous>, transform_indices = @transform_5, window_bounds = array<i64: 128, 128>}, {pipeline_mode = #tpu.pipeline_mode<synchronous>, transform_indices = @transform_6, window_bounds = array<i64: 1, 128>}, {}, {transform_indices = @transform_8, window_bounds = array<i64: 6400, 128>}]} {
    %get3A = arith.constant 0 : index
    %get3A_0 = arith.constant 0 : index
    %get3A_1 = vector.load %arg2[%get3A, %get3A_0] : memref<16x6400xf32, #tpu.memory_space<vmem>>, vector<16x6400xf32>
    %get3A_2 = arith.constant 0 : index
    %get3A_3 = arith.constant 0 : index
    %get3A_4 = vector.load %arg4[%get3A_2, %get3A_3] : memref<16x128xf32, #tpu.memory_space<vmem>>, vector<16x128xf32>
    %dot_general3A = arith.constant dense<0.000000e+00> : vector<6400x128xf32>
    %dot_general3A_5 = tpu.matmul %get3A_1, %get3A_4, %dot_general3A {dimension_numbers = #tpu.dot_dimension_numbers<[0], [0], [1], [1], [0, 1, 1, 1], [], []>, transpose_lhs_hint = false} : vector<16x6400xf32>, vector<16x128xf32>, vector<6400x128xf32> -> vector<6400x128xf32>
    %get3A_6 = arith.constant 0 : index
    %get3A_7 = arith.constant 0 : index
    %get3A_8 = vector.load %arg3[%get3A_6, %get3A_7] : memref<1x6400xf32, #tpu.memory_space<vmem>>, vector<1x6400xf32>
    %transpose3A = tpu.transpose %get3A_8, [1, 0] : vector<1x6400xf32> -> vector<6400x1xf32>
    %get3A_9 = arith.constant 0 : index
    %get3A_10 = arith.constant 0 : index
    %get3A_11 = vector.load %arg1[%get3A_9, %get3A_10] : memref<6400x128xf32, #tpu.memory_space<vmem>>, vector<6400x128xf32>
    %add3A = arith.addf %get3A_11, %dot_general3A_5 : vector<6400x128xf32>
    %get3A_12 = arith.constant 0 : index
    %get3A_13 = arith.constant 0 : index
    %get3A_14 = vector.load %arg5[%get3A_12, %get3A_13] : memref<1x128xf32, #tpu.memory_space<vmem>>, vector<1x128xf32>
    %add3A_15 = vector.broadcast %get3A_14 : vector<1x128xf32> to vector<6400x128xf32>
    %add3A_16 = arith.addf %add3A, %add3A_15 : vector<6400x128xf32>
    %max3A = arith.constant 0.000000e+00 : f32
    %max3A_17 = vector.broadcast %max3A : f32 to vector<6400x128xf32>
    %max3A_18 = arith.maximumf %add3A_16, %max3A_17 : vector<6400x128xf32>
    %convert_element_type3A = arith.truncf %max3A_18 : vector<6400x128xf32> to vector<6400x128xbf16>
    %get3A_19 = arith.constant 0 : index
    %get3A_20 = arith.constant 0 : index
    %get3A_21 = vector.load %arg6[%get3A_19, %get3A_20] : memref<128x128xbf16, #tpu.memory_space<vmem>>, vector<128x128xbf16>
    %dot_general3A_22 = arith.constant dense<0.000000e+00> : vector<6400x128xf32>
    %dot_general3A_23 = tpu.matmul %convert_element_type3A, %get3A_21, %dot_general3A_22 {dimension_numbers = #tpu.dot_dimension_numbers<[1], [0], [0], [1], [0, 0, 1, 1], [], []>, transpose_lhs_hint = false} : vector<6400x128xbf16>, vector<128x128xbf16>, vector<6400x128xf32> -> vector<6400x128xf32>
    %get3A_24 = arith.constant 0 : index
    %get3A_25 = arith.constant 0 : index
    %get3A_26 = vector.load %arg7[%get3A_24, %get3A_25] : memref<1x128xf32, #tpu.memory_space<vmem>>, vector<1x128xf32>
    %add3A_27 = vector.broadcast %get3A_26 : vector<1x128xf32> to vector<6400x128xf32>
    %add3A_28 = arith.addf %dot_general3A_23, %add3A_27 : vector<6400x128xf32>
    %mul3A = vector.broadcast %transpose3A : vector<6400x1xf32> to vector<6400x128xf32>
    %mul3A_29 = arith.mulf %add3A_28, %mul3A : vector<6400x128xf32>
    %swap3A = arith.constant 0 : index
    %swap3A_30 = arith.constant 0 : index
    %swap3A_31 = vector.load %arg9[%swap3A, %swap3A_30] : memref<6400x128xf32, #tpu.memory_space<vmem>>, vector<6400x128xf32>
    tpu.vector_store %arg9[%swap3A, %swap3A_30], %mul3A_29 {strides = array<i32>} : memref<6400x128xf32, #tpu.memory_space<vmem>>, vector<6400x128xf32>,
    return
  }
  func.func @transform_0(%arg0: i32) -> (i32, i32) {
    %c0_i32 = arith.constant 0 : i32
    %c0_i32_0 = arith.constant 0 : i32
    return %arg0, %c0_i32 : i32, i32
  }
  func.func @transform_1(%arg0: i32) -> (i32, i32) {
    %add3A = arith.constant 40 : i32
    %add3A_0 = arith.addi %add3A, %arg0 : i32
    %c0_i32 = arith.constant 0 : i32
    %c0_i32_1 = arith.constant 0 : i32
    return %c0_i32, %add3A_0 : i32, i32
  }
  func.func @transform_2(%arg0: i32) -> (i32, i32) {
    %add3A = arith.constant 40 : i32
    %add3A_0 = arith.addi %add3A, %arg0 : i32
    %c0_i32 = arith.constant 0 : i32
    %c0_i32_1 = arith.constant 0 : i32
    return %c0_i32, %add3A_0 : i32, i32
  }
  func.func @transform_3(%arg0: i32) -> (i32, i32) {
    %c0_i32 = arith.constant 0 : i32
    %c0_i32_0 = arith.constant 0 : i32
    %c0_i32_1 = arith.constant 0 : i32
    return %c0_i32, %c0_i32_0 : i32, i32
  }
  func.func @transform_4(%arg0: i32) -> (i32, i32) {
    %c0_i32 = arith.constant 0 : i32
    %c0_i32_0 = arith.constant 0 : i32
    %c0_i32_1 = arith.constant 0 : i32
    return %c0_i32, %c0_i32_0 : i32, i32
  }
  func.func @transform_5(%arg0: i32) -> (i32, i32) {
    %c0_i32 = arith.constant 0 : i32
    %c0_i32_0 = arith.constant 0 : i32
    %c0_i32_1 = arith.constant 0 : i32
    return %c0_i32, %c0_i32_0 : i32, i32
  }
  func.func @transform_6(%arg0: i32) -> (i32, i32) {
    %c0_i32 = arith.constant 0 : i32
    %c0_i32_0 = arith.constant 0 : i32
    %c0_i32_1 = arith.constant 0 : i32
    return %c0_i32, %c0_i32_0 : i32, i32
  }
  func.func @transform_8(%arg0: i32) -> (i32, i32) {
    %add3A = arith.constant 40 : i32
    %add3A_0 = arith.addi %add3A, %arg0 : i32
    %c0_i32 = arith.constant 0 : i32
    %c0_i32_1 = arith.constant 0 : i32
    return %add3A_0, %c0_i32 : i32, i32
  }
}

module attributes {stable_mosaic.version = 14 : i64} {
  func.func @body(%arg0: i32, %arg1: memref<1000x128xf32, #tpu.memory_space<vmem>>, %arg2: memref<1x1000x128xf32, #tpu.memory_space<vmem>>, %arg3: memref<1x1000x128xf32, #tpu.memory_space<vmem>>, %arg4: memref<128x128xf32, #tpu.memory_space<vmem>>, %arg5: memref<128x128xf32, #tpu.memory_space<vmem>>, %arg6: memref<1x128xf32, #tpu.memory_space<vmem>>, %arg7: memref<128x128xf32, #tpu.memory_space<vmem>>, %arg8: memref<1x128xf32, #tpu.memory_space<vmem>>, %arg9: memref<1000x128xf32, #tpu.memory_space<vmem>>) attributes {dimension_semantics = [#tpu.dimension_semantics<arbitrary>], iteration_bounds = array<i64: 10>, scalar_prefetch = 0 : i64, scratch_operands = 0 : i64, tpu.core_type = #tpu.core_type<tc>, window_params = [{transform_indices = @transform_0, window_bounds = array<i64: 1000, 128>}, {transform_indices = @transform_1, window_bounds = array<i64: 1, 1000, 128>}, {transform_indices = @transform_2, window_bounds = array<i64: 1, 1000, 128>}, {pipeline_mode = #tpu.pipeline_mode<synchronous>, transform_indices = @transform_3, window_bounds = array<i64: 128, 128>}, {pipeline_mode = #tpu.pipeline_mode<synchronous>, transform_indices = @transform_4, window_bounds = array<i64: 128, 128>}, {pipeline_mode = #tpu.pipeline_mode<synchronous>, transform_indices = @transform_5, window_bounds = array<i64: 1, 128>}, {pipeline_mode = #tpu.pipeline_mode<synchronous>, transform_indices = @transform_6, window_bounds = array<i64: 128, 128>}, {pipeline_mode = #tpu.pipeline_mode<synchronous>, transform_indices = @transform_7, window_bounds = array<i64: 1, 128>}, {transform_indices = @transform_8, window_bounds = array<i64: 1000, 128>}]} {
    %get3A = arith.constant 0 : index
    %get3A_0 = arith.constant 0 : index
    %get3A_1 = vector.load %arg1[%get3A, %get3A_0] : memref<1000x128xf32, #tpu.memory_space<vmem>>, vector<1000x128xf32>
    %get3A_2 = arith.constant 0 : index
    %get3A_3 = arith.constant 0 : index
    %get3A_4 = arith.constant 0 : index
    %get3A_5 = vector.load %arg2[%get3A_2, %get3A_3, %get3A_4] : memref<1x1000x128xf32, #tpu.memory_space<vmem>>, vector<1x1000x128xf32>
    %get3A_6 = vector.shape_cast %get3A_5 : vector<1x1000x128xf32> to vector<1000x128xf32>
    %get3A_7 = arith.constant 0 : index
    %get3A_8 = arith.constant 0 : index
    %get3A_9 = arith.constant 0 : index
    %get3A_10 = vector.load %arg3[%get3A_7, %get3A_8, %get3A_9] : memref<1x1000x128xf32, #tpu.memory_space<vmem>>, vector<1x1000x128xf32>
    %get3A_11 = vector.shape_cast %get3A_10 : vector<1x1000x128xf32> to vector<1000x128xf32>
    %add3A = arith.addf %get3A_6, %get3A_11 : vector<1000x128xf32>
    %get3A_12 = arith.constant 0 : index
    %get3A_13 = arith.constant 0 : index
    %get3A_14 = vector.load %arg4[%get3A_12, %get3A_13] : memref<128x128xf32, #tpu.memory_space<vmem>>, vector<128x128xf32>
    %dot_general3A = arith.constant dense<0.000000e+00> : vector<1000x128xf32>
    %dot_general3A_15 = tpu.matmul %get3A_1, %get3A_14, %dot_general3A {dimension_numbers = #tpu.dot_dimension_numbers<[1], [0], [0], [1], [0, 0, 1, 1], [], []>, transpose_lhs_hint = false} : vector<1000x128xf32>, vector<128x128xf32>, vector<1000x128xf32> -> vector<1000x128xf32>
    %get3A_16 = arith.constant 0 : index
    %get3A_17 = arith.constant 0 : index
    %get3A_18 = vector.load %arg5[%get3A_16, %get3A_17] : memref<128x128xf32, #tpu.memory_space<vmem>>, vector<128x128xf32>
    %dot_general3A_19 = arith.constant dense<0.000000e+00> : vector<1000x128xf32>
    %dot_general3A_20 = tpu.matmul %add3A, %get3A_18, %dot_general3A_19 {dimension_numbers = #tpu.dot_dimension_numbers<[1], [0], [0], [1], [0, 0, 1, 1], [], []>, transpose_lhs_hint = false} : vector<1000x128xf32>, vector<128x128xf32>, vector<1000x128xf32> -> vector<1000x128xf32>
    %add3A_21 = arith.addf %dot_general3A_15, %dot_general3A_20 : vector<1000x128xf32>
    %get3A_22 = arith.constant 0 : index
    %get3A_23 = arith.constant 0 : index
    %get3A_24 = vector.load %arg6[%get3A_22, %get3A_23] : memref<1x128xf32, #tpu.memory_space<vmem>>, vector<1x128xf32>
    %add3A_25 = vector.broadcast %get3A_24 : vector<1x128xf32> to vector<1000x128xf32>
    %add3A_26 = arith.addf %add3A_21, %add3A_25 : vector<1000x128xf32>
    %max3A = arith.constant 0.000000e+00 : f32
    %max3A_27 = vector.broadcast %max3A : f32 to vector<1000x128xf32>
    %max3A_28 = arith.maximumf %add3A_26, %max3A_27 : vector<1000x128xf32>
    %get3A_29 = arith.constant 0 : index
    %get3A_30 = arith.constant 0 : index
    %get3A_31 = vector.load %arg7[%get3A_29, %get3A_30] : memref<128x128xf32, #tpu.memory_space<vmem>>, vector<128x128xf32>
    %dot_general3A_32 = arith.constant dense<0.000000e+00> : vector<1000x128xf32>
    %dot_general3A_33 = tpu.matmul %max3A_28, %get3A_31, %dot_general3A_32 {dimension_numbers = #tpu.dot_dimension_numbers<[1], [0], [0], [1], [0, 0, 1, 1], [], []>, transpose_lhs_hint = false} : vector<1000x128xf32>, vector<128x128xf32>, vector<1000x128xf32> -> vector<1000x128xf32>
    %add3A_34 = arith.addf %get3A_1, %dot_general3A_33 : vector<1000x128xf32>
    %get3A_35 = arith.constant 0 : index
    %get3A_36 = arith.constant 0 : index
    %get3A_37 = vector.load %arg8[%get3A_35, %get3A_36] : memref<1x128xf32, #tpu.memory_space<vmem>>, vector<1x128xf32>
    %add3A_38 = vector.broadcast %get3A_37 : vector<1x128xf32> to vector<1000x128xf32>
    %add3A_39 = arith.addf %add3A_34, %add3A_38 : vector<1000x128xf32>
    %swap3A = arith.constant 0 : index
    %swap3A_40 = arith.constant 0 : index
    %swap3A_41 = vector.load %arg9[%swap3A, %swap3A_40] : memref<1000x128xf32, #tpu.memory_space<vmem>>, vector<1000x128xf32>
    tpu.vector_store %arg9[%swap3A, %swap3A_40], %add3A_39 {strides = array<i32>} : memref<1000x128xf32, #tpu.memory_space<vmem>>, vector<1000x128xf32>,
    return
  }
  func.func @transform_0(%arg0: i32) -> (i32, i32) {
    %c0_i32 = arith.constant 0 : i32
    %c0_i32_0 = arith.constant 0 : i32
    return %arg0, %c0_i32 : i32, i32
  }
  func.func @transform_1(%arg0: i32) -> (i32, i32, i32) {
    %c0_i32 = arith.constant 0 : i32
    %c0_i32_0 = arith.constant 0 : i32
    %c0_i32_1 = arith.constant 0 : i32
    return %c0_i32, %arg0, %c0_i32_0 : i32, i32, i32
  }
  func.func @transform_2(%arg0: i32) -> (i32, i32, i32) {
    %c1_i32 = arith.constant 1 : i32
    %c0_i32 = arith.constant 0 : i32
    %c0_i32_0 = arith.constant 0 : i32
    return %c1_i32, %arg0, %c0_i32 : i32, i32, i32
  }
  func.func @transform_3(%arg0: i32) -> (i32, i32) {
    %c0_i32 = arith.constant 0 : i32
    %c0_i32_0 = arith.constant 0 : i32
    %c0_i32_1 = arith.constant 0 : i32
    return %c0_i32, %c0_i32_0 : i32, i32
  }
  func.func @transform_4(%arg0: i32) -> (i32, i32) {
    %c0_i32 = arith.constant 0 : i32
    %c0_i32_0 = arith.constant 0 : i32
    %c0_i32_1 = arith.constant 0 : i32
    return %c0_i32, %c0_i32_0 : i32, i32
  }
  func.func @transform_5(%arg0: i32) -> (i32, i32) {
    %c0_i32 = arith.constant 0 : i32
    %c0_i32_0 = arith.constant 0 : i32
    %c0_i32_1 = arith.constant 0 : i32
    return %c0_i32, %c0_i32_0 : i32, i32
  }
  func.func @transform_6(%arg0: i32) -> (i32, i32) {
    %c0_i32 = arith.constant 0 : i32
    %c0_i32_0 = arith.constant 0 : i32
    %c0_i32_1 = arith.constant 0 : i32
    return %c0_i32, %c0_i32_0 : i32, i32
  }
  func.func @transform_7(%arg0: i32) -> (i32, i32) {
    %c0_i32 = arith.constant 0 : i32
    %c0_i32_0 = arith.constant 0 : i32
    %c0_i32_1 = arith.constant 0 : i32
    return %c0_i32, %c0_i32_0 : i32, i32
  }
  func.func @transform_8(%arg0: i32) -> (i32, i32) {
    %c0_i32 = arith.constant 0 : i32
    %c0_i32_0 = arith.constant 0 : i32
    return %arg0, %c0_i32 : i32, i32
  }
}

</mosaic_0001>

<sc_bundles>
// kernel: kernel.15.cloned.1.call-start
scs
__scs_entry_jumppad:
0x0: {  	(pc) =	sbr.rel $0x88, $3  }
0x1: {  	(tag) =	ssettag $0x0;
	lr =	simm.s32 $0x1  }
0x2: {  	[smem:$0x3F95] =	sst lr;
	_ =	strace $0xD0000000  }
0x3: {  	_ = 	snop  }
0x4: {  	_ = 	snop  }
0x5: {  	_ = 	snop  }
0x6: {  	_ = 	snop  }
0x7: {  	_ = 	snop  }
__scs_overlays_trampoline_lowered:
0x8: {  	[smem:$0x3FA4] =	sst s0  }
0x9: {  	[smem:$0x3FA5] =	sst s1  }
0xa: {  	[smem:$0x3FA6] =	sst s2  }
0xb: {  	[smem:$0x3FA7] =	sst s3  }
0xc: {  	[smem:$0x3FA8] =	sst s4  }
0xd: {  	[smem:$0x3FA9] =	sst s5  }
0xe: {  	[smem:$0x3FAA] =	sst s6  }
0xf: {  	[smem:$0x3FAB] =	sst s7  }
0x10: {  	[smem:$0x3FAC] =	sst s8  }
0x11: {  	[smem:$0x3FAD] =	sst s9;
	s0 =	simm.s32 @!p0 $0x0  }
0x12: {  	s1 =	sld [smem:$0x3F93];
	s0 =	simm.s32 @p0 $0x1  }
0x13: {  	[smem:$0x3FAE] =	sst s0;
	s0 =	simm.s32 @!p1 $0x0  }
0x14: {  	s2 =	sld [smem:$0x3F92];
	s0 =	simm.s32 @p1 $0x1  }
0x15: {  	[smem:$0x3FAF] =	sst s0;
	s0 =	simm.s32 @!p2 $0x0  }
0x16: {  	s3 =	sld [smem:$0x3FDB];
	s0 =	simm.s32 @p2 $0x1  }
0x17: {  	s4 =	simm.s32 $0x1BF5;
	[smem:$0x3FB1] =	sst s0  }
0x18: {  	s0 =	sld [smem:$0x3F94];
	_ =	swait.ge [sflag:s4], $0x0  }
0x19: {  	s7 =	sld [smem:$0x3F95]  }
0x1a: {  	s8 =	sadd.s32 $0xFFFFE003, lr  }
0x1b: {  	s9 =	sadd.s32 $0xFFFFFEF7, lr;
	s5 =	simm.s32 $0xFFFFFFFF;
	p2 =	slt.u32 s8, $0xFFFFF086  }
0x1c: {  	p1 =	slt.u32 s9, $0xF7A;
	s5 =	simm.s32 @!p2 $0x0  }
0x1d: {  	s5 =	simm.s32 @p1 $0x1;
	p0 =	seq.s32 s7, s2  }
0x1e: {  	s7 =	smul.u32 @!p0 $0xF7A, s2;
	p2 =	seq.s32 @!p0 s5, $0x0  }
0x1f: {  	s9 =	smul.u32 $0xF7A, s1;
	s8 =	simm.s32 @!p0 $0x1BF5;
	p2 =	por !p2, p0  }
0x20: {  	[sflag:s8] =	ssyncset.s32 @!p0 $0xFFFFF086;
	s6 =	sadd.s32 @!p0 s3, s7;
	s7 =	simm.s32 @!p0 $0x108  }
0x21: {  	s3 =	sadd.s32 s3, s9;
	s6 =	sadd.s32 @!p0 $0x88, s6;
	s7 =	simm.s32 @p2 $0x1082  }
0x22: {  	[simem:s7], [sflag:s8] =	dma.local @!p0 [hbm:s6], $0xF7A  }
0x23: {  	s9 =	sor.u32 $0xD0000000, s2;
	s6 =	simm.s32 $0x108;
	_ =	swait.ge @!p0 [sflag:s8], $0x0  }
0x24: {  	s3 =	sadd.s32 $0x88, s3;
	s6 =	simm.s32 @!p1 $0x1082;
	[sflag:s4] =	ssyncset.s32 $0xFFFFF086  }
0x25: {  	[simem:s6], [sflag:s4] =	dma.local [hbm:s3], $0xF7A  }
0x26: {  	[smem:$0x3F95] =	sst s1;
	(tag) =	ssettag s2;
	_ =	strace s9  }
0x27: {  	s1 =	sld [smem:$0x3FA5]  }
0x28: {  	s2 =	sld [smem:$0x3FA6]  }
0x29: {  	s4 =	sld [smem:$0x3FA8]  }
0x2a: {  	p0 =	seq.s32 s5, $0x0;
	s5 =	sld [smem:$0x3FA9]  }
0x2b: {  	s6 =	sld [smem:$0x3FAA]  }
0x2c: {  	s7 =	sld [smem:$0x3FAB]  }
0x2d: {  	s3 =	simm.s32 $0x108;
	s8 =	sld [smem:$0x3FAC]  }
0x2e: {  	s3 =	simm.s32 @!p0 $0x1082;
	s9 =	sld [smem:$0x3FAD]  }
0x2f: {  	lr =	sadd.s32 s0, s3;
	s0 =	sld [smem:$0x3FA4]  }
0x30: {  	s3 =	sld [smem:$0x3FA7]  }
0x31: {  	[smem:$0x3FB0] =	sst s10  }
0x32: {  	s10 =	sld [smem:$0x3FAE];
	_ =	sdelay $0x3  }
0x33: {  	p0 =	seq.s32 s10, $0x1;
	s10 =	sld [smem:$0x3FB0];
	_ =	sdelay $0x3  }
0x34: {  	[smem:$0x3FB0] =	sst s10  }
0x35: {  	s10 =	sld [smem:$0x3FAF];
	_ =	sdelay $0x3  }
0x36: {  	p1 =	seq.s32 s10, $0x1;
	s10 =	sld [smem:$0x3FB0];
	_ =	sdelay $0x3  }
0x37: {  	[smem:$0x3FB0] =	sst s10  }
0x38: {  	s10 =	sld [smem:$0x3FB1]  }
0x39: {  	_ = 	snop;
	(pc) =	sbr.ind lr, $3  }
0x3a: {  	_ = 	snop  }
0x3b: {  	_ = 	snop  }
0x3c: {  	p2 =	seq.s32 s10, $0x1;
	s10 =	sld [smem:$0x3FB0]  }
0x3d: {  	_ =	shalt  }
0x3e: {  	_ =	shalt  }
0x3f: {  	_ =	shalt  }
0x40: {  	_ =	shalt  }
0x41: {  	_ =	shalt  }
0x42: {  	_ =	shalt  }
0x43: {  	_ =	shalt  }
0x44: {  	_ =	shalt  }
0x45: {  	_ =	shalt  }
0x46: {  	_ =	shalt  }
0x47: {  	_ =	shalt  }
0x48: {  	_ =	shalt  }
0x49: {  	_ =	shalt  }
0x4a: {  	_ =	shalt  }
0x4b: {  	_ =	shalt  }
0x4c: {  	_ =	shalt  }
0x4d: {  	_ =	shalt  }
0x4e: {  	_ =	shalt  }
0x4f: {  	_ =	shalt  }
0x50: {  	_ =	shalt  }
0x51: {  	_ =	shalt  }
0x52: {  	_ =	shalt  }
0x53: {  	_ =	shalt  }
0x54: {  	_ =	shalt  }
0x55: {  	_ =	shalt  }
0x56: {  	_ =	shalt  }
0x57: {  	_ =	shalt  }
0x58: {  	_ =	shalt  }
0x59: {  	_ =	shalt  }
0x5a: {  	_ =	shalt  }
0x5b: {  	_ =	shalt  }
0x5c: {  	_ =	shalt  }
0x5d: {  	_ =	shalt  }
0x5e: {  	_ =	shalt  }
0x5f: {  	_ =	shalt  }
0x60: {  	_ =	shalt  }
0x61: {  	_ =	shalt  }
0x62: {  	_ =	shalt  }
0x63: {  	_ =	shalt  }
0x64: {  	_ =	shalt  }
0x65: {  	_ =	shalt  }
0x66: {  	_ =	shalt  }
0x67: {  	_ =	shalt  }
0x68: {  	_ =	shalt  }
0x69: {  	_ =	shalt  }
0x6a: {  	_ =	shalt  }
0x6b: {  	_ =	shalt  }
0x6c: {  	_ =	shalt  }
0x6d: {  	_ =	shalt  }
0x6e: {  	_ =	shalt  }
0x6f: {  	_ =	shalt  }
0x70: {  	_ =	shalt  }
0x71: {  	_ =	shalt  }
0x72: {  	_ =	shalt  }
0x73: {  	_ =	shalt  }
0x74: {  	_ =	shalt  }
0x75: {  	_ =	shalt  }
0x76: {  	_ =	shalt  }
0x77: {  	_ =	shalt  }
0x78: {  	_ =	shalt  }
0x79: {  	_ =	shalt  }
0x7a: {  	_ =	shalt  }
0x7b: {  	_ =	shalt  }
0x7c: {  	_ =	shalt  }
0x7d: {  	_ =	shalt  }
0x7e: {  	_ =	shalt  }
0x7f: {  	_ =	shalt  }
0x80: {  	_ =	shalt  }
0x81: {  	_ =	shalt  }
0x82: {  	_ =	shalt  }
0x83: {  	_ =	shalt  }
0x84: {  	_ =	shalt  }
0x85: {  	_ =	shalt  }
0x86: {  	_ =	shalt  }
0x87: {  	_ =	shalt  }
.Lfunc_end0:
.L_simem_size_0:
called_computation_lowered:
.L_overlay_start_0:
0x88: {  	s2 =	sld [smem:$0x3FD9]  }
0x89: {  	s3 =	sld [smem:$0x3FFE];
	_ =	sdelay $0x1  }
0x8a: {  	s1 =	srdreg.scid  }
0x8b: {  	s0 =	sand.u32 $0x1, s1  }
0x8c: {  	s14 =	sshll.u32 s0, $0xA;
	s2 =	sadd.s32 s3, s2  }
0x8d: {  	s2 =	sadd.s32 s2, s14  }
0x8e: {  	[smem:$0x3FBC] =	sst s2  }
0x8f: {  	_ = 	snop  }
0x90: {  	s2 =	sld [smem:$0x3FD0];
	_ =	sdelay $0x2  }
0x91: {  	s15 =	simm.s32 $0xE;
	s4 =	simm.s32 $0x10  }
0x92: {  	[smem:s4], [sflag:s15] =	dma.local [hbm:s2], $0x1  }
0x93: {  	_ =	swait.eq [sflag:s15], $0x1  }
0x94: {  	[sflag:s15] =	ssyncset.done $0x0  }
0x95: {  	[sflag:s15] =	ssyncadd.s32 $0xFFFFFFFF  }
0x96: {  	s16 =	sld [smem:$0x10];
	(tm) =	ssettm $0x1  }
0x97: {  	s17 =	sld [smem:$0x3FFB];
	_ =	sdelay $0x3  }
0x98: {  	_ =	strace s17  }
0x99: {  	s3 =	sld [smem:$0x3FFC];
	_ =	sdelay $0x3  }
0x9a: {  	_ =	strace s3  }
0x9b: {  	s3 =	sld [smem:$0x3FFD];
	_ =	sdelay $0x3  }
0x9c: {  	_ =	strace s3  }
0x9d: {  	_ =	strace $0x8FFFFFFF  }
0x9e: {  	s18 =	sld [smem:$0x3FDB];
	_ =	sdelay $0x1  }
0x9f: {  	s19 =	simm.s32 $_scs_section_size  }
0xa0: {  	s5 =	simm.s32 $_size__tile_overlayer_lowered;
	s6 =	simm.s32 $_tile_overlayer_lowered  }
0xa1: {  	s22 =	simm.s32 $0x1BFF;
	s21 =	sshll.u32 s6, $0x1;
	s3 =	sadd.s32 s19, s18  }
0xa2: {  	s7 =	simm.s32 $0x0;
	s20 =	sshll.u32 s5, $0x1;
	s5 =	sadd.s32 s21, s3  }
0xa3: {  	[timem:s7], [sflag:s22] =	dma.local [hbm:s5], s20  }
0xa4: {  	_ =	swait.ge [sflag:s22], s20  }
0xa5: {  	s4 =	ssub.s32 $0x0, s20;
	[sflag:s22] =	ssyncset.done $0x0  }
0xa6: {  	[sflag:s22] =	ssyncadd.s32 s4;
	_ =	sdelay $0x1  }
0xa7: {  	s23 =	simm.s32 $0x1B8B  }
0xa8: {  	_ =	swait.ge [sflag:s23], $0x1  }
0xa9: {  	[sflag:s23] =	ssyncset.done $0x0  }
0xaa: {  	s25 =	simm.s32 $0x1B8E;
	s24 =	sld [smem:$0x3FFE];
	[sflag:s23] =	ssyncadd.s32 $0xFFFFFFFF  }
0xab: {  	s26 =	simm.s32 $execute0_lowered;
	[smem:$0x3FD2] =	sst s25  }
0xac: {  	s5 =	sshll.u32 s26, $0x1;
	_ =	strace $0x80000046;
	[dreg:$0x1] =	wrdreg $0xFFFFFFFF  }
0xad: {  	s28 =	simm.s32 $_size_execute0_lowered;
	s3 =	sadd.s32 s3, s5;
	[dreg:$0x0] =	wrdreg $0x0  }
0xae: {  	s5 =	sshll.u32 s28, $0x1;
	[dreg:$0x2] =	wrdreg s3  }
0xaf: {  	[dreg:$0x3] =	wrdreg s5  }
0xb0: {  	[dreg:$0x4] =	wrdreg $0xC0  }
0xb1: {  	_ =	task [dreg:s7], $0x5FFFF  }
0xb2: {  	[dreg:$0x1] =	wrdreg $0xFFFFFFFF  }
0xb3: {  	[dreg:$0x0] =	wrdreg $0x60  }
0xb4: {  	[dreg:$0x2] =	wrdreg s16  }
0xb5: {  	[dreg:$0x3] =	wrdreg s24  }
0xb6: {  	[dreg:$0x4] =	wrdreg $0x9  }
0xb7: {  	_ =	task.clear_ibuf [dreg:s7], $0x5FFFF;
	_ =	strace $0x90000046  }
0xb8: {  	s29 =	simm.s32 $0x9;
	_ =	strace $0x80000048  }
0xb9: {  	_ =	swait.ge [sflag:s29], $0x1  }
0xba: {  	[sflag:s29] =	ssyncadd.s32 $0xFFFFFFFF  }
0xbb: {  	_ =	strace $0x90000048  }
0xbc: {  	_ =	sfence  }
0xbd: {  	s30 =	sld [smem:$0x0];
	_ =	sdelay $0x2  }
0xbe: {  	s31 =	sshll.u32 s1, $0xD;
	s1 =	sshrl.u32 s1, $0x2  }
0xbf: {  	s3 =	sand.u32 $0x4000, s31;
	s1 =	sadd.s32 s1, s30  }
0xc0: {  	s0 =	sor.u32 s3, s0;
	s1 =	sshll.u32 s1, $0x11  }
0xc1: {  	s0 =	sor.u32 s1, s0  }
0xc2: {  	s0 =	sadd.s32 $0x8F2B, s0  }
0xc3: {  	[sflag:s0] =	ssyncadd.remote.s32 $0x1  }
0xc4: {  	_ =	sfence.sel $0xFFFF  }
0xc5: {  	[dreg:$0x0] =	wrdreg $0xFFFFFFFF;
	(pc) =	sbr.abs _section_cstart, $3  }
0xc6: {  	[dreg:$0x1] =	wrdreg $0xFFFFFFFF  }
0xc7: {  	_ =	task.clear_ibuf [dreg:s7], $0x2FFFF;
	_ =	strace $0x9FFFFFFF  }
0xc8: {  	(tm) =	ssettm $0x7FFFFFFF  }
0xc9: {  	_ =	shalt  }
tec
execute0_lowered:
.L_overlay_start_1:
0x0: {  	(tag) =	ssettag $0x1  }
0x1: {  	s2 =	rddreg [dreg:$0x0]  }
0x2: {  	s5 =	rddreg [dreg:$0x1]  }
0x3: {  	s0 =	rddreg [dreg:$0x2]  }
0x4: {  	s4 =	srdreg.scid;
	s1 =	stileid.u32  }
0x5: {  	s3 =	simm.s32 $0x0;
	s10 =	simm.s32 $0x1000;
	s11 =	simm.s32 $0x50  }
0x6: {  	s12 =	simm.s32 $0x2000;
	s13 =	simm.s32 $0x4800;
	s14 =	simm.s32 $0x4  }
0x7: {  	s15 =	simm.s32 $0x5;
	s16 =	simm.s32 $0xE800;
	s17 =	simm.s32 $0x3  }
0x8: {  	s18 =	simm.s32 $0x6;
	s19 =	simm.s32 $0x1;
	s20 =	simm.s32 $0x2  }
0x9: {  	s21 =	simm.s32 $0xC000;
	s4 =	sand.u32 $0x1, s4;
	s6 =	sshll.u32 s1, $0x1  }
0xa: {  	s22 =	simm.s32 $0x0;
	[smem:$0x7FF] =	sst s3;
	s6 =	sor.u32 s4, s6  }
.Ltmp0:
0xb: {  	_ =	strace $0x80000047;
	s8 =	ssub.s32 $0x2, s4;
	(pc) =	sbr.rel .LBB2_1-.Ltmp0, $4  }
0xc: {  	s7 =	smul.u32 $0x7D00, s6;
	s6 =	sshll.u32 s6, $0x9;
	s9 =	sshrl.u32 s8, $0x1  }
0xd: {  	s4 =	sadd.s32 $0xC200, s5;
	s6 =	sadd.s32 s6, s5;
	s8 =	ssub.s32 s8, s9  }
0xe: {  	s9 =	simm.s32 $0x7;
	s7 =	sadd.s32 s7, s5;
	s5 =	sadd.s32 $0x4200, s6  }
0xf: {  	s6 =	sadd.s32 $0x8200, s6;
	s8 =	smax.u32 s8, $0x1;
	s7 =	sadd.s32 $0x33400, s7  }
.LBB2_10:
0x10: {  	s22 =	sadd.s32 $0x1, s22  }
0x11: {  	_ =	swait.ge [sflag:s17], $0x2800;
	p0 =	sne.s32 s22, s8  }
.Ltmp1:
0x12: {  	[sflag:s17] =	ssyncset.done $0x0;
	(pc) =	sbr.rel @!p0 .LBB2_11-.Ltmp1, $4  }
0x13: {  	[sflag:s17] =	ssyncadd.s32 $0xFFFFD800  }
0x14: {  	_ =	swait.ge [sflag:s18], $0x2800  }
0x15: {  	[sflag:s18] =	ssyncset.done $0x0  }
0x16: {  	[sflag:s18] =	ssyncadd.s32 $0xFFFFD800  }
.LBB2_1:
0x17: {  	[tilespmem:s3], [sflag:$0x7] =	stream.linear.gather [hbm4b:s5+s3], $0xC80, $0x38;
	[tilespmem:$0x11000] =	vst v63  }
0x18: {  	_ =	swait.ge [sflag:s9], $0xC80  }
0x19: {  	[sflag:s9] =	ssyncset.done $0x0  }
0x1a: {  	[sflag:s9] =	ssyncadd.s32 $0xFFFFF380  }
0x1b: {  	[tilespmem:s10], [sflag:$0x7] =	stream.linear.gather [hbm4b:s6+s3], $0xC80, $0x38;
	[tilespmem:$0x11000] =	vst v63  }
0x1c: {  	_ =	swait.ge [sflag:s9], $0xC80  }
.Ltmp2:
0x1d: {  	[sflag:s9] =	ssyncset.done $0x0;
	(pc) =	sbr.rel .LBB2_2-.Ltmp2, $4  }
0x1e: {  	[sflag:s9] =	ssyncadd.s32 $0xFFFFF380  }
0x1f: {  	[tilespmem:s12], [sflag:$0x1] =	stream.indirect.gather [hbm4b:s2+s11], $0x80, s3, s11, $0xb8;
	[tilespmem:$0x11000] =	vst v63  }
0x20: {  	s23 =	simm.s32 $0x0  }
0x21: {  	[tilespmem:s13], [sflag:$0x2] =	stream.indirect.gather [hbm4b:s4+s11], $0x80, s10, s11, $0xb8;
	[tilespmem:$0x11000] =	vst v63  }
.LBB2_9:
0x22: {  	s23 =	sadd.s32 $0x1, s23  }
0x23: {  	p0 =	sne.s32 s23, $0x19  }
.Ltmp3:
0x24: {  	_ = 	snop;
	(pc) =	sbr.rel @!p0 .LBB2_10-.Ltmp3, $1  }
0x25: {  	_ =	sdelay $0x3  }
.LBB2_2:
0x26: {  	s24 =	sand.u32 $0x1, s23  }
0x27: {  	p0 =	seq.s32 s24, $0x1  }
.Ltmp4:
0x28: {  	_ = 	snop;
	(pc) =	sbr.rel @p0 .LBB2_6-.Ltmp4, $1  }
0x29: {  	_ =	sdelay $0x3  }
0x2a: {  	p0 =	seq.s32 s23, $0x18  }
0x2b: {  	s25 =	sshll.u32 @!p0 s23, $0x7  }
0x2c: {  	s28 =	simm.s32 @!p0 $0x50;
	s29 =	simm.s32 @!p0 $0x7000;
	s26 =	sor.u32 @!p0 $0x80, s25  }
0x2d: {  	[tilespmem:s29], [sflag:$0x4] =	stream.indirect.gather @!p0 [hbm4b:s2+s28], $0x80, s26, s28, $0xb8;
	[tilespmem:$0x11000] =	vst v63  }
0x2e: {  	s25 =	sadd.s32 @!p0 $0x1080, s25;
	s26 =	simm.s32 @!p0 $0x9800  }
0x2f: {  	[tilespmem:s26], [sflag:$0x5] =	stream.indirect.gather @!p0 [hbm4b:s4+s28], $0x80, s25, s28, $0xb8;
	[tilespmem:$0x11000] =	vst v63  }
0x30: {  	_ =	swait.ge [sflag:s19], $0x2800  }
0x31: {  	[sflag:s19] =	ssyncset.done $0x0  }
0x32: {  	[sflag:s19] =	ssyncadd.s32 $0xFFFFD800  }
0x33: {  	_ =	swait.ge [sflag:s20], $0x2800  }
0x34: {  	p0 =	slt.u32 s23, $0x2;
	[sflag:s20] =	ssyncset.done $0x0  }
0x35: {  	s25 =	simm.s32 @!p0 $0x3;
	[sflag:s20] =	ssyncadd.s32 $0xFFFFD800  }
0x36: {  	_ =	swait.ge @!p0 [sflag:s25], $0x2800  }
0x37: {  	[sflag:s25] =	ssyncset.done @!p0 $0x0  }
0x38: {  	[sflag:s25] =	ssyncadd.s32 @!p0 $0xFFFFD800;
	s25 =	simm.s32 $0x0  }
0x39: {  	v0 =	vld [tilespmem:s25+$0x2070]  }
0x3a: {  	v1 =	vld [tilespmem:s25+$0x4870]  }
0x3b: {  	v2 =	vld [tilespmem:s25+$0x2000]  }
0x3c: {  	v3 =	vld [tilespmem:s25+$0x4800]  }
0x3d: {  	v4 =	vld [tilespmem:s25+$0x2010]  }
0x3e: {  	v5 =	vld [tilespmem:s25+$0x4810]  }
0x3f: {  	v6 =	vld [tilespmem:s25+$0x2020]  }
0x40: {  	v7 =	vld [tilespmem:s25+$0x2030]  }
0x41: {  	v0 =	vadd.f32 v1, v0;
	v1 =	vld [tilespmem:s25+$0x4820]  }
0x42: {  	v8 =	vld [tilespmem:s25+$0x4830]  }
0x43: {  	v9 =	vld [tilespmem:s25+$0x4840];
	v2 =	vadd.f32 v3, v2  }
0x44: {  	[tilespmem:s25+$0xC070] =	vst v0;
	v0 =	vadd.f32 v5, v4;
	v5 =	vld [tilespmem:s25+$0x2040]  }
0x45: {  	v3 =	vld [tilespmem:s25+$0x4850];
	[tilespmem:s25+$0xC000] =	vst v2  }
0x46: {  	v2 =	vld [tilespmem:s25+$0x2050];
	[tilespmem:s25+$0xC010] =	vst v0;
	v0 =	vadd.f32 v1, v6  }
0x47: {  	v4 =	vld [tilespmem:s25+$0x4860];
	v6 =	vadd.f32 v8, v7  }
0x48: {  	s26 =	simm.s32 $0x80;
	[tilespmem:s25+$0xC020] =	vst v0;
	v0 =	vld [tilespmem:s25+$0x2060]  }
0x49: {  	s28 =	simm.s32 $0x400;
	v5 =	vadd.f32 v9, v5;
	v1 =	vld [tilespmem:s26+$0x2070];
	[tilespmem:s25+$0xC030] =	vst v6  }
.LBB2_4:
0x4a: {  	p0 =	sne.s32 s28, $0x9E00;
	v6 =	vld [tilespmem:s26+$0x4870]  }
0x4b: {  	v7 =	vld [tilespmem:s26+$0x2000];
	[tilespmem:s25+$0xC040] =	vst v5;
	v2 =	vadd.f32 v3, v2  }
0x4c: {  	v3 =	vld [tilespmem:s26+$0x4800]  }
0x4d: {  	v5 =	vld [tilespmem:s26+$0x2010];
	[tilespmem:s25+$0xC050] =	vst v2;
	v0 =	vadd.f32 v4, v0  }
0x4e: {  	v2 =	vld [tilespmem:s26+$0x4810]  }
0x4f: {  	v4 =	vld [tilespmem:s26+$0x2020];
	v1 =	vadd.f32 v6, v1;
	[tilespmem:s25+$0xC060] =	vst v0;
	s25 =	smov.u32 s26  }
0x50: {  	v0 =	vld [tilespmem:s25+$0x4820]  }
0x51: {  	v3 =	vadd.f32 v3, v7;
	v6 =	vld [tilespmem:s25+$0x2030];
	[tilespmem:s25+$0xC070] =	vst v1  }
0x52: {  	v1 =	vld [tilespmem:s25+$0x4830]  }
0x53: {  	[tilespmem:s25+$0xC000] =	vst v3;
	v2 =	vadd.f32 v2, v5;
	v5 =	vld [tilespmem:s25+$0x2040]  }
0x54: {  	v7 =	vld [tilespmem:s25+$0x4840]  }
.Ltmp5:
0x55: {  	[tilespmem:s25+$0xC010] =	vst v2;
	v0 =	vadd.f32 v0, v4;
	v2 =	vld [tilespmem:s25+$0x2050];
	(pc) =	sbr.rel @p0 .LBB2_4-.Ltmp5, $4  }
0x56: {  	v3 =	vld [tilespmem:s25+$0x4850]  }
0x57: {  	[tilespmem:s25+$0xC020] =	vst v0;
	v6 =	vadd.f32 v1, v6;
	v0 =	vld [tilespmem:s25+$0x2060]  }
0x58: {  	s26 =	sshra.s32 s28, $0x2;
	v4 =	vld [tilespmem:s25+$0x4860]  }
0x59: {  	s28 =	sadd.s32 $0x200, s28;
	v1 =	vld [tilespmem:s26+$0x2070];
	[tilespmem:s25+$0xC030] =	vst v6;
	v5 =	vadd.f32 v7, v5  }
0x5a: {  	v6 =	vld [tilespmem:s26+$0x4870]  }
0x5b: {  	v7 =	vld [tilespmem:s26+$0x2000];
	[tilespmem:s25+$0xC040] =	vst v5;
	v2 =	vadd.f32 v3, v2  }
0x5c: {  	v51 =	vld [tilespmem:s26+$0x4800]  }
0x5d: {  	v5 =	vld [tilespmem:s26+$0x2010];
	[tilespmem:s25+$0xC050] =	vst v2;
	v0 =	vadd.f32 v4, v0  }
0x5e: {  	v2 =	vld [tilespmem:s26+$0x4810]  }
0x5f: {  	v52 =	vld [tilespmem:s26+$0x2020];
	[tilespmem:s25+$0xC060] =	vst v0  }
0x60: {  	v54 =	vld [tilespmem:s26+$0x4820]  }
0x61: {  	v55 =	vld [tilespmem:s26+$0x2030]  }
0x62: {  	v56 =	vld [tilespmem:s26+$0x4830]  }
0x63: {  	v57 =	vld [tilespmem:s26+$0x2040]  }
0x64: {  	v58 =	vld [tilespmem:s26+$0x4840]  }
0x65: {  	v59 =	vld [tilespmem:s26+$0x2050]  }
0x66: {  	v53 =	vadd.f32 v6, v1;
	v60 =	vld [tilespmem:s26+$0x4850]  }
0x67: {  	v61 =	vld [tilespmem:s26+$0x2060];
	v3 =	vadd.f32 v51, v7  }
0x68: {  	v62 =	vld [tilespmem:s26+$0x4860];
	[tilespmem:s26+$0xC070] =	vst v53;
	v2 =	vadd.f32 v2, v5  }
0x69: {  	[tilespmem:s26+$0xC000] =	vst v3;
	v1 =	vadd.f32 v54, v52  }
0x6a: {  	[tilespmem:s26+$0xC010] =	vst v2;
	v0 =	vadd.f32 v56, v55  }
0x6b: {  	p0 =	seq.s32 s24, $0x0;
	v3 =	vadd.f32 v58, v57;
	[tilespmem:s26+$0xC020] =	vst v1  }
.Ltmp6:
0x6c: {  	v63 =	vadd.f32 v60, v59;
	[tilespmem:s26+$0xC030] =	vst v0;
	(pc) =	sbr.rel @p0 .LBB2_9-.Ltmp6, $4  }
0x6d: {  	s31 =	smul.u32 $0x500, s23;
	[tilespmem:s26+$0xC040] =	vst v3;
	v1 =	vadd.f32 v62, v61  }
0x6e: {  	[tilespmem:s26+$0xC050] =	vst v63  }
0x6f: {  	s25 =	sadd.s32 s7, s31;
	[tilespmem:s26+$0xC060] =	vst v1  }
0x70: {  	[hbm4b:s25+s3] =	stream.linear.scatter [tilespmem:s21], [sflag:$0x3], $0x2800, $0x38;
	[tilespmem:$0x11000] =	vst v63  }
.LBB2_6:
0x71: {  	p0 =	seq.s32 s23, $0x18  }
0x72: {  	s24 =	sshll.u32 @!p0 s23, $0x7  }
0x73: {  	s26 =	simm.s32 @!p0 $0x50;
	s28 =	simm.s32 @!p0 $0x2000;
	s25 =	sadd.s32 @!p0 $0x80, s24  }
0x74: {  	[tilespmem:s28], [sflag:$0x1] =	stream.indirect.gather @!p0 [hbm4b:s2+s26], $0x80, s25, s26, $0xb8;
	[tilespmem:$0x11000] =	vst v63  }
0x75: {  	s24 =	sadd.s32 @!p0 $0x1080, s24;
	s25 =	simm.s32 @!p0 $0x4800  }
0x76: {  	[tilespmem:s25], [sflag:$0x2] =	stream.indirect.gather @!p0 [hbm4b:s4+s26], $0x80, s24, s26, $0xb8;
	[tilespmem:$0x11000] =	vst v63  }
0x77: {  	_ =	swait.ge [sflag:s14], $0x2800  }
0x78: {  	[sflag:s14] =	ssyncset.done $0x0  }
0x79: {  	[sflag:s14] =	ssyncadd.s32 $0xFFFFD800  }
0x7a: {  	_ =	swait.ge [sflag:s15], $0x2800  }
0x7b: {  	p0 =	slt.u32 s23, $0x2;
	[sflag:s15] =	ssyncset.done $0x0  }
0x7c: {  	s24 =	simm.s32 @!p0 $0x6;
	[sflag:s15] =	ssyncadd.s32 $0xFFFFD800  }
0x7d: {  	_ =	swait.ge @!p0 [sflag:s24], $0x2800  }
0x7e: {  	[sflag:s24] =	ssyncset.done @!p0 $0x0  }
0x7f: {  	[sflag:s24] =	ssyncadd.s32 @!p0 $0xFFFFD800;
	s24 =	simm.s32 $0x0  }
0x80: {  	v0 =	vld [tilespmem:s24+$0x7070]  }
0x81: {  	v1 =	vld [tilespmem:s24+$0x9870]  }
0x82: {  	v2 =	vld [tilespmem:s24+$0x7000]  }
0x83: {  	v3 =	vld [tilespmem:s24+$0x9800]  }
0x84: {  	v4 =	vld [tilespmem:s24+$0x7010]  }
0x85: {  	v5 =	vld [tilespmem:s24+$0x9810]  }
0x86: {  	v6 =	vld [tilespmem:s24+$0x7020]  }
0x87: {  	v7 =	vld [tilespmem:s24+$0x7030]  }
0x88: {  	v0 =	vadd.f32 v1, v0;
	v1 =	vld [tilespmem:s24+$0x9820]  }
0x89: {  	v8 =	vld [tilespmem:s24+$0x9830]  }
0x8a: {  	v9 =	vld [tilespmem:s24+$0x9840];
	v2 =	vadd.f32 v3, v2  }
0x8b: {  	[tilespmem:s24+$0xE870] =	vst v0;
	v0 =	vadd.f32 v5, v4;
	v5 =	vld [tilespmem:s24+$0x7040]  }
0x8c: {  	v3 =	vld [tilespmem:s24+$0x9850];
	[tilespmem:s24+$0xE800] =	vst v2  }
0x8d: {  	v2 =	vld [tilespmem:s24+$0x7050];
	[tilespmem:s24+$0xE810] =	vst v0;
	v0 =	vadd.f32 v1, v6  }
0x8e: {  	v4 =	vld [tilespmem:s24+$0x9860];
	v6 =	vadd.f32 v8, v7  }
0x8f: {  	s25 =	simm.s32 $0x80;
	[tilespmem:s24+$0xE820] =	vst v0;
	v0 =	vld [tilespmem:s24+$0x7060]  }
0x90: {  	s26 =	simm.s32 $0x400;
	v5 =	vadd.f32 v9, v5;
	v1 =	vld [tilespmem:s25+$0x7070];
	[tilespmem:s24+$0xE830] =	vst v6  }
.LBB2_7:
0x91: {  	p0 =	sne.s32 s26, $0x9E00;
	v6 =	vld [tilespmem:s25+$0x9870]  }
0x92: {  	v7 =	vld [tilespmem:s25+$0x7000];
	[tilespmem:s24+$0xE840] =	vst v5;
	v2 =	vadd.f32 v3, v2  }
0x93: {  	v3 =	vld [tilespmem:s25+$0x9800]  }
0x94: {  	v5 =	vld [tilespmem:s25+$0x7010];
	[tilespmem:s24+$0xE850] =	vst v2;
	v0 =	vadd.f32 v4, v0  }
0x95: {  	v2 =	vld [tilespmem:s25+$0x9810]  }
0x96: {  	v4 =	vld [tilespmem:s25+$0x7020];
	v1 =	vadd.f32 v6, v1;
	[tilespmem:s24+$0xE860] =	vst v0;
	s24 =	smov.u32 s25  }
0x97: {  	v0 =	vld [tilespmem:s24+$0x9820]  }
0x98: {  	v3 =	vadd.f32 v3, v7;
	v6 =	vld [tilespmem:s24+$0x7030];
	[tilespmem:s24+$0xE870] =	vst v1  }
0x99: {  	v1 =	vld [tilespmem:s24+$0x9830]  }
0x9a: {  	[tilespmem:s24+$0xE800] =	vst v3;
	v2 =	vadd.f32 v2, v5;
	v5 =	vld [tilespmem:s24+$0x7040]  }
0x9b: {  	v7 =	vld [tilespmem:s24+$0x9840]  }
.Ltmp7:
0x9c: {  	[tilespmem:s24+$0xE810] =	vst v2;
	v0 =	vadd.f32 v0, v4;
	v2 =	vld [tilespmem:s24+$0x7050];
	(pc) =	sbr.rel @p0 .LBB2_7-.Ltmp7, $4  }
0x9d: {  	v3 =	vld [tilespmem:s24+$0x9850]  }
0x9e: {  	[tilespmem:s24+$0xE820] =	vst v0;
	v6 =	vadd.f32 v1, v6;
	v0 =	vld [tilespmem:s24+$0x7060]  }
0x9f: {  	s25 =	sshra.s32 s26, $0x2;
	v4 =	vld [tilespmem:s24+$0x9860]  }
0xa0: {  	s26 =	sadd.s32 $0x200, s26;
	v1 =	vld [tilespmem:s25+$0x7070];
	[tilespmem:s24+$0xE830] =	vst v6;
	v5 =	vadd.f32 v7, v5  }
0xa1: {  	v6 =	vld [tilespmem:s25+$0x9870]  }
0xa2: {  	v7 =	vld [tilespmem:s25+$0x7000];
	[tilespmem:s24+$0xE840] =	vst v5;
	v2 =	vadd.f32 v3, v2  }
0xa3: {  	v51 =	vld [tilespmem:s25+$0x9800]  }
0xa4: {  	v5 =	vld [tilespmem:s25+$0x7010];
	[tilespmem:s24+$0xE850] =	vst v2;
	v0 =	vadd.f32 v4, v0  }
0xa5: {  	v2 =	vld [tilespmem:s25+$0x9810]  }
0xa6: {  	v52 =	vld [tilespmem:s25+$0x7020];
	[tilespmem:s24+$0xE860] =	vst v0  }
0xa7: {  	v54 =	vld [tilespmem:s25+$0x9820]  }
0xa8: {  	v55 =	vld [tilespmem:s25+$0x7030]  }
0xa9: {  	v56 =	vld [tilespmem:s25+$0x9830]  }
0xaa: {  	v57 =	vld [tilespmem:s25+$0x7040]  }
0xab: {  	v58 =	vld [tilespmem:s25+$0x9840]  }
0xac: {  	v59 =	vld [tilespmem:s25+$0x7050]  }
0xad: {  	v53 =	vadd.f32 v6, v1;
	v60 =	vld [tilespmem:s25+$0x9850]  }
0xae: {  	v61 =	vld [tilespmem:s25+$0x7060];
	v3 =	vadd.f32 v51, v7  }
0xaf: {  	v62 =	vld [tilespmem:s25+$0x9860];
	[tilespmem:s25+$0xE870] =	vst v53;
	v2 =	vadd.f32 v2, v5  }
0xb0: {  	[tilespmem:s25+$0xE800] =	vst v3;
	v1 =	vadd.f32 v54, v52  }
0xb1: {  	[tilespmem:s25+$0xE810] =	vst v2;
	v0 =	vadd.f32 v56, v55  }
0xb2: {  	v3 =	vadd.f32 v58, v57;
	[tilespmem:s25+$0xE820] =	vst v1  }
.Ltmp8:
0xb3: {  	v63 =	vadd.f32 v60, v59;
	[tilespmem:s25+$0xE830] =	vst v0;
	(pc) =	sbr.rel .LBB2_9-.Ltmp8, $4  }
0xb4: {  	s31 =	smul.u32 $0x500, s23;
	[tilespmem:s25+$0xE840] =	vst v3;
	v1 =	vadd.f32 v62, v61  }
0xb5: {  	[tilespmem:s25+$0xE850] =	vst v63  }
0xb6: {  	s24 =	sadd.s32 s7, s31;
	[tilespmem:s25+$0xE860] =	vst v1  }
0xb7: {  	[hbm4b:s24+s3] =	stream.linear.scatter [tilespmem:s16], [sflag:$0x6], $0x2800, $0x38;
	[tilespmem:$0x11000] =	vst v63  }
.LBB2_11:
0xb8: {  	_ =	sfence.sel $0x180000  }
0xb9: {  	[bflag:$0x0] =	sbarrier.arrive $0xFFFF  }
0xba: {  	p0 =	sne.s32 s1, $0x0;
	_ =	strace $0x90000047  }
0xbb: {  	s0 =	sadd.s32 @!p0 $0x100000, s0;
	[bflag:$0x2] =	sbarrier.arrive $0xFFFF  }
0xbc: {  	[sflag:s0] =	ssyncadd.tile.s32 @!p0 $0x1;
	_ =	shalt  }
.Lfunc_end2:
_tile_overlayer_lowered:
.L_overlay_start_2:
0xbd: {  	(tag) =	ssettag $0x2  }
0xbe: {  	s0 =	rddreg [dreg:$0x0];
	s2 =	stileid.u32  }
0xbf: {  	s1 =	rddreg [dreg:$0x1];
	p0 =	sne.s32 s2, $0x0  }
0xc0: {  	s3 =	rddreg [dreg:$0x2];
	[bflag:$0x3] =	sbarrier.arrive $0xFFFF;
	s2 =	simm.s32 @!p0 $0x1C07  }
0xc1: {  	[timem:s3], [sflag:s2] =	dma.local @!p0 [hbm:s0], s1  }
0xc2: {  	s0 =	simm.s32 @!p0 $0x7  }
0xc3: {  	_ =	swait.ge @!p0 [sflag:s0], s1  }
0xc4: {  	s1 =	ssub.s32 @!p0 $0x0, s1;
	[sflag:s0] =	ssyncset.done @!p0 $0x0  }
0xc5: {  	[sflag:s0] =	ssyncadd.s32 @!p0 s1  }
0xc6: {  	[bflag:$0x3] =	sbarrier.arrive $0xFFFF  }
0xc7: {  	_ =	shalt  }

// kernel: kernel.18.cloned.1.call-start
scs
__scs_entry_jumppad:
0x0: {  	(pc) =	sbr.rel $0x88, $3  }
0x1: {  	(tag) =	ssettag $0x0;
	lr =	simm.s32 $0x1  }
0x2: {  	[smem:$0x3F95] =	sst lr;
	_ =	strace $0xD0000000  }
0x3: {  	_ = 	snop  }
0x4: {  	_ = 	snop  }
0x5: {  	_ = 	snop  }
0x6: {  	_ = 	snop  }
0x7: {  	_ = 	snop  }
__scs_overlays_trampoline_lowered:
0x8: {  	[smem:$0x3FA4] =	sst s0  }
0x9: {  	[smem:$0x3FA5] =	sst s1  }
0xa: {  	[smem:$0x3FA6] =	sst s2  }
0xb: {  	[smem:$0x3FA7] =	sst s3  }
0xc: {  	[smem:$0x3FA8] =	sst s4  }
0xd: {  	[smem:$0x3FA9] =	sst s5  }
0xe: {  	[smem:$0x3FAA] =	sst s6  }
0xf: {  	[smem:$0x3FAB] =	sst s7  }
0x10: {  	[smem:$0x3FAC] =	sst s8  }
0x11: {  	[smem:$0x3FAD] =	sst s9;
	s0 =	simm.s32 @!p0 $0x0  }
0x12: {  	s1 =	sld [smem:$0x3F93];
	s0 =	simm.s32 @p0 $0x1  }
0x13: {  	[smem:$0x3FAE] =	sst s0;
	s0 =	simm.s32 @!p1 $0x0  }
0x14: {  	s2 =	sld [smem:$0x3F92];
	s0 =	simm.s32 @p1 $0x1  }
0x15: {  	[smem:$0x3FAF] =	sst s0;
	s0 =	simm.s32 @!p2 $0x0  }
0x16: {  	s3 =	sld [smem:$0x3FDB];
	s0 =	simm.s32 @p2 $0x1  }
0x17: {  	s4 =	simm.s32 $0x1BF5;
	[smem:$0x3FB1] =	sst s0  }
0x18: {  	s0 =	sld [smem:$0x3F94];
	_ =	swait.ge [sflag:s4], $0x0  }
0x19: {  	s7 =	sld [smem:$0x3F95]  }
0x1a: {  	s8 =	sadd.s32 $0xFFFFE003, lr  }
0x1b: {  	s9 =	sadd.s32 $0xFFFFFEF7, lr;
	s5 =	simm.s32 $0xFFFFFFFF;
	p2 =	slt.u32 s8, $0xFFFFF086  }
0x1c: {  	p1 =	slt.u32 s9, $0xF7A;
	s5 =	simm.s32 @!p2 $0x0  }
0x1d: {  	s5 =	simm.s32 @p1 $0x1;
	p0 =	seq.s32 s7, s2  }
0x1e: {  	s7 =	smul.u32 @!p0 $0xF7A, s2;
	p2 =	seq.s32 @!p0 s5, $0x0  }
0x1f: {  	s9 =	smul.u32 $0xF7A, s1;
	s8 =	simm.s32 @!p0 $0x1BF5;
	p2 =	por !p2, p0  }
0x20: {  	[sflag:s8] =	ssyncset.s32 @!p0 $0xFFFFF086;
	s6 =	sadd.s32 @!p0 s3, s7;
	s7 =	simm.s32 @!p0 $0x108  }
0x21: {  	s3 =	sadd.s32 s3, s9;
	s6 =	sadd.s32 @!p0 $0x88, s6;
	s7 =	simm.s32 @p2 $0x1082  }
0x22: {  	[simem:s7], [sflag:s8] =	dma.local @!p0 [hbm:s6], $0xF7A  }
0x23: {  	s9 =	sor.u32 $0xD0000000, s2;
	s6 =	simm.s32 $0x108;
	_ =	swait.ge @!p0 [sflag:s8], $0x0  }
0x24: {  	s3 =	sadd.s32 $0x88, s3;
	s6 =	simm.s32 @!p1 $0x1082;
	[sflag:s4] =	ssyncset.s32 $0xFFFFF086  }
0x25: {  	[simem:s6], [sflag:s4] =	dma.local [hbm:s3], $0xF7A  }
0x26: {  	[smem:$0x3F95] =	sst s1;
	(tag) =	ssettag s2;
	_ =	strace s9  }
0x27: {  	s1 =	sld [smem:$0x3FA5]  }
0x28: {  	s2 =	sld [smem:$0x3FA6]  }
0x29: {  	s4 =	sld [smem:$0x3FA8]  }
0x2a: {  	p0 =	seq.s32 s5, $0x0;
	s5 =	sld [smem:$0x3FA9]  }
0x2b: {  	s6 =	sld [smem:$0x3FAA]  }
0x2c: {  	s7 =	sld [smem:$0x3FAB]  }
0x2d: {  	s3 =	simm.s32 $0x108;
	s8 =	sld [smem:$0x3FAC]  }
0x2e: {  	s3 =	simm.s32 @!p0 $0x1082;
	s9 =	sld [smem:$0x3FAD]  }
0x2f: {  	lr =	sadd.s32 s0, s3;
	s0 =	sld [smem:$0x3FA4]  }
0x30: {  	s3 =	sld [smem:$0x3FA7]  }
0x31: {  	[smem:$0x3FB0] =	sst s10  }
0x32: {  	s10 =	sld [smem:$0x3FAE];
	_ =	sdelay $0x3  }
0x33: {  	p0 =	seq.s32 s10, $0x1;
	s10 =	sld [smem:$0x3FB0];
	_ =	sdelay $0x3  }
0x34: {  	[smem:$0x3FB0] =	sst s10  }
0x35: {  	s10 =	sld [smem:$0x3FAF];
	_ =	sdelay $0x3  }
0x36: {  	p1 =	seq.s32 s10, $0x1;
	s10 =	sld [smem:$0x3FB0];
	_ =	sdelay $0x3  }
0x37: {  	[smem:$0x3FB0] =	sst s10  }
0x38: {  	s10 =	sld [smem:$0x3FB1]  }
0x39: {  	_ = 	snop;
	(pc) =	sbr.ind lr, $3  }
0x3a: {  	_ = 	snop  }
0x3b: {  	_ = 	snop  }
0x3c: {  	p2 =	seq.s32 s10, $0x1;
	s10 =	sld [smem:$0x3FB0]  }
0x3d: {  	_ =	shalt  }
0x3e: {  	_ =	shalt  }
0x3f: {  	_ =	shalt  }
0x40: {  	_ =	shalt  }
0x41: {  	_ =	shalt  }
0x42: {  	_ =	shalt  }
0x43: {  	_ =	shalt  }
0x44: {  	_ =	shalt  }
0x45: {  	_ =	shalt  }
0x46: {  	_ =	shalt  }
0x47: {  	_ =	shalt  }
0x48: {  	_ =	shalt  }
0x49: {  	_ =	shalt  }
0x4a: {  	_ =	shalt  }
0x4b: {  	_ =	shalt  }
0x4c: {  	_ =	shalt  }
0x4d: {  	_ =	shalt  }
0x4e: {  	_ =	shalt  }
0x4f: {  	_ =	shalt  }
0x50: {  	_ =	shalt  }
0x51: {  	_ =	shalt  }
0x52: {  	_ =	shalt  }
0x53: {  	_ =	shalt  }
0x54: {  	_ =	shalt  }
0x55: {  	_ =	shalt  }
0x56: {  	_ =	shalt  }
0x57: {  	_ =	shalt  }
0x58: {  	_ =	shalt  }
0x59: {  	_ =	shalt  }
0x5a: {  	_ =	shalt  }
0x5b: {  	_ =	shalt  }
0x5c: {  	_ =	shalt  }
0x5d: {  	_ =	shalt  }
0x5e: {  	_ =	shalt  }
0x5f: {  	_ =	shalt  }
0x60: {  	_ =	shalt  }
0x61: {  	_ =	shalt  }
0x62: {  	_ =	shalt  }
0x63: {  	_ =	shalt  }
0x64: {  	_ =	shalt  }
0x65: {  	_ =	shalt  }
0x66: {  	_ =	shalt  }
0x67: {  	_ =	shalt  }
0x68: {  	_ =	shalt  }
0x69: {  	_ =	shalt  }
0x6a: {  	_ =	shalt  }
0x6b: {  	_ =	shalt  }
0x6c: {  	_ =	shalt  }
0x6d: {  	_ =	shalt  }
0x6e: {  	_ =	shalt  }
0x6f: {  	_ =	shalt  }
0x70: {  	_ =	shalt  }
0x71: {  	_ =	shalt  }
0x72: {  	_ =	shalt  }
0x73: {  	_ =	shalt  }
0x74: {  	_ =	shalt  }
0x75: {  	_ =	shalt  }
0x76: {  	_ =	shalt  }
0x77: {  	_ =	shalt  }
0x78: {  	_ =	shalt  }
0x79: {  	_ =	shalt  }
0x7a: {  	_ =	shalt  }
0x7b: {  	_ =	shalt  }
0x7c: {  	_ =	shalt  }
0x7d: {  	_ =	shalt  }
0x7e: {  	_ =	shalt  }
0x7f: {  	_ =	shalt  }
0x80: {  	_ =	shalt  }
0x81: {  	_ =	shalt  }
0x82: {  	_ =	shalt  }
0x83: {  	_ =	shalt  }
0x84: {  	_ =	shalt  }
0x85: {  	_ =	shalt  }
0x86: {  	_ =	shalt  }
0x87: {  	_ =	shalt  }
.Lfunc_end0:
.L_simem_size_0:
called_computation.1_lowered:
.L_overlay_start_0:
0x88: {  	s2 =	sld [smem:$0x3FD9]  }
0x89: {  	s3 =	sld [smem:$0x3FFE];
	_ =	sdelay $0x1  }
0x8a: {  	s1 =	srdreg.scid  }
0x8b: {  	s0 =	sand.u32 $0x1, s1  }
0x8c: {  	s15 =	sshll.u32 s0, $0xA;
	s2 =	sadd.s32 s3, s2  }
0x8d: {  	s2 =	sadd.s32 s2, s15  }
0x8e: {  	[smem:$0x3FBC] =	sst s2  }
0x8f: {  	_ = 	snop  }
0x90: {  	s2 =	sld [smem:$0x3FD0];
	_ =	sdelay $0x2  }
0x91: {  	s16 =	simm.s32 $0xE;
	s4 =	simm.s32 $0x10  }
0x92: {  	[smem:s4], [sflag:s16] =	dma.local [hbm:s2], $0x1  }
0x93: {  	_ =	swait.eq [sflag:s16], $0x1  }
0x94: {  	[sflag:s16] =	ssyncset.done $0x0  }
0x95: {  	[sflag:s16] =	ssyncadd.s32 $0xFFFFFFFF  }
0x96: {  	s17 =	sld [smem:$0x10];
	(tm) =	ssettm $0x1  }
0x97: {  	s18 =	sld [smem:$0x3FFB];
	_ =	sdelay $0x3  }
0x98: {  	_ =	strace s18  }
0x99: {  	s2 =	sld [smem:$0x3FFC];
	_ =	sdelay $0x3  }
0x9a: {  	_ =	strace s2  }
0x9b: {  	s2 =	sld [smem:$0x3FFD];
	_ =	sdelay $0x3  }
0x9c: {  	_ =	strace s2  }
0x9d: {  	_ =	strace $0x8FFFFFFF  }
0x9e: {  	s19 =	sld [smem:$0x3FDB];
	_ =	sdelay $0x1  }
0x9f: {  	s20 =	simm.s32 $_scs_section_size  }
0xa0: {  	s5 =	simm.s32 $_size__tile_overlayer_lowered;
	s6 =	simm.s32 $_tile_overlayer_lowered  }
0xa1: {  	s7 =	simm.s32 $0x1BFF;
	s21 =	sshll.u32 s6, $0x1;
	s4 =	sadd.s32 s20, s19  }
0xa2: {  	s22 =	simm.s32 $0x0;
	s5 =	sshll.u32 s5, $0x1;
	s6 =	sadd.s32 s21, s4  }
0xa3: {  	[timem:s22], [sflag:s7] =	dma.local [hbm:s6], s5  }
0xa4: {  	_ =	swait.ge [sflag:s7], s5  }
0xa5: {  	s5 =	ssub.s32 $0x0, s5;
	[sflag:s7] =	ssyncset.done $0x0  }
0xa6: {  	[sflag:s7] =	ssyncadd.s32 s5;
	_ =	sdelay $0x1  }
0xa7: {  	s23 =	simm.s32 $0x1B8B  }
0xa8: {  	_ =	swait.ge [sflag:s23], $0x1  }
0xa9: {  	[sflag:s23] =	ssyncset.done $0x0  }
0xaa: {  	[sflag:s23] =	ssyncadd.s32 $0xFFFFFFFF  }
0xab: {  	s5 =	sld [smem:$0x0]  }
0xac: {  	s6 =	sand.u32 $0xFFFFFFFE, s1  }
0xad: {  	p0 =	sne.s32 s1, s6  }
0xae: {  	s6 =	sshll.u32 @p0 s6, $0xE  }
0xaf: {  	s6 =	sadd.s32 @p0 $0x11B8D, s6;
	s7 =	sshll.u32 @p0 s5, $0x11  }
0xb0: {  	s6 =	sor.u32 @p0 s7, s6  }
0xb1: {  	[sflag:s6] =	ssyncadd.remote.s32 @p0 $0x1;
	_ =	sdelay $0x1  }
0xb2: {  	s6 =	simm.s32 @p0 $0x1B8D  }
0xb3: {  	_ =	swait.eq @p0 [sflag:s6], $0x1  }
0xb4: {  	[sflag:s6] =	ssyncadd.s32 @p0 $0xFFFFFFFF  }
0xb5: {  	s7 =	sshll.u32 @!p0 s1, $0xE  }
0xb6: {  	s7 =	sor.u32 @!p0 $0x4000, s7;
	s6 =	simm.s32 @!p0 $0x1B8D  }
0xb7: {  	s5 =	sshll.u32 @!p0 s5, $0x11;
	s7 =	sadd.s32 @!p0 $0x11B8D, s7;
	_ =	swait.eq @!p0 [sflag:s6], $0x1  }
0xb8: {  	s5 =	sor.u32 @!p0 s5, s7;
	[sflag:s6] =	ssyncadd.s32 @!p0 $0xFFFFFFFF  }
0xb9: {  	s25 =	simm.s32 $0x1B8E;
	s24 =	sld [smem:$0x3FFE];
	[sflag:s5] =	ssyncadd.remote.s32 @!p0 $0x1  }
0xba: {  	s26 =	simm.s32 $execute0_lowered;
	[smem:$0x3FD2] =	sst s25  }
0xbb: {  	s6 =	sshll.u32 s26, $0x1;
	_ =	strace $0x80000049;
	[dreg:$0x1] =	wrdreg $0xFFFFFFFF  }
0xbc: {  	s28 =	simm.s32 $_size_execute0_lowered;
	s4 =	sadd.s32 s4, s6;
	[dreg:$0x0] =	wrdreg $0x0  }
0xbd: {  	s6 =	sshll.u32 s28, $0x1;
	[dreg:$0x2] =	wrdreg s4  }
0xbe: {  	[dreg:$0x3] =	wrdreg s6  }
0xbf: {  	[dreg:$0x4] =	wrdreg $0xC0  }
0xc0: {  	_ =	task [dreg:s22], $0x5FFFF  }
0xc1: {  	[dreg:$0x1] =	wrdreg $0xFFFFFFFF  }
0xc2: {  	[dreg:$0x0] =	wrdreg $0x60  }
0xc3: {  	[dreg:$0x2] =	wrdreg s17  }
0xc4: {  	[dreg:$0x3] =	wrdreg s24  }
0xc5: {  	[dreg:$0x4] =	wrdreg $0xA  }
0xc6: {  	_ =	task.clear_ibuf [dreg:s22], $0x5FFFF;
	_ =	strace $0x90000049  }
0xc7: {  	s29 =	simm.s32 $0xA;
	_ =	strace $0x8000004B  }
0xc8: {  	_ =	swait.ge [sflag:s29], $0x1  }
0xc9: {  	[sflag:s29] =	ssyncadd.s32 $0xFFFFFFFF  }
0xca: {  	_ =	strace $0x9000004B  }
0xcb: {  	_ =	sfence  }
0xcc: {  	s30 =	sld [smem:$0x0];
	_ =	sdelay $0x2  }
0xcd: {  	s31 =	sshll.u32 s1, $0xD;
	s1 =	sshrl.u32 s1, $0x2  }
0xce: {  	s4 =	sand.u32 $0x4000, s31;
	s1 =	sadd.s32 s1, s30  }
0xcf: {  	s0 =	sor.u32 s4, s0;
	s1 =	sshll.u32 s1, $0x11  }
0xd0: {  	s0 =	sor.u32 s1, s0  }
0xd1: {  	s0 =	sadd.s32 $0x8F2B, s0  }
0xd2: {  	[sflag:s0] =	ssyncadd.remote.s32 $0x1  }
0xd3: {  	_ =	sfence.sel $0xFFFF  }
0xd4: {  	[dreg:$0x0] =	wrdreg $0xFFFFFFFF;
	(pc) =	sbr.abs _section_cstart, $3  }
0xd5: {  	[dreg:$0x1] =	wrdreg $0xFFFFFFFF  }
0xd6: {  	_ =	task.clear_ibuf [dreg:s22], $0x2FFFF;
	_ =	strace $0x9FFFFFFF  }
0xd7: {  	(tm) =	ssettm $0x7FFFFFFF  }
tec
execute0_lowered:
.L_overlay_start_1:
0x0: {  	(tag) =	ssettag $0x1  }
0x1: {  	s2 =	rddreg [dreg:$0x0]  }
0x2: {  	s5 =	rddreg [dreg:$0x1]  }
0x3: {  	s0 =	rddreg [dreg:$0x2]  }
0x4: {  	s4 =	srdreg.scid;
	s1 =	stileid.u32  }
0x5: {  	s3 =	simm.s32 $0x0;
	s10 =	simm.s32 $0x1000;
	s11 =	simm.s32 $0x50  }
0x6: {  	s12 =	simm.s32 $0x2000;
	s13 =	simm.s32 $0x4800;
	s14 =	simm.s32 $0x4  }
0x7: {  	s15 =	simm.s32 $0x5;
	s16 =	simm.s32 $0xE800;
	s17 =	simm.s32 $0x3  }
0x8: {  	s18 =	simm.s32 $0x6;
	s19 =	simm.s32 $0x1;
	s20 =	simm.s32 $0x2  }
0x9: {  	s21 =	simm.s32 $0xC000;
	s6 =	sand.u32 $0x1, s4;
	s31 =	sshll.u32 s1, $0x1  }
0xa: {  	s22 =	simm.s32 $0x0;
	[smem:$0x7FF] =	sst s3;
	s4 =	sor.u32 s6, s31  }
.Ltmp0:
0xb: {  	_ =	strace $0x8000004A;
	s6 =	ssub.s32 $0x2, s6;
	(pc) =	sbr.rel .LBB2_1-.Ltmp0, $4  }
0xc: {  	s7 =	sshll.u32 s4, $0x9;
	s8 =	smul.u32 $0x7D00, s4;
	s9 =	sshrl.u32 s6, $0x1  }
0xd: {  	s4 =	sadd.s32 $0xC200, s5;
	s7 =	sadd.s32 s7, s5;
	s9 =	ssub.s32 s6, s9  }
0xe: {  	s8 =	sadd.s32 s8, s5;
	s5 =	sadd.s32 $0x131400, s7;
	s6 =	sadd.s32 $0x12D400, s7  }
0xf: {  	s7 =	sadd.s32 $0x14D400, s8;
	s8 =	smax.u32 s9, $0x1;
	s9 =	simm.s32 $0x7  }
.LBB2_10:
0x10: {  	s22 =	sadd.s32 $0x1, s22  }
0x11: {  	_ =	swait.ge [sflag:s17], $0x2800;
	p0 =	sne.s32 s22, s8  }
.Ltmp1:
0x12: {  	[sflag:s17] =	ssyncset.done $0x0;
	(pc) =	sbr.rel @!p0 .LBB2_11-.Ltmp1, $4  }
0x13: {  	[sflag:s17] =	ssyncadd.s32 $0xFFFFD800  }
0x14: {  	_ =	swait.ge [sflag:s18], $0x2800  }
0x15: {  	[sflag:s18] =	ssyncset.done $0x0  }
0x16: {  	[sflag:s18] =	ssyncadd.s32 $0xFFFFD800  }
.LBB2_1:
0x17: {  	[tilespmem:s3], [sflag:$0x7] =	stream.linear.gather [hbm4b:s5+s3], $0xC80, $0x38;
	[tilespmem:$0x11000] =	vst v63  }
0x18: {  	_ =	swait.ge [sflag:s9], $0xC80  }
0x19: {  	[sflag:s9] =	ssyncset.done $0x0  }
0x1a: {  	[sflag:s9] =	ssyncadd.s32 $0xFFFFF380  }
0x1b: {  	[tilespmem:s10], [sflag:$0x7] =	stream.linear.gather [hbm4b:s6+s3], $0xC80, $0x38;
	[tilespmem:$0x11000] =	vst v63  }
0x1c: {  	_ =	swait.ge [sflag:s9], $0xC80  }
.Ltmp2:
0x1d: {  	[sflag:s9] =	ssyncset.done $0x0;
	(pc) =	sbr.rel .LBB2_2-.Ltmp2, $4  }
0x1e: {  	[sflag:s9] =	ssyncadd.s32 $0xFFFFF380  }
0x1f: {  	[tilespmem:s12], [sflag:$0x1] =	stream.indirect.gather [hbm4b:s2+s11], $0x80, s3, s11, $0xb8;
	[tilespmem:$0x11000] =	vst v63  }
0x20: {  	s23 =	simm.s32 $0x0  }
0x21: {  	[tilespmem:s13], [sflag:$0x2] =	stream.indirect.gather [hbm4b:s4+s11], $0x80, s10, s11, $0xb8;
	[tilespmem:$0x11000] =	vst v63  }
.LBB2_9:
0x22: {  	s23 =	sadd.s32 $0x1, s23  }
0x23: {  	p0 =	sne.s32 s23, $0x19  }
.Ltmp3:
0x24: {  	_ = 	snop;
	(pc) =	sbr.rel @!p0 .LBB2_10-.Ltmp3, $1  }
0x25: {  	_ =	sdelay $0x3  }
.LBB2_2:
0x26: {  	s24 =	sand.u32 $0x1, s23  }
0x27: {  	p0 =	seq.s32 s24, $0x1  }
.Ltmp4:
0x28: {  	_ = 	snop;
	(pc) =	sbr.rel @p0 .LBB2_6-.Ltmp4, $1  }
0x29: {  	_ =	sdelay $0x3  }
0x2a: {  	p0 =	seq.s32 s23, $0x18  }
0x2b: {  	s25 =	sshll.u32 @!p0 s23, $0x7  }
0x2c: {  	s28 =	simm.s32 @!p0 $0x50;
	s29 =	simm.s32 @!p0 $0x7000;
	s26 =	sor.u32 @!p0 $0x80, s25  }
0x2d: {  	[tilespmem:s29], [sflag:$0x4] =	stream.indirect.gather @!p0 [hbm4b:s2+s28], $0x80, s26, s28, $0xb8;
	[tilespmem:$0x11000] =	vst v63  }
0x2e: {  	s25 =	sadd.s32 @!p0 $0x1080, s25;
	s26 =	simm.s32 @!p0 $0x9800  }
0x2f: {  	[tilespmem:s26], [sflag:$0x5] =	stream.indirect.gather @!p0 [hbm4b:s4+s28], $0x80, s25, s28, $0xb8;
	[tilespmem:$0x11000] =	vst v63  }
0x30: {  	_ =	swait.ge [sflag:s19], $0x2800  }
0x31: {  	[sflag:s19] =	ssyncset.done $0x0  }
0x32: {  	[sflag:s19] =	ssyncadd.s32 $0xFFFFD800  }
0x33: {  	_ =	swait.ge [sflag:s20], $0x2800  }
0x34: {  	p0 =	slt.u32 s23, $0x2;
	[sflag:s20] =	ssyncset.done $0x0  }
0x35: {  	s25 =	simm.s32 @!p0 $0x3;
	[sflag:s20] =	ssyncadd.s32 $0xFFFFD800  }
0x36: {  	_ =	swait.ge @!p0 [sflag:s25], $0x2800  }
0x37: {  	[sflag:s25] =	ssyncset.done @!p0 $0x0  }
0x38: {  	[sflag:s25] =	ssyncadd.s32 @!p0 $0xFFFFD800;
	s25 =	simm.s32 $0x0  }
0x39: {  	v0 =	vld [tilespmem:s25+$0x2070]  }
0x3a: {  	v1 =	vld [tilespmem:s25+$0x4870]  }
0x3b: {  	v2 =	vld [tilespmem:s25+$0x2000]  }
0x3c: {  	v3 =	vld [tilespmem:s25+$0x4800]  }
0x3d: {  	v4 =	vld [tilespmem:s25+$0x2010]  }
0x3e: {  	v5 =	vld [tilespmem:s25+$0x4810]  }
0x3f: {  	v6 =	vld [tilespmem:s25+$0x2020]  }
0x40: {  	v7 =	vld [tilespmem:s25+$0x2030]  }
0x41: {  	v0 =	vadd.f32 v1, v0;
	v1 =	vld [tilespmem:s25+$0x4820]  }
0x42: {  	v8 =	vld [tilespmem:s25+$0x4830]  }
0x43: {  	v9 =	vld [tilespmem:s25+$0x4840];
	v2 =	vadd.f32 v3, v2  }
0x44: {  	[tilespmem:s25+$0xC070] =	vst v0;
	v0 =	vadd.f32 v5, v4;
	v5 =	vld [tilespmem:s25+$0x2040]  }
0x45: {  	v3 =	vld [tilespmem:s25+$0x4850];
	[tilespmem:s25+$0xC000] =	vst v2  }
0x46: {  	v2 =	vld [tilespmem:s25+$0x2050];
	[tilespmem:s25+$0xC010] =	vst v0;
	v0 =	vadd.f32 v1, v6  }
0x47: {  	v4 =	vld [tilespmem:s25+$0x4860];
	v6 =	vadd.f32 v8, v7  }
0x48: {  	s26 =	simm.s32 $0x80;
	[tilespmem:s25+$0xC020] =	vst v0;
	v0 =	vld [tilespmem:s25+$0x2060]  }
0x49: {  	s28 =	simm.s32 $0x400;
	v5 =	vadd.f32 v9, v5;
	v1 =	vld [tilespmem:s26+$0x2070];
	[tilespmem:s25+$0xC030] =	vst v6  }
.LBB2_4:
0x4a: {  	p0 =	sne.s32 s28, $0x9E00;
	v6 =	vld [tilespmem:s26+$0x4870]  }
0x4b: {  	v7 =	vld [tilespmem:s26+$0x2000];
	[tilespmem:s25+$0xC040] =	vst v5;
	v2 =	vadd.f32 v3, v2  }
0x4c: {  	v3 =	vld [tilespmem:s26+$0x4800]  }
0x4d: {  	v5 =	vld [tilespmem:s26+$0x2010];
	[tilespmem:s25+$0xC050] =	vst v2;
	v0 =	vadd.f32 v4, v0  }
0x4e: {  	v2 =	vld [tilespmem:s26+$0x4810]  }
0x4f: {  	v4 =	vld [tilespmem:s26+$0x2020];
	v1 =	vadd.f32 v6, v1;
	[tilespmem:s25+$0xC060] =	vst v0;
	s25 =	smov.u32 s26  }
0x50: {  	v0 =	vld [tilespmem:s25+$0x4820]  }
0x51: {  	v3 =	vadd.f32 v3, v7;
	v6 =	vld [tilespmem:s25+$0x2030];
	[tilespmem:s25+$0xC070] =	vst v1  }
0x52: {  	v1 =	vld [tilespmem:s25+$0x4830]  }
0x53: {  	[tilespmem:s25+$0xC000] =	vst v3;
	v2 =	vadd.f32 v2, v5;
	v5 =	vld [tilespmem:s25+$0x2040]  }
0x54: {  	v7 =	vld [tilespmem:s25+$0x4840]  }
.Ltmp5:
0x55: {  	[tilespmem:s25+$0xC010] =	vst v2;
	v0 =	vadd.f32 v0, v4;
	v2 =	vld [tilespmem:s25+$0x2050];
	(pc) =	sbr.rel @p0 .LBB2_4-.Ltmp5, $4  }
0x56: {  	v3 =	vld [tilespmem:s25+$0x4850]  }
0x57: {  	[tilespmem:s25+$0xC020] =	vst v0;
	v6 =	vadd.f32 v1, v6;
	v0 =	vld [tilespmem:s25+$0x2060]  }
0x58: {  	s26 =	sshra.s32 s28, $0x2;
	v4 =	vld [tilespmem:s25+$0x4860]  }
0x59: {  	s28 =	sadd.s32 $0x200, s28;
	v1 =	vld [tilespmem:s26+$0x2070];
	[tilespmem:s25+$0xC030] =	vst v6;
	v5 =	vadd.f32 v7, v5  }
0x5a: {  	v6 =	vld [tilespmem:s26+$0x4870]  }
0x5b: {  	v7 =	vld [tilespmem:s26+$0x2000];
	[tilespmem:s25+$0xC040] =	vst v5;
	v2 =	vadd.f32 v3, v2  }
0x5c: {  	v51 =	vld [tilespmem:s26+$0x4800]  }
0x5d: {  	v5 =	vld [tilespmem:s26+$0x2010];
	[tilespmem:s25+$0xC050] =	vst v2;
	v0 =	vadd.f32 v4, v0  }
0x5e: {  	v2 =	vld [tilespmem:s26+$0x4810]  }
0x5f: {  	v52 =	vld [tilespmem:s26+$0x2020];
	[tilespmem:s25+$0xC060] =	vst v0  }
0x60: {  	v54 =	vld [tilespmem:s26+$0x4820]  }
0x61: {  	v55 =	vld [tilespmem:s26+$0x2030]  }
0x62: {  	v56 =	vld [tilespmem:s26+$0x4830]  }
0x63: {  	v57 =	vld [tilespmem:s26+$0x2040]  }
0x64: {  	v58 =	vld [tilespmem:s26+$0x4840]  }
0x65: {  	v59 =	vld [tilespmem:s26+$0x2050]  }
0x66: {  	v53 =	vadd.f32 v6, v1;
	v60 =	vld [tilespmem:s26+$0x4850]  }
0x67: {  	v61 =	vld [tilespmem:s26+$0x2060];
	v3 =	vadd.f32 v51, v7  }
0x68: {  	v62 =	vld [tilespmem:s26+$0x4860];
	[tilespmem:s26+$0xC070] =	vst v53;
	v2 =	vadd.f32 v2, v5  }
0x69: {  	[tilespmem:s26+$0xC000] =	vst v3;
	v1 =	vadd.f32 v54, v52  }
0x6a: {  	[tilespmem:s26+$0xC010] =	vst v2;
	v0 =	vadd.f32 v56, v55  }
0x6b: {  	p0 =	seq.s32 s24, $0x0;
	v3 =	vadd.f32 v58, v57;
	[tilespmem:s26+$0xC020] =	vst v1  }
.Ltmp6:
0x6c: {  	v63 =	vadd.f32 v60, v59;
	[tilespmem:s26+$0xC030] =	vst v0;
	(pc) =	sbr.rel @p0 .LBB2_9-.Ltmp6, $4  }
0x6d: {  	s31 =	smul.u32 $0x500, s23;
	[tilespmem:s26+$0xC040] =	vst v3;
	v1 =	vadd.f32 v62, v61  }
0x6e: {  	[tilespmem:s26+$0xC050] =	vst v63  }
0x6f: {  	s25 =	sadd.s32 s7, s31;
	[tilespmem:s26+$0xC060] =	vst v1  }
0x70: {  	[hbm4b:s25+s3] =	stream.linear.scatter [tilespmem:s21], [sflag:$0x3], $0x2800, $0x38;
	[tilespmem:$0x11000] =	vst v63  }
.LBB2_6:
0x71: {  	p0 =	seq.s32 s23, $0x18  }
0x72: {  	s24 =	sshll.u32 @!p0 s23, $0x7  }
0x73: {  	s26 =	simm.s32 @!p0 $0x50;
	s28 =	simm.s32 @!p0 $0x2000;
	s25 =	sadd.s32 @!p0 $0x80, s24  }
0x74: {  	[tilespmem:s28], [sflag:$0x1] =	stream.indirect.gather @!p0 [hbm4b:s2+s26], $0x80, s25, s26, $0xb8;
	[tilespmem:$0x11000] =	vst v63  }
0x75: {  	s24 =	sadd.s32 @!p0 $0x1080, s24;
	s25 =	simm.s32 @!p0 $0x4800  }
0x76: {  	[tilespmem:s25], [sflag:$0x2] =	stream.indirect.gather @!p0 [hbm4b:s4+s26], $0x80, s24, s26, $0xb8;
	[tilespmem:$0x11000] =	vst v63  }
0x77: {  	_ =	swait.ge [sflag:s14], $0x2800  }
0x78: {  	[sflag:s14] =	ssyncset.done $0x0  }
0x79: {  	[sflag:s14] =	ssyncadd.s32 $0xFFFFD800  }
0x7a: {  	_ =	swait.ge [sflag:s15], $0x2800  }
0x7b: {  	p0 =	slt.u32 s23, $0x2;
	[sflag:s15] =	ssyncset.done $0x0  }
0x7c: {  	s24 =	simm.s32 @!p0 $0x6;
	[sflag:s15] =	ssyncadd.s32 $0xFFFFD800  }
0x7d: {  	_ =	swait.ge @!p0 [sflag:s24], $0x2800  }
0x7e: {  	[sflag:s24] =	ssyncset.done @!p0 $0x0  }
0x7f: {  	[sflag:s24] =	ssyncadd.s32 @!p0 $0xFFFFD800;
	s24 =	simm.s32 $0x0  }
0x80: {  	v0 =	vld [tilespmem:s24+$0x7070]  }
0x81: {  	v1 =	vld [tilespmem:s24+$0x9870]  }
0x82: {  	v2 =	vld [tilespmem:s24+$0x7000]  }
0x83: {  	v3 =	vld [tilespmem:s24+$0x9800]  }
0x84: {  	v4 =	vld [tilespmem:s24+$0x7010]  }
0x85: {  	v5 =	vld [tilespmem:s24+$0x9810]  }
0x86: {  	v6 =	vld [tilespmem:s24+$0x7020]  }
0x87: {  	v7 =	vld [tilespmem:s24+$0x7030]  }
0x88: {  	v0 =	vadd.f32 v1, v0;
	v1 =	vld [tilespmem:s24+$0x9820]  }
0x89: {  	v8 =	vld [tilespmem:s24+$0x9830]  }
0x8a: {  	v9 =	vld [tilespmem:s24+$0x9840];
	v2 =	vadd.f32 v3, v2  }
0x8b: {  	[tilespmem:s24+$0xE870] =	vst v0;
	v0 =	vadd.f32 v5, v4;
	v5 =	vld [tilespmem:s24+$0x7040]  }
0x8c: {  	v3 =	vld [tilespmem:s24+$0x9850];
	[tilespmem:s24+$0xE800] =	vst v2  }
0x8d: {  	v2 =	vld [tilespmem:s24+$0x7050];
	[tilespmem:s24+$0xE810] =	vst v0;
	v0 =	vadd.f32 v1, v6  }
0x8e: {  	v4 =	vld [tilespmem:s24+$0x9860];
	v6 =	vadd.f32 v8, v7  }
0x8f: {  	s25 =	simm.s32 $0x80;
	[tilespmem:s24+$0xE820] =	vst v0;
	v0 =	vld [tilespmem:s24+$0x7060]  }
0x90: {  	s26 =	simm.s32 $0x400;
	v5 =	vadd.f32 v9, v5;
	v1 =	vld [tilespmem:s25+$0x7070];
	[tilespmem:s24+$0xE830] =	vst v6  }
.LBB2_7:
0x91: {  	p0 =	sne.s32 s26, $0x9E00;
	v6 =	vld [tilespmem:s25+$0x9870]  }
0x92: {  	v7 =	vld [tilespmem:s25+$0x7000];
	[tilespmem:s24+$0xE840] =	vst v5;
	v2 =	vadd.f32 v3, v2  }
0x93: {  	v3 =	vld [tilespmem:s25+$0x9800]  }
0x94: {  	v5 =	vld [tilespmem:s25+$0x7010];
	[tilespmem:s24+$0xE850] =	vst v2;
	v0 =	vadd.f32 v4, v0  }
0x95: {  	v2 =	vld [tilespmem:s25+$0x9810]  }
0x96: {  	v4 =	vld [tilespmem:s25+$0x7020];
	v1 =	vadd.f32 v6, v1;
	[tilespmem:s24+$0xE860] =	vst v0;
	s24 =	smov.u32 s25  }
0x97: {  	v0 =	vld [tilespmem:s24+$0x9820]  }
0x98: {  	v3 =	vadd.f32 v3, v7;
	v6 =	vld [tilespmem:s24+$0x7030];
	[tilespmem:s24+$0xE870] =	vst v1  }
0x99: {  	v1 =	vld [tilespmem:s24+$0x9830]  }
0x9a: {  	[tilespmem:s24+$0xE800] =	vst v3;
	v2 =	vadd.f32 v2, v5;
	v5 =	vld [tilespmem:s24+$0x7040]  }
0x9b: {  	v7 =	vld [tilespmem:s24+$0x9840]  }
.Ltmp7:
0x9c: {  	[tilespmem:s24+$0xE810] =	vst v2;
	v0 =	vadd.f32 v0, v4;
	v2 =	vld [tilespmem:s24+$0x7050];
	(pc) =	sbr.rel @p0 .LBB2_7-.Ltmp7, $4  }
0x9d: {  	v3 =	vld [tilespmem:s24+$0x9850]  }
0x9e: {  	[tilespmem:s24+$0xE820] =	vst v0;
	v6 =	vadd.f32 v1, v6;
	v0 =	vld [tilespmem:s24+$0x7060]  }
0x9f: {  	s25 =	sshra.s32 s26, $0x2;
	v4 =	vld [tilespmem:s24+$0x9860]  }
0xa0: {  	s26 =	sadd.s32 $0x200, s26;
	v1 =	vld [tilespmem:s25+$0x7070];
	[tilespmem:s24+$0xE830] =	vst v6;
	v5 =	vadd.f32 v7, v5  }
0xa1: {  	v6 =	vld [tilespmem:s25+$0x9870]  }
0xa2: {  	v7 =	vld [tilespmem:s25+$0x7000];
	[tilespmem:s24+$0xE840] =	vst v5;
	v2 =	vadd.f32 v3, v2  }
0xa3: {  	v51 =	vld [tilespmem:s25+$0x9800]  }
0xa4: {  	v5 =	vld [tilespmem:s25+$0x7010];
	[tilespmem:s24+$0xE850] =	vst v2;
	v0 =	vadd.f32 v4, v0  }
0xa5: {  	v2 =	vld [tilespmem:s25+$0x9810]  }
0xa6: {  	v52 =	vld [tilespmem:s25+$0x7020];
	[tilespmem:s24+$0xE860] =	vst v0  }
0xa7: {  	v54 =	vld [tilespmem:s25+$0x9820]  }
0xa8: {  	v55 =	vld [tilespmem:s25+$0x7030]  }
0xa9: {  	v56 =	vld [tilespmem:s25+$0x9830]  }
0xaa: {  	v57 =	vld [tilespmem:s25+$0x7040]  }
0xab: {  	v58 =	vld [tilespmem:s25+$0x9840]  }
0xac: {  	v59 =	vld [tilespmem:s25+$0x7050]  }
0xad: {  	v53 =	vadd.f32 v6, v1;
	v60 =	vld [tilespmem:s25+$0x9850]  }
0xae: {  	v61 =	vld [tilespmem:s25+$0x7060];
	v3 =	vadd.f32 v51, v7  }
0xaf: {  	v62 =	vld [tilespmem:s25+$0x9860];
	[tilespmem:s25+$0xE870] =	vst v53;
	v2 =	vadd.f32 v2, v5  }
0xb0: {  	[tilespmem:s25+$0xE800] =	vst v3;
	v1 =	vadd.f32 v54, v52  }
0xb1: {  	[tilespmem:s25+$0xE810] =	vst v2;
	v0 =	vadd.f32 v56, v55  }
0xb2: {  	v3 =	vadd.f32 v58, v57;
	[tilespmem:s25+$0xE820] =	vst v1  }
.Ltmp8:
0xb3: {  	v63 =	vadd.f32 v60, v59;
	[tilespmem:s25+$0xE830] =	vst v0;
	(pc) =	sbr.rel .LBB2_9-.Ltmp8, $4  }
0xb4: {  	s31 =	smul.u32 $0x500, s23;
	[tilespmem:s25+$0xE840] =	vst v3;
	v1 =	vadd.f32 v62, v61  }
0xb5: {  	[tilespmem:s25+$0xE850] =	vst v63  }
0xb6: {  	s24 =	sadd.s32 s7, s31;
	[tilespmem:s25+$0xE860] =	vst v1  }
0xb7: {  	[hbm4b:s24+s3] =	stream.linear.scatter [tilespmem:s16], [sflag:$0x6], $0x2800, $0x38;
	[tilespmem:$0x11000] =	vst v63  }
.LBB2_11:
0xb8: {  	_ =	sfence.sel $0x180000  }
0xb9: {  	[bflag:$0x0] =	sbarrier.arrive $0xFFFF  }
0xba: {  	p0 =	sne.s32 s1, $0x0;
	_ =	strace $0x9000004A  }
0xbb: {  	s0 =	sadd.s32 @!p0 $0x100000, s0;
	[bflag:$0x2] =	sbarrier.arrive $0xFFFF  }
0xbc: {  	[sflag:s0] =	ssyncadd.tile.s32 @!p0 $0x1;
	_ =	shalt  }
.Lfunc_end2:
_tile_overlayer_lowered:
.L_overlay_start_2:
0xbd: {  	(tag) =	ssettag $0x2  }
0xbe: {  	s0 =	rddreg [dreg:$0x0];
	s2 =	stileid.u32  }
0xbf: {  	s1 =	rddreg [dreg:$0x1];
	p0 =	sne.s32 s2, $0x0  }
0xc0: {  	s3 =	rddreg [dreg:$0x2];
	[bflag:$0x3] =	sbarrier.arrive $0xFFFF;
	s2 =	simm.s32 @!p0 $0x1C07  }
0xc1: {  	[timem:s3], [sflag:s2] =	dma.local @!p0 [hbm:s0], s1  }
0xc2: {  	s0 =	simm.s32 @!p0 $0x7  }
0xc3: {  	_ =	swait.ge @!p0 [sflag:s0], s1  }
0xc4: {  	s1 =	ssub.s32 @!p0 $0x0, s1;
	[sflag:s0] =	ssyncset.done @!p0 $0x0  }
0xc5: {  	[sflag:s0] =	ssyncadd.s32 @!p0 s1  }
0xc6: {  	[bflag:$0x3] =	sbarrier.arrive $0xFFFF  }
0xc7: {  	_ =	shalt  }

// kernel: kernel.21.cloned.1.call-start
scs
__scs_entry_jumppad:
0x0: {  	(pc) =	sbr.rel $0x88, $3  }
0x1: {  	(tag) =	ssettag $0x0;
	lr =	simm.s32 $0x1  }
0x2: {  	[smem:$0x3F95] =	sst lr;
	_ =	strace $0xD0000000  }
0x3: {  	_ = 	snop  }
0x4: {  	_ = 	snop  }
0x5: {  	_ = 	snop  }
0x6: {  	_ = 	snop  }
0x7: {  	_ = 	snop  }
__scs_overlays_trampoline_lowered:
0x8: {  	[smem:$0x3FA4] =	sst s0  }
0x9: {  	[smem:$0x3FA5] =	sst s1  }
0xa: {  	[smem:$0x3FA6] =	sst s2  }
0xb: {  	[smem:$0x3FA7] =	sst s3  }
0xc: {  	[smem:$0x3FA8] =	sst s4  }
0xd: {  	[smem:$0x3FA9] =	sst s5  }
0xe: {  	[smem:$0x3FAA] =	sst s6  }
0xf: {  	[smem:$0x3FAB] =	sst s7  }
0x10: {  	[smem:$0x3FAC] =	sst s8  }
0x11: {  	[smem:$0x3FAD] =	sst s9;
	s0 =	simm.s32 @!p0 $0x0  }
0x12: {  	s1 =	sld [smem:$0x3F93];
	s0 =	simm.s32 @p0 $0x1  }
0x13: {  	[smem:$0x3FAE] =	sst s0;
	s0 =	simm.s32 @!p1 $0x0  }
0x14: {  	s2 =	sld [smem:$0x3F92];
	s0 =	simm.s32 @p1 $0x1  }
0x15: {  	[smem:$0x3FAF] =	sst s0;
	s0 =	simm.s32 @!p2 $0x0  }
0x16: {  	s3 =	sld [smem:$0x3FDB];
	s0 =	simm.s32 @p2 $0x1  }
0x17: {  	s4 =	simm.s32 $0x1BF5;
	[smem:$0x3FB1] =	sst s0  }
0x18: {  	s0 =	sld [smem:$0x3F94];
	_ =	swait.ge [sflag:s4], $0x0  }
0x19: {  	s7 =	sld [smem:$0x3F95]  }
0x1a: {  	s8 =	sadd.s32 $0xFFFFE003, lr  }
0x1b: {  	s9 =	sadd.s32 $0xFFFFFEF7, lr;
	s5 =	simm.s32 $0xFFFFFFFF;
	p2 =	slt.u32 s8, $0xFFFFF086  }
0x1c: {  	p1 =	slt.u32 s9, $0xF7A;
	s5 =	simm.s32 @!p2 $0x0  }
0x1d: {  	s5 =	simm.s32 @p1 $0x1;
	p0 =	seq.s32 s7, s2  }
0x1e: {  	s7 =	smul.u32 @!p0 $0xF7A, s2;
	p2 =	seq.s32 @!p0 s5, $0x0  }
0x1f: {  	s9 =	smul.u32 $0xF7A, s1;
	s8 =	simm.s32 @!p0 $0x1BF5;
	p2 =	por !p2, p0  }
0x20: {  	[sflag:s8] =	ssyncset.s32 @!p0 $0xFFFFF086;
	s6 =	sadd.s32 @!p0 s3, s7;
	s7 =	simm.s32 @!p0 $0x108  }
0x21: {  	s3 =	sadd.s32 s3, s9;
	s6 =	sadd.s32 @!p0 $0x88, s6;
	s7 =	simm.s32 @p2 $0x1082  }
0x22: {  	[simem:s7], [sflag:s8] =	dma.local @!p0 [hbm:s6], $0xF7A  }
0x23: {  	s9 =	sor.u32 $0xD0000000, s2;
	s6 =	simm.s32 $0x108;
	_ =	swait.ge @!p0 [sflag:s8], $0x0  }
0x24: {  	s3 =	sadd.s32 $0x88, s3;
	s6 =	simm.s32 @!p1 $0x1082;
	[sflag:s4] =	ssyncset.s32 $0xFFFFF086  }
0x25: {  	[simem:s6], [sflag:s4] =	dma.local [hbm:s3], $0xF7A  }
0x26: {  	[smem:$0x3F95] =	sst s1;
	(tag) =	ssettag s2;
	_ =	strace s9  }
0x27: {  	s1 =	sld [smem:$0x3FA5]  }
0x28: {  	s2 =	sld [smem:$0x3FA6]  }
0x29: {  	s4 =	sld [smem:$0x3FA8]  }
0x2a: {  	p0 =	seq.s32 s5, $0x0;
	s5 =	sld [smem:$0x3FA9]  }
0x2b: {  	s6 =	sld [smem:$0x3FAA]  }
0x2c: {  	s7 =	sld [smem:$0x3FAB]  }
0x2d: {  	s3 =	simm.s32 $0x108;
	s8 =	sld [smem:$0x3FAC]  }
0x2e: {  	s3 =	simm.s32 @!p0 $0x1082;
	s9 =	sld [smem:$0x3FAD]  }
0x2f: {  	lr =	sadd.s32 s0, s3;
	s0 =	sld [smem:$0x3FA4]  }
0x30: {  	s3 =	sld [smem:$0x3FA7]  }
0x31: {  	[smem:$0x3FB0] =	sst s10  }
0x32: {  	s10 =	sld [smem:$0x3FAE];
	_ =	sdelay $0x3  }
0x33: {  	p0 =	seq.s32 s10, $0x1;
	s10 =	sld [smem:$0x3FB0];
	_ =	sdelay $0x3  }
0x34: {  	[smem:$0x3FB0] =	sst s10  }
0x35: {  	s10 =	sld [smem:$0x3FAF];
	_ =	sdelay $0x3  }
0x36: {  	p1 =	seq.s32 s10, $0x1;
	s10 =	sld [smem:$0x3FB0];
	_ =	sdelay $0x3  }
0x37: {  	[smem:$0x3FB0] =	sst s10  }
0x38: {  	s10 =	sld [smem:$0x3FB1]  }
0x39: {  	_ = 	snop;
	(pc) =	sbr.ind lr, $3  }
0x3a: {  	_ = 	snop  }
0x3b: {  	_ = 	snop  }
0x3c: {  	p2 =	seq.s32 s10, $0x1;
	s10 =	sld [smem:$0x3FB0]  }
0x3d: {  	_ =	shalt  }
0x3e: {  	_ =	shalt  }
0x3f: {  	_ =	shalt  }
0x40: {  	_ =	shalt  }
0x41: {  	_ =	shalt  }
0x42: {  	_ =	shalt  }
0x43: {  	_ =	shalt  }
0x44: {  	_ =	shalt  }
0x45: {  	_ =	shalt  }
0x46: {  	_ =	shalt  }
0x47: {  	_ =	shalt  }
0x48: {  	_ =	shalt  }
0x49: {  	_ =	shalt  }
0x4a: {  	_ =	shalt  }
0x4b: {  	_ =	shalt  }
0x4c: {  	_ =	shalt  }
0x4d: {  	_ =	shalt  }
0x4e: {  	_ =	shalt  }
0x4f: {  	_ =	shalt  }
0x50: {  	_ =	shalt  }
0x51: {  	_ =	shalt  }
0x52: {  	_ =	shalt  }
0x53: {  	_ =	shalt  }
0x54: {  	_ =	shalt  }
0x55: {  	_ =	shalt  }
0x56: {  	_ =	shalt  }
0x57: {  	_ =	shalt  }
0x58: {  	_ =	shalt  }
0x59: {  	_ =	shalt  }
0x5a: {  	_ =	shalt  }
0x5b: {  	_ =	shalt  }
0x5c: {  	_ =	shalt  }
0x5d: {  	_ =	shalt  }
0x5e: {  	_ =	shalt  }
0x5f: {  	_ =	shalt  }
0x60: {  	_ =	shalt  }
0x61: {  	_ =	shalt  }
0x62: {  	_ =	shalt  }
0x63: {  	_ =	shalt  }
0x64: {  	_ =	shalt  }
0x65: {  	_ =	shalt  }
0x66: {  	_ =	shalt  }
0x67: {  	_ =	shalt  }
0x68: {  	_ =	shalt  }
0x69: {  	_ =	shalt  }
0x6a: {  	_ =	shalt  }
0x6b: {  	_ =	shalt  }
0x6c: {  	_ =	shalt  }
0x6d: {  	_ =	shalt  }
0x6e: {  	_ =	shalt  }
0x6f: {  	_ =	shalt  }
0x70: {  	_ =	shalt  }
0x71: {  	_ =	shalt  }
0x72: {  	_ =	shalt  }
0x73: {  	_ =	shalt  }
0x74: {  	_ =	shalt  }
0x75: {  	_ =	shalt  }
0x76: {  	_ =	shalt  }
0x77: {  	_ =	shalt  }
0x78: {  	_ =	shalt  }
0x79: {  	_ =	shalt  }
0x7a: {  	_ =	shalt  }
0x7b: {  	_ =	shalt  }
0x7c: {  	_ =	shalt  }
0x7d: {  	_ =	shalt  }
0x7e: {  	_ =	shalt  }
0x7f: {  	_ =	shalt  }
0x80: {  	_ =	shalt  }
0x81: {  	_ =	shalt  }
0x82: {  	_ =	shalt  }
0x83: {  	_ =	shalt  }
0x84: {  	_ =	shalt  }
0x85: {  	_ =	shalt  }
0x86: {  	_ =	shalt  }
0x87: {  	_ =	shalt  }
.Lfunc_end0:
.L_simem_size_0:
called_computation.2_lowered:
.L_overlay_start_0:
0x88: {  	s2 =	sld [smem:$0x3FD9]  }
0x89: {  	s3 =	sld [smem:$0x3FFE];
	_ =	sdelay $0x1  }
0x8a: {  	s1 =	srdreg.scid  }
0x8b: {  	s0 =	sand.u32 $0x1, s1  }
0x8c: {  	s15 =	sshll.u32 s0, $0xA;
	s2 =	sadd.s32 s3, s2  }
0x8d: {  	s2 =	sadd.s32 s2, s15  }
0x8e: {  	[smem:$0x3FBC] =	sst s2  }
0x8f: {  	_ = 	snop  }
0x90: {  	s2 =	sld [smem:$0x3FD0];
	_ =	sdelay $0x2  }
0x91: {  	s16 =	simm.s32 $0xE;
	s4 =	simm.s32 $0x10  }
0x92: {  	[smem:s4], [sflag:s16] =	dma.local [hbm:s2], $0x1  }
0x93: {  	_ =	swait.eq [sflag:s16], $0x1  }
0x94: {  	[sflag:s16] =	ssyncset.done $0x0  }
0x95: {  	[sflag:s16] =	ssyncadd.s32 $0xFFFFFFFF  }
0x96: {  	s17 =	sld [smem:$0x10];
	(tm) =	ssettm $0x1  }
0x97: {  	s18 =	sld [smem:$0x3FFB];
	_ =	sdelay $0x3  }
0x98: {  	_ =	strace s18  }
0x99: {  	s2 =	sld [smem:$0x3FFC];
	_ =	sdelay $0x3  }
0x9a: {  	_ =	strace s2  }
0x9b: {  	s2 =	sld [smem:$0x3FFD];
	_ =	sdelay $0x3  }
0x9c: {  	_ =	strace s2  }
0x9d: {  	_ =	strace $0x8FFFFFFF  }
0x9e: {  	s19 =	sld [smem:$0x3FDB];
	_ =	sdelay $0x1  }
0x9f: {  	s20 =	simm.s32 $_scs_section_size  }
0xa0: {  	s5 =	simm.s32 $_size__tile_overlayer_lowered;
	s6 =	simm.s32 $_tile_overlayer_lowered  }
0xa1: {  	s7 =	simm.s32 $0x1BFF;
	s21 =	sshll.u32 s6, $0x1;
	s4 =	sadd.s32 s20, s19  }
0xa2: {  	s22 =	simm.s32 $0x0;
	s5 =	sshll.u32 s5, $0x1;
	s6 =	sadd.s32 s21, s4  }
0xa3: {  	[timem:s22], [sflag:s7] =	dma.local [hbm:s6], s5  }
0xa4: {  	_ =	swait.ge [sflag:s7], s5  }
0xa5: {  	s5 =	ssub.s32 $0x0, s5;
	[sflag:s7] =	ssyncset.done $0x0  }
0xa6: {  	[sflag:s7] =	ssyncadd.s32 s5;
	_ =	sdelay $0x1  }
0xa7: {  	s23 =	simm.s32 $0x1B8B  }
0xa8: {  	_ =	swait.ge [sflag:s23], $0x1  }
0xa9: {  	[sflag:s23] =	ssyncset.done $0x0  }
0xaa: {  	[sflag:s23] =	ssyncadd.s32 $0xFFFFFFFF  }
0xab: {  	s5 =	sld [smem:$0x0]  }
0xac: {  	s6 =	sand.u32 $0xFFFFFFFE, s1  }
0xad: {  	p0 =	sne.s32 s1, s6  }
0xae: {  	s6 =	sshll.u32 @p0 s6, $0xE  }
0xaf: {  	s6 =	sadd.s32 @p0 $0x11B8D, s6;
	s7 =	sshll.u32 @p0 s5, $0x11  }
0xb0: {  	s6 =	sor.u32 @p0 s7, s6  }
0xb1: {  	[sflag:s6] =	ssyncadd.remote.s32 @p0 $0x1;
	_ =	sdelay $0x1  }
0xb2: {  	s6 =	simm.s32 @p0 $0x1B8D  }
0xb3: {  	_ =	swait.eq @p0 [sflag:s6], $0x1  }
0xb4: {  	[sflag:s6] =	ssyncadd.s32 @p0 $0xFFFFFFFF  }
0xb5: {  	s7 =	sshll.u32 @!p0 s1, $0xE  }
0xb6: {  	s7 =	sor.u32 @!p0 $0x4000, s7;
	s6 =	simm.s32 @!p0 $0x1B8D  }
0xb7: {  	s5 =	sshll.u32 @!p0 s5, $0x11;
	s7 =	sadd.s32 @!p0 $0x11B8D, s7;
	_ =	swait.eq @!p0 [sflag:s6], $0x1  }
0xb8: {  	s5 =	sor.u32 @!p0 s5, s7;
	[sflag:s6] =	ssyncadd.s32 @!p0 $0xFFFFFFFF  }
0xb9: {  	s25 =	simm.s32 $0x1B8E;
	s24 =	sld [smem:$0x3FFE];
	[sflag:s5] =	ssyncadd.remote.s32 @!p0 $0x1  }
0xba: {  	s26 =	simm.s32 $execute0_lowered;
	[smem:$0x3FD2] =	sst s25  }
0xbb: {  	s6 =	sshll.u32 s26, $0x1;
	_ =	strace $0x8000004C;
	[dreg:$0x1] =	wrdreg $0xFFFFFFFF  }
0xbc: {  	s28 =	simm.s32 $_size_execute0_lowered;
	s4 =	sadd.s32 s4, s6;
	[dreg:$0x0] =	wrdreg $0x0  }
0xbd: {  	s6 =	sshll.u32 s28, $0x1;
	[dreg:$0x2] =	wrdreg s4  }
0xbe: {  	[dreg:$0x3] =	wrdreg s6  }
0xbf: {  	[dreg:$0x4] =	wrdreg $0xC0  }
0xc0: {  	_ =	task [dreg:s22], $0x5FFFF  }
0xc1: {  	[dreg:$0x1] =	wrdreg $0xFFFFFFFF  }
0xc2: {  	[dreg:$0x0] =	wrdreg $0x60  }
0xc3: {  	[dreg:$0x2] =	wrdreg s17  }
0xc4: {  	[dreg:$0x3] =	wrdreg s24  }
0xc5: {  	[dreg:$0x4] =	wrdreg $0xB  }
0xc6: {  	_ =	task.clear_ibuf [dreg:s22], $0x5FFFF;
	_ =	strace $0x9000004C  }
0xc7: {  	s29 =	simm.s32 $0xB;
	_ =	strace $0x8000004E  }
0xc8: {  	_ =	swait.ge [sflag:s29], $0x1  }
0xc9: {  	[sflag:s29] =	ssyncadd.s32 $0xFFFFFFFF  }
0xca: {  	_ =	strace $0x9000004E  }
0xcb: {  	_ =	sfence  }
0xcc: {  	s30 =	sld [smem:$0x0];
	_ =	sdelay $0x2  }
0xcd: {  	s31 =	sshll.u32 s1, $0xD;
	s1 =	sshrl.u32 s1, $0x2  }
0xce: {  	s4 =	sand.u32 $0x4000, s31;
	s1 =	sadd.s32 s1, s30  }
0xcf: {  	s0 =	sor.u32 s4, s0;
	s1 =	sshll.u32 s1, $0x11  }
0xd0: {  	s0 =	sor.u32 s1, s0  }
0xd1: {  	s0 =	sadd.s32 $0x8F2B, s0  }
0xd2: {  	[sflag:s0] =	ssyncadd.remote.s32 $0x1  }
0xd3: {  	_ =	sfence.sel $0xFFFF  }
0xd4: {  	[dreg:$0x0] =	wrdreg $0xFFFFFFFF;
	(pc) =	sbr.abs _section_cstart, $3  }
0xd5: {  	[dreg:$0x1] =	wrdreg $0xFFFFFFFF  }
0xd6: {  	_ =	task.clear_ibuf [dreg:s22], $0x2FFFF;
	_ =	strace $0x9FFFFFFF  }
0xd7: {  	(tm) =	ssettm $0x7FFFFFFF  }
tec
execute0_lowered:
.L_overlay_start_1:
0x0: {  	(tag) =	ssettag $0x1  }
0x1: {  	s2 =	rddreg [dreg:$0x0]  }
0x2: {  	s5 =	rddreg [dreg:$0x1]  }
0x3: {  	s0 =	rddreg [dreg:$0x2]  }
0x4: {  	s4 =	srdreg.scid;
	s1 =	stileid.u32  }
0x5: {  	s3 =	simm.s32 $0x0;
	s10 =	simm.s32 $0x1000;
	s11 =	simm.s32 $0x50  }
0x6: {  	s12 =	simm.s32 $0x2000;
	s13 =	simm.s32 $0x4800;
	s14 =	simm.s32 $0x4  }
0x7: {  	s15 =	simm.s32 $0x5;
	s16 =	simm.s32 $0xE800;
	s17 =	simm.s32 $0x3  }
0x8: {  	s18 =	simm.s32 $0x6;
	s19 =	simm.s32 $0x1;
	s20 =	simm.s32 $0x2  }
0x9: {  	s21 =	simm.s32 $0xC000;
	s6 =	sand.u32 $0x1, s4;
	s31 =	sshll.u32 s1, $0x1  }
0xa: {  	s22 =	simm.s32 $0x0;
	[smem:$0x7FF] =	sst s3;
	s4 =	sor.u32 s6, s31  }
.Ltmp0:
0xb: {  	_ =	strace $0x8000004D;
	s6 =	ssub.s32 $0x2, s6;
	(pc) =	sbr.rel .LBB2_1-.Ltmp0, $4  }
0xc: {  	s7 =	sshll.u32 s4, $0x9;
	s8 =	smul.u32 $0x7D00, s4;
	s9 =	sshrl.u32 s6, $0x1  }
0xd: {  	s4 =	sadd.s32 $0xC200, s5;
	s7 =	sadd.s32 s7, s5;
	s9 =	ssub.s32 s6, s9  }
0xe: {  	s8 =	sadd.s32 s8, s5;
	s5 =	sadd.s32 $0x139400, s7;
	s6 =	sadd.s32 $0x135400, s7  }
0xf: {  	s7 =	sadd.s32 $0x247400, s8;
	s8 =	smax.u32 s9, $0x1;
	s9 =	simm.s32 $0x7  }
.LBB2_10:
0x10: {  	s22 =	sadd.s32 $0x1, s22  }
0x11: {  	_ =	swait.ge [sflag:s17], $0x2800;
	p0 =	sne.s32 s22, s8  }
.Ltmp1:
0x12: {  	[sflag:s17] =	ssyncset.done $0x0;
	(pc) =	sbr.rel @!p0 .LBB2_11-.Ltmp1, $4  }
0x13: {  	[sflag:s17] =	ssyncadd.s32 $0xFFFFD800  }
0x14: {  	_ =	swait.ge [sflag:s18], $0x2800  }
0x15: {  	[sflag:s18] =	ssyncset.done $0x0  }
0x16: {  	[sflag:s18] =	ssyncadd.s32 $0xFFFFD800  }
.LBB2_1:
0x17: {  	[tilespmem:s3], [sflag:$0x7] =	stream.linear.gather [hbm4b:s5+s3], $0xC80, $0x38;
	[tilespmem:$0x11000] =	vst v63  }
0x18: {  	_ =	swait.ge [sflag:s9], $0xC80  }
0x19: {  	[sflag:s9] =	ssyncset.done $0x0  }
0x1a: {  	[sflag:s9] =	ssyncadd.s32 $0xFFFFF380  }
0x1b: {  	[tilespmem:s10], [sflag:$0x7] =	stream.linear.gather [hbm4b:s6+s3], $0xC80, $0x38;
	[tilespmem:$0x11000] =	vst v63  }
0x1c: {  	_ =	swait.ge [sflag:s9], $0xC80  }
.Ltmp2:
0x1d: {  	[sflag:s9] =	ssyncset.done $0x0;
	(pc) =	sbr.rel .LBB2_2-.Ltmp2, $4  }
0x1e: {  	[sflag:s9] =	ssyncadd.s32 $0xFFFFF380  }
0x1f: {  	[tilespmem:s12], [sflag:$0x1] =	stream.indirect.gather [hbm4b:s2+s11], $0x80, s3, s11, $0xb8;
	[tilespmem:$0x11000] =	vst v63  }
0x20: {  	s23 =	simm.s32 $0x0  }
0x21: {  	[tilespmem:s13], [sflag:$0x2] =	stream.indirect.gather [hbm4b:s4+s11], $0x80, s10, s11, $0xb8;
	[tilespmem:$0x11000] =	vst v63  }
.LBB2_9:
0x22: {  	s23 =	sadd.s32 $0x1, s23  }
0x23: {  	p0 =	sne.s32 s23, $0x19  }
.Ltmp3:
0x24: {  	_ = 	snop;
	(pc) =	sbr.rel @!p0 .LBB2_10-.Ltmp3, $1  }
0x25: {  	_ =	sdelay $0x3  }
.LBB2_2:
0x26: {  	s24 =	sand.u32 $0x1, s23  }
0x27: {  	p0 =	seq.s32 s24, $0x1  }
.Ltmp4:
0x28: {  	_ = 	snop;
	(pc) =	sbr.rel @p0 .LBB2_6-.Ltmp4, $1  }
0x29: {  	_ =	sdelay $0x3  }
0x2a: {  	p0 =	seq.s32 s23, $0x18  }
0x2b: {  	s25 =	sshll.u32 @!p0 s23, $0x7  }
0x2c: {  	s28 =	simm.s32 @!p0 $0x50;
	s29 =	simm.s32 @!p0 $0x7000;
	s26 =	sor.u32 @!p0 $0x80, s25  }
0x2d: {  	[tilespmem:s29], [sflag:$0x4] =	stream.indirect.gather @!p0 [hbm4b:s2+s28], $0x80, s26, s28, $0xb8;
	[tilespmem:$0x11000] =	vst v63  }
0x2e: {  	s25 =	sadd.s32 @!p0 $0x1080, s25;
	s26 =	simm.s32 @!p0 $0x9800  }
0x2f: {  	[tilespmem:s26], [sflag:$0x5] =	stream.indirect.gather @!p0 [hbm4b:s4+s28], $0x80, s25, s28, $0xb8;
	[tilespmem:$0x11000] =	vst v63  }
0x30: {  	_ =	swait.ge [sflag:s19], $0x2800  }
0x31: {  	[sflag:s19] =	ssyncset.done $0x0  }
0x32: {  	[sflag:s19] =	ssyncadd.s32 $0xFFFFD800  }
0x33: {  	_ =	swait.ge [sflag:s20], $0x2800  }
0x34: {  	p0 =	slt.u32 s23, $0x2;
	[sflag:s20] =	ssyncset.done $0x0  }
0x35: {  	s25 =	simm.s32 @!p0 $0x3;
	[sflag:s20] =	ssyncadd.s32 $0xFFFFD800  }
0x36: {  	_ =	swait.ge @!p0 [sflag:s25], $0x2800  }
0x37: {  	[sflag:s25] =	ssyncset.done @!p0 $0x0  }
0x38: {  	[sflag:s25] =	ssyncadd.s32 @!p0 $0xFFFFD800;
	s25 =	simm.s32 $0x0  }
0x39: {  	v0 =	vld [tilespmem:s25+$0x2070]  }
0x3a: {  	v1 =	vld [tilespmem:s25+$0x4870]  }
0x3b: {  	v2 =	vld [tilespmem:s25+$0x2000]  }
0x3c: {  	v3 =	vld [tilespmem:s25+$0x4800]  }
0x3d: {  	v4 =	vld [tilespmem:s25+$0x2010]  }
0x3e: {  	v5 =	vld [tilespmem:s25+$0x4810]  }
0x3f: {  	v6 =	vld [tilespmem:s25+$0x2020]  }
0x40: {  	v7 =	vld [tilespmem:s25+$0x2030]  }
0x41: {  	v0 =	vadd.f32 v1, v0;
	v1 =	vld [tilespmem:s25+$0x4820]  }
0x42: {  	v8 =	vld [tilespmem:s25+$0x4830]  }
0x43: {  	v9 =	vld [tilespmem:s25+$0x4840];
	v2 =	vadd.f32 v3, v2  }
0x44: {  	[tilespmem:s25+$0xC070] =	vst v0;
	v0 =	vadd.f32 v5, v4;
	v5 =	vld [tilespmem:s25+$0x2040]  }
0x45: {  	v3 =	vld [tilespmem:s25+$0x4850];
	[tilespmem:s25+$0xC000] =	vst v2  }
0x46: {  	v2 =	vld [tilespmem:s25+$0x2050];
	[tilespmem:s25+$0xC010] =	vst v0;
	v0 =	vadd.f32 v1, v6  }
0x47: {  	v4 =	vld [tilespmem:s25+$0x4860];
	v6 =	vadd.f32 v8, v7  }
0x48: {  	s26 =	simm.s32 $0x80;
	[tilespmem:s25+$0xC020] =	vst v0;
	v0 =	vld [tilespmem:s25+$0x2060]  }
0x49: {  	s28 =	simm.s32 $0x400;
	v5 =	vadd.f32 v9, v5;
	v1 =	vld [tilespmem:s26+$0x2070];
	[tilespmem:s25+$0xC030] =	vst v6  }
.LBB2_4:
0x4a: {  	p0 =	sne.s32 s28, $0x9E00;
	v6 =	vld [tilespmem:s26+$0x4870]  }
0x4b: {  	v7 =	vld [tilespmem:s26+$0x2000];
	[tilespmem:s25+$0xC040] =	vst v5;
	v2 =	vadd.f32 v3, v2  }
0x4c: {  	v3 =	vld [tilespmem:s26+$0x4800]  }
0x4d: {  	v5 =	vld [tilespmem:s26+$0x2010];
	[tilespmem:s25+$0xC050] =	vst v2;
	v0 =	vadd.f32 v4, v0  }
0x4e: {  	v2 =	vld [tilespmem:s26+$0x4810]  }
0x4f: {  	v4 =	vld [tilespmem:s26+$0x2020];
	v1 =	vadd.f32 v6, v1;
	[tilespmem:s25+$0xC060] =	vst v0;
	s25 =	smov.u32 s26  }
0x50: {  	v0 =	vld [tilespmem:s25+$0x4820]  }
0x51: {  	v3 =	vadd.f32 v3, v7;
	v6 =	vld [tilespmem:s25+$0x2030];
	[tilespmem:s25+$0xC070] =	vst v1  }
0x52: {  	v1 =	vld [tilespmem:s25+$0x4830]  }
0x53: {  	[tilespmem:s25+$0xC000] =	vst v3;
	v2 =	vadd.f32 v2, v5;
	v5 =	vld [tilespmem:s25+$0x2040]  }
0x54: {  	v7 =	vld [tilespmem:s25+$0x4840]  }
.Ltmp5:
0x55: {  	[tilespmem:s25+$0xC010] =	vst v2;
	v0 =	vadd.f32 v0, v4;
	v2 =	vld [tilespmem:s25+$0x2050];
	(pc) =	sbr.rel @p0 .LBB2_4-.Ltmp5, $4  }
0x56: {  	v3 =	vld [tilespmem:s25+$0x4850]  }
0x57: {  	[tilespmem:s25+$0xC020] =	vst v0;
	v6 =	vadd.f32 v1, v6;
	v0 =	vld [tilespmem:s25+$0x2060]  }
0x58: {  	s26 =	sshra.s32 s28, $0x2;
	v4 =	vld [tilespmem:s25+$0x4860]  }
0x59: {  	s28 =	sadd.s32 $0x200, s28;
	v1 =	vld [tilespmem:s26+$0x2070];
	[tilespmem:s25+$0xC030] =	vst v6;
	v5 =	vadd.f32 v7, v5  }
0x5a: {  	v6 =	vld [tilespmem:s26+$0x4870]  }
0x5b: {  	v7 =	vld [tilespmem:s26+$0x2000];
	[tilespmem:s25+$0xC040] =	vst v5;
	v2 =	vadd.f32 v3, v2  }
0x5c: {  	v51 =	vld [tilespmem:s26+$0x4800]  }
0x5d: {  	v5 =	vld [tilespmem:s26+$0x2010];
	[tilespmem:s25+$0xC050] =	vst v2;
	v0 =	vadd.f32 v4, v0  }
0x5e: {  	v2 =	vld [tilespmem:s26+$0x4810]  }
0x5f: {  	v52 =	vld [tilespmem:s26+$0x2020];
	[tilespmem:s25+$0xC060] =	vst v0  }
0x60: {  	v54 =	vld [tilespmem:s26+$0x4820]  }
0x61: {  	v55 =	vld [tilespmem:s26+$0x2030]  }
0x62: {  	v56 =	vld [tilespmem:s26+$0x4830]  }
0x63: {  	v57 =	vld [tilespmem:s26+$0x2040]  }
0x64: {  	v58 =	vld [tilespmem:s26+$0x4840]  }
0x65: {  	v59 =	vld [tilespmem:s26+$0x2050]  }
0x66: {  	v53 =	vadd.f32 v6, v1;
	v60 =	vld [tilespmem:s26+$0x4850]  }
0x67: {  	v61 =	vld [tilespmem:s26+$0x2060];
	v3 =	vadd.f32 v51, v7  }
0x68: {  	v62 =	vld [tilespmem:s26+$0x4860];
	[tilespmem:s26+$0xC070] =	vst v53;
	v2 =	vadd.f32 v2, v5  }
0x69: {  	[tilespmem:s26+$0xC000] =	vst v3;
	v1 =	vadd.f32 v54, v52  }
0x6a: {  	[tilespmem:s26+$0xC010] =	vst v2;
	v0 =	vadd.f32 v56, v55  }
0x6b: {  	p0 =	seq.s32 s24, $0x0;
	v3 =	vadd.f32 v58, v57;
	[tilespmem:s26+$0xC020] =	vst v1  }
.Ltmp6:
0x6c: {  	v63 =	vadd.f32 v60, v59;
	[tilespmem:s26+$0xC030] =	vst v0;
	(pc) =	sbr.rel @p0 .LBB2_9-.Ltmp6, $4  }
0x6d: {  	s31 =	smul.u32 $0x500, s23;
	[tilespmem:s26+$0xC040] =	vst v3;
	v1 =	vadd.f32 v62, v61  }
0x6e: {  	[tilespmem:s26+$0xC050] =	vst v63  }
0x6f: {  	s25 =	sadd.s32 s7, s31;
	[tilespmem:s26+$0xC060] =	vst v1  }
0x70: {  	[hbm4b:s25+s3] =	stream.linear.scatter [tilespmem:s21], [sflag:$0x3], $0x2800, $0x38;
	[tilespmem:$0x11000] =	vst v63  }
.LBB2_6:
0x71: {  	p0 =	seq.s32 s23, $0x18  }
0x72: {  	s24 =	sshll.u32 @!p0 s23, $0x7  }
0x73: {  	s26 =	simm.s32 @!p0 $0x50;
	s28 =	simm.s32 @!p0 $0x2000;
	s25 =	sadd.s32 @!p0 $0x80, s24  }
0x74: {  	[tilespmem:s28], [sflag:$0x1] =	stream.indirect.gather @!p0 [hbm4b:s2+s26], $0x80, s25, s26, $0xb8;
	[tilespmem:$0x11000] =	vst v63  }
0x75: {  	s24 =	sadd.s32 @!p0 $0x1080, s24;
	s25 =	simm.s32 @!p0 $0x4800  }
0x76: {  	[tilespmem:s25], [sflag:$0x2] =	stream.indirect.gather @!p0 [hbm4b:s4+s26], $0x80, s24, s26, $0xb8;
	[tilespmem:$0x11000] =	vst v63  }
0x77: {  	_ =	swait.ge [sflag:s14], $0x2800  }
0x78: {  	[sflag:s14] =	ssyncset.done $0x0  }
0x79: {  	[sflag:s14] =	ssyncadd.s32 $0xFFFFD800  }
0x7a: {  	_ =	swait.ge [sflag:s15], $0x2800  }
0x7b: {  	p0 =	slt.u32 s23, $0x2;
	[sflag:s15] =	ssyncset.done $0x0  }
0x7c: {  	s24 =	simm.s32 @!p0 $0x6;
	[sflag:s15] =	ssyncadd.s32 $0xFFFFD800  }
0x7d: {  	_ =	swait.ge @!p0 [sflag:s24], $0x2800  }
0x7e: {  	[sflag:s24] =	ssyncset.done @!p0 $0x0  }
0x7f: {  	[sflag:s24] =	ssyncadd.s32 @!p0 $0xFFFFD800;
	s24 =	simm.s32 $0x0  }
0x80: {  	v0 =	vld [tilespmem:s24+$0x7070]  }
0x81: {  	v1 =	vld [tilespmem:s24+$0x9870]  }
0x82: {  	v2 =	vld [tilespmem:s24+$0x7000]  }
0x83: {  	v3 =	vld [tilespmem:s24+$0x9800]  }
0x84: {  	v4 =	vld [tilespmem:s24+$0x7010]  }
0x85: {  	v5 =	vld [tilespmem:s24+$0x9810]  }
0x86: {  	v6 =	vld [tilespmem:s24+$0x7020]  }
0x87: {  	v7 =	vld [tilespmem:s24+$0x7030]  }
0x88: {  	v0 =	vadd.f32 v1, v0;
	v1 =	vld [tilespmem:s24+$0x9820]  }
0x89: {  	v8 =	vld [tilespmem:s24+$0x9830]  }
0x8a: {  	v9 =	vld [tilespmem:s24+$0x9840];
	v2 =	vadd.f32 v3, v2  }
0x8b: {  	[tilespmem:s24+$0xE870] =	vst v0;
	v0 =	vadd.f32 v5, v4;
	v5 =	vld [tilespmem:s24+$0x7040]  }
0x8c: {  	v3 =	vld [tilespmem:s24+$0x9850];
	[tilespmem:s24+$0xE800] =	vst v2  }
0x8d: {  	v2 =	vld [tilespmem:s24+$0x7050];
	[tilespmem:s24+$0xE810] =	vst v0;
	v0 =	vadd.f32 v1, v6  }
0x8e: {  	v4 =	vld [tilespmem:s24+$0x9860];
	v6 =	vadd.f32 v8, v7  }
0x8f: {  	s25 =	simm.s32 $0x80;
	[tilespmem:s24+$0xE820] =	vst v0;
	v0 =	vld [tilespmem:s24+$0x7060]  }
0x90: {  	s26 =	simm.s32 $0x400;
	v5 =	vadd.f32 v9, v5;
	v1 =	vld [tilespmem:s25+$0x7070];
	[tilespmem:s24+$0xE830] =	vst v6  }
.LBB2_7:
0x91: {  	p0 =	sne.s32 s26, $0x9E00;
	v6 =	vld [tilespmem:s25+$0x9870]  }
0x92: {  	v7 =	vld [tilespmem:s25+$0x7000];
	[tilespmem:s24+$0xE840] =	vst v5;
	v2 =	vadd.f32 v3, v2  }
0x93: {  	v3 =	vld [tilespmem:s25+$0x9800]  }
0x94: {  	v5 =	vld [tilespmem:s25+$0x7010];
	[tilespmem:s24+$0xE850] =	vst v2;
	v0 =	vadd.f32 v4, v0  }
0x95: {  	v2 =	vld [tilespmem:s25+$0x9810]  }
0x96: {  	v4 =	vld [tilespmem:s25+$0x7020];
	v1 =	vadd.f32 v6, v1;
	[tilespmem:s24+$0xE860] =	vst v0;
	s24 =	smov.u32 s25  }
0x97: {  	v0 =	vld [tilespmem:s24+$0x9820]  }
0x98: {  	v3 =	vadd.f32 v3, v7;
	v6 =	vld [tilespmem:s24+$0x7030];
	[tilespmem:s24+$0xE870] =	vst v1  }
0x99: {  	v1 =	vld [tilespmem:s24+$0x9830]  }
0x9a: {  	[tilespmem:s24+$0xE800] =	vst v3;
	v2 =	vadd.f32 v2, v5;
	v5 =	vld [tilespmem:s24+$0x7040]  }
0x9b: {  	v7 =	vld [tilespmem:s24+$0x9840]  }
.Ltmp7:
0x9c: {  	[tilespmem:s24+$0xE810] =	vst v2;
	v0 =	vadd.f32 v0, v4;
	v2 =	vld [tilespmem:s24+$0x7050];
	(pc) =	sbr.rel @p0 .LBB2_7-.Ltmp7, $4  }
0x9d: {  	v3 =	vld [tilespmem:s24+$0x9850]  }
0x9e: {  	[tilespmem:s24+$0xE820] =	vst v0;
	v6 =	vadd.f32 v1, v6;
	v0 =	vld [tilespmem:s24+$0x7060]  }
0x9f: {  	s25 =	sshra.s32 s26, $0x2;
	v4 =	vld [tilespmem:s24+$0x9860]  }
0xa0: {  	s26 =	sadd.s32 $0x200, s26;
	v1 =	vld [tilespmem:s25+$0x7070];
	[tilespmem:s24+$0xE830] =	vst v6;
	v5 =	vadd.f32 v7, v5  }
0xa1: {  	v6 =	vld [tilespmem:s25+$0x9870]  }
0xa2: {  	v7 =	vld [tilespmem:s25+$0x7000];
	[tilespmem:s24+$0xE840] =	vst v5;
	v2 =	vadd.f32 v3, v2  }
0xa3: {  	v51 =	vld [tilespmem:s25+$0x9800]  }
0xa4: {  	v5 =	vld [tilespmem:s25+$0x7010];
	[tilespmem:s24+$0xE850] =	vst v2;
	v0 =	vadd.f32 v4, v0  }
0xa5: {  	v2 =	vld [tilespmem:s25+$0x9810]  }
0xa6: {  	v52 =	vld [tilespmem:s25+$0x7020];
	[tilespmem:s24+$0xE860] =	vst v0  }
0xa7: {  	v54 =	vld [tilespmem:s25+$0x9820]  }
0xa8: {  	v55 =	vld [tilespmem:s25+$0x7030]  }
0xa9: {  	v56 =	vld [tilespmem:s25+$0x9830]  }
0xaa: {  	v57 =	vld [tilespmem:s25+$0x7040]  }
0xab: {  	v58 =	vld [tilespmem:s25+$0x9840]  }
0xac: {  	v59 =	vld [tilespmem:s25+$0x7050]  }
0xad: {  	v53 =	vadd.f32 v6, v1;
	v60 =	vld [tilespmem:s25+$0x9850]  }
0xae: {  	v61 =	vld [tilespmem:s25+$0x7060];
	v3 =	vadd.f32 v51, v7  }
0xaf: {  	v62 =	vld [tilespmem:s25+$0x9860];
	[tilespmem:s25+$0xE870] =	vst v53;
	v2 =	vadd.f32 v2, v5  }
0xb0: {  	[tilespmem:s25+$0xE800] =	vst v3;
	v1 =	vadd.f32 v54, v52  }
0xb1: {  	[tilespmem:s25+$0xE810] =	vst v2;
	v0 =	vadd.f32 v56, v55  }
0xb2: {  	v3 =	vadd.f32 v58, v57;
	[tilespmem:s25+$0xE820] =	vst v1  }
.Ltmp8:
0xb3: {  	v63 =	vadd.f32 v60, v59;
	[tilespmem:s25+$0xE830] =	vst v0;
	(pc) =	sbr.rel .LBB2_9-.Ltmp8, $4  }
0xb4: {  	s31 =	smul.u32 $0x500, s23;
	[tilespmem:s25+$0xE840] =	vst v3;
	v1 =	vadd.f32 v62, v61  }
0xb5: {  	[tilespmem:s25+$0xE850] =	vst v63  }
0xb6: {  	s24 =	sadd.s32 s7, s31;
	[tilespmem:s25+$0xE860] =	vst v1  }
0xb7: {  	[hbm4b:s24+s3] =	stream.linear.scatter [tilespmem:s16], [sflag:$0x6], $0x2800, $0x38;
	[tilespmem:$0x11000] =	vst v63  }
.LBB2_11:
0xb8: {  	_ =	sfence.sel $0x180000  }
0xb9: {  	[bflag:$0x0] =	sbarrier.arrive $0xFFFF  }
0xba: {  	p0 =	sne.s32 s1, $0x0;
	_ =	strace $0x9000004D  }
0xbb: {  	s0 =	sadd.s32 @!p0 $0x100000, s0;
	[bflag:$0x2] =	sbarrier.arrive $0xFFFF  }
0xbc: {  	[sflag:s0] =	ssyncadd.tile.s32 @!p0 $0x1;
	_ =	shalt  }
.Lfunc_end2:
_tile_overlayer_lowered:
.L_overlay_start_2:
0xbd: {  	(tag) =	ssettag $0x2  }
0xbe: {  	s0 =	rddreg [dreg:$0x0];
	s2 =	stileid.u32  }
0xbf: {  	s1 =	rddreg [dreg:$0x1];
	p0 =	sne.s32 s2, $0x0  }
0xc0: {  	s3 =	rddreg [dreg:$0x2];
	[bflag:$0x3] =	sbarrier.arrive $0xFFFF;
	s2 =	simm.s32 @!p0 $0x1C07  }
0xc1: {  	[timem:s3], [sflag:s2] =	dma.local @!p0 [hbm:s0], s1  }
0xc2: {  	s0 =	simm.s32 @!p0 $0x7  }
0xc3: {  	_ =	swait.ge @!p0 [sflag:s0], s1  }
0xc4: {  	s1 =	ssub.s32 @!p0 $0x0, s1;
	[sflag:s0] =	ssyncset.done @!p0 $0x0  }
0xc5: {  	[sflag:s0] =	ssyncadd.s32 @!p0 s1  }
0xc6: {  	[bflag:$0x3] =	sbarrier.arrive $0xFFFF  }
0xc7: {  	_ =	shalt  }

// kernel: kernel.24.cloned.1.call-start
scs
__scs_entry_jumppad:
0x0: {  	(pc) =	sbr.rel $0x88, $3  }
0x1: {  	(tag) =	ssettag $0x0;
	lr =	simm.s32 $0x1  }
0x2: {  	[smem:$0x3F95] =	sst lr;
	_ =	strace $0xD0000000  }
0x3: {  	_ = 	snop  }
0x4: {  	_ = 	snop  }
0x5: {  	_ = 	snop  }
0x6: {  	_ = 	snop  }
0x7: {  	_ = 	snop  }
__scs_overlays_trampoline_lowered:
0x8: {  	[smem:$0x3FA4] =	sst s0  }
0x9: {  	[smem:$0x3FA5] =	sst s1  }
0xa: {  	[smem:$0x3FA6] =	sst s2  }
0xb: {  	[smem:$0x3FA7] =	sst s3  }
0xc: {  	[smem:$0x3FA8] =	sst s4  }
0xd: {  	[smem:$0x3FA9] =	sst s5  }
0xe: {  	[smem:$0x3FAA] =	sst s6  }
0xf: {  	[smem:$0x3FAB] =	sst s7  }
0x10: {  	[smem:$0x3FAC] =	sst s8  }
0x11: {  	[smem:$0x3FAD] =	sst s9;
	s0 =	simm.s32 @!p0 $0x0  }
0x12: {  	s1 =	sld [smem:$0x3F93];
	s0 =	simm.s32 @p0 $0x1  }
0x13: {  	[smem:$0x3FAE] =	sst s0;
	s0 =	simm.s32 @!p1 $0x0  }
0x14: {  	s2 =	sld [smem:$0x3F92];
	s0 =	simm.s32 @p1 $0x1  }
0x15: {  	[smem:$0x3FAF] =	sst s0;
	s0 =	simm.s32 @!p2 $0x0  }
0x16: {  	s3 =	sld [smem:$0x3FDB];
	s0 =	simm.s32 @p2 $0x1  }
0x17: {  	s4 =	simm.s32 $0x1BF5;
	[smem:$0x3FB1] =	sst s0  }
0x18: {  	s0 =	sld [smem:$0x3F94];
	_ =	swait.ge [sflag:s4], $0x0  }
0x19: {  	s7 =	sld [smem:$0x3F95]  }
0x1a: {  	s8 =	sadd.s32 $0xFFFFE003, lr  }
0x1b: {  	s9 =	sadd.s32 $0xFFFFFEF7, lr;
	s5 =	simm.s32 $0xFFFFFFFF;
	p2 =	slt.u32 s8, $0xFFFFF086  }
0x1c: {  	p1 =	slt.u32 s9, $0xF7A;
	s5 =	simm.s32 @!p2 $0x0  }
0x1d: {  	s5 =	simm.s32 @p1 $0x1;
	p0 =	seq.s32 s7, s2  }
0x1e: {  	s7 =	smul.u32 @!p0 $0xF7A, s2;
	p2 =	seq.s32 @!p0 s5, $0x0  }
0x1f: {  	s9 =	smul.u32 $0xF7A, s1;
	s8 =	simm.s32 @!p0 $0x1BF5;
	p2 =	por !p2, p0  }
0x20: {  	[sflag:s8] =	ssyncset.s32 @!p0 $0xFFFFF086;
	s6 =	sadd.s32 @!p0 s3, s7;
	s7 =	simm.s32 @!p0 $0x108  }
0x21: {  	s3 =	sadd.s32 s3, s9;
	s6 =	sadd.s32 @!p0 $0x88, s6;
	s7 =	simm.s32 @p2 $0x1082  }
0x22: {  	[simem:s7], [sflag:s8] =	dma.local @!p0 [hbm:s6], $0xF7A  }
0x23: {  	s9 =	sor.u32 $0xD0000000, s2;
	s6 =	simm.s32 $0x108;
	_ =	swait.ge @!p0 [sflag:s8], $0x0  }
0x24: {  	s3 =	sadd.s32 $0x88, s3;
	s6 =	simm.s32 @!p1 $0x1082;
	[sflag:s4] =	ssyncset.s32 $0xFFFFF086  }
0x25: {  	[simem:s6], [sflag:s4] =	dma.local [hbm:s3], $0xF7A  }
0x26: {  	[smem:$0x3F95] =	sst s1;
	(tag) =	ssettag s2;
	_ =	strace s9  }
0x27: {  	s1 =	sld [smem:$0x3FA5]  }
0x28: {  	s2 =	sld [smem:$0x3FA6]  }
0x29: {  	s4 =	sld [smem:$0x3FA8]  }
0x2a: {  	p0 =	seq.s32 s5, $0x0;
	s5 =	sld [smem:$0x3FA9]  }
0x2b: {  	s6 =	sld [smem:$0x3FAA]  }
0x2c: {  	s7 =	sld [smem:$0x3FAB]  }
0x2d: {  	s3 =	simm.s32 $0x108;
	s8 =	sld [smem:$0x3FAC]  }
0x2e: {  	s3 =	simm.s32 @!p0 $0x1082;
	s9 =	sld [smem:$0x3FAD]  }
0x2f: {  	lr =	sadd.s32 s0, s3;
	s0 =	sld [smem:$0x3FA4]  }
0x30: {  	s3 =	sld [smem:$0x3FA7]  }
0x31: {  	[smem:$0x3FB0] =	sst s10  }
0x32: {  	s10 =	sld [smem:$0x3FAE];
	_ =	sdelay $0x3  }
0x33: {  	p0 =	seq.s32 s10, $0x1;
	s10 =	sld [smem:$0x3FB0];
	_ =	sdelay $0x3  }
0x34: {  	[smem:$0x3FB0] =	sst s10  }
0x35: {  	s10 =	sld [smem:$0x3FAF];
	_ =	sdelay $0x3  }
0x36: {  	p1 =	seq.s32 s10, $0x1;
	s10 =	sld [smem:$0x3FB0];
	_ =	sdelay $0x3  }
0x37: {  	[smem:$0x3FB0] =	sst s10  }
0x38: {  	s10 =	sld [smem:$0x3FB1]  }
0x39: {  	_ = 	snop;
	(pc) =	sbr.ind lr, $3  }
0x3a: {  	_ = 	snop  }
0x3b: {  	_ = 	snop  }
0x3c: {  	p2 =	seq.s32 s10, $0x1;
	s10 =	sld [smem:$0x3FB0]  }
0x3d: {  	_ =	shalt  }
0x3e: {  	_ =	shalt  }
0x3f: {  	_ =	shalt  }
0x40: {  	_ =	shalt  }
0x41: {  	_ =	shalt  }
0x42: {  	_ =	shalt  }
0x43: {  	_ =	shalt  }
0x44: {  	_ =	shalt  }
0x45: {  	_ =	shalt  }
0x46: {  	_ =	shalt  }
0x47: {  	_ =	shalt  }
0x48: {  	_ =	shalt  }
0x49: {  	_ =	shalt  }
0x4a: {  	_ =	shalt  }
0x4b: {  	_ =	shalt  }
0x4c: {  	_ =	shalt  }
0x4d: {  	_ =	shalt  }
0x4e: {  	_ =	shalt  }
0x4f: {  	_ =	shalt  }
0x50: {  	_ =	shalt  }
0x51: {  	_ =	shalt  }
0x52: {  	_ =	shalt  }
0x53: {  	_ =	shalt  }
0x54: {  	_ =	shalt  }
0x55: {  	_ =	shalt  }
0x56: {  	_ =	shalt  }
0x57: {  	_ =	shalt  }
0x58: {  	_ =	shalt  }
0x59: {  	_ =	shalt  }
0x5a: {  	_ =	shalt  }
0x5b: {  	_ =	shalt  }
0x5c: {  	_ =	shalt  }
0x5d: {  	_ =	shalt  }
0x5e: {  	_ =	shalt  }
0x5f: {  	_ =	shalt  }
0x60: {  	_ =	shalt  }
0x61: {  	_ =	shalt  }
0x62: {  	_ =	shalt  }
0x63: {  	_ =	shalt  }
0x64: {  	_ =	shalt  }
0x65: {  	_ =	shalt  }
0x66: {  	_ =	shalt  }
0x67: {  	_ =	shalt  }
0x68: {  	_ =	shalt  }
0x69: {  	_ =	shalt  }
0x6a: {  	_ =	shalt  }
0x6b: {  	_ =	shalt  }
0x6c: {  	_ =	shalt  }
0x6d: {  	_ =	shalt  }
0x6e: {  	_ =	shalt  }
0x6f: {  	_ =	shalt  }
0x70: {  	_ =	shalt  }
0x71: {  	_ =	shalt  }
0x72: {  	_ =	shalt  }
0x73: {  	_ =	shalt  }
0x74: {  	_ =	shalt  }
0x75: {  	_ =	shalt  }
0x76: {  	_ =	shalt  }
0x77: {  	_ =	shalt  }
0x78: {  	_ =	shalt  }
0x79: {  	_ =	shalt  }
0x7a: {  	_ =	shalt  }
0x7b: {  	_ =	shalt  }
0x7c: {  	_ =	shalt  }
0x7d: {  	_ =	shalt  }
0x7e: {  	_ =	shalt  }
0x7f: {  	_ =	shalt  }
0x80: {  	_ =	shalt  }
0x81: {  	_ =	shalt  }
0x82: {  	_ =	shalt  }
0x83: {  	_ =	shalt  }
0x84: {  	_ =	shalt  }
0x85: {  	_ =	shalt  }
0x86: {  	_ =	shalt  }
0x87: {  	_ =	shalt  }
.Lfunc_end0:
.L_simem_size_0:
called_computation.3_lowered:
.L_overlay_start_0:
0x88: {  	s2 =	sld [smem:$0x3FD9]  }
0x89: {  	s3 =	sld [smem:$0x3FFE];
	_ =	sdelay $0x1  }
0x8a: {  	s1 =	srdreg.scid  }
0x8b: {  	s0 =	sand.u32 $0x1, s1  }
0x8c: {  	s15 =	sshll.u32 s0, $0xA;
	s2 =	sadd.s32 s3, s2  }
0x8d: {  	s2 =	sadd.s32 s2, s15  }
0x8e: {  	[smem:$0x3FBC] =	sst s2  }
0x8f: {  	_ = 	snop  }
0x90: {  	s2 =	sld [smem:$0x3FD0];
	_ =	sdelay $0x2  }
0x91: {  	s16 =	simm.s32 $0xE;
	s4 =	simm.s32 $0x10  }
0x92: {  	[smem:s4], [sflag:s16] =	dma.local [hbm:s2], $0x1  }
0x93: {  	_ =	swait.eq [sflag:s16], $0x1  }
0x94: {  	[sflag:s16] =	ssyncset.done $0x0  }
0x95: {  	[sflag:s16] =	ssyncadd.s32 $0xFFFFFFFF  }
0x96: {  	s17 =	sld [smem:$0x10];
	(tm) =	ssettm $0x1  }
0x97: {  	s18 =	sld [smem:$0x3FFB];
	_ =	sdelay $0x3  }
0x98: {  	_ =	strace s18  }
0x99: {  	s2 =	sld [smem:$0x3FFC];
	_ =	sdelay $0x3  }
0x9a: {  	_ =	strace s2  }
0x9b: {  	s2 =	sld [smem:$0x3FFD];
	_ =	sdelay $0x3  }
0x9c: {  	_ =	strace s2  }
0x9d: {  	_ =	strace $0x8FFFFFFF  }
0x9e: {  	s19 =	sld [smem:$0x3FDB];
	_ =	sdelay $0x1  }
0x9f: {  	s20 =	simm.s32 $_scs_section_size  }
0xa0: {  	s5 =	simm.s32 $_size__tile_overlayer_lowered;
	s6 =	simm.s32 $_tile_overlayer_lowered  }
0xa1: {  	s7 =	simm.s32 $0x1BFF;
	s21 =	sshll.u32 s6, $0x1;
	s4 =	sadd.s32 s20, s19  }
0xa2: {  	s22 =	simm.s32 $0x0;
	s5 =	sshll.u32 s5, $0x1;
	s6 =	sadd.s32 s21, s4  }
0xa3: {  	[timem:s22], [sflag:s7] =	dma.local [hbm:s6], s5  }
0xa4: {  	_ =	swait.ge [sflag:s7], s5  }
0xa5: {  	s5 =	ssub.s32 $0x0, s5;
	[sflag:s7] =	ssyncset.done $0x0  }
0xa6: {  	[sflag:s7] =	ssyncadd.s32 s5;
	_ =	sdelay $0x1  }
0xa7: {  	s23 =	simm.s32 $0x1B8B  }
0xa8: {  	_ =	swait.ge [sflag:s23], $0x1  }
0xa9: {  	[sflag:s23] =	ssyncset.done $0x0  }
0xaa: {  	[sflag:s23] =	ssyncadd.s32 $0xFFFFFFFF  }
0xab: {  	s5 =	sld [smem:$0x0]  }
0xac: {  	s6 =	sand.u32 $0xFFFFFFFE, s1  }
0xad: {  	p0 =	sne.s32 s1, s6  }
0xae: {  	s6 =	sshll.u32 @p0 s6, $0xE  }
0xaf: {  	s6 =	sadd.s32 @p0 $0x11B8D, s6;
	s7 =	sshll.u32 @p0 s5, $0x11  }
0xb0: {  	s6 =	sor.u32 @p0 s7, s6  }
0xb1: {  	[sflag:s6] =	ssyncadd.remote.s32 @p0 $0x1;
	_ =	sdelay $0x1  }
0xb2: {  	s6 =	simm.s32 @p0 $0x1B8D  }
0xb3: {  	_ =	swait.eq @p0 [sflag:s6], $0x1  }
0xb4: {  	[sflag:s6] =	ssyncadd.s32 @p0 $0xFFFFFFFF  }
0xb5: {  	s7 =	sshll.u32 @!p0 s1, $0xE  }
0xb6: {  	s7 =	sor.u32 @!p0 $0x4000, s7;
	s6 =	simm.s32 @!p0 $0x1B8D  }
0xb7: {  	s5 =	sshll.u32 @!p0 s5, $0x11;
	s7 =	sadd.s32 @!p0 $0x11B8D, s7;
	_ =	swait.eq @!p0 [sflag:s6], $0x1  }
0xb8: {  	s5 =	sor.u32 @!p0 s5, s7;
	[sflag:s6] =	ssyncadd.s32 @!p0 $0xFFFFFFFF  }
0xb9: {  	s25 =	simm.s32 $0x1B8E;
	s24 =	sld [smem:$0x3FFE];
	[sflag:s5] =	ssyncadd.remote.s32 @!p0 $0x1  }
0xba: {  	s26 =	simm.s32 $execute0_lowered;
	[smem:$0x3FD2] =	sst s25  }
0xbb: {  	s6 =	sshll.u32 s26, $0x1;
	_ =	strace $0x8000004F;
	[dreg:$0x1] =	wrdreg $0xFFFFFFFF  }
0xbc: {  	s28 =	simm.s32 $_size_execute0_lowered;
	s4 =	sadd.s32 s4, s6;
	[dreg:$0x0] =	wrdreg $0x0  }
0xbd: {  	s6 =	sshll.u32 s28, $0x1;
	[dreg:$0x2] =	wrdreg s4  }
0xbe: {  	[dreg:$0x3] =	wrdreg s6  }
0xbf: {  	[dreg:$0x4] =	wrdreg $0xC0  }
0xc0: {  	_ =	task [dreg:s22], $0x5FFFF  }
0xc1: {  	[dreg:$0x1] =	wrdreg $0xFFFFFFFF  }
0xc2: {  	[dreg:$0x0] =	wrdreg $0x60  }
0xc3: {  	[dreg:$0x2] =	wrdreg s17  }
0xc4: {  	[dreg:$0x3] =	wrdreg s24  }
0xc5: {  	[dreg:$0x4] =	wrdreg $0xC  }
0xc6: {  	_ =	task.clear_ibuf [dreg:s22], $0x5FFFF;
	_ =	strace $0x9000004F  }
0xc7: {  	s29 =	simm.s32 $0xC;
	_ =	strace $0x80000051  }
0xc8: {  	_ =	swait.ge [sflag:s29], $0x1  }
0xc9: {  	[sflag:s29] =	ssyncadd.s32 $0xFFFFFFFF  }
0xca: {  	_ =	strace $0x90000051  }
0xcb: {  	_ =	sfence  }
0xcc: {  	s30 =	sld [smem:$0x0];
	_ =	sdelay $0x2  }
0xcd: {  	s31 =	sshll.u32 s1, $0xD;
	s1 =	sshrl.u32 s1, $0x2  }
0xce: {  	s4 =	sand.u32 $0x4000, s31;
	s1 =	sadd.s32 s1, s30  }
0xcf: {  	s0 =	sor.u32 s4, s0;
	s1 =	sshll.u32 s1, $0x11  }
0xd0: {  	s0 =	sor.u32 s1, s0  }
0xd1: {  	s0 =	sadd.s32 $0x8F2B, s0  }
0xd2: {  	[sflag:s0] =	ssyncadd.remote.s32 $0x1  }
0xd3: {  	_ =	sfence.sel $0xFFFF  }
0xd4: {  	[dreg:$0x0] =	wrdreg $0xFFFFFFFF;
	(pc) =	sbr.abs _section_cstart, $3  }
0xd5: {  	[dreg:$0x1] =	wrdreg $0xFFFFFFFF  }
0xd6: {  	_ =	task.clear_ibuf [dreg:s22], $0x2FFFF;
	_ =	strace $0x9FFFFFFF  }
0xd7: {  	(tm) =	ssettm $0x7FFFFFFF  }
tec
execute0_lowered:
.L_overlay_start_1:
0x0: {  	(tag) =	ssettag $0x1  }
0x1: {  	s2 =	rddreg [dreg:$0x0]  }
0x2: {  	s5 =	rddreg [dreg:$0x1]  }
0x3: {  	s0 =	rddreg [dreg:$0x2]  }
0x4: {  	s4 =	srdreg.scid;
	s1 =	stileid.u32  }
0x5: {  	s3 =	simm.s32 $0x0;
	s10 =	simm.s32 $0x1000;
	s11 =	simm.s32 $0x50  }
0x6: {  	s12 =	simm.s32 $0x2000;
	s13 =	simm.s32 $0x4800;
	s14 =	simm.s32 $0x4  }
0x7: {  	s15 =	simm.s32 $0x5;
	s16 =	simm.s32 $0xE800;
	s17 =	simm.s32 $0x3  }
0x8: {  	s18 =	simm.s32 $0x6;
	s19 =	simm.s32 $0x1;
	s20 =	simm.s32 $0x2  }
0x9: {  	s21 =	simm.s32 $0xC000;
	s6 =	sand.u32 $0x1, s4;
	s31 =	sshll.u32 s1, $0x1  }
0xa: {  	s22 =	simm.s32 $0x0;
	[smem:$0x7FF] =	sst s3;
	s4 =	sor.u32 s6, s31  }
.Ltmp0:
0xb: {  	_ =	strace $0x80000050;
	s6 =	ssub.s32 $0x2, s6;
	(pc) =	sbr.rel .LBB2_1-.Ltmp0, $4  }
0xc: {  	s7 =	sshll.u32 s4, $0x9;
	s8 =	smul.u32 $0x7D00, s4;
	s9 =	sshrl.u32 s6, $0x1  }
0xd: {  	s4 =	sadd.s32 $0xC200, s5;
	s7 =	sadd.s32 s7, s5;
	s9 =	ssub.s32 s6, s9  }
0xe: {  	s8 =	sadd.s32 s8, s5;
	s5 =	sadd.s32 $0x141400, s7;
	s6 =	sadd.s32 $0x13D400, s7  }
0xf: {  	s7 =	sadd.s32 $0x341400, s8;
	s8 =	smax.u32 s9, $0x1;
	s9 =	simm.s32 $0x7  }
.LBB2_10:
0x10: {  	s22 =	sadd.s32 $0x1, s22  }
0x11: {  	_ =	swait.ge [sflag:s17], $0x2800;
	p0 =	sne.s32 s22, s8  }
.Ltmp1:
0x12: {  	[sflag:s17] =	ssyncset.done $0x0;
	(pc) =	sbr.rel @!p0 .LBB2_11-.Ltmp1, $4  }
0x13: {  	[sflag:s17] =	ssyncadd.s32 $0xFFFFD800  }
0x14: {  	_ =	swait.ge [sflag:s18], $0x2800  }
0x15: {  	[sflag:s18] =	ssyncset.done $0x0  }
0x16: {  	[sflag:s18] =	ssyncadd.s32 $0xFFFFD800  }
.LBB2_1:
0x17: {  	[tilespmem:s3], [sflag:$0x7] =	stream.linear.gather [hbm4b:s5+s3], $0xC80, $0x38;
	[tilespmem:$0x11000] =	vst v63  }
0x18: {  	_ =	swait.ge [sflag:s9], $0xC80  }
0x19: {  	[sflag:s9] =	ssyncset.done $0x0  }
0x1a: {  	[sflag:s9] =	ssyncadd.s32 $0xFFFFF380  }
0x1b: {  	[tilespmem:s10], [sflag:$0x7] =	stream.linear.gather [hbm4b:s6+s3], $0xC80, $0x38;
	[tilespmem:$0x11000] =	vst v63  }
0x1c: {  	_ =	swait.ge [sflag:s9], $0xC80  }
.Ltmp2:
0x1d: {  	[sflag:s9] =	ssyncset.done $0x0;
	(pc) =	sbr.rel .LBB2_2-.Ltmp2, $4  }
0x1e: {  	[sflag:s9] =	ssyncadd.s32 $0xFFFFF380  }
0x1f: {  	[tilespmem:s12], [sflag:$0x1] =	stream.indirect.gather [hbm4b:s2+s11], $0x80, s3, s11, $0xb8;
	[tilespmem:$0x11000] =	vst v63  }
0x20: {  	s23 =	simm.s32 $0x0  }
0x21: {  	[tilespmem:s13], [sflag:$0x2] =	stream.indirect.gather [hbm4b:s4+s11], $0x80, s10, s11, $0xb8;
	[tilespmem:$0x11000] =	vst v63  }
.LBB2_9:
0x22: {  	s23 =	sadd.s32 $0x1, s23  }
0x23: {  	p0 =	sne.s32 s23, $0x19  }
.Ltmp3:
0x24: {  	_ = 	snop;
	(pc) =	sbr.rel @!p0 .LBB2_10-.Ltmp3, $1  }
0x25: {  	_ =	sdelay $0x3  }
.LBB2_2:
0x26: {  	s24 =	sand.u32 $0x1, s23  }
0x27: {  	p0 =	seq.s32 s24, $0x1  }
.Ltmp4:
0x28: {  	_ = 	snop;
	(pc) =	sbr.rel @p0 .LBB2_6-.Ltmp4, $1  }
0x29: {  	_ =	sdelay $0x3  }
0x2a: {  	p0 =	seq.s32 s23, $0x18  }
0x2b: {  	s25 =	sshll.u32 @!p0 s23, $0x7  }
0x2c: {  	s28 =	simm.s32 @!p0 $0x50;
	s29 =	simm.s32 @!p0 $0x7000;
	s26 =	sor.u32 @!p0 $0x80, s25  }
0x2d: {  	[tilespmem:s29], [sflag:$0x4] =	stream.indirect.gather @!p0 [hbm4b:s2+s28], $0x80, s26, s28, $0xb8;
	[tilespmem:$0x11000] =	vst v63  }
0x2e: {  	s25 =	sadd.s32 @!p0 $0x1080, s25;
	s26 =	simm.s32 @!p0 $0x9800  }
0x2f: {  	[tilespmem:s26], [sflag:$0x5] =	stream.indirect.gather @!p0 [hbm4b:s4+s28], $0x80, s25, s28, $0xb8;
	[tilespmem:$0x11000] =	vst v63  }
0x30: {  	_ =	swait.ge [sflag:s19], $0x2800  }
0x31: {  	[sflag:s19] =	ssyncset.done $0x0  }
0x32: {  	[sflag:s19] =	ssyncadd.s32 $0xFFFFD800  }
0x33: {  	_ =	swait.ge [sflag:s20], $0x2800  }
0x34: {  	p0 =	slt.u32 s23, $0x2;
	[sflag:s20] =	ssyncset.done $0x0  }
0x35: {  	s25 =	simm.s32 @!p0 $0x3;
	[sflag:s20] =	ssyncadd.s32 $0xFFFFD800  }
0x36: {  	_ =	swait.ge @!p0 [sflag:s25], $0x2800  }
0x37: {  	[sflag:s25] =	ssyncset.done @!p0 $0x0  }
0x38: {  	[sflag:s25] =	ssyncadd.s32 @!p0 $0xFFFFD800;
	s25 =	simm.s32 $0x0  }
0x39: {  	v0 =	vld [tilespmem:s25+$0x2070]  }
0x3a: {  	v1 =	vld [tilespmem:s25+$0x4870]  }
0x3b: {  	v2 =	vld [tilespmem:s25+$0x2000]  }
0x3c: {  	v3 =	vld [tilespmem:s25+$0x4800]  }
0x3d: {  	v4 =	vld [tilespmem:s25+$0x2010]  }
0x3e: {  	v5 =	vld [tilespmem:s25+$0x4810]  }
0x3f: {  	v6 =	vld [tilespmem:s25+$0x2020]  }
0x40: {  	v7 =	vld [tilespmem:s25+$0x2030]  }
0x41: {  	v0 =	vadd.f32 v1, v0;
	v1 =	vld [tilespmem:s25+$0x4820]  }
0x42: {  	v8 =	vld [tilespmem:s25+$0x4830]  }
0x43: {  	v9 =	vld [tilespmem:s25+$0x4840];
	v2 =	vadd.f32 v3, v2  }
0x44: {  	[tilespmem:s25+$0xC070] =	vst v0;
	v0 =	vadd.f32 v5, v4;
	v5 =	vld [tilespmem:s25+$0x2040]  }
0x45: {  	v3 =	vld [tilespmem:s25+$0x4850];
	[tilespmem:s25+$0xC000] =	vst v2  }
0x46: {  	v2 =	vld [tilespmem:s25+$0x2050];
	[tilespmem:s25+$0xC010] =	vst v0;
	v0 =	vadd.f32 v1, v6  }
0x47: {  	v4 =	vld [tilespmem:s25+$0x4860];
	v6 =	vadd.f32 v8, v7  }
0x48: {  	s26 =	simm.s32 $0x80;
	[tilespmem:s25+$0xC020] =	vst v0;
	v0 =	vld [tilespmem:s25+$0x2060]  }
0x49: {  	s28 =	simm.s32 $0x400;
	v5 =	vadd.f32 v9, v5;
	v1 =	vld [tilespmem:s26+$0x2070];
	[tilespmem:s25+$0xC030] =	vst v6  }
.LBB2_4:
0x4a: {  	p0 =	sne.s32 s28, $0x9E00;
	v6 =	vld [tilespmem:s26+$0x4870]  }
0x4b: {  	v7 =	vld [tilespmem:s26+$0x2000];
	[tilespmem:s25+$0xC040] =	vst v5;
	v2 =	vadd.f32 v3, v2  }
0x4c: {  	v3 =	vld [tilespmem:s26+$0x4800]  }
0x4d: {  	v5 =	vld [tilespmem:s26+$0x2010];
	[tilespmem:s25+$0xC050] =	vst v2;
	v0 =	vadd.f32 v4, v0  }
0x4e: {  	v2 =	vld [tilespmem:s26+$0x4810]  }
0x4f: {  	v4 =	vld [tilespmem:s26+$0x2020];
	v1 =	vadd.f32 v6, v1;
	[tilespmem:s25+$0xC060] =	vst v0;
	s25 =	smov.u32 s26  }
0x50: {  	v0 =	vld [tilespmem:s25+$0x4820]  }
0x51: {  	v3 =	vadd.f32 v3, v7;
	v6 =	vld [tilespmem:s25+$0x2030];
	[tilespmem:s25+$0xC070] =	vst v1  }
0x52: {  	v1 =	vld [tilespmem:s25+$0x4830]  }
0x53: {  	[tilespmem:s25+$0xC000] =	vst v3;
	v2 =	vadd.f32 v2, v5;
	v5 =	vld [tilespmem:s25+$0x2040]  }
0x54: {  	v7 =	vld [tilespmem:s25+$0x4840]  }
.Ltmp5:
0x55: {  	[tilespmem:s25+$0xC010] =	vst v2;
	v0 =	vadd.f32 v0, v4;
	v2 =	vld [tilespmem:s25+$0x2050];
	(pc) =	sbr.rel @p0 .LBB2_4-.Ltmp5, $4  }
0x56: {  	v3 =	vld [tilespmem:s25+$0x4850]  }
0x57: {  	[tilespmem:s25+$0xC020] =	vst v0;
	v6 =	vadd.f32 v1, v6;
	v0 =	vld [tilespmem:s25+$0x2060]  }
0x58: {  	s26 =	sshra.s32 s28, $0x2;
	v4 =	vld [tilespmem:s25+$0x4860]  }
0x59: {  	s28 =	sadd.s32 $0x200, s28;
	v1 =	vld [tilespmem:s26+$0x2070];
	[tilespmem:s25+$0xC030] =	vst v6;
	v5 =	vadd.f32 v7, v5  }
0x5a: {  	v6 =	vld [tilespmem:s26+$0x4870]  }
0x5b: {  	v7 =	vld [tilespmem:s26+$0x2000];
	[tilespmem:s25+$0xC040] =	vst v5;
	v2 =	vadd.f32 v3, v2  }
0x5c: {  	v51 =	vld [tilespmem:s26+$0x4800]  }
0x5d: {  	v5 =	vld [tilespmem:s26+$0x2010];
	[tilespmem:s25+$0xC050] =	vst v2;
	v0 =	vadd.f32 v4, v0  }
0x5e: {  	v2 =	vld [tilespmem:s26+$0x4810]  }
0x5f: {  	v52 =	vld [tilespmem:s26+$0x2020];
	[tilespmem:s25+$0xC060] =	vst v0  }
0x60: {  	v54 =	vld [tilespmem:s26+$0x4820]  }
0x61: {  	v55 =	vld [tilespmem:s26+$0x2030]  }
0x62: {  	v56 =	vld [tilespmem:s26+$0x4830]  }
0x63: {  	v57 =	vld [tilespmem:s26+$0x2040]  }
0x64: {  	v58 =	vld [tilespmem:s26+$0x4840]  }
0x65: {  	v59 =	vld [tilespmem:s26+$0x2050]  }
0x66: {  	v53 =	vadd.f32 v6, v1;
	v60 =	vld [tilespmem:s26+$0x4850]  }
0x67: {  	v61 =	vld [tilespmem:s26+$0x2060];
	v3 =	vadd.f32 v51, v7  }
0x68: {  	v62 =	vld [tilespmem:s26+$0x4860];
	[tilespmem:s26+$0xC070] =	vst v53;
	v2 =	vadd.f32 v2, v5  }
0x69: {  	[tilespmem:s26+$0xC000] =	vst v3;
	v1 =	vadd.f32 v54, v52  }
0x6a: {  	[tilespmem:s26+$0xC010] =	vst v2;
	v0 =	vadd.f32 v56, v55  }
0x6b: {  	p0 =	seq.s32 s24, $0x0;
	v3 =	vadd.f32 v58, v57;
	[tilespmem:s26+$0xC020] =	vst v1  }
.Ltmp6:
0x6c: {  	v63 =	vadd.f32 v60, v59;
	[tilespmem:s26+$0xC030] =	vst v0;
	(pc) =	sbr.rel @p0 .LBB2_9-.Ltmp6, $4  }
0x6d: {  	s31 =	smul.u32 $0x500, s23;
	[tilespmem:s26+$0xC040] =	vst v3;
	v1 =	vadd.f32 v62, v61  }
0x6e: {  	[tilespmem:s26+$0xC050] =	vst v63  }
0x6f: {  	s25 =	sadd.s32 s7, s31;
	[tilespmem:s26+$0xC060] =	vst v1  }
0x70: {  	[hbm4b:s25+s3] =	stream.linear.scatter [tilespmem:s21], [sflag:$0x3], $0x2800, $0x38;
	[tilespmem:$0x11000] =	vst v63  }
.LBB2_6:
0x71: {  	p0 =	seq.s32 s23, $0x18  }
0x72: {  	s24 =	sshll.u32 @!p0 s23, $0x7  }
0x73: {  	s26 =	simm.s32 @!p0 $0x50;
	s28 =	simm.s32 @!p0 $0x2000;
	s25 =	sadd.s32 @!p0 $0x80, s24  }
0x74: {  	[tilespmem:s28], [sflag:$0x1] =	stream.indirect.gather @!p0 [hbm4b:s2+s26], $0x80, s25, s26, $0xb8;
	[tilespmem:$0x11000] =	vst v63  }
0x75: {  	s24 =	sadd.s32 @!p0 $0x1080, s24;
	s25 =	simm.s32 @!p0 $0x4800  }
0x76: {  	[tilespmem:s25], [sflag:$0x2] =	stream.indirect.gather @!p0 [hbm4b:s4+s26], $0x80, s24, s26, $0xb8;
	[tilespmem:$0x11000] =	vst v63  }
0x77: {  	_ =	swait.ge [sflag:s14], $0x2800  }
0x78: {  	[sflag:s14] =	ssyncset.done $0x0  }
0x79: {  	[sflag:s14] =	ssyncadd.s32 $0xFFFFD800  }
0x7a: {  	_ =	swait.ge [sflag:s15], $0x2800  }
0x7b: {  	p0 =	slt.u32 s23, $0x2;
	[sflag:s15] =	ssyncset.done $0x0  }
0x7c: {  	s24 =	simm.s32 @!p0 $0x6;
	[sflag:s15] =	ssyncadd.s32 $0xFFFFD800  }
0x7d: {  	_ =	swait.ge @!p0 [sflag:s24], $0x2800  }
0x7e: {  	[sflag:s24] =	ssyncset.done @!p0 $0x0  }
0x7f: {  	[sflag:s24] =	ssyncadd.s32 @!p0 $0xFFFFD800;
	s24 =	simm.s32 $0x0  }
0x80: {  	v0 =	vld [tilespmem:s24+$0x7070]  }
0x81: {  	v1 =	vld [tilespmem:s24+$0x9870]  }
0x82: {  	v2 =	vld [tilespmem:s24+$0x7000]  }
0x83: {  	v3 =	vld [tilespmem:s24+$0x9800]  }
0x84: {  	v4 =	vld [tilespmem:s24+$0x7010]  }
0x85: {  	v5 =	vld [tilespmem:s24+$0x9810]  }
0x86: {  	v6 =	vld [tilespmem:s24+$0x7020]  }
0x87: {  	v7 =	vld [tilespmem:s24+$0x7030]  }
0x88: {  	v0 =	vadd.f32 v1, v0;
	v1 =	vld [tilespmem:s24+$0x9820]  }
0x89: {  	v8 =	vld [tilespmem:s24+$0x9830]  }
0x8a: {  	v9 =	vld [tilespmem:s24+$0x9840];
	v2 =	vadd.f32 v3, v2  }
0x8b: {  	[tilespmem:s24+$0xE870] =	vst v0;
	v0 =	vadd.f32 v5, v4;
	v5 =	vld [tilespmem:s24+$0x7040]  }
0x8c: {  	v3 =	vld [tilespmem:s24+$0x9850];
	[tilespmem:s24+$0xE800] =	vst v2  }
0x8d: {  	v2 =	vld [tilespmem:s24+$0x7050];
	[tilespmem:s24+$0xE810] =	vst v0;
	v0 =	vadd.f32 v1, v6  }
0x8e: {  	v4 =	vld [tilespmem:s24+$0x9860];
	v6 =	vadd.f32 v8, v7  }
0x8f: {  	s25 =	simm.s32 $0x80;
	[tilespmem:s24+$0xE820] =	vst v0;
	v0 =	vld [tilespmem:s24+$0x7060]  }
0x90: {  	s26 =	simm.s32 $0x400;
	v5 =	vadd.f32 v9, v5;
	v1 =	vld [tilespmem:s25+$0x7070];
	[tilespmem:s24+$0xE830] =	vst v6  }
.LBB2_7:
0x91: {  	p0 =	sne.s32 s26, $0x9E00;
	v6 =	vld [tilespmem:s25+$0x9870]  }
0x92: {  	v7 =	vld [tilespmem:s25+$0x7000];
	[tilespmem:s24+$0xE840] =	vst v5;
	v2 =	vadd.f32 v3, v2  }
0x93: {  	v3 =	vld [tilespmem:s25+$0x9800]  }
0x94: {  	v5 =	vld [tilespmem:s25+$0x7010];
	[tilespmem:s24+$0xE850] =	vst v2;
	v0 =	vadd.f32 v4, v0  }
0x95: {  	v2 =	vld [tilespmem:s25+$0x9810]  }
0x96: {  	v4 =	vld [tilespmem:s25+$0x7020];
	v1 =	vadd.f32 v6, v1;
	[tilespmem:s24+$0xE860] =	vst v0;
	s24 =	smov.u32 s25  }
0x97: {  	v0 =	vld [tilespmem:s24+$0x9820]  }
0x98: {  	v3 =	vadd.f32 v3, v7;
	v6 =	vld [tilespmem:s24+$0x7030];
	[tilespmem:s24+$0xE870] =	vst v1  }
0x99: {  	v1 =	vld [tilespmem:s24+$0x9830]  }
0x9a: {  	[tilespmem:s24+$0xE800] =	vst v3;
	v2 =	vadd.f32 v2, v5;
	v5 =	vld [tilespmem:s24+$0x7040]  }
0x9b: {  	v7 =	vld [tilespmem:s24+$0x9840]  }
.Ltmp7:
0x9c: {  	[tilespmem:s24+$0xE810] =	vst v2;
	v0 =	vadd.f32 v0, v4;
	v2 =	vld [tilespmem:s24+$0x7050];
	(pc) =	sbr.rel @p0 .LBB2_7-.Ltmp7, $4  }
0x9d: {  	v3 =	vld [tilespmem:s24+$0x9850]  }
0x9e: {  	[tilespmem:s24+$0xE820] =	vst v0;
	v6 =	vadd.f32 v1, v6;
	v0 =	vld [tilespmem:s24+$0x7060]  }
0x9f: {  	s25 =	sshra.s32 s26, $0x2;
	v4 =	vld [tilespmem:s24+$0x9860]  }
0xa0: {  	s26 =	sadd.s32 $0x200, s26;
	v1 =	vld [tilespmem:s25+$0x7070];
	[tilespmem:s24+$0xE830] =	vst v6;
	v5 =	vadd.f32 v7, v5  }
0xa1: {  	v6 =	vld [tilespmem:s25+$0x9870]  }
0xa2: {  	v7 =	vld [tilespmem:s25+$0x7000];
	[tilespmem:s24+$0xE840] =	vst v5;
	v2 =	vadd.f32 v3, v2  }
0xa3: {  	v51 =	vld [tilespmem:s25+$0x9800]  }
0xa4: {  	v5 =	vld [tilespmem:s25+$0x7010];
	[tilespmem:s24+$0xE850] =	vst v2;
	v0 =	vadd.f32 v4, v0  }
0xa5: {  	v2 =	vld [tilespmem:s25+$0x9810]  }
0xa6: {  	v52 =	vld [tilespmem:s25+$0x7020];
	[tilespmem:s24+$0xE860] =	vst v0  }
0xa7: {  	v54 =	vld [tilespmem:s25+$0x9820]  }
0xa8: {  	v55 =	vld [tilespmem:s25+$0x7030]  }
0xa9: {  	v56 =	vld [tilespmem:s25+$0x9830]  }
0xaa: {  	v57 =	vld [tilespmem:s25+$0x7040]  }
0xab: {  	v58 =	vld [tilespmem:s25+$0x9840]  }
0xac: {  	v59 =	vld [tilespmem:s25+$0x7050]  }
0xad: {  	v53 =	vadd.f32 v6, v1;
	v60 =	vld [tilespmem:s25+$0x9850]  }
0xae: {  	v61 =	vld [tilespmem:s25+$0x7060];
	v3 =	vadd.f32 v51, v7  }
0xaf: {  	v62 =	vld [tilespmem:s25+$0x9860];
	[tilespmem:s25+$0xE870] =	vst v53;
	v2 =	vadd.f32 v2, v5  }
0xb0: {  	[tilespmem:s25+$0xE800] =	vst v3;
	v1 =	vadd.f32 v54, v52  }
0xb1: {  	[tilespmem:s25+$0xE810] =	vst v2;
	v0 =	vadd.f32 v56, v55  }
0xb2: {  	v3 =	vadd.f32 v58, v57;
	[tilespmem:s25+$0xE820] =	vst v1  }
.Ltmp8:
0xb3: {  	v63 =	vadd.f32 v60, v59;
	[tilespmem:s25+$0xE830] =	vst v0;
	(pc) =	sbr.rel .LBB2_9-.Ltmp8, $4  }
0xb4: {  	s31 =	smul.u32 $0x500, s23;
	[tilespmem:s25+$0xE840] =	vst v3;
	v1 =	vadd.f32 v62, v61  }
0xb5: {  	[tilespmem:s25+$0xE850] =	vst v63  }
0xb6: {  	s24 =	sadd.s32 s7, s31;
	[tilespmem:s25+$0xE860] =	vst v1  }
0xb7: {  	[hbm4b:s24+s3] =	stream.linear.scatter [tilespmem:s16], [sflag:$0x6], $0x2800, $0x38;
	[tilespmem:$0x11000] =	vst v63  }
.LBB2_11:
0xb8: {  	_ =	sfence.sel $0x180000  }
0xb9: {  	[bflag:$0x0] =	sbarrier.arrive $0xFFFF  }
0xba: {  	p0 =	sne.s32 s1, $0x0;
	_ =	strace $0x90000050  }
0xbb: {  	s0 =	sadd.s32 @!p0 $0x100000, s0;
	[bflag:$0x2] =	sbarrier.arrive $0xFFFF  }
0xbc: {  	[sflag:s0] =	ssyncadd.tile.s32 @!p0 $0x1;
	_ =	shalt  }
.Lfunc_end2:
_tile_overlayer_lowered:
.L_overlay_start_2:
0xbd: {  	(tag) =	ssettag $0x2  }
0xbe: {  	s0 =	rddreg [dreg:$0x0];
	s2 =	stileid.u32  }
0xbf: {  	s1 =	rddreg [dreg:$0x1];
	p0 =	sne.s32 s2, $0x0  }
0xc0: {  	s3 =	rddreg [dreg:$0x2];
	[bflag:$0x3] =	sbarrier.arrive $0xFFFF;
	s2 =	simm.s32 @!p0 $0x1C07  }
0xc1: {  	[timem:s3], [sflag:s2] =	dma.local @!p0 [hbm:s0], s1  }
0xc2: {  	s0 =	simm.s32 @!p0 $0x7  }
0xc3: {  	_ =	swait.ge @!p0 [sflag:s0], s1  }
0xc4: {  	s1 =	ssub.s32 @!p0 $0x0, s1;
	[sflag:s0] =	ssyncset.done @!p0 $0x0  }
0xc5: {  	[sflag:s0] =	ssyncadd.s32 @!p0 s1  }
0xc6: {  	[bflag:$0x3] =	sbarrier.arrive $0xFFFF  }
0xc7: {  	_ =	shalt  }

// kernel: kernel.27.cloned.1.call-start
scs
__scs_entry_jumppad:
0x0: {  	(pc) =	sbr.rel $0x88, $3  }
0x1: {  	(tag) =	ssettag $0x0;
	lr =	simm.s32 $0x1  }
0x2: {  	[smem:$0x3F95] =	sst lr;
	_ =	strace $0xD0000000  }
0x3: {  	_ = 	snop  }
0x4: {  	_ = 	snop  }
0x5: {  	_ = 	snop  }
0x6: {  	_ = 	snop  }
0x7: {  	_ = 	snop  }
__scs_overlays_trampoline_lowered:
0x8: {  	[smem:$0x3FA4] =	sst s0  }
0x9: {  	[smem:$0x3FA5] =	sst s1  }
0xa: {  	[smem:$0x3FA6] =	sst s2  }
0xb: {  	[smem:$0x3FA7] =	sst s3  }
0xc: {  	[smem:$0x3FA8] =	sst s4  }
0xd: {  	[smem:$0x3FA9] =	sst s5  }
0xe: {  	[smem:$0x3FAA] =	sst s6  }
0xf: {  	[smem:$0x3FAB] =	sst s7  }
0x10: {  	[smem:$0x3FAC] =	sst s8  }
0x11: {  	[smem:$0x3FAD] =	sst s9;
	s0 =	simm.s32 @!p0 $0x0  }
0x12: {  	s1 =	sld [smem:$0x3F93];
	s0 =	simm.s32 @p0 $0x1  }
0x13: {  	[smem:$0x3FAE] =	sst s0;
	s0 =	simm.s32 @!p1 $0x0  }
0x14: {  	s2 =	sld [smem:$0x3F92];
	s0 =	simm.s32 @p1 $0x1  }
0x15: {  	[smem:$0x3FAF] =	sst s0;
	s0 =	simm.s32 @!p2 $0x0  }
0x16: {  	s3 =	sld [smem:$0x3FDB];
	s0 =	simm.s32 @p2 $0x1  }
0x17: {  	s4 =	simm.s32 $0x1BF5;
	[smem:$0x3FB1] =	sst s0  }
0x18: {  	s0 =	sld [smem:$0x3F94];
	_ =	swait.ge [sflag:s4], $0x0  }
0x19: {  	s7 =	sld [smem:$0x3F95]  }
0x1a: {  	s8 =	sadd.s32 $0xFFFFE003, lr  }
0x1b: {  	s9 =	sadd.s32 $0xFFFFFEF7, lr;
	s5 =	simm.s32 $0xFFFFFFFF;
	p2 =	slt.u32 s8, $0xFFFFF086  }
0x1c: {  	p1 =	slt.u32 s9, $0xF7A;
	s5 =	simm.s32 @!p2 $0x0  }
0x1d: {  	s5 =	simm.s32 @p1 $0x1;
	p0 =	seq.s32 s7, s2  }
0x1e: {  	s7 =	smul.u32 @!p0 $0xF7A, s2;
	p2 =	seq.s32 @!p0 s5, $0x0  }
0x1f: {  	s9 =	smul.u32 $0xF7A, s1;
	s8 =	simm.s32 @!p0 $0x1BF5;
	p2 =	por !p2, p0  }
0x20: {  	[sflag:s8] =	ssyncset.s32 @!p0 $0xFFFFF086;
	s6 =	sadd.s32 @!p0 s3, s7;
	s7 =	simm.s32 @!p0 $0x108  }
0x21: {  	s3 =	sadd.s32 s3, s9;
	s6 =	sadd.s32 @!p0 $0x88, s6;
	s7 =	simm.s32 @p2 $0x1082  }
0x22: {  	[simem:s7], [sflag:s8] =	dma.local @!p0 [hbm:s6], $0xF7A  }
0x23: {  	s9 =	sor.u32 $0xD0000000, s2;
	s6 =	simm.s32 $0x108;
	_ =	swait.ge @!p0 [sflag:s8], $0x0  }
0x24: {  	s3 =	sadd.s32 $0x88, s3;
	s6 =	simm.s32 @!p1 $0x1082;
	[sflag:s4] =	ssyncset.s32 $0xFFFFF086  }
0x25: {  	[simem:s6], [sflag:s4] =	dma.local [hbm:s3], $0xF7A  }
0x26: {  	[smem:$0x3F95] =	sst s1;
	(tag) =	ssettag s2;
	_ =	strace s9  }
0x27: {  	s1 =	sld [smem:$0x3FA5]  }
0x28: {  	s2 =	sld [smem:$0x3FA6]  }
0x29: {  	s4 =	sld [smem:$0x3FA8]  }
0x2a: {  	p0 =	seq.s32 s5, $0x0;
	s5 =	sld [smem:$0x3FA9]  }
0x2b: {  	s6 =	sld [smem:$0x3FAA]  }
0x2c: {  	s7 =	sld [smem:$0x3FAB]  }
0x2d: {  	s3 =	simm.s32 $0x108;
	s8 =	sld [smem:$0x3FAC]  }
0x2e: {  	s3 =	simm.s32 @!p0 $0x1082;
	s9 =	sld [smem:$0x3FAD]  }
0x2f: {  	lr =	sadd.s32 s0, s3;
	s0 =	sld [smem:$0x3FA4]  }
0x30: {  	s3 =	sld [smem:$0x3FA7]  }
0x31: {  	[smem:$0x3FB0] =	sst s10  }
0x32: {  	s10 =	sld [smem:$0x3FAE];
	_ =	sdelay $0x3  }
0x33: {  	p0 =	seq.s32 s10, $0x1;
	s10 =	sld [smem:$0x3FB0];
	_ =	sdelay $0x3  }
0x34: {  	[smem:$0x3FB0] =	sst s10  }
0x35: {  	s10 =	sld [smem:$0x3FAF];
	_ =	sdelay $0x3  }
0x36: {  	p1 =	seq.s32 s10, $0x1;
	s10 =	sld [smem:$0x3FB0];
	_ =	sdelay $0x3  }
0x37: {  	[smem:$0x3FB0] =	sst s10  }
0x38: {  	s10 =	sld [smem:$0x3FB1]  }
0x39: {  	_ = 	snop;
	(pc) =	sbr.ind lr, $3  }
0x3a: {  	_ = 	snop  }
0x3b: {  	_ = 	snop  }
0x3c: {  	p2 =	seq.s32 s10, $0x1;
	s10 =	sld [smem:$0x3FB0]  }
0x3d: {  	_ =	shalt  }
0x3e: {  	_ =	shalt  }
0x3f: {  	_ =	shalt  }
0x40: {  	_ =	shalt  }
0x41: {  	_ =	shalt  }
0x42: {  	_ =	shalt  }
0x43: {  	_ =	shalt  }
0x44: {  	_ =	shalt  }
0x45: {  	_ =	shalt  }
0x46: {  	_ =	shalt  }
0x47: {  	_ =	shalt  }
0x48: {  	_ =	shalt  }
0x49: {  	_ =	shalt  }
0x4a: {  	_ =	shalt  }
0x4b: {  	_ =	shalt  }
0x4c: {  	_ =	shalt  }
0x4d: {  	_ =	shalt  }
0x4e: {  	_ =	shalt  }
0x4f: {  	_ =	shalt  }
0x50: {  	_ =	shalt  }
0x51: {  	_ =	shalt  }
0x52: {  	_ =	shalt  }
0x53: {  	_ =	shalt  }
0x54: {  	_ =	shalt  }
0x55: {  	_ =	shalt  }
0x56: {  	_ =	shalt  }
0x57: {  	_ =	shalt  }
0x58: {  	_ =	shalt  }
0x59: {  	_ =	shalt  }
0x5a: {  	_ =	shalt  }
0x5b: {  	_ =	shalt  }
0x5c: {  	_ =	shalt  }
0x5d: {  	_ =	shalt  }
0x5e: {  	_ =	shalt  }
0x5f: {  	_ =	shalt  }
0x60: {  	_ =	shalt  }
0x61: {  	_ =	shalt  }
0x62: {  	_ =	shalt  }
0x63: {  	_ =	shalt  }
0x64: {  	_ =	shalt  }
0x65: {  	_ =	shalt  }
0x66: {  	_ =	shalt  }
0x67: {  	_ =	shalt  }
0x68: {  	_ =	shalt  }
0x69: {  	_ =	shalt  }
0x6a: {  	_ =	shalt  }
0x6b: {  	_ =	shalt  }
0x6c: {  	_ =	shalt  }
0x6d: {  	_ =	shalt  }
0x6e: {  	_ =	shalt  }
0x6f: {  	_ =	shalt  }
0x70: {  	_ =	shalt  }
0x71: {  	_ =	shalt  }
0x72: {  	_ =	shalt  }
0x73: {  	_ =	shalt  }
0x74: {  	_ =	shalt  }
0x75: {  	_ =	shalt  }
0x76: {  	_ =	shalt  }
0x77: {  	_ =	shalt  }
0x78: {  	_ =	shalt  }
0x79: {  	_ =	shalt  }
0x7a: {  	_ =	shalt  }
0x7b: {  	_ =	shalt  }
0x7c: {  	_ =	shalt  }
0x7d: {  	_ =	shalt  }
0x7e: {  	_ =	shalt  }
0x7f: {  	_ =	shalt  }
0x80: {  	_ =	shalt  }
0x81: {  	_ =	shalt  }
0x82: {  	_ =	shalt  }
0x83: {  	_ =	shalt  }
0x84: {  	_ =	shalt  }
0x85: {  	_ =	shalt  }
0x86: {  	_ =	shalt  }
0x87: {  	_ =	shalt  }
.Lfunc_end0:
.L_simem_size_0:
called_computation.4_lowered:
.L_overlay_start_0:
0x88: {  	s2 =	sld [smem:$0x3FD9]  }
0x89: {  	s3 =	sld [smem:$0x3FFE];
	_ =	sdelay $0x1  }
0x8a: {  	s1 =	srdreg.scid  }
0x8b: {  	s0 =	sand.u32 $0x1, s1  }
0x8c: {  	s15 =	sshll.u32 s0, $0xA;
	s2 =	sadd.s32 s3, s2  }
0x8d: {  	s2 =	sadd.s32 s2, s15  }
0x8e: {  	[smem:$0x3FBC] =	sst s2  }
0x8f: {  	_ = 	snop  }
0x90: {  	s2 =	sld [smem:$0x3FD0];
	_ =	sdelay $0x2  }
0x91: {  	s16 =	simm.s32 $0xE;
	s4 =	simm.s32 $0x10  }
0x92: {  	[smem:s4], [sflag:s16] =	dma.local [hbm:s2], $0x1  }
0x93: {  	_ =	swait.eq [sflag:s16], $0x1  }
0x94: {  	[sflag:s16] =	ssyncset.done $0x0  }
0x95: {  	[sflag:s16] =	ssyncadd.s32 $0xFFFFFFFF  }
0x96: {  	s17 =	sld [smem:$0x10];
	(tm) =	ssettm $0x1  }
0x97: {  	s18 =	sld [smem:$0x3FFB];
	_ =	sdelay $0x3  }
0x98: {  	_ =	strace s18  }
0x99: {  	s2 =	sld [smem:$0x3FFC];
	_ =	sdelay $0x3  }
0x9a: {  	_ =	strace s2  }
0x9b: {  	s2 =	sld [smem:$0x3FFD];
	_ =	sdelay $0x3  }
0x9c: {  	_ =	strace s2  }
0x9d: {  	_ =	strace $0x8FFFFFFF  }
0x9e: {  	s19 =	sld [smem:$0x3FDB];
	_ =	sdelay $0x1  }
0x9f: {  	s20 =	simm.s32 $_scs_section_size  }
0xa0: {  	s5 =	simm.s32 $_size__tile_overlayer_lowered;
	s6 =	simm.s32 $_tile_overlayer_lowered  }
0xa1: {  	s7 =	simm.s32 $0x1BFF;
	s21 =	sshll.u32 s6, $0x1;
	s4 =	sadd.s32 s20, s19  }
0xa2: {  	s22 =	simm.s32 $0x0;
	s5 =	sshll.u32 s5, $0x1;
	s6 =	sadd.s32 s21, s4  }
0xa3: {  	[timem:s22], [sflag:s7] =	dma.local [hbm:s6], s5  }
0xa4: {  	_ =	swait.ge [sflag:s7], s5  }
0xa5: {  	s5 =	ssub.s32 $0x0, s5;
	[sflag:s7] =	ssyncset.done $0x0  }
0xa6: {  	[sflag:s7] =	ssyncadd.s32 s5;
	_ =	sdelay $0x1  }
0xa7: {  	s23 =	simm.s32 $0x1B8B  }
0xa8: {  	_ =	swait.ge [sflag:s23], $0x1  }
0xa9: {  	[sflag:s23] =	ssyncset.done $0x0  }
0xaa: {  	[sflag:s23] =	ssyncadd.s32 $0xFFFFFFFF  }
0xab: {  	s5 =	sld [smem:$0x0]  }
0xac: {  	s6 =	sand.u32 $0xFFFFFFFE, s1  }
0xad: {  	p0 =	sne.s32 s1, s6  }
0xae: {  	s6 =	sshll.u32 @p0 s6, $0xE  }
0xaf: {  	s6 =	sadd.s32 @p0 $0x11B8D, s6;
	s7 =	sshll.u32 @p0 s5, $0x11  }
0xb0: {  	s6 =	sor.u32 @p0 s7, s6  }
0xb1: {  	[sflag:s6] =	ssyncadd.remote.s32 @p0 $0x1;
	_ =	sdelay $0x1  }
0xb2: {  	s6 =	simm.s32 @p0 $0x1B8D  }
0xb3: {  	_ =	swait.eq @p0 [sflag:s6], $0x1  }
0xb4: {  	[sflag:s6] =	ssyncadd.s32 @p0 $0xFFFFFFFF  }
0xb5: {  	s7 =	sshll.u32 @!p0 s1, $0xE  }
0xb6: {  	s7 =	sor.u32 @!p0 $0x4000, s7;
	s6 =	simm.s32 @!p0 $0x1B8D  }
0xb7: {  	s5 =	sshll.u32 @!p0 s5, $0x11;
	s7 =	sadd.s32 @!p0 $0x11B8D, s7;
	_ =	swait.eq @!p0 [sflag:s6], $0x1  }
0xb8: {  	s5 =	sor.u32 @!p0 s5, s7;
	[sflag:s6] =	ssyncadd.s32 @!p0 $0xFFFFFFFF  }
0xb9: {  	s25 =	simm.s32 $0x1B8E;
	s24 =	sld [smem:$0x3FFE];
	[sflag:s5] =	ssyncadd.remote.s32 @!p0 $0x1  }
0xba: {  	s26 =	simm.s32 $execute0_lowered;
	[smem:$0x3FD2] =	sst s25  }
0xbb: {  	s6 =	sshll.u32 s26, $0x1;
	_ =	strace $0x80000052;
	[dreg:$0x1] =	wrdreg $0xFFFFFFFF  }
0xbc: {  	s28 =	simm.s32 $_size_execute0_lowered;
	s4 =	sadd.s32 s4, s6;
	[dreg:$0x0] =	wrdreg $0x0  }
0xbd: {  	s6 =	sshll.u32 s28, $0x1;
	[dreg:$0x2] =	wrdreg s4  }
0xbe: {  	[dreg:$0x3] =	wrdreg s6  }
0xbf: {  	[dreg:$0x4] =	wrdreg $0xC0  }
0xc0: {  	_ =	task [dreg:s22], $0x5FFFF  }
0xc1: {  	[dreg:$0x1] =	wrdreg $0xFFFFFFFF  }
0xc2: {  	[dreg:$0x0] =	wrdreg $0x60  }
0xc3: {  	[dreg:$0x2] =	wrdreg s17  }
0xc4: {  	[dreg:$0x3] =	wrdreg s24  }
0xc5: {  	[dreg:$0x4] =	wrdreg $0xD  }
0xc6: {  	_ =	task.clear_ibuf [dreg:s22], $0x5FFFF;
	_ =	strace $0x90000052  }
0xc7: {  	s29 =	simm.s32 $0xD;
	_ =	strace $0x80000054  }
0xc8: {  	_ =	swait.ge [sflag:s29], $0x1  }
0xc9: {  	[sflag:s29] =	ssyncadd.s32 $0xFFFFFFFF  }
0xca: {  	_ =	strace $0x90000054  }
0xcb: {  	_ =	sfence  }
0xcc: {  	s30 =	sld [smem:$0x0];
	_ =	sdelay $0x2  }
0xcd: {  	s31 =	sshll.u32 s1, $0xD;
	s1 =	sshrl.u32 s1, $0x2  }
0xce: {  	s4 =	sand.u32 $0x4000, s31;
	s1 =	sadd.s32 s1, s30  }
0xcf: {  	s0 =	sor.u32 s4, s0;
	s1 =	sshll.u32 s1, $0x11  }
0xd0: {  	s0 =	sor.u32 s1, s0  }
0xd1: {  	s0 =	sadd.s32 $0x8F2B, s0  }
0xd2: {  	[sflag:s0] =	ssyncadd.remote.s32 $0x1  }
0xd3: {  	_ =	sfence.sel $0xFFFF  }
0xd4: {  	[dreg:$0x0] =	wrdreg $0xFFFFFFFF;
	(pc) =	sbr.abs _section_cstart, $3  }
0xd5: {  	[dreg:$0x1] =	wrdreg $0xFFFFFFFF  }
0xd6: {  	_ =	task.clear_ibuf [dreg:s22], $0x2FFFF;
	_ =	strace $0x9FFFFFFF  }
0xd7: {  	(tm) =	ssettm $0x7FFFFFFF  }
tec
execute0_lowered:
.L_overlay_start_1:
0x0: {  	(tag) =	ssettag $0x1  }
0x1: {  	s2 =	rddreg [dreg:$0x0]  }
0x2: {  	s5 =	rddreg [dreg:$0x1]  }
0x3: {  	s0 =	rddreg [dreg:$0x2]  }
0x4: {  	s4 =	srdreg.scid;
	s1 =	stileid.u32  }
0x5: {  	s3 =	simm.s32 $0x0;
	s10 =	simm.s32 $0x1000;
	s11 =	simm.s32 $0x50  }
0x6: {  	s12 =	simm.s32 $0x2000;
	s13 =	simm.s32 $0x4800;
	s14 =	simm.s32 $0x4  }
0x7: {  	s15 =	simm.s32 $0x5;
	s16 =	simm.s32 $0xE800;
	s17 =	simm.s32 $0x3  }
0x8: {  	s18 =	simm.s32 $0x6;
	s19 =	simm.s32 $0x1;
	s20 =	simm.s32 $0x2  }
0x9: {  	s21 =	simm.s32 $0xC000;
	s6 =	sand.u32 $0x1, s4;
	s31 =	sshll.u32 s1, $0x1  }
0xa: {  	s22 =	simm.s32 $0x0;
	[smem:$0x7FF] =	sst s3;
	s4 =	sor.u32 s6, s31  }
.Ltmp0:
0xb: {  	_ =	strace $0x80000053;
	s6 =	ssub.s32 $0x2, s6;
	(pc) =	sbr.rel .LBB2_1-.Ltmp0, $4  }
0xc: {  	s7 =	sshll.u32 s4, $0x9;
	s8 =	smul.u32 $0x7D00, s4;
	s9 =	sshrl.u32 s6, $0x1  }
0xd: {  	s4 =	sadd.s32 $0xC200, s5;
	s7 =	sadd.s32 s7, s5;
	s9 =	ssub.s32 s6, s9  }
0xe: {  	s8 =	sadd.s32 s8, s5;
	s5 =	sadd.s32 $0x149400, s7;
	s6 =	sadd.s32 $0x145400, s7  }
0xf: {  	s7 =	sadd.s32 $0x43B400, s8;
	s8 =	smax.u32 s9, $0x1;
	s9 =	simm.s32 $0x7  }
.LBB2_10:
0x10: {  	s22 =	sadd.s32 $0x1, s22  }
0x11: {  	_ =	swait.ge [sflag:s17], $0x2800;
	p0 =	sne.s32 s22, s8  }
.Ltmp1:
0x12: {  	[sflag:s17] =	ssyncset.done $0x0;
	(pc) =	sbr.rel @!p0 .LBB2_11-.Ltmp1, $4  }
0x13: {  	[sflag:s17] =	ssyncadd.s32 $0xFFFFD800  }
0x14: {  	_ =	swait.ge [sflag:s18], $0x2800  }
0x15: {  	[sflag:s18] =	ssyncset.done $0x0  }
0x16: {  	[sflag:s18] =	ssyncadd.s32 $0xFFFFD800  }
.LBB2_1:
0x17: {  	[tilespmem:s3], [sflag:$0x7] =	stream.linear.gather [hbm4b:s5+s3], $0xC80, $0x38;
	[tilespmem:$0x11000] =	vst v63  }
0x18: {  	_ =	swait.ge [sflag:s9], $0xC80  }
0x19: {  	[sflag:s9] =	ssyncset.done $0x0  }
0x1a: {  	[sflag:s9] =	ssyncadd.s32 $0xFFFFF380  }
0x1b: {  	[tilespmem:s10], [sflag:$0x7] =	stream.linear.gather [hbm4b:s6+s3], $0xC80, $0x38;
	[tilespmem:$0x11000] =	vst v63  }
0x1c: {  	_ =	swait.ge [sflag:s9], $0xC80  }
.Ltmp2:
0x1d: {  	[sflag:s9] =	ssyncset.done $0x0;
	(pc) =	sbr.rel .LBB2_2-.Ltmp2, $4  }
0x1e: {  	[sflag:s9] =	ssyncadd.s32 $0xFFFFF380  }
0x1f: {  	[tilespmem:s12], [sflag:$0x1] =	stream.indirect.gather [hbm4b:s2+s11], $0x80, s3, s11, $0xb8;
	[tilespmem:$0x11000] =	vst v63  }
0x20: {  	s23 =	simm.s32 $0x0  }
0x21: {  	[tilespmem:s13], [sflag:$0x2] =	stream.indirect.gather [hbm4b:s4+s11], $0x80, s10, s11, $0xb8;
	[tilespmem:$0x11000] =	vst v63  }
.LBB2_9:
0x22: {  	s23 =	sadd.s32 $0x1, s23  }
0x23: {  	p0 =	sne.s32 s23, $0x19  }
.Ltmp3:
0x24: {  	_ = 	snop;
	(pc) =	sbr.rel @!p0 .LBB2_10-.Ltmp3, $1  }
0x25: {  	_ =	sdelay $0x3  }
.LBB2_2:
0x26: {  	s24 =	sand.u32 $0x1, s23  }
0x27: {  	p0 =	seq.s32 s24, $0x1  }
.Ltmp4:
0x28: {  	_ = 	snop;
	(pc) =	sbr.rel @p0 .LBB2_6-.Ltmp4, $1  }
0x29: {  	_ =	sdelay $0x3  }
0x2a: {  	p0 =	seq.s32 s23, $0x18  }
0x2b: {  	s25 =	sshll.u32 @!p0 s23, $0x7  }
0x2c: {  	s28 =	simm.s32 @!p0 $0x50;
	s29 =	simm.s32 @!p0 $0x7000;
	s26 =	sor.u32 @!p0 $0x80, s25  }
0x2d: {  	[tilespmem:s29], [sflag:$0x4] =	stream.indirect.gather @!p0 [hbm4b:s2+s28], $0x80, s26, s28, $0xb8;
	[tilespmem:$0x11000] =	vst v63  }
0x2e: {  	s25 =	sadd.s32 @!p0 $0x1080, s25;
	s26 =	simm.s32 @!p0 $0x9800  }
0x2f: {  	[tilespmem:s26], [sflag:$0x5] =	stream.indirect.gather @!p0 [hbm4b:s4+s28], $0x80, s25, s28, $0xb8;
	[tilespmem:$0x11000] =	vst v63  }
0x30: {  	_ =	swait.ge [sflag:s19], $0x2800  }
0x31: {  	[sflag:s19] =	ssyncset.done $0x0  }
0x32: {  	[sflag:s19] =	ssyncadd.s32 $0xFFFFD800  }
0x33: {  	_ =	swait.ge [sflag:s20], $0x2800  }
0x34: {  	p0 =	slt.u32 s23, $0x2;
	[sflag:s20] =	ssyncset.done $0x0  }
0x35: {  	s25 =	simm.s32 @!p0 $0x3;
	[sflag:s20] =	ssyncadd.s32 $0xFFFFD800  }
0x36: {  	_ =	swait.ge @!p0 [sflag:s25], $0x2800  }
0x37: {  	[sflag:s25] =	ssyncset.done @!p0 $0x0  }
0x38: {  	[sflag:s25] =	ssyncadd.s32 @!p0 $0xFFFFD800;
	s25 =	simm.s32 $0x0  }
0x39: {  	v0 =	vld [tilespmem:s25+$0x2070]  }
0x3a: {  	v1 =	vld [tilespmem:s25+$0x4870]  }
0x3b: {  	v2 =	vld [tilespmem:s25+$0x2000]  }
0x3c: {  	v3 =	vld [tilespmem:s25+$0x4800]  }
0x3d: {  	v4 =	vld [tilespmem:s25+$0x2010]  }
0x3e: {  	v5 =	vld [tilespmem:s25+$0x4810]  }
0x3f: {  	v6 =	vld [tilespmem:s25+$0x2020]  }
0x40: {  	v7 =	vld [tilespmem:s25+$0x2030]  }
0x41: {  	v0 =	vadd.f32 v1, v0;
	v1 =	vld [tilespmem:s25+$0x4820]  }
0x42: {  	v8 =	vld [tilespmem:s25+$0x4830]  }
0x43: {  	v9 =	vld [tilespmem:s25+$0x4840];
	v2 =	vadd.f32 v3, v2  }
0x44: {  	[tilespmem:s25+$0xC070] =	vst v0;
	v0 =	vadd.f32 v5, v4;
	v5 =	vld [tilespmem:s25+$0x2040]  }
0x45: {  	v3 =	vld [tilespmem:s25+$0x4850];
	[tilespmem:s25+$0xC000] =	vst v2  }
0x46: {  	v2 =	vld [tilespmem:s25+$0x2050];
	[tilespmem:s25+$0xC010] =	vst v0;
	v0 =	vadd.f32 v1, v6  }
0x47: {  	v4 =	vld [tilespmem:s25+$0x4860];
	v6 =	vadd.f32 v8, v7  }
0x48: {  	s26 =	simm.s32 $0x80;
	[tilespmem:s25+$0xC020] =	vst v0;
	v0 =	vld [tilespmem:s25+$0x2060]  }
0x49: {  	s28 =	simm.s32 $0x400;
	v5 =	vadd.f32 v9, v5;
	v1 =	vld [tilespmem:s26+$0x2070];
	[tilespmem:s25+$0xC030] =	vst v6  }
.LBB2_4:
0x4a: {  	p0 =	sne.s32 s28, $0x9E00;
	v6 =	vld [tilespmem:s26+$0x4870]  }
0x4b: {  	v7 =	vld [tilespmem:s26+$0x2000];
	[tilespmem:s25+$0xC040] =	vst v5;
	v2 =	vadd.f32 v3, v2  }
0x4c: {  	v3 =	vld [tilespmem:s26+$0x4800]  }
0x4d: {  	v5 =	vld [tilespmem:s26+$0x2010];
	[tilespmem:s25+$0xC050] =	vst v2;
	v0 =	vadd.f32 v4, v0  }
0x4e: {  	v2 =	vld [tilespmem:s26+$0x4810]  }
0x4f: {  	v4 =	vld [tilespmem:s26+$0x2020];
	v1 =	vadd.f32 v6, v1;
	[tilespmem:s25+$0xC060] =	vst v0;
	s25 =	smov.u32 s26  }
0x50: {  	v0 =	vld [tilespmem:s25+$0x4820]  }
0x51: {  	v3 =	vadd.f32 v3, v7;
	v6 =	vld [tilespmem:s25+$0x2030];
	[tilespmem:s25+$0xC070] =	vst v1  }
0x52: {  	v1 =	vld [tilespmem:s25+$0x4830]  }
0x53: {  	[tilespmem:s25+$0xC000] =	vst v3;
	v2 =	vadd.f32 v2, v5;
	v5 =	vld [tilespmem:s25+$0x2040]  }
0x54: {  	v7 =	vld [tilespmem:s25+$0x4840]  }
.Ltmp5:
0x55: {  	[tilespmem:s25+$0xC010] =	vst v2;
	v0 =	vadd.f32 v0, v4;
	v2 =	vld [tilespmem:s25+$0x2050];
	(pc) =	sbr.rel @p0 .LBB2_4-.Ltmp5, $4  }
0x56: {  	v3 =	vld [tilespmem:s25+$0x4850]  }
0x57: {  	[tilespmem:s25+$0xC020] =	vst v0;
	v6 =	vadd.f32 v1, v6;
	v0 =	vld [tilespmem:s25+$0x2060]  }
0x58: {  	s26 =	sshra.s32 s28, $0x2;
	v4 =	vld [tilespmem:s25+$0x4860]  }
0x59: {  	s28 =	sadd.s32 $0x200, s28;
	v1 =	vld [tilespmem:s26+$0x2070];
	[tilespmem:s25+$0xC030] =	vst v6;
	v5 =	vadd.f32 v7, v5  }
0x5a: {  	v6 =	vld [tilespmem:s26+$0x4870]  }
0x5b: {  	v7 =	vld [tilespmem:s26+$0x2000];
	[tilespmem:s25+$0xC040] =	vst v5;
	v2 =	vadd.f32 v3, v2  }
0x5c: {  	v51 =	vld [tilespmem:s26+$0x4800]  }
0x5d: {  	v5 =	vld [tilespmem:s26+$0x2010];
	[tilespmem:s25+$0xC050] =	vst v2;
	v0 =	vadd.f32 v4, v0  }
0x5e: {  	v2 =	vld [tilespmem:s26+$0x4810]  }
0x5f: {  	v52 =	vld [tilespmem:s26+$0x2020];
	[tilespmem:s25+$0xC060] =	vst v0  }
0x60: {  	v54 =	vld [tilespmem:s26+$0x4820]  }
0x61: {  	v55 =	vld [tilespmem:s26+$0x2030]  }
0x62: {  	v56 =	vld [tilespmem:s26+$0x4830]  }
0x63: {  	v57 =	vld [tilespmem:s26+$0x2040]  }
0x64: {  	v58 =	vld [tilespmem:s26+$0x4840]  }
0x65: {  	v59 =	vld [tilespmem:s26+$0x2050]  }
0x66: {  	v53 =	vadd.f32 v6, v1;
	v60 =	vld [tilespmem:s26+$0x4850]  }
0x67: {  	v61 =	vld [tilespmem:s26+$0x2060];
	v3 =	vadd.f32 v51, v7  }
0x68: {  	v62 =	vld [tilespmem:s26+$0x4860];
	[tilespmem:s26+$0xC070] =	vst v53;
	v2 =	vadd.f32 v2, v5  }
0x69: {  	[tilespmem:s26+$0xC000] =	vst v3;
	v1 =	vadd.f32 v54, v52  }
0x6a: {  	[tilespmem:s26+$0xC010] =	vst v2;
	v0 =	vadd.f32 v56, v55  }
0x6b: {  	p0 =	seq.s32 s24, $0x0;
	v3 =	vadd.f32 v58, v57;
	[tilespmem:s26+$0xC020] =	vst v1  }
.Ltmp6:
0x6c: {  	v63 =	vadd.f32 v60, v59;
	[tilespmem:s26+$0xC030] =	vst v0;
	(pc) =	sbr.rel @p0 .LBB2_9-.Ltmp6, $4  }
0x6d: {  	s31 =	smul.u32 $0x500, s23;
	[tilespmem:s26+$0xC040] =	vst v3;
	v1 =	vadd.f32 v62, v61  }
0x6e: {  	[tilespmem:s26+$0xC050] =	vst v63  }
0x6f: {  	s25 =	sadd.s32 s7, s31;
	[tilespmem:s26+$0xC060] =	vst v1  }
0x70: {  	[hbm4b:s25+s3] =	stream.linear.scatter [tilespmem:s21], [sflag:$0x3], $0x2800, $0x38;
	[tilespmem:$0x11000] =	vst v63  }
.LBB2_6:
0x71: {  	p0 =	seq.s32 s23, $0x18  }
0x72: {  	s24 =	sshll.u32 @!p0 s23, $0x7  }
0x73: {  	s26 =	simm.s32 @!p0 $0x50;
	s28 =	simm.s32 @!p0 $0x2000;
	s25 =	sadd.s32 @!p0 $0x80, s24  }
0x74: {  	[tilespmem:s28], [sflag:$0x1] =	stream.indirect.gather @!p0 [hbm4b:s2+s26], $0x80, s25, s26, $0xb8;
	[tilespmem:$0x11000] =	vst v63  }
0x75: {  	s24 =	sadd.s32 @!p0 $0x1080, s24;
	s25 =	simm.s32 @!p0 $0x4800  }
0x76: {  	[tilespmem:s25], [sflag:$0x2] =	stream.indirect.gather @!p0 [hbm4b:s4+s26], $0x80, s24, s26, $0xb8;
	[tilespmem:$0x11000] =	vst v63  }
0x77: {  	_ =	swait.ge [sflag:s14], $0x2800  }
0x78: {  	[sflag:s14] =	ssyncset.done $0x0  }
0x79: {  	[sflag:s14] =	ssyncadd.s32 $0xFFFFD800  }
0x7a: {  	_ =	swait.ge [sflag:s15], $0x2800  }
0x7b: {  	p0 =	slt.u32 s23, $0x2;
	[sflag:s15] =	ssyncset.done $0x0  }
0x7c: {  	s24 =	simm.s32 @!p0 $0x6;
	[sflag:s15] =	ssyncadd.s32 $0xFFFFD800  }
0x7d: {  	_ =	swait.ge @!p0 [sflag:s24], $0x2800  }
0x7e: {  	[sflag:s24] =	ssyncset.done @!p0 $0x0  }
0x7f: {  	[sflag:s24] =	ssyncadd.s32 @!p0 $0xFFFFD800;
	s24 =	simm.s32 $0x0  }
0x80: {  	v0 =	vld [tilespmem:s24+$0x7070]  }
0x81: {  	v1 =	vld [tilespmem:s24+$0x9870]  }
0x82: {  	v2 =	vld [tilespmem:s24+$0x7000]  }
0x83: {  	v3 =	vld [tilespmem:s24+$0x9800]  }
0x84: {  	v4 =	vld [tilespmem:s24+$0x7010]  }
0x85: {  	v5 =	vld [tilespmem:s24+$0x9810]  }
0x86: {  	v6 =	vld [tilespmem:s24+$0x7020]  }
0x87: {  	v7 =	vld [tilespmem:s24+$0x7030]  }
0x88: {  	v0 =	vadd.f32 v1, v0;
	v1 =	vld [tilespmem:s24+$0x9820]  }
0x89: {  	v8 =	vld [tilespmem:s24+$0x9830]  }
0x8a: {  	v9 =	vld [tilespmem:s24+$0x9840];
	v2 =	vadd.f32 v3, v2  }
0x8b: {  	[tilespmem:s24+$0xE870] =	vst v0;
	v0 =	vadd.f32 v5, v4;
	v5 =	vld [tilespmem:s24+$0x7040]  }
0x8c: {  	v3 =	vld [tilespmem:s24+$0x9850];
	[tilespmem:s24+$0xE800] =	vst v2  }
0x8d: {  	v2 =	vld [tilespmem:s24+$0x7050];
	[tilespmem:s24+$0xE810] =	vst v0;
	v0 =	vadd.f32 v1, v6  }
0x8e: {  	v4 =	vld [tilespmem:s24+$0x9860];
	v6 =	vadd.f32 v8, v7  }
0x8f: {  	s25 =	simm.s32 $0x80;
	[tilespmem:s24+$0xE820] =	vst v0;
	v0 =	vld [tilespmem:s24+$0x7060]  }
0x90: {  	s26 =	simm.s32 $0x400;
	v5 =	vadd.f32 v9, v5;
	v1 =	vld [tilespmem:s25+$0x7070];
	[tilespmem:s24+$0xE830] =	vst v6  }
.LBB2_7:
0x91: {  	p0 =	sne.s32 s26, $0x9E00;
	v6 =	vld [tilespmem:s25+$0x9870]  }
0x92: {  	v7 =	vld [tilespmem:s25+$0x7000];
	[tilespmem:s24+$0xE840] =	vst v5;
	v2 =	vadd.f32 v3, v2  }
0x93: {  	v3 =	vld [tilespmem:s25+$0x9800]  }
0x94: {  	v5 =	vld [tilespmem:s25+$0x7010];
	[tilespmem:s24+$0xE850] =	vst v2;
	v0 =	vadd.f32 v4, v0  }
0x95: {  	v2 =	vld [tilespmem:s25+$0x9810]  }
0x96: {  	v4 =	vld [tilespmem:s25+$0x7020];
	v1 =	vadd.f32 v6, v1;
	[tilespmem:s24+$0xE860] =	vst v0;
	s24 =	smov.u32 s25  }
0x97: {  	v0 =	vld [tilespmem:s24+$0x9820]  }
0x98: {  	v3 =	vadd.f32 v3, v7;
	v6 =	vld [tilespmem:s24+$0x7030];
	[tilespmem:s24+$0xE870] =	vst v1  }
0x99: {  	v1 =	vld [tilespmem:s24+$0x9830]  }
0x9a: {  	[tilespmem:s24+$0xE800] =	vst v3;
	v2 =	vadd.f32 v2, v5;
	v5 =	vld [tilespmem:s24+$0x7040]  }
0x9b: {  	v7 =	vld [tilespmem:s24+$0x9840]  }
.Ltmp7:
0x9c: {  	[tilespmem:s24+$0xE810] =	vst v2;
	v0 =	vadd.f32 v0, v4;
	v2 =	vld [tilespmem:s24+$0x7050];
	(pc) =	sbr.rel @p0 .LBB2_7-.Ltmp7, $4  }
0x9d: {  	v3 =	vld [tilespmem:s24+$0x9850]  }
0x9e: {  	[tilespmem:s24+$0xE820] =	vst v0;
	v6 =	vadd.f32 v1, v6;
	v0 =	vld [tilespmem:s24+$0x7060]  }
0x9f: {  	s25 =	sshra.s32 s26, $0x2;
	v4 =	vld [tilespmem:s24+$0x9860]  }
0xa0: {  	s26 =	sadd.s32 $0x200, s26;
	v1 =	vld [tilespmem:s25+$0x7070];
	[tilespmem:s24+$0xE830] =	vst v6;
	v5 =	vadd.f32 v7, v5  }
0xa1: {  	v6 =	vld [tilespmem:s25+$0x9870]  }
0xa2: {  	v7 =	vld [tilespmem:s25+$0x7000];
	[tilespmem:s24+$0xE840] =	vst v5;
	v2 =	vadd.f32 v3, v2  }
0xa3: {  	v51 =	vld [tilespmem:s25+$0x9800]  }
0xa4: {  	v5 =	vld [tilespmem:s25+$0x7010];
	[tilespmem:s24+$0xE850] =	vst v2;
	v0 =	vadd.f32 v4, v0  }
0xa5: {  	v2 =	vld [tilespmem:s25+$0x9810]  }
0xa6: {  	v52 =	vld [tilespmem:s25+$0x7020];
	[tilespmem:s24+$0xE860] =	vst v0  }
0xa7: {  	v54 =	vld [tilespmem:s25+$0x9820]  }
0xa8: {  	v55 =	vld [tilespmem:s25+$0x7030]  }
0xa9: {  	v56 =	vld [tilespmem:s25+$0x9830]  }
0xaa: {  	v57 =	vld [tilespmem:s25+$0x7040]  }
0xab: {  	v58 =	vld [tilespmem:s25+$0x9840]  }
0xac: {  	v59 =	vld [tilespmem:s25+$0x7050]  }
0xad: {  	v53 =	vadd.f32 v6, v1;
	v60 =	vld [tilespmem:s25+$0x9850]  }
0xae: {  	v61 =	vld [tilespmem:s25+$0x7060];
	v3 =	vadd.f32 v51, v7  }
0xaf: {  	v62 =	vld [tilespmem:s25+$0x9860];
	[tilespmem:s25+$0xE870] =	vst v53;
	v2 =	vadd.f32 v2, v5  }
0xb0: {  	[tilespmem:s25+$0xE800] =	vst v3;
	v1 =	vadd.f32 v54, v52  }
0xb1: {  	[tilespmem:s25+$0xE810] =	vst v2;
	v0 =	vadd.f32 v56, v55  }
0xb2: {  	v3 =	vadd.f32 v58, v57;
	[tilespmem:s25+$0xE820] =	vst v1  }
.Ltmp8:
0xb3: {  	v63 =	vadd.f32 v60, v59;
	[tilespmem:s25+$0xE830] =	vst v0;
	(pc) =	sbr.rel .LBB2_9-.Ltmp8, $4  }
0xb4: {  	s31 =	smul.u32 $0x500, s23;
	[tilespmem:s25+$0xE840] =	vst v3;
	v1 =	vadd.f32 v62, v61  }
0xb5: {  	[tilespmem:s25+$0xE850] =	vst v63  }
0xb6: {  	s24 =	sadd.s32 s7, s31;
	[tilespmem:s25+$0xE860] =	vst v1  }
0xb7: {  	[hbm4b:s24+s3] =	stream.linear.scatter [tilespmem:s16], [sflag:$0x6], $0x2800, $0x38;
	[tilespmem:$0x11000] =	vst v63  }
.LBB2_11:
0xb8: {  	_ =	sfence.sel $0x180000  }
0xb9: {  	[bflag:$0x0] =	sbarrier.arrive $0xFFFF  }
0xba: {  	p0 =	sne.s32 s1, $0x0;
	_ =	strace $0x90000053  }
0xbb: {  	s0 =	sadd.s32 @!p0 $0x100000, s0;
	[bflag:$0x2] =	sbarrier.arrive $0xFFFF  }
0xbc: {  	[sflag:s0] =	ssyncadd.tile.s32 @!p0 $0x1;
	_ =	shalt  }
.Lfunc_end2:
_tile_overlayer_lowered:
.L_overlay_start_2:
0xbd: {  	(tag) =	ssettag $0x2  }
0xbe: {  	s0 =	rddreg [dreg:$0x0];
	s2 =	stileid.u32  }
0xbf: {  	s1 =	rddreg [dreg:$0x1];
	p0 =	sne.s32 s2, $0x0  }
0xc0: {  	s3 =	rddreg [dreg:$0x2];
	[bflag:$0x3] =	sbarrier.arrive $0xFFFF;
	s2 =	simm.s32 @!p0 $0x1C07  }
0xc1: {  	[timem:s3], [sflag:s2] =	dma.local @!p0 [hbm:s0], s1  }
0xc2: {  	s0 =	simm.s32 @!p0 $0x7  }
0xc3: {  	_ =	swait.ge @!p0 [sflag:s0], s1  }
0xc4: {  	s1 =	ssub.s32 @!p0 $0x0, s1;
	[sflag:s0] =	ssyncset.done @!p0 $0x0  }
0xc5: {  	[sflag:s0] =	ssyncadd.s32 @!p0 s1  }
0xc6: {  	[bflag:$0x3] =	sbarrier.arrive $0xFFFF  }
0xc7: {  	_ =	shalt  }

// kernel: kernel.30.cloned.1.call-start
scs
__scs_entry_jumppad:
0x0: {  	(pc) =	sbr.rel $0x88, $3  }
0x1: {  	(tag) =	ssettag $0x0;
	lr =	simm.s32 $0x1  }
0x2: {  	[smem:$0x3F95] =	sst lr;
	_ =	strace $0xD0000000  }
0x3: {  	_ = 	snop  }
0x4: {  	_ = 	snop  }
0x5: {  	_ = 	snop  }
0x6: {  	_ = 	snop  }
0x7: {  	_ = 	snop  }
__scs_overlays_trampoline_lowered:
0x8: {  	[smem:$0x3FA4] =	sst s0  }
0x9: {  	[smem:$0x3FA5] =	sst s1  }
0xa: {  	[smem:$0x3FA6] =	sst s2  }
0xb: {  	[smem:$0x3FA7] =	sst s3  }
0xc: {  	[smem:$0x3FA8] =	sst s4  }
0xd: {  	[smem:$0x3FA9] =	sst s5  }
0xe: {  	[smem:$0x3FAA] =	sst s6  }
0xf: {  	[smem:$0x3FAB] =	sst s7  }
0x10: {  	[smem:$0x3FAC] =	sst s8  }
0x11: {  	[smem:$0x3FAD] =	sst s9;
	s0 =	simm.s32 @!p0 $0x0  }
0x12: {  	s1 =	sld [smem:$0x3F93];
	s0 =	simm.s32 @p0 $0x1  }
0x13: {  	[smem:$0x3FAE] =	sst s0;
	s0 =	simm.s32 @!p1 $0x0  }
0x14: {  	s2 =	sld [smem:$0x3F92];
	s0 =	simm.s32 @p1 $0x1  }
0x15: {  	[smem:$0x3FAF] =	sst s0;
	s0 =	simm.s32 @!p2 $0x0  }
0x16: {  	s3 =	sld [smem:$0x3FDB];
	s0 =	simm.s32 @p2 $0x1  }
0x17: {  	s4 =	simm.s32 $0x1BF5;
	[smem:$0x3FB1] =	sst s0  }
0x18: {  	s0 =	sld [smem:$0x3F94];
	_ =	swait.ge [sflag:s4], $0x0  }
0x19: {  	s7 =	sld [smem:$0x3F95]  }
0x1a: {  	s8 =	sadd.s32 $0xFFFFE003, lr  }
0x1b: {  	s9 =	sadd.s32 $0xFFFFFEF7, lr;
	s5 =	simm.s32 $0xFFFFFFFF;
	p2 =	slt.u32 s8, $0xFFFFF086  }
0x1c: {  	p1 =	slt.u32 s9, $0xF7A;
	s5 =	simm.s32 @!p2 $0x0  }
0x1d: {  	s5 =	simm.s32 @p1 $0x1;
	p0 =	seq.s32 s7, s2  }
0x1e: {  	s7 =	smul.u32 @!p0 $0xF7A, s2;
	p2 =	seq.s32 @!p0 s5, $0x0  }
0x1f: {  	s9 =	smul.u32 $0xF7A, s1;
	s8 =	simm.s32 @!p0 $0x1BF5;
	p2 =	por !p2, p0  }
0x20: {  	[sflag:s8] =	ssyncset.s32 @!p0 $0xFFFFF086;
	s6 =	sadd.s32 @!p0 s3, s7;
	s7 =	simm.s32 @!p0 $0x108  }
0x21: {  	s3 =	sadd.s32 s3, s9;
	s6 =	sadd.s32 @!p0 $0x88, s6;
	s7 =	simm.s32 @p2 $0x1082  }
0x22: {  	[simem:s7], [sflag:s8] =	dma.local @!p0 [hbm:s6], $0xF7A  }
0x23: {  	s9 =	sor.u32 $0xD0000000, s2;
	s6 =	simm.s32 $0x108;
	_ =	swait.ge @!p0 [sflag:s8], $0x0  }
0x24: {  	s3 =	sadd.s32 $0x88, s3;
	s6 =	simm.s32 @!p1 $0x1082;
	[sflag:s4] =	ssyncset.s32 $0xFFFFF086  }
0x25: {  	[simem:s6], [sflag:s4] =	dma.local [hbm:s3], $0xF7A  }
0x26: {  	[smem:$0x3F95] =	sst s1;
	(tag) =	ssettag s2;
	_ =	strace s9  }
0x27: {  	s1 =	sld [smem:$0x3FA5]  }
0x28: {  	s2 =	sld [smem:$0x3FA6]  }
0x29: {  	s4 =	sld [smem:$0x3FA8]  }
0x2a: {  	p0 =	seq.s32 s5, $0x0;
	s5 =	sld [smem:$0x3FA9]  }
0x2b: {  	s6 =	sld [smem:$0x3FAA]  }
0x2c: {  	s7 =	sld [smem:$0x3FAB]  }
0x2d: {  	s3 =	simm.s32 $0x108;
	s8 =	sld [smem:$0x3FAC]  }
0x2e: {  	s3 =	simm.s32 @!p0 $0x1082;
	s9 =	sld [smem:$0x3FAD]  }
0x2f: {  	lr =	sadd.s32 s0, s3;
	s0 =	sld [smem:$0x3FA4]  }
0x30: {  	s3 =	sld [smem:$0x3FA7]  }
0x31: {  	[smem:$0x3FB0] =	sst s10  }
0x32: {  	s10 =	sld [smem:$0x3FAE];
	_ =	sdelay $0x3  }
0x33: {  	p0 =	seq.s32 s10, $0x1;
	s10 =	sld [smem:$0x3FB0];
	_ =	sdelay $0x3  }
0x34: {  	[smem:$0x3FB0] =	sst s10  }
0x35: {  	s10 =	sld [smem:$0x3FAF];
	_ =	sdelay $0x3  }
0x36: {  	p1 =	seq.s32 s10, $0x1;
	s10 =	sld [smem:$0x3FB0];
	_ =	sdelay $0x3  }
0x37: {  	[smem:$0x3FB0] =	sst s10  }
0x38: {  	s10 =	sld [smem:$0x3FB1]  }
0x39: {  	_ = 	snop;
	(pc) =	sbr.ind lr, $3  }
0x3a: {  	_ = 	snop  }
0x3b: {  	_ = 	snop  }
0x3c: {  	p2 =	seq.s32 s10, $0x1;
	s10 =	sld [smem:$0x3FB0]  }
0x3d: {  	_ =	shalt  }
0x3e: {  	_ =	shalt  }
0x3f: {  	_ =	shalt  }
0x40: {  	_ =	shalt  }
0x41: {  	_ =	shalt  }
0x42: {  	_ =	shalt  }
0x43: {  	_ =	shalt  }
0x44: {  	_ =	shalt  }
0x45: {  	_ =	shalt  }
0x46: {  	_ =	shalt  }
0x47: {  	_ =	shalt  }
0x48: {  	_ =	shalt  }
0x49: {  	_ =	shalt  }
0x4a: {  	_ =	shalt  }
0x4b: {  	_ =	shalt  }
0x4c: {  	_ =	shalt  }
0x4d: {  	_ =	shalt  }
0x4e: {  	_ =	shalt  }
0x4f: {  	_ =	shalt  }
0x50: {  	_ =	shalt  }
0x51: {  	_ =	shalt  }
0x52: {  	_ =	shalt  }
0x53: {  	_ =	shalt  }
0x54: {  	_ =	shalt  }
0x55: {  	_ =	shalt  }
0x56: {  	_ =	shalt  }
0x57: {  	_ =	shalt  }
0x58: {  	_ =	shalt  }
0x59: {  	_ =	shalt  }
0x5a: {  	_ =	shalt  }
0x5b: {  	_ =	shalt  }
0x5c: {  	_ =	shalt  }
0x5d: {  	_ =	shalt  }
0x5e: {  	_ =	shalt  }
0x5f: {  	_ =	shalt  }
0x60: {  	_ =	shalt  }
0x61: {  	_ =	shalt  }
0x62: {  	_ =	shalt  }
0x63: {  	_ =	shalt  }
0x64: {  	_ =	shalt  }
0x65: {  	_ =	shalt  }
0x66: {  	_ =	shalt  }
0x67: {  	_ =	shalt  }
0x68: {  	_ =	shalt  }
0x69: {  	_ =	shalt  }
0x6a: {  	_ =	shalt  }
0x6b: {  	_ =	shalt  }
0x6c: {  	_ =	shalt  }
0x6d: {  	_ =	shalt  }
0x6e: {  	_ =	shalt  }
0x6f: {  	_ =	shalt  }
0x70: {  	_ =	shalt  }
0x71: {  	_ =	shalt  }
0x72: {  	_ =	shalt  }
0x73: {  	_ =	shalt  }
0x74: {  	_ =	shalt  }
0x75: {  	_ =	shalt  }
0x76: {  	_ =	shalt  }
0x77: {  	_ =	shalt  }
0x78: {  	_ =	shalt  }
0x79: {  	_ =	shalt  }
0x7a: {  	_ =	shalt  }
0x7b: {  	_ =	shalt  }
0x7c: {  	_ =	shalt  }
0x7d: {  	_ =	shalt  }
0x7e: {  	_ =	shalt  }
0x7f: {  	_ =	shalt  }
0x80: {  	_ =	shalt  }
0x81: {  	_ =	shalt  }
0x82: {  	_ =	shalt  }
0x83: {  	_ =	shalt  }
0x84: {  	_ =	shalt  }
0x85: {  	_ =	shalt  }
0x86: {  	_ =	shalt  }
0x87: {  	_ =	shalt  }
.Lfunc_end0:
.L_simem_size_0:
called_computation.5_lowered:
.L_overlay_start_0:
0x88: {  	s2 =	sld [smem:$0x3FD9]  }
0x89: {  	s3 =	sld [smem:$0x3FFE];
	_ =	sdelay $0x1  }
0x8a: {  	s1 =	srdreg.scid  }
0x8b: {  	s0 =	sand.u32 $0x1, s1  }
0x8c: {  	s14 =	sshll.u32 s0, $0xA;
	s2 =	sadd.s32 s3, s2  }
0x8d: {  	s2 =	sadd.s32 s2, s14  }
0x8e: {  	[smem:$0x3FBC] =	sst s2  }
0x8f: {  	_ = 	snop  }
0x90: {  	s2 =	sld [smem:$0x3FD0];
	_ =	sdelay $0x2  }
0x91: {  	s15 =	simm.s32 $0xE;
	s4 =	simm.s32 $0x10  }
0x92: {  	[smem:s4], [sflag:s15] =	dma.local [hbm:s2], $0x1  }
0x93: {  	_ =	swait.eq [sflag:s15], $0x1  }
0x94: {  	[sflag:s15] =	ssyncset.done $0x0  }
0x95: {  	[sflag:s15] =	ssyncadd.s32 $0xFFFFFFFF  }
0x96: {  	s16 =	sld [smem:$0x11];
	(tm) =	ssettm $0x1  }
0x97: {  	s17 =	sld [smem:$0x3FFB];
	_ =	sdelay $0x3  }
0x98: {  	_ =	strace s17  }
0x99: {  	s3 =	sld [smem:$0x3FFC];
	_ =	sdelay $0x3  }
0x9a: {  	_ =	strace s3  }
0x9b: {  	s3 =	sld [smem:$0x3FFD];
	_ =	sdelay $0x3  }
0x9c: {  	_ =	strace s3  }
0x9d: {  	_ =	strace $0x8FFFFFFF  }
0x9e: {  	s18 =	sld [smem:$0x3FDB];
	_ =	sdelay $0x1  }
0x9f: {  	s19 =	simm.s32 $_scs_section_size  }
0xa0: {  	s5 =	simm.s32 $_size__tile_overlayer_lowered;
	s6 =	simm.s32 $_tile_overlayer_lowered  }
0xa1: {  	s22 =	simm.s32 $0x1BFF;
	s21 =	sshll.u32 s6, $0x1;
	s3 =	sadd.s32 s19, s18  }
0xa2: {  	s7 =	simm.s32 $0x0;
	s20 =	sshll.u32 s5, $0x1;
	s5 =	sadd.s32 s21, s3  }
0xa3: {  	[timem:s7], [sflag:s22] =	dma.local [hbm:s5], s20  }
0xa4: {  	_ =	swait.ge [sflag:s22], s20  }
0xa5: {  	s4 =	ssub.s32 $0x0, s20;
	[sflag:s22] =	ssyncset.done $0x0  }
0xa6: {  	[sflag:s22] =	ssyncadd.s32 s4;
	_ =	sdelay $0x1  }
0xa7: {  	s23 =	simm.s32 $0x1B8B  }
0xa8: {  	_ =	swait.ge [sflag:s23], $0x1  }
0xa9: {  	[sflag:s23] =	ssyncset.done $0x0  }
0xaa: {  	s25 =	simm.s32 $0x1B8E;
	s24 =	sld [smem:$0x3FFE];
	[sflag:s23] =	ssyncadd.s32 $0xFFFFFFFF  }
0xab: {  	s26 =	simm.s32 $execute0_lowered;
	[smem:$0x3FD2] =	sst s25  }
0xac: {  	s5 =	sshll.u32 s26, $0x1;
	_ =	strace $0x80000055;
	[dreg:$0x1] =	wrdreg $0xFFFFFFFF  }
0xad: {  	s28 =	simm.s32 $_size_execute0_lowered;
	s3 =	sadd.s32 s3, s5;
	[dreg:$0x0] =	wrdreg $0x0  }
0xae: {  	s5 =	sshll.u32 s28, $0x1;
	[dreg:$0x2] =	wrdreg s3  }
0xaf: {  	[dreg:$0x3] =	wrdreg s5  }
0xb0: {  	[dreg:$0x4] =	wrdreg $0xC0  }
0xb1: {  	_ =	task [dreg:s7], $0x5FFFF  }
0xb2: {  	[dreg:$0x1] =	wrdreg $0xFFFFFFFF  }
0xb3: {  	[dreg:$0x0] =	wrdreg $0x60  }
0xb4: {  	[dreg:$0x2] =	wrdreg s16  }
0xb5: {  	[dreg:$0x3] =	wrdreg s24  }
0xb6: {  	[dreg:$0x4] =	wrdreg $0x0  }
0xb7: {  	[dreg:$0x5] =	wrdreg $0x9  }
0xb8: {  	_ =	task.clear_ibuf [dreg:s7], $0x6FFFF;
	_ =	strace $0x90000055  }
0xb9: {  	s29 =	simm.s32 $0x9;
	_ =	strace $0x80000057  }
0xba: {  	_ =	swait.ge [sflag:s29], $0x1  }
0xbb: {  	[sflag:s29] =	ssyncadd.s32 $0xFFFFFFFF  }
0xbc: {  	_ =	strace $0x90000057  }
0xbd: {  	_ =	sfence  }
0xbe: {  	s30 =	sld [smem:$0x0];
	_ =	sdelay $0x2  }
0xbf: {  	s31 =	sshll.u32 s1, $0xD;
	s1 =	sshrl.u32 s1, $0x2  }
0xc0: {  	s3 =	sand.u32 $0x4000, s31;
	s1 =	sadd.s32 s1, s30  }
0xc1: {  	s0 =	sor.u32 s3, s0;
	s1 =	sshll.u32 s1, $0x11  }
0xc2: {  	s0 =	sor.u32 s1, s0  }
0xc3: {  	s0 =	sadd.s32 $0x8F2B, s0  }
0xc4: {  	[sflag:s0] =	ssyncadd.remote.s32 $0x1  }
0xc5: {  	_ =	sfence.sel $0xFFFF  }
0xc6: {  	[dreg:$0x0] =	wrdreg $0xFFFFFFFF;
	(pc) =	sbr.abs _section_cstart, $3  }
0xc7: {  	[dreg:$0x1] =	wrdreg $0xFFFFFFFF  }
0xc8: {  	_ =	task.clear_ibuf [dreg:s7], $0x2FFFF;
	_ =	strace $0x9FFFFFFF  }
0xc9: {  	(tm) =	ssettm $0x7FFFFFFF  }
tec
execute0_lowered:
.L_overlay_start_1:
0x0: {  	(tag) =	ssettag $0x1  }
0x1: {  	s30 =	stileid.u32  }
0x2: {  	s0 =	srdreg.scid;
	s8 =	smul.u32 $0x2800, s30  }
0x3: {  	s19 =	sand.u32 $0x1, s0;
	s29 =	smul.u32 $0x4E200, s30  }
0x4: {  	s7 =	sor.u32 $0x10, s30;
	s3 =	smul.u32 $0x138800, s19  }
0x5: {  	s9 =	sor.u32 $0x20, s30;
	s10 =	smul.u32 $0x2800, s7  }
0x6: {  	s11 =	sor.u32 $0x30, s30;
	s12 =	smul.u32 $0x2800, s9  }
0x7: {  	s14 =	sor.u32 $0x40, s30;
	s15 =	smul.u32 $0x2800, s11  }
0x8: {  	s17 =	sor.u32 $0x60, s30;
	s16 =	smul.u32 $0x2800, s14  }
0x9: {  	s5 =	rddreg [dreg:$0x0];
	s18 =	sor.u32 $0x70, s30;
	s25 =	smul.u32 $0x2800, s17  }
0xa: {  	s6 =	rddreg [dreg:$0x1];
	s26 =	smul.u32 $0x2800, s18  }
0xb: {  	s2 =	rddreg [dreg:$0x2];
	s31 =	simm.s32 $0x4;
	s7 =	smul.u32 $0xA000, s7  }
0xc: {  	s24 =	sshll.u32 s30, $0x1;
	p0 =	sgt.u32 s30, $0xC;
	s9 =	smul.u32 $0xA000, s9  }
0xd: {  	s0 =	sor.u32 s19, s24;
	s1 =	ssub.s32 $0x2, s19;
	s14 =	smul.u32 $0xA000, s14  }
0xe: {  	s4 =	smul.u32 $0x27100, s0;
	s13 =	sshrl.u32 s1, $0x1;
	s28 =	sadd.s32 s29, s5  }
0xf: {  	s0 =	sshll.u32 s0, $0xB;
	s29 =	sadd.s32 $0x4200, s6;
	s1 =	ssub.s32 s1, s13  }
0x10: {  	s13 =	sor.u32 $0x50, s30;
	s21 =	sadd.s32 s8, s3;
	s22 =	sadd.s32 s3, s10  }
0x11: {  	s23 =	sadd.s32 s3, s12;
	s24 =	sadd.s32 s3, s15;
	s16 =	sadd.s32 s3, s16  }
0x12: {  	s25 =	sadd.s32 s3, s25;
	s26 =	sadd.s32 s3, s26;
	s8 =	smul.u32 $0xA000, s30  }
0x13: {  	s0 =	sadd.s32 s0, s6;
	s10 =	smul.u32 $0xA000, s11;
	s12 =	sshrl.u32 s7, $0x2  }
0x14: {  	s11 =	sshrl.u32 s9, $0x2;
	s20 =	smul.u32 $0x2800, s13;
	s4 =	sadd.s32 s5, s4  }
0x15: {  	s6 =	sadd.s32 s12, s2;
	s12 =	smul.u32 $0xA000, s13;
	s7 =	sadd.s32 s11, s2  }
0x16: {  	s13 =	sshrl.u32 s14, $0x2;
	s14 =	smul.u32 $0xA000, s18;
	s0 =	sadd.s32 $0x535400, s0  }
0x17: {  	s26 =	sshrl.u32 s26, $0x3;
	[dreg:$0x4] =	wrdreg s4;
	s5 =	sshrl.u32 s8, $0x2  }
0x18: {  	s15 =	sshrl.u32 s10, $0x2;
	s4 =	smul.u32 $0xA000, s17;
	s9 =	sadd.s32 s13, s2  }
0x19: {  	s13 =	sshrl.u32 s22, $0x3;
	s22 =	sshrl.u32 s16, $0x3;
	s20 =	sadd.s32 s3, s20  }
0x1a: {  	s3 =	simm.s32 $0x0;
	s5 =	sadd.s32 s5, s2;
	s8 =	sadd.s32 s15, s2  }
0x1b: {  	s15 =	sshrl.u32 s12, $0x2;
	s18 =	sshrl.u32 s14, $0x2;
	[smem:$0x7FF] =	sst s3  }
0x1c: {  	s17 =	sshrl.u32 s4, $0x2;
	s10 =	sadd.s32 s15, s2;
	s12 =	sadd.s32 s18, s2  }
0x1d: {  	s4 =	sshrl.u32 s21, $0x3;
	s18 =	sshrl.u32 s23, $0x3;
	s21 =	sshrl.u32 s24, $0x3  }
0x1e: {  	s23 =	sshrl.u32 s20, $0x3;
	s24 =	sshrl.u32 s25, $0x3;
	s25 =	smul.u32 $0x27100, s19  }
0x1f: {  	_ =	strace $0x80000056;
	s11 =	sadd.s32 s17, s2;
	[dreg:$0x5] =	wrdreg s0  }
0x20: {  	s14 =	sadd.s32 s29, s4;
	s17 =	sadd.s32 s29, s13;
	s0 =	sadd.s32 s29, s18  }
0x21: {  	s18 =	sadd.s32 s29, s22;
	s19 =	sadd.s32 s29, s23;
	[dreg:$0x6] =	wrdreg s14  }
0x22: {  	s20 =	sadd.s32 s29, s24;
	s22 =	smax.u32 s1, $0x1;
	[dreg:$0x7] =	wrdreg s17  }
0x23: {  	s24 =	simm.s32 $0x1C880;
	[dreg:$0x8] =	wrdreg s0;
	s17 =	sadd.s32 s29, s21  }
0x24: {  	s21 =	sadd.s32 s29, s26;
	s29 =	sadd.s32 s25, s28;
	s25 =	simm.s32 $0x3  }
0x25: {  	v0 =	vimm.f32 $0.0e+00;
	s26 =	simm.s32 $0x17880;
	s28 =	simm.s32 $0x1;
	s23 =	sadd.s32 $0x500, s29  }
.LBB2_1:
0x26: {  	s0 =	simm.s32 $0x0;
	s1 =	simm.s32 $0x200  }
.LBB2_2:
0x27: {  	p1 =	sne.s32 s1, $0x9E00;
	[tilespmem:s0+$0x1C8F0] =	vst v0  }
0x28: {  	[tilespmem:s0+$0x1C880] =	vst v0  }
0x29: {  	[tilespmem:s0+$0x1C890] =	vst v0  }
.Ltmp0:
0x2a: {  	[tilespmem:s0+$0x1C8A0] =	vst v0;
	(pc) =	sbr.rel @p1 .LBB2_2-.Ltmp0, $4  }
0x2b: {  	[tilespmem:s0+$0x1C8B0] =	vst v0  }
0x2c: {  	[tilespmem:s0+$0x1C8C0] =	vst v0  }
0x2d: {  	[tilespmem:s0+$0x1C8D0] =	vst v0  }
0x2e: {  	[tilespmem:s0+$0x1C8E0] =	vst v0;
	s0 =	sshra.s32 s1, $0x2;
	s1 =	sadd.s32 $0x200, s1  }
0x2f: {  	[tilespmem:s0+$0x1C8F0] =	vst v0  }
0x30: {  	[tilespmem:s0+$0x1C880] =	vst v0  }
0x31: {  	[tilespmem:s0+$0x1C890] =	vst v0  }
0x32: {  	[tilespmem:s0+$0x1C8A0] =	vst v0  }
0x33: {  	[tilespmem:s0+$0x1C8B0] =	vst v0  }
0x34: {  	[tilespmem:s0+$0x1C8C0] =	vst v0  }
0x35: {  	[tilespmem:s0+$0x1C8D0] =	vst v0  }
0x36: {  	[tilespmem:s0+$0x1C8E0] =	vst v0  }
0x37: {  	[spmem:s5] =	stream.linear.scatter [tilespmem:s24], [sflag:$0x3], $0x2800, $0x38;
	[tilespmem:$0x1F080] =	vst v63  }
0x38: {  	_ =	swait.ge [sflag:s25], $0x2800  }
0x39: {  	[sflag:s25] =	ssyncset.done $0x0  }
0x3a: {  	[sflag:s25] =	ssyncadd.s32 $0xFFFFD800  }
0x3b: {  	[spmem:s6] =	stream.linear.scatter [tilespmem:s24], [sflag:$0x3], $0x2800, $0x38;
	[tilespmem:$0x1F080] =	vst v63  }
0x3c: {  	_ =	swait.ge [sflag:s25], $0x2800  }
0x3d: {  	[sflag:s25] =	ssyncset.done $0x0  }
0x3e: {  	[sflag:s25] =	ssyncadd.s32 $0xFFFFD800  }
0x3f: {  	[spmem:s7] =	stream.linear.scatter [tilespmem:s24], [sflag:$0x3], $0x2800, $0x38;
	[tilespmem:$0x1F080] =	vst v63  }
0x40: {  	_ =	swait.ge [sflag:s25], $0x2800  }
0x41: {  	[sflag:s25] =	ssyncset.done $0x0  }
0x42: {  	[sflag:s25] =	ssyncadd.s32 $0xFFFFD800  }
0x43: {  	[spmem:s8] =	stream.linear.scatter [tilespmem:s24], [sflag:$0x3], $0x2800, $0x38;
	[tilespmem:$0x1F080] =	vst v63  }
0x44: {  	_ =	swait.ge [sflag:s25], $0x2800  }
0x45: {  	[sflag:s25] =	ssyncset.done $0x0  }
0x46: {  	[sflag:s25] =	ssyncadd.s32 $0xFFFFD800  }
0x47: {  	[spmem:s9] =	stream.linear.scatter [tilespmem:s24], [sflag:$0x3], $0x2800, $0x38;
	[tilespmem:$0x1F080] =	vst v63  }
0x48: {  	_ =	swait.ge [sflag:s25], $0x2800  }
0x49: {  	[sflag:s25] =	ssyncset.done $0x0  }
0x4a: {  	[sflag:s25] =	ssyncadd.s32 $0xFFFFD800  }
0x4b: {  	[spmem:s10] =	stream.linear.scatter [tilespmem:s24], [sflag:$0x3], $0x2800, $0x38;
	[tilespmem:$0x1F080] =	vst v63  }
0x4c: {  	_ =	swait.ge [sflag:s25], $0x2800  }
0x4d: {  	[sflag:s25] =	ssyncset.done $0x0  }
0x4e: {  	[sflag:s25] =	ssyncadd.s32 $0xFFFFD800  }
0x4f: {  	[spmem:s11] =	stream.linear.scatter [tilespmem:s24], [sflag:$0x3], $0x2800, $0x38;
	[tilespmem:$0x1F080] =	vst v63  }
0x50: {  	_ =	swait.ge [sflag:s25], $0x2800  }
0x51: {  	[sflag:s25] =	ssyncset.done $0x0  }
0x52: {  	s0 =	simm.s32 @!p0 $0x1C880;
	[sflag:s25] =	ssyncadd.s32 $0xFFFFD800  }
0x53: {  	[spmem:s12] =	stream.linear.scatter @!p0 [tilespmem:s0], [sflag:$0x3], $0x2800, $0x38;
	[tilespmem:$0x1F080] =	vst v63  }
0x54: {  	s0 =	simm.s32 @!p0 $0x3  }
0x55: {  	_ =	swait.ge @!p0 [sflag:s0], $0x2800  }
0x56: {  	[sflag:s0] =	ssyncset.done @!p0 $0x0  }
0x57: {  	[sflag:s0] =	ssyncadd.s32 @!p0 $0xFFFFD800  }
0x58: {  	[bflag:$0x0] =	sbarrier.arrive $0xFFFF  }
0x59: {  	s14 =	simm.s32 $0x0;
	s1 =	simm.s32 $0x13880;
	s4 =	rddreg [dreg:$0x5]  }
0x5a: {  	[tilespmem:s1], [sflag:$0x3] =	stream.linear.gather [hbm4b:s4+s14], $0x3E80, $0x38;
	[tilespmem:$0x1F080] =	vst v63  }
0x5b: {  	_ =	swait.ge [sflag:s25], $0x3E80  }
0x5c: {  	s0 =	sand.u32 $0x1, s14;
	[sflag:s25] =	ssyncset.done $0x0  }
0x5d: {  	p1 =	seq.s32 s0, $0x1;
	s15 =	rddreg [dreg:$0x4];
	[sflag:s25] =	ssyncadd.s32 $0xFFFFC180  }
0x5e: {  	[tilespmem:s26], [sflag:$0x1] =	stream.linear.gather [hbm4b:s15+s14], $0x2800, $0x38;
	[tilespmem:$0x1F080] =	vst v63  }
0x5f: {  	s0 =	simm.s32 @p1 $0x0;
	s29 =	simm.s32 @p1 $0x17880;
	s30 =	simm.s32 @p1 $0x2  }
0x60: {  	[tilespmem:s29], [sflag:$0x1] =	stream.linear.gather @p1 [hbm4b:s23+s0], $0x2800, $0x38;
	[tilespmem:$0x1F080] =	vst v63  }
0x61: {  	_ =	swait.ge @p1 [sflag:s30], $0x2800  }
0x62: {  	s13 =	simm.s32 @!p1 $0x17880;
	s4 =	simm.s32 @!p1 $0x1;
	[sflag:s30] =	ssyncset.done @p1 $0x0  }
0x63: {  	s0 =	simm.s32 @p1 $0x50;
	s29 =	simm.s32 @p1 $0x1A080;
	[sflag:s30] =	ssyncadd.s32 @p1 $0xFFFFD800  }
0x64: {  	[spmem:s2] =	stream.indirect.scatter.add.f32 @p1 [tilespmem:s29], [sflag:$0x3], $0x80, s1, s0, $0xb8;
	[tilespmem:$0x1F080] =	vst v63  }
0x65: {  	s30 =	simm.s32 $0x2;
	s0 =	simm.s32 @!p1 $0x0;
	s29 =	simm.s32 @!p1 $0x1A080  }
0x66: {  	[tilespmem:s29], [sflag:$0x2] =	stream.linear.gather @!p1 [hbm4b:s23+s0], $0x2800, $0x38;
	[tilespmem:$0x1F080] =	vst v63  }
0x67: {  	s29 =	simm.s32 $0x1;
	s0 =	simm.s32 @!p1 $0x4;
	_ =	swait.ge @!p1 [sflag:s4], $0x2800  }
0x68: {  	s16 =	sand.u32 $0x1, s29;
	s0 =	simm.s32 @p1 $0x3;
	[sflag:s4] =	ssyncset.done @!p1 $0x0  }
0x69: {  	s29 =	sadd.s32 $0x500, s23;
	[sflag:s4] =	ssyncadd.s32 @!p1 $0xFFFFD800;
	s4 =	simm.s32 @!p1 $0x50  }
0x6a: {  	[spmem:s2] =	stream.indirect.scatter.add.f32 @!p1 [tilespmem:s13], [sflag:$0x4], $0x80, s1, s4, $0xb8;
	[tilespmem:$0x1F080] =	vst v63  }
0x6b: {  	s1 =	simm.s32 $0x13900;
	p1 =	seq.s32 s16, $0x1;
	_ =	swait.ge [sflag:s0], $0x2800  }
.LBB2_4:
0x6c: {  	s4 =	simm.s32 @p1 $0x0;
	s13 =	simm.s32 @p1 $0x17880  }
0x6d: {  	[sflag:s0] =	ssyncset.done $0x0;
	s14 =	smov.u32 s30;
	s15 =	smov.u32 s1  }
0x6e: {  	s30 =	sadd.s32 $0x1, s30;
	s16 =	simm.s32 @p1 $0x2;
	[sflag:s0] =	ssyncadd.s32 $0xFFFFD800  }
0x6f: {  	[tilespmem:s13], [sflag:$0x1] =	stream.linear.gather @p1 [hbm4b:s29+s4], $0x2800, $0x38;
	[tilespmem:$0x1F080] =	vst v63  }
0x70: {  	p2 =	sne.s32 s30, $0x7C;
	_ =	swait.ge @p1 [sflag:s16], $0x2800  }
0x71: {  	s1 =	sadd.s32 $0x80, s1;
	[sflag:s16] =	ssyncset.done @p1 $0x0  }
0x72: {  	s0 =	simm.s32 @p1 $0x50;
	s4 =	simm.s32 @p1 $0x1A080;
	[sflag:s16] =	ssyncadd.s32 @p1 $0xFFFFD800  }
0x73: {  	[spmem:s2] =	stream.indirect.scatter.add.f32 @p1 [tilespmem:s4], [sflag:$0x3], $0x80, s15, s0, $0xb8;
	[tilespmem:$0x1F080] =	vst v63  }
0x74: {  	s13 =	simm.s32 @!p1 $0x1;
	s0 =	simm.s32 @!p1 $0x0;
	s4 =	simm.s32 @!p1 $0x1A080  }
0x75: {  	[tilespmem:s4], [sflag:$0x2] =	stream.linear.gather @!p1 [hbm4b:s29+s0], $0x2800, $0x38;
	[tilespmem:$0x1F080] =	vst v63  }
.Ltmp1:
0x76: {  	s4 =	sand.u32 $0x1, s14;
	_ =	swait.ge @!p1 [sflag:s13], $0x2800;
	(pc) =	sbr.rel @p2 .LBB2_4-.Ltmp1, $4  }
0x77: {  	s14 =	simm.s32 @!p1 $0x17880;
	s0 =	simm.s32 @!p1 $0x4;
	[sflag:s13] =	ssyncset.done @!p1 $0x0  }
0x78: {  	s0 =	simm.s32 @p1 $0x3;
	[sflag:s13] =	ssyncadd.s32 @!p1 $0xFFFFD800;
	s13 =	simm.s32 @!p1 $0x50  }
0x79: {  	[spmem:s2] =	stream.indirect.scatter.add.f32 @!p1 [tilespmem:s14], [sflag:$0x4], $0x80, s15, s13, $0xb8;
	[tilespmem:$0x1F080] =	vst v63  }
0x7a: {  	s29 =	sadd.s32 $0x500, s29;
	p1 =	seq.s32 s4, $0x1;
	_ =	swait.ge [sflag:s0], $0x2800  }
0x7b: {  	[sflag:s0] =	ssyncset.done $0x0  }
0x7c: {  	s4 =	simm.s32 @p1 $0x0;
	[sflag:s0] =	ssyncadd.s32 $0xFFFFD800;
	s0 =	simm.s32 @p1 $0x17880  }
0x7d: {  	[tilespmem:s0], [sflag:$0x1] =	stream.linear.gather @p1 [hbm4b:s29+s4], $0x2800, $0x38;
	[tilespmem:$0x1F080] =	vst v63  }
0x7e: {  	s0 =	simm.s32 @p1 $0x2  }
0x7f: {  	_ =	swait.ge @p1 [sflag:s0], $0x2800  }
0x80: {  	[sflag:s0] =	ssyncset.done @p1 $0x0  }
0x81: {  	s4 =	simm.s32 @p1 $0x1A080;
	[sflag:s0] =	ssyncadd.s32 @p1 $0xFFFFD800;
	s0 =	simm.s32 @p1 $0x50  }
0x82: {  	[spmem:s2] =	stream.indirect.scatter.add.f32 @p1 [tilespmem:s4], [sflag:$0x3], $0x80, s1, s0, $0xb8;
	[tilespmem:$0x1F080] =	vst v63  }
0x83: {  	s0 =	simm.s32 @!p1 $0x0;
	s4 =	simm.s32 @!p1 $0x1A080  }
0x84: {  	[tilespmem:s4], [sflag:$0x2] =	stream.linear.gather @!p1 [hbm4b:s29+s0], $0x2800, $0x38;
	[tilespmem:$0x1F080] =	vst v63  }
0x85: {  	s0 =	simm.s32 @!p1 $0x1  }
0x86: {  	_ =	swait.ge @!p1 [sflag:s0], $0x2800  }
0x87: {  	[sflag:s0] =	ssyncset.done @!p1 $0x0  }
0x88: {  	s4 =	simm.s32 @!p1 $0x17880;
	[sflag:s0] =	ssyncadd.s32 @!p1 $0xFFFFD800;
	s0 =	simm.s32 @!p1 $0x50  }
0x89: {  	[spmem:s2] =	stream.indirect.scatter.add.f32 @!p1 [tilespmem:s4], [sflag:$0x4], $0x80, s1, s0, $0xb8;
	[tilespmem:$0x1F080] =	vst v63  }
0x8a: {  	s0 =	simm.s32 @!p1 $0x4  }
0x8b: {  	s0 =	simm.s32 @p1 $0x3  }
0x8c: {  	_ =	swait.ge [sflag:s0], $0x2800  }
0x8d: {  	[sflag:s0] =	ssyncset.done $0x0  }
0x8e: {  	[sflag:s0] =	ssyncadd.s32 $0xFFFFD800  }
0x8f: {  	_ =	swait.ge [sflag:s28], $0x2800  }
0x90: {  	[sflag:s28] =	ssyncset.done $0x0  }
0x91: {  	s13 =	simm.s32 $0x17680;
	s4 =	simm.s32 $0x50;
	[sflag:s28] =	ssyncadd.s32 $0xFFFFD800  }
0x92: {  	[spmem:s2] =	stream.indirect.scatter.add.f32 [tilespmem:s26], [sflag:$0x4], $0x80, s13, s4, $0xb8;
	[tilespmem:$0x1F080] =	vst v63  }
0x93: {  	_ =	swait.ge [sflag:s31], $0x2800  }
0x94: {  	[sflag:s31] =	ssyncset.done $0x0  }
0x95: {  	s14 =	stileid.u32;
	[sflag:s31] =	ssyncadd.s32 $0xFFFFD800  }
0x96: {  	s0 =	sshll.u32 s14, $0x6;
	[bflag:$0x0] =	sbarrier.arrive $0xFFFF  }
0x97: {  	s15 =	sshrl.u32 s5, $0x3;
	s0 =	sor.u32 $0x1C03, s0;
	s16 =	rddreg [dreg:$0x6]  }
0x98: {  	[hbm:s16], [sflag:s0] =	dma.local [spmem:s15], $0x500  }
0x99: {  	_ =	swait.ge [sflag:s25], $0x500  }
0x9a: {  	[sflag:s25] =	ssyncset.done $0x0  }
0x9b: {  	s29 =	sshrl.u32 s6, $0x3;
	s30 =	rddreg [dreg:$0x7];
	[sflag:s25] =	ssyncadd.s32 $0xFFFFFB00  }
0x9c: {  	[hbm:s30], [sflag:s0] =	dma.local [spmem:s29], $0x500  }
0x9d: {  	_ =	swait.ge [sflag:s25], $0x500  }
0x9e: {  	[sflag:s25] =	ssyncset.done $0x0  }
0x9f: {  	s13 =	sshrl.u32 s7, $0x3;
	s14 =	rddreg [dreg:$0x8];
	[sflag:s25] =	ssyncadd.s32 $0xFFFFFB00  }
0xa0: {  	[hbm:s14], [sflag:s0] =	dma.local [spmem:s13], $0x500  }
0xa1: {  	_ =	swait.ge [sflag:s25], $0x500  }
0xa2: {  	[sflag:s25] =	ssyncset.done $0x0  }
0xa3: {  	s15 =	sshrl.u32 s8, $0x3;
	[sflag:s25] =	ssyncadd.s32 $0xFFFFFB00  }
0xa4: {  	[hbm:s17], [sflag:s0] =	dma.local [spmem:s15], $0x500  }
0xa5: {  	_ =	swait.ge [sflag:s25], $0x500  }
0xa6: {  	[sflag:s25] =	ssyncset.done $0x0  }
0xa7: {  	s16 =	sshrl.u32 s9, $0x3;
	[sflag:s25] =	ssyncadd.s32 $0xFFFFFB00  }
0xa8: {  	[hbm:s18], [sflag:s0] =	dma.local [spmem:s16], $0x500  }
0xa9: {  	_ =	swait.ge [sflag:s25], $0x500  }
0xaa: {  	[sflag:s25] =	ssyncset.done $0x0  }
0xab: {  	s29 =	sshrl.u32 s10, $0x3;
	[sflag:s25] =	ssyncadd.s32 $0xFFFFFB00  }
0xac: {  	[hbm:s19], [sflag:s0] =	dma.local [spmem:s29], $0x500  }
0xad: {  	_ =	swait.ge [sflag:s25], $0x500  }
0xae: {  	[sflag:s25] =	ssyncset.done $0x0  }
0xaf: {  	s30 =	sshrl.u32 s11, $0x3;
	[sflag:s25] =	ssyncadd.s32 $0xFFFFFB00  }
0xb0: {  	[hbm:s20], [sflag:s0] =	dma.local [spmem:s30], $0x500  }
0xb1: {  	_ =	swait.ge [sflag:s25], $0x500  }
0xb2: {  	s3 =	sadd.s32 $0x1, s3;
	[sflag:s25] =	ssyncset.done $0x0  }
0xb3: {  	s1 =	sshrl.u32 @!p0 s12, $0x3;
	p1 =	sne.s32 s3, s22;
	[sflag:s25] =	ssyncadd.s32 $0xFFFFFB00  }
0xb4: {  	[hbm:s21], [sflag:s0] =	dma.local @!p0 [spmem:s1], $0x500  }
.Ltmp2:
0xb5: {  	_ = 	snop;
	(pc) =	sbr.rel @p1 .LBB2_1-.Ltmp2, $4  }
0xb6: {  	s0 =	simm.s32 @!p0 $0x3  }
0xb7: {  	_ =	swait.ge @!p0 [sflag:s0], $0x500  }
0xb8: {  	[sflag:s0] =	ssyncset.done @!p0 $0x0  }
0xb9: {  	[sflag:s0] =	ssyncadd.s32 @!p0 $0xFFFFFB00  }
0xba: {  	_ =	sfence.sel $0x180000  }
0xbb: {  	[bflag:$0x0] =	sbarrier.arrive $0xFFFF  }
0xbc: {  	_ =	strace $0x90000056  }
0xbd: {  	s0 =	stileid.u32;
	[bflag:$0x2] =	sbarrier.arrive $0xFFFF  }
0xbe: {  	p0 =	sne.s32 s0, $0x0;
	s0 =	rddreg [dreg:$0x3]  }
0xbf: {  	s0 =	sadd.s32 @!p0 $0x100000, s0  }
0xc0: {  	[sflag:s0] =	ssyncadd.tile.s32 @!p0 $0x1;
	_ =	shalt  }
.Lfunc_end2:
_tile_overlayer_lowered:
.L_overlay_start_2:
0xc1: {  	(tag) =	ssettag $0x2  }
0xc2: {  	s0 =	rddreg [dreg:$0x0];
	s2 =	stileid.u32  }
0xc3: {  	s1 =	rddreg [dreg:$0x1];
	p0 =	sne.s32 s2, $0x0  }
0xc4: {  	s3 =	rddreg [dreg:$0x2];
	[bflag:$0x3] =	sbarrier.arrive $0xFFFF;
	s2 =	simm.s32 @!p0 $0x1C03  }
0xc5: {  	[timem:s3], [sflag:s2] =	dma.local @!p0 [hbm:s0], s1  }
0xc6: {  	s0 =	simm.s32 @!p0 $0x3  }
0xc7: {  	_ =	swait.ge @!p0 [sflag:s0], s1  }
0xc8: {  	s1 =	ssub.s32 @!p0 $0x0, s1;
	[sflag:s0] =	ssyncset.done @!p0 $0x0  }
0xc9: {  	[sflag:s0] =	ssyncadd.s32 @!p0 s1  }
0xca: {  	[bflag:$0x3] =	sbarrier.arrive $0xFFFF  }
0xcb: {  	_ =	shalt  }

</sc_bundles>
